<compile_context>
chip_gen: v7x
topology: tpu7x:2x2x1
jax: 0.10.2.dev20260603
libtpu: 0.0.44.dev20260713+nightly
codegen_flags: <defaults>
</compile_context>

<pallas_src>
import functools

import jax
import jax.numpy as jnp
from jax import lax
from jax.experimental import pallas as pl
from jax.experimental.pallas import tpu as pltpu
from jax.experimental.pallas import tpu_sc as plsc

_NC = 2
_NS = 16
_NW = _NC * _NS
_LANE = 16


def _make_pool(B, L, H, CH):
    rows_per_w = B // _NW
    n_chunks = rows_per_w // CH
    W = H // 2
    n_grp = W // _LANE
    inv_l = 1.0 / L

    mesh = plsc.VectorSubcoreMesh(
        core_axis_name="c", subcore_axis_name="s",
        num_cores=_NC, num_subcores=_NS)

    @functools.partial(
        pl.kernel,
        out_type=jax.ShapeDtypeStruct((B, H), jnp.float32),
        mesh=mesh,
        compiler_params=pltpu.CompilerParams(use_tc_tiling_on_sc=False),
        scratch_types=[
            pltpu.VMEM((CH * L,), jnp.int32),
            pltpu.VMEM((4, L, W), jnp.int32),
            pltpu.VMEM((CH, H), jnp.float32),
            pltpu.SemaphoreType.DMA,
            pltpu.SemaphoreType.DMA,
            pltpu.SemaphoreType.DMA,
            pltpu.SemaphoreType.DMA,
        ],
    )
    def pool(text_hbm, emb_hbm, out_hbm, idx_v, rows_v, ostage_v,
             sem0, sem1, sem2, sem3):
        wid = lax.axis_index("s") * _NC + lax.axis_index("c")
        base = wid * rows_per_w
        sems = (sem0, sem1, sem2, sem3)

        def start(r, slot):
            pltpu.async_copy(emb_hbm.at[idx_v.at[pl.ds(r * L, L)]],
                             rows_v.at[slot], sems[slot])

        def finish(r, slot):
            pltpu.make_async_copy(emb_hbm.at[idx_v.at[pl.ds(r * L, L)]],
                                  rows_v.at[slot], sems[slot]).wait()

        def reduce_row(slot, r_out):
            def body(t, acc):
                los, his = [], []
                for g in range(n_grp):
                    w = rows_v[slot, t, pl.ds(g * _LANE, _LANE)]
                    los.append(acc[g]
                               + lax.bitcast_convert_type(w << 16,
                                                          jnp.float32))
                    his.append(acc[n_grp + g]
                               + lax.bitcast_convert_type(
                                   w & jnp.int32(-65536), jnp.float32))
                return tuple(los + his)
            acc = lax.fori_loop(
                0, L, body,
                tuple(jnp.zeros((_LANE,), jnp.float32)
                      for _ in range(2 * n_grp)),
                unroll=8)
            for j in range(2 * n_grp):
                ostage_v[r_out, pl.ds(j * _LANE, _LANE)] = acc[j] * inv_l

        def chunk_body(c, carry):
            row0 = base + c * CH
            pltpu.sync_copy(text_hbm.at[pl.ds(row0 * L, CH * L)], idx_v)
            for k in range(3):
                start(k, k)

            def quad_body(q, carry2):
                r0 = 4 * q
                for k in range(4):
                    r = r0 + k

                    @pl.when(r + 3 < CH)
                    def _(r=r, k=k):
                        start(r + 3, (k + 3) % 4)

                    finish(r, k)
                    reduce_row(k, r)
                return carry2

            lax.fori_loop(0, CH // 4, quad_body, 0)
            pltpu.sync_copy(ostage_v, out_hbm.at[pl.ds(row0, CH)])
            return carry

        lax.fori_loop(0, n_chunks, chunk_body, 0)

    return pool


def _make_mlp(B, H, F1, F2, BLK):
    def body(x_ref, w1_ref, b1_ref, w2_ref, b2_ref, o_ref):
        x = x_ref[...]
        h = jnp.dot(x, w1_ref[...], preferred_element_type=jnp.float32)
        h = jnp.maximum(h + b1_ref[...], 0.0)
        o = jnp.dot(h, w2_ref[...], preferred_element_type=jnp.float32)
        o_ref[...] = o + b2_ref[...]

    return pl.pallas_call(
        body,
        grid=(B // BLK,),
        in_specs=[
            pl.BlockSpec((BLK, H), lambda i: (i, 0)),
            pl.BlockSpec((H, F1), lambda i: (0, 0)),
            pl.BlockSpec((1, F1), lambda i: (0, 0)),
            pl.BlockSpec((F1, F2), lambda i: (0, 0)),
            pl.BlockSpec((1, F2), lambda i: (0, 0)),
        ],
        out_specs=pl.BlockSpec((BLK, F2), lambda i: (i, 0)),
        out_shape=jax.ShapeDtypeStruct((B, F2), jnp.float32),
    )


def _make_pack(V, H, RB):
    rows_per_w = V // _NW
    n_chunks = rows_per_w // RB
    Hh = H // 2
    n_grp = Hh // _LANE

    mesh = plsc.VectorSubcoreMesh(
        core_axis_name="c", subcore_axis_name="s",
        num_cores=_NC, num_subcores=_NS)

    @functools.partial(
        pl.kernel,
        out_type=jax.ShapeDtypeStruct((V, Hh), jnp.int32),
        mesh=mesh,
        compiler_params=pltpu.CompilerParams(use_tc_tiling_on_sc=False),
        scratch_types=[
            pltpu.VMEM((2, RB, H), jnp.float32),
            pltpu.VMEM((2, RB, Hh), jnp.int32),
            pltpu.SemaphoreType.DMA,
            pltpu.SemaphoreType.DMA,
        ],
    )
    def packk(emb_hbm, out_hbm, fin_v, pout_v, semi, semo):
        wid = lax.axis_index("s") * _NC + lax.axis_index("c")
        base = wid * rows_per_w

        def start_in(c, s):
            pltpu.async_copy(emb_hbm.at[pl.ds(base + c * RB, RB)],
                             fin_v.at[s], semi)

        def wait_in(c, s):
            pltpu.make_async_copy(emb_hbm.at[pl.ds(base + c * RB, RB)],
                                  fin_v.at[s], semi).wait()

        def start_out(c, s):
            pltpu.async_copy(pout_v.at[s],
                             out_hbm.at[pl.ds(base + c * RB, RB)], semo)

        def wait_out(c, s):
            pltpu.make_async_copy(pout_v.at[s],
                                  out_hbm.at[pl.ds(base + c * RB, RB)],
                                  semo).wait()

        start_in(0, 0)

        def chunk_body(c, carry):
            s = c % 2

            @pl.when(c + 1 < n_chunks)
            def _():
                start_in(c + 1, 1 - s)

            wait_in(c, s)

            @pl.when(c >= 2)
            def _():
                wait_out(c - 2, s)

            def row_body(r, carry2):
                for g in range(n_grp):
                    a = lax.bitcast_convert_type(
                        fin_v[s, r, pl.ds(g * _LANE, _LANE)], jnp.int32)
                    b = lax.bitcast_convert_type(
                        fin_v[s, r, pl.ds(Hh + g * _LANE, _LANE)], jnp.int32)
                    a = a + 32768
                    b = b + 32768
                    w = (lax.shift_right_logical(a, 16)
                         | (b & jnp.int32(-65536)))
                    pout_v[s, r, pl.ds(g * _LANE, _LANE)] = w
                return carry2

            lax.fori_loop(0, RB, row_body, 0, unroll=4)
            start_out(c, s)
            return carry

        lax.fori_loop(0, n_chunks, chunk_body, 0)
        wait_out(n_chunks - 2, n_chunks % 2)
        wait_out(n_chunks - 1, (n_chunks - 1) % 2)

    return packk


def kernel(text, text_lengths, emb, W1, b1, W2, b2):
    del text_lengths
    B, L = text.shape
    V, H = emb.shape
    F1 = W1.shape[1]
    F2 = W2.shape[1]
    text = text.astype(jnp.int32).reshape(B * L)
    packed = _make_pack(V, H, RB=125)(emb)
    pooled = _make_pool(B, L, H, CH=64)(text, packed)
    mlp = _make_mlp(B, H, F1, F2, BLK=2048)
    return mlp(pooled, W1, b1.reshape(1, F1), W2, b2.reshape(1, F2))

# --- scband reference (transcript-rebuilt; emitter-appended) ---
"""Pipeline reference for scband-text-classifier-69088843924285 (READ-ONLY COPY).

The authoritative reference and input builder live on the scoring server;
editing this copy changes nothing except your own understanding.
"""

import jax, jax.numpy as jnp
import numpy as np

VOCAB = 100000
HIDDEN = 128
FC1 = 64
OUT = 5
B = 16384
L = 200

def setup_inputs(seed: int = 0) -> dict:
    key = jax.random.key(seed)
    k1, k2, k3, k4, k5, k6, k7 = jax.random.split(key, 7)
    text = jax.random.randint(k1, (B, L), 0, VOCAB, dtype=jnp.int64 if jax.config.jax_enable_x64 else jnp.int32)
    text_lengths = jax.random.randint(k2, (B,), 0, L, dtype=jnp.int64 if jax.config.jax_enable_x64 else jnp.int32)
    emb = jax.random.normal(k3, (VOCAB, HIDDEN), dtype=jnp.float32) * 0.02
    W1 = jax.random.normal(k4, (HIDDEN, FC1), dtype=jnp.float32) * (1.0 / np.sqrt(HIDDEN))
    b1 = jnp.zeros((FC1,), dtype=jnp.float32)
    W2 = jax.random.normal(k5, (FC1, OUT), dtype=jnp.float32) * (1.0 / np.sqrt(FC1))
    b2 = jnp.zeros((OUT,), dtype=jnp.float32)
    return {"text": text, "text_lengths": text_lengths, "emb": emb, "W1": W1, "b1": b1, "W2": W2, "b2": b2}

def reference(text, text_lengths, emb, W1, b1, W2, b2):
    # embedding lookup (gather)
    embedded = jnp.take(emb, text, axis=0)           # [B, L, HIDDEN]
    embedded = embedded.mean(axis=1)                 # [B, HIDDEN]
    x = jax.nn.relu(embedded @ W1 + b1)              # [B, 64]
    # dropout is identity in eval mode
    x = x @ W2 + b2                                  # [B, 5]
    return x

if __name__ == "__main__":
    import jax
    _d = setup_inputs()
    print(jax.jit(kernel)(*tuple(_d.values())))

</pallas_src>

<mosaic_0001>
#map = affine_map<(d0, d1) -> (0)>
#map1 = affine_map<(d0, d1) -> (0, 0)>
module attributes {stable_mosaic.version = 14 : i64} {
  func.func @pool(%arg0: i32, %arg1: i32, %arg2: memref<3276800xi32, #tpu.memory_space<hbm>>, %arg3: memref<100000x64xi32, #tpu.memory_space<hbm>>, %arg4: memref<16384x128xf32, #tpu.memory_space<hbm>>, %arg5: memref<12800xi32, #tpu.memory_space<vmem>>, %arg6: memref<4x200x64xi32, #tpu.memory_space<vmem>>, %arg7: memref<64x128xf32, #tpu.memory_space<vmem>>, %arg8: memref<!tpu.dma_semaphore, #tpu.memory_space<semaphore_mem>>, %arg9: memref<!tpu.dma_semaphore, #tpu.memory_space<semaphore_mem>>, %arg10: memref<!tpu.dma_semaphore, #tpu.memory_space<semaphore_mem>>, %arg11: memref<!tpu.dma_semaphore, #tpu.memory_space<semaphore_mem>>) attributes {dimension_semantics = [#tpu.dimension_semantics<core_parallel>, #tpu.dimension_semantics<subcore_parallel>], iteration_bounds = array<i64: 2, 16>, scalar_prefetch = 0 : i64, scratch_operands = 7 : i64, tpu.core_type = #tpu.core_type<sc_vector_subcore>, window_params = [{transform_indices = #map}, {transform_indices = #map1}, {transform_indices = #map1}]} {
    %mul3A = arith.constant 2 : i32
    %mul3A_0 = arith.muli %arg1, %mul3A : i32
    %add3A = arith.addi %mul3A_0, %arg0 : i32
    %mul3A_1 = arith.constant 512 : i32
    %mul3A_2 = arith.muli %add3A, %mul3A_1 : i32
    %scan3A = arith.constant 0 : i32
    %scan3A_3 = arith.constant 0 : i32
    %scan3A_4 = arith.constant 8 : i32
    %scan3A_5 = arith.addi %scan3A_3, %scan3A_4 : i32
    %scan3A_6 = arith.constant 1 : i32
    scf.for %scan3A_8 = %scan3A_3 to %scan3A_5 step %scan3A_6  : i32 {
      %mul3A_9 = arith.constant 64 : i32
      %mul3A_10 = arith.muli %scan3A_8, %mul3A_9 : i32
      %add3A_11 = arith.addi %mul3A_2, %mul3A_10 : i32
      %mul3A_12 = arith.constant 200 : i32
      %mul3A_13 = arith.muli %add3A_11, %mul3A_12 : i32
      "tpu.region"() ({
        %run_scoped3A = tpu.sem_alloc : memref<!tpu.dma_semaphore, #tpu.memory_space<semaphore_mem>>
        %dma_start3A_49 = tpu.memref_slice %arg2[%mul3A_13] : memref<3276800xi32, #tpu.memory_space<hbm>> -> memref<12800xi32, #tpu.memory_space<hbm>>
        %dma_start3A_50 = tpu.memref_slice %arg2[%mul3A_13] : memref<3276800xi32, #tpu.memory_space<hbm>> -> memref<12800xi32, #tpu.memory_space<hbm>>
        tpu.enqueue_dma source(%dma_start3A_50 : memref<12800xi32, #tpu.memory_space<hbm>>) target(%arg5 : memref<12800xi32, #tpu.memory_space<vmem>>) target_semaphore(%run_scoped3A : memref<!tpu.dma_semaphore, #tpu.memory_space<semaphore_mem>>)
        %dma_wait3A = tpu.memref_slice %arg2[%mul3A_13] : memref<3276800xi32, #tpu.memory_space<hbm>> -> memref<12800xi32, #tpu.memory_space<hbm>>
        %dma_wait3A_51 = tpu.memref_slice %arg2[%mul3A_13] : memref<3276800xi32, #tpu.memory_space<hbm>> -> memref<12800xi32, #tpu.memory_space<hbm>>
        tpu.wait_dma2 semaphore(%run_scoped3A : memref<!tpu.dma_semaphore, #tpu.memory_space<semaphore_mem>>) src(%dma_wait3A_51 : memref<12800xi32, #tpu.memory_space<hbm>>) dst(%arg5 : memref<12800xi32, #tpu.memory_space<vmem>>)
        tpu.yield
      }) : () -> ()
      %dma_start3A = arith.constant 0 : i32
      %dma_start3A_14 = arith.constant 0 : i32
      %dma_start3A_15 = arith.constant 0 : i32
      %dma_start3A_16 = tpu.memref_slice %arg6[%dma_start3A, %dma_start3A_14, %dma_start3A_15] : memref<4x200x64xi32, #tpu.memory_space<vmem>> -> memref<1x200x64xi32, #tpu.memory_space<vmem>>
      %dma_start3A_17 = tpu.memref_squeeze %dma_start3A_16 : memref<1x200x64xi32, #tpu.memory_space<vmem>> -> memref<200x64xi32, #tpu.memory_space<vmem>>
      %dma_start3A_18 = arith.constant 0 : i32
      %dma_start3A_19 = tpu.memref_slice %arg5[%dma_start3A_18] : memref<12800xi32, #tpu.memory_space<vmem>> -> memref<200xi32, #tpu.memory_space<vmem>>
      %dma_start3A_20 = arith.constant 0 : i32
      %dma_start3A_21 = arith.constant 0 : i32
      %dma_start3A_22 = tpu.memref_slice %arg3[%dma_start3A_20, %dma_start3A_21] : memref<100000x64xi32, #tpu.memory_space<hbm>> -> memref<100000x64xi32, #tpu.memory_space<hbm>>
      tpu.enqueue_indirect_dma source(%dma_start3A_22 : memref<100000x64xi32, #tpu.memory_space<hbm>>) target(%dma_start3A_17 : memref<200x64xi32, #tpu.memory_space<vmem>>) offsets(%dma_start3A_19 : memref<200xi32, #tpu.memory_space<vmem>>) semaphore(%arg8 : memref<!tpu.dma_semaphore, #tpu.memory_space<semaphore_mem>>)
      %dma_start3A_23 = arith.constant 1 : i32
      %dma_start3A_24 = arith.constant 0 : i32
      %dma_start3A_25 = arith.constant 0 : i32
      %dma_start3A_26 = tpu.memref_slice %arg6[%dma_start3A_23, %dma_start3A_24, %dma_start3A_25] : memref<4x200x64xi32, #tpu.memory_space<vmem>> -> memref<1x200x64xi32, #tpu.memory_space<vmem>>
      %dma_start3A_27 = tpu.memref_squeeze %dma_start3A_26 : memref<1x200x64xi32, #tpu.memory_space<vmem>> -> memref<200x64xi32, #tpu.memory_space<vmem>>
      %dma_start3A_28 = arith.constant 200 : i32
      %dma_start3A_29 = tpu.memref_slice %arg5[%dma_start3A_28] : memref<12800xi32, #tpu.memory_space<vmem>> -> memref<200xi32, #tpu.memory_space<vmem>>
      %dma_start3A_30 = arith.constant 0 : i32
      %dma_start3A_31 = arith.constant 0 : i32
      %dma_start3A_32 = tpu.memref_slice %arg3[%dma_start3A_30, %dma_start3A_31] : memref<100000x64xi32, #tpu.memory_space<hbm>> -> memref<100000x64xi32, #tpu.memory_space<hbm>>
      tpu.enqueue_indirect_dma source(%dma_start3A_32 : memref<100000x64xi32, #tpu.memory_space<hbm>>) target(%dma_start3A_27 : memref<200x64xi32, #tpu.memory_space<vmem>>) offsets(%dma_start3A_29 : memref<200xi32, #tpu.memory_space<vmem>>) semaphore(%arg9 : memref<!tpu.dma_semaphore, #tpu.memory_space<semaphore_mem>>)
      %dma_start3A_33 = arith.constant 2 : i32
      %dma_start3A_34 = arith.constant 0 : i32
      %dma_start3A_35 = arith.constant 0 : i32
      %dma_start3A_36 = tpu.memref_slice %arg6[%dma_start3A_33, %dma_start3A_34, %dma_start3A_35] : memref<4x200x64xi32, #tpu.memory_space<vmem>> -> memref<1x200x64xi32, #tpu.memory_space<vmem>>
      %dma_start3A_37 = tpu.memref_squeeze %dma_start3A_36 : memref<1x200x64xi32, #tpu.memory_space<vmem>> -> memref<200x64xi32, #tpu.memory_space<vmem>>
      %dma_start3A_38 = arith.constant 400 : i32
      %dma_start3A_39 = tpu.memref_slice %arg5[%dma_start3A_38] : memref<12800xi32, #tpu.memory_space<vmem>> -> memref<200xi32, #tpu.memory_space<vmem>>
      %dma_start3A_40 = arith.constant 0 : i32
      %dma_start3A_41 = arith.constant 0 : i32
      %dma_start3A_42 = tpu.memref_slice %arg3[%dma_start3A_40, %dma_start3A_41] : memref<100000x64xi32, #tpu.memory_space<hbm>> -> memref<100000x64xi32, #tpu.memory_space<hbm>>
      tpu.enqueue_indirect_dma source(%dma_start3A_42 : memref<100000x64xi32, #tpu.memory_space<hbm>>) target(%dma_start3A_37 : memref<200x64xi32, #tpu.memory_space<vmem>>) offsets(%dma_start3A_39 : memref<200xi32, #tpu.memory_space<vmem>>) semaphore(%arg10 : memref<!tpu.dma_semaphore, #tpu.memory_space<semaphore_mem>>)
      %scan3A_43 = arith.constant 0 : i32
      %scan3A_44 = arith.constant 0 : i32
      %scan3A_45 = arith.constant 16 : i32
      %scan3A_46 = arith.addi %scan3A_44, %scan3A_45 : i32
      %scan3A_47 = arith.constant 1 : i32
      scf.for %scan3A_49 = %scan3A_44 to %scan3A_46 step %scan3A_47  : i32 {
        %mul3A_50 = arith.constant 4 : i32
        %mul3A_51 = arith.muli %mul3A_50, %scan3A_49 : i32
        %add3A_52 = arith.constant 0 : i32
        %add3A_53 = arith.addi %mul3A_51, %add3A_52 : i32
        %add3A_54 = arith.constant 3 : i32
        %add3A_55 = arith.addi %add3A_53, %add3A_54 : i32
        %lt3A = arith.constant 64 : i32
        %lt3A_56 = arith.cmpi slt, %add3A_55, %lt3A : i32
        %convert_element_type3A = arith.extui %lt3A_56 : i1 to i32
        %cond3A = arith.constant 0 : i32
        %cond3A_57 = arith.cmpi ne, %convert_element_type3A, %cond3A : i32
        scf.if %cond3A_57 {
          %add3A_470 = arith.constant 3 : i32
          %add3A_471 = arith.addi %add3A_53, %add3A_470 : i32
          %mul3A_472 = arith.constant 200 : i32
          %mul3A_473 = arith.muli %add3A_471, %mul3A_472 : i32
          %dma_start3A_474 = arith.constant 3 : i32
          %dma_start3A_475 = arith.constant 0 : i32
          %dma_start3A_476 = arith.constant 0 : i32
          %dma_start3A_477 = tpu.memref_slice %arg6[%dma_start3A_474, %dma_start3A_475, %dma_start3A_476] : memref<4x200x64xi32, #tpu.memory_space<vmem>> -> memref<1x200x64xi32, #tpu.memory_space<vmem>>
          %dma_start3A_478 = tpu.memref_squeeze %dma_start3A_477 : memref<1x200x64xi32, #tpu.memory_space<vmem>> -> memref<200x64xi32, #tpu.memory_space<vmem>>
          %dma_start3A_479 = tpu.memref_slice %arg5[%mul3A_473] : memref<12800xi32, #tpu.memory_space<vmem>> -> memref<200xi32, #tpu.memory_space<vmem>>
          %dma_start3A_480 = arith.constant 0 : i32
          %dma_start3A_481 = arith.constant 0 : i32
          %dma_start3A_482 = tpu.memref_slice %arg3[%dma_start3A_480, %dma_start3A_481] : memref<100000x64xi32, #tpu.memory_space<hbm>> -> memref<100000x64xi32, #tpu.memory_space<hbm>>
          tpu.enqueue_indirect_dma source(%dma_start3A_482 : memref<100000x64xi32, #tpu.memory_space<hbm>>) target(%dma_start3A_478 : memref<200x64xi32, #tpu.memory_space<vmem>>) offsets(%dma_start3A_479 : memref<200xi32, #tpu.memory_space<vmem>>) semaphore(%arg11 : memref<!tpu.dma_semaphore, #tpu.memory_space<semaphore_mem>>)
        } else {
        }
        %mul3A_58 = arith.constant 200 : i32
        %mul3A_59 = arith.muli %add3A_53, %mul3A_58 : i32
        %dma_wait3A = arith.constant 0 : i32
        %dma_wait3A_60 = arith.constant 0 : i32
        %dma_wait3A_61 = arith.constant 0 : i32
        %dma_wait3A_62 = tpu.memref_slice %arg6[%dma_wait3A, %dma_wait3A_60, %dma_wait3A_61] : memref<4x200x64xi32, #tpu.memory_space<vmem>> -> memref<1x200x64xi32, #tpu.memory_space<vmem>>
        %dma_wait3A_63 = tpu.memref_squeeze %dma_wait3A_62 : memref<1x200x64xi32, #tpu.memory_space<vmem>> -> memref<200x64xi32, #tpu.memory_space<vmem>>
        %dma_wait3A_64 = tpu.memref_slice %arg5[%mul3A_59] : memref<12800xi32, #tpu.memory_space<vmem>> -> memref<200xi32, #tpu.memory_space<vmem>>
        %dma_wait3A_65 = arith.constant 0 : i32
        %dma_wait3A_66 = arith.constant 0 : i32
        %dma_wait3A_67 = tpu.memref_slice %arg3[%dma_wait3A_65, %dma_wait3A_66] : memref<100000x64xi32, #tpu.memory_space<hbm>> -> memref<100000x64xi32, #tpu.memory_space<hbm>>
        tpu.wait_indirect_dma semaphore(%arg8 : memref<!tpu.dma_semaphore, #tpu.memory_space<semaphore_mem>>) src(%dma_wait3A_67 : memref<100000x64xi32, #tpu.memory_space<hbm>>) dst(%dma_wait3A_63 : memref<200x64xi32, #tpu.memory_space<vmem>>)
        %broadcast_in_dim3A = arith.constant 0.000000e+00 : f32
        %broadcast_in_dim3A_68 = vector.broadcast %broadcast_in_dim3A : f32 to vector<16xf32>
        %broadcast_in_dim3A_69 = arith.constant 0.000000e+00 : f32
        %broadcast_in_dim3A_70 = vector.broadcast %broadcast_in_dim3A_69 : f32 to vector<16xf32>
        %broadcast_in_dim3A_71 = arith.constant 0.000000e+00 : f32
        %broadcast_in_dim3A_72 = vector.broadcast %broadcast_in_dim3A_71 : f32 to vector<16xf32>
        %broadcast_in_dim3A_73 = arith.constant 0.000000e+00 : f32
        %broadcast_in_dim3A_74 = vector.broadcast %broadcast_in_dim3A_73 : f32 to vector<16xf32>
        %broadcast_in_dim3A_75 = arith.constant 0.000000e+00 : f32
        %broadcast_in_dim3A_76 = vector.broadcast %broadcast_in_dim3A_75 : f32 to vector<16xf32>
        %broadcast_in_dim3A_77 = arith.constant 0.000000e+00 : f32
        %broadcast_in_dim3A_78 = vector.broadcast %broadcast_in_dim3A_77 : f32 to vector<16xf32>
        %broadcast_in_dim3A_79 = arith.constant 0.000000e+00 : f32
        %broadcast_in_dim3A_80 = vector.broadcast %broadcast_in_dim3A_79 : f32 to vector<16xf32>
        %broadcast_in_dim3A_81 = arith.constant 0.000000e+00 : f32
        %broadcast_in_dim3A_82 = vector.broadcast %broadcast_in_dim3A_81 : f32 to vector<16xf32>
        %scan3A_83 = arith.constant 0 : i32
        %scan3A_84 = arith.constant 200 : i32
        %scan3A_85 = arith.addi %scan3A_83, %scan3A_84 : i32
        %scan3A_86 = arith.constant 8 : i32
        %scan3A_87:8 = scf.for %scan3A_470 = %scan3A_83 to %scan3A_85 step %scan3A_86 iter_args(%scan3A_471 = %broadcast_in_dim3A_68, %scan3A_472 = %broadcast_in_dim3A_70, %scan3A_473 = %broadcast_in_dim3A_72, %scan3A_474 = %broadcast_in_dim3A_74, %scan3A_475 = %broadcast_in_dim3A_76, %scan3A_476 = %broadcast_in_dim3A_78, %scan3A_477 = %broadcast_in_dim3A_80, %scan3A_478 = %broadcast_in_dim3A_82) -> (vector<16xf32>, vector<16xf32>, vector<16xf32>, vector<16xf32>, vector<16xf32>, vector<16xf32>, vector<16xf32>, vector<16xf32>)  : i32 {
          %get3A = arith.constant 0 : i32
          %get3A_479 = arith.index_cast %get3A : i32 to index
          %get3A_480 = arith.index_cast %scan3A_470 : i32 to index
          %get3A_481 = arith.constant 0 : index
          %get3A_482 = tpu.vector_load %arg6[%get3A_479, %get3A_480, %get3A_481] {strides = array<i32>} : memref<4x200x64xi32, #tpu.memory_space<vmem>>, vector<1x1x16xi32>,
          %get3A_483 = vector.shape_cast %get3A_482 : vector<1x1x16xi32> to vector<16xi32>
          %shift_left3A = arith.constant 16 : i32
          %shift_left3A_484 = vector.broadcast %shift_left3A : i32 to vector<16xi32>
          %shift_left3A_485 = arith.shli %get3A_483, %shift_left3A_484 : vector<16xi32>
          %bitcast_convert_type3A = tpu.bitcast %shift_left3A_485 : vector<16xi32> -> vector<16xf32>
          %add3A_486 = arith.addf %scan3A_471, %bitcast_convert_type3A : vector<16xf32>
          %and3A = arith.constant -65536 : i32
          %and3A_487 = vector.broadcast %and3A : i32 to vector<16xi32>
          %and3A_488 = arith.andi %get3A_483, %and3A_487 : vector<16xi32>
          %bitcast_convert_type3A_489 = tpu.bitcast %and3A_488 : vector<16xi32> -> vector<16xf32>
          %add3A_490 = arith.addf %scan3A_475, %bitcast_convert_type3A_489 : vector<16xf32>
          %get3A_491 = arith.constant 0 : i32
          %get3A_492 = arith.index_cast %get3A_491 : i32 to index
          %get3A_493 = arith.index_cast %scan3A_470 : i32 to index
          %get3A_494 = arith.constant 16 : index
          %get3A_495 = tpu.vector_load %arg6[%get3A_492, %get3A_493, %get3A_494] {strides = array<i32>} : memref<4x200x64xi32, #tpu.memory_space<vmem>>, vector<1x1x16xi32>,
          %get3A_496 = vector.shape_cast %get3A_495 : vector<1x1x16xi32> to vector<16xi32>
          %shift_left3A_497 = arith.constant 16 : i32
          %shift_left3A_498 = vector.broadcast %shift_left3A_497 : i32 to vector<16xi32>
          %shift_left3A_499 = arith.shli %get3A_496, %shift_left3A_498 : vector<16xi32>
          %bitcast_convert_type3A_500 = tpu.bitcast %shift_left3A_499 : vector<16xi32> -> vector<16xf32>
          %add3A_501 = arith.addf %scan3A_472, %bitcast_convert_type3A_500 : vector<16xf32>
          %and3A_502 = arith.constant -65536 : i32
          %and3A_503 = vector.broadcast %and3A_502 : i32 to vector<16xi32>
          %and3A_504 = arith.andi %get3A_496, %and3A_503 : vector<16xi32>
          %bitcast_convert_type3A_505 = tpu.bitcast %and3A_504 : vector<16xi32> -> vector<16xf32>
          %add3A_506 = arith.addf %scan3A_476, %bitcast_convert_type3A_505 : vector<16xf32>
          %get3A_507 = arith.constant 0 : i32
          %get3A_508 = arith.index_cast %get3A_507 : i32 to index
          %get3A_509 = arith.index_cast %scan3A_470 : i32 to index
          %get3A_510 = arith.constant 32 : index
          %get3A_511 = tpu.vector_load %arg6[%get3A_508, %get3A_509, %get3A_510] {strides = array<i32>} : memref<4x200x64xi32, #tpu.memory_space<vmem>>, vector<1x1x16xi32>,
          %get3A_512 = vector.shape_cast %get3A_511 : vector<1x1x16xi32> to vector<16xi32>
          %shift_left3A_513 = arith.constant 16 : i32
          %shift_left3A_514 = vector.broadcast %shift_left3A_513 : i32 to vector<16xi32>
          %shift_left3A_515 = arith.shli %get3A_512, %shift_left3A_514 : vector<16xi32>
          %bitcast_convert_type3A_516 = tpu.bitcast %shift_left3A_515 : vector<16xi32> -> vector<16xf32>
          %add3A_517 = arith.addf %scan3A_473, %bitcast_convert_type3A_516 : vector<16xf32>
          %and3A_518 = arith.constant -65536 : i32
          %and3A_519 = vector.broadcast %and3A_518 : i32 to vector<16xi32>
          %and3A_520 = arith.andi %get3A_512, %and3A_519 : vector<16xi32>
          %bitcast_convert_type3A_521 = tpu.bitcast %and3A_520 : vector<16xi32> -> vector<16xf32>
          %add3A_522 = arith.addf %scan3A_477, %bitcast_convert_type3A_521 : vector<16xf32>
          %get3A_523 = arith.constant 0 : i32
          %get3A_524 = arith.index_cast %get3A_523 : i32 to index
          %get3A_525 = arith.index_cast %scan3A_470 : i32 to index
          %get3A_526 = arith.constant 48 : index
          %get3A_527 = tpu.vector_load %arg6[%get3A_524, %get3A_525, %get3A_526] {strides = array<i32>} : memref<4x200x64xi32, #tpu.memory_space<vmem>>, vector<1x1x16xi32>,
          %get3A_528 = vector.shape_cast %get3A_527 : vector<1x1x16xi32> to vector<16xi32>
          %shift_left3A_529 = arith.constant 16 : i32
          %shift_left3A_530 = vector.broadcast %shift_left3A_529 : i32 to vector<16xi32>
          %shift_left3A_531 = arith.shli %get3A_528, %shift_left3A_530 : vector<16xi32>
          %bitcast_convert_type3A_532 = tpu.bitcast %shift_left3A_531 : vector<16xi32> -> vector<16xf32>
          %add3A_533 = arith.addf %scan3A_474, %bitcast_convert_type3A_532 : vector<16xf32>
          %and3A_534 = arith.constant -65536 : i32
          %and3A_535 = vector.broadcast %and3A_534 : i32 to vector<16xi32>
          %and3A_536 = arith.andi %get3A_528, %and3A_535 : vector<16xi32>
          %bitcast_convert_type3A_537 = tpu.bitcast %and3A_536 : vector<16xi32> -> vector<16xf32>
          %add3A_538 = arith.addf %scan3A_478, %bitcast_convert_type3A_537 : vector<16xf32>
          %scan3A_539 = arith.constant 1 : i32
          %scan3A_540 = arith.addi %scan3A_470, %scan3A_539 : i32
          %get3A_541 = arith.constant 0 : i32
          %get3A_542 = arith.index_cast %get3A_541 : i32 to index
          %get3A_543 = arith.index_cast %scan3A_540 : i32 to index
          %get3A_544 = arith.constant 0 : index
          %get3A_545 = tpu.vector_load %arg6[%get3A_542, %get3A_543, %get3A_544] {strides = array<i32>} : memref<4x200x64xi32, #tpu.memory_space<vmem>>, vector<1x1x16xi32>,
          %get3A_546 = vector.shape_cast %get3A_545 : vector<1x1x16xi32> to vector<16xi32>
          %shift_left3A_547 = arith.constant 16 : i32
          %shift_left3A_548 = vector.broadcast %shift_left3A_547 : i32 to vector<16xi32>
          %shift_left3A_549 = arith.shli %get3A_546, %shift_left3A_548 : vector<16xi32>
          %bitcast_convert_type3A_550 = tpu.bitcast %shift_left3A_549 : vector<16xi32> -> vector<16xf32>
          %add3A_551 = arith.addf %add3A_486, %bitcast_convert_type3A_550 : vector<16xf32>
          %and3A_552 = arith.constant -65536 : i32
          %and3A_553 = vector.broadcast %and3A_552 : i32 to vector<16xi32>
          %and3A_554 = arith.andi %get3A_546, %and3A_553 : vector<16xi32>
          %bitcast_convert_type3A_555 = tpu.bitcast %and3A_554 : vector<16xi32> -> vector<16xf32>
          %add3A_556 = arith.addf %add3A_490, %bitcast_convert_type3A_555 : vector<16xf32>
          %get3A_557 = arith.constant 0 : i32
          %get3A_558 = arith.index_cast %get3A_557 : i32 to index
          %get3A_559 = arith.index_cast %scan3A_540 : i32 to index
          %get3A_560 = arith.constant 16 : index
          %get3A_561 = tpu.vector_load %arg6[%get3A_558, %get3A_559, %get3A_560] {strides = array<i32>} : memref<4x200x64xi32, #tpu.memory_space<vmem>>, vector<1x1x16xi32>,
          %get3A_562 = vector.shape_cast %get3A_561 : vector<1x1x16xi32> to vector<16xi32>
          %shift_left3A_563 = arith.constant 16 : i32
          %shift_left3A_564 = vector.broadcast %shift_left3A_563 : i32 to vector<16xi32>
          %shift_left3A_565 = arith.shli %get3A_562, %shift_left3A_564 : vector<16xi32>
          %bitcast_convert_type3A_566 = tpu.bitcast %shift_left3A_565 : vector<16xi32> -> vector<16xf32>
          %add3A_567 = arith.addf %add3A_501, %bitcast_convert_type3A_566 : vector<16xf32>
          %and3A_568 = arith.constant -65536 : i32
          %and3A_569 = vector.broadcast %and3A_568 : i32 to vector<16xi32>
          %and3A_570 = arith.andi %get3A_562, %and3A_569 : vector<16xi32>
          %bitcast_convert_type3A_571 = tpu.bitcast %and3A_570 : vector<16xi32> -> vector<16xf32>
          %add3A_572 = arith.addf %add3A_506, %bitcast_convert_type3A_571 : vector<16xf32>
          %get3A_573 = arith.constant 0 : i32
          %get3A_574 = arith.index_cast %get3A_573 : i32 to index
          %get3A_575 = arith.index_cast %scan3A_540 : i32 to index
          %get3A_576 = arith.constant 32 : index
          %get3A_577 = tpu.vector_load %arg6[%get3A_574, %get3A_575, %get3A_576] {strides = array<i32>} : memref<4x200x64xi32, #tpu.memory_space<vmem>>, vector<1x1x16xi32>,
          %get3A_578 = vector.shape_cast %get3A_577 : vector<1x1x16xi32> to vector<16xi32>
          %shift_left3A_579 = arith.constant 16 : i32
          %shift_left3A_580 = vector.broadcast %shift_left3A_579 : i32 to vector<16xi32>
          %shift_left3A_581 = arith.shli %get3A_578, %shift_left3A_580 : vector<16xi32>
          %bitcast_convert_type3A_582 = tpu.bitcast %shift_left3A_581 : vector<16xi32> -> vector<16xf32>
          %add3A_583 = arith.addf %add3A_517, %bitcast_convert_type3A_582 : vector<16xf32>
          %and3A_584 = arith.constant -65536 : i32
          %and3A_585 = vector.broadcast %and3A_584 : i32 to vector<16xi32>
          %and3A_586 = arith.andi %get3A_578, %and3A_585 : vector<16xi32>
          %bitcast_convert_type3A_587 = tpu.bitcast %and3A_586 : vector<16xi32> -> vector<16xf32>
          %add3A_588 = arith.addf %add3A_522, %bitcast_convert_type3A_587 : vector<16xf32>
          %get3A_589 = arith.constant 0 : i32
          %get3A_590 = arith.index_cast %get3A_589 : i32 to index
          %get3A_591 = arith.index_cast %scan3A_540 : i32 to index
          %get3A_592 = arith.constant 48 : index
          %get3A_593 = tpu.vector_load %arg6[%get3A_590, %get3A_591, %get3A_592] {strides = array<i32>} : memref<4x200x64xi32, #tpu.memory_space<vmem>>, vector<1x1x16xi32>,
          %get3A_594 = vector.shape_cast %get3A_593 : vector<1x1x16xi32> to vector<16xi32>
          %shift_left3A_595 = arith.constant 16 : i32
          %shift_left3A_596 = vector.broadcast %shift_left3A_595 : i32 to vector<16xi32>
          %shift_left3A_597 = arith.shli %get3A_594, %shift_left3A_596 : vector<16xi32>
          %bitcast_convert_type3A_598 = tpu.bitcast %shift_left3A_597 : vector<16xi32> -> vector<16xf32>
          %add3A_599 = arith.addf %add3A_533, %bitcast_convert_type3A_598 : vector<16xf32>
          %and3A_600 = arith.constant -65536 : i32
          %and3A_601 = vector.broadcast %and3A_600 : i32 to vector<16xi32>
          %and3A_602 = arith.andi %get3A_594, %and3A_601 : vector<16xi32>
          %bitcast_convert_type3A_603 = tpu.bitcast %and3A_602 : vector<16xi32> -> vector<16xf32>
          %add3A_604 = arith.addf %add3A_538, %bitcast_convert_type3A_603 : vector<16xf32>
          %scan3A_605 = arith.constant 2 : i32
          %scan3A_606 = arith.addi %scan3A_470, %scan3A_605 : i32
          %get3A_607 = arith.constant 0 : i32
          %get3A_608 = arith.index_cast %get3A_607 : i32 to index
          %get3A_609 = arith.index_cast %scan3A_606 : i32 to index
          %get3A_610 = arith.constant 0 : index
          %get3A_611 = tpu.vector_load %arg6[%get3A_608, %get3A_609, %get3A_610] {strides = array<i32>} : memref<4x200x64xi32, #tpu.memory_space<vmem>>, vector<1x1x16xi32>,
          %get3A_612 = vector.shape_cast %get3A_611 : vector<1x1x16xi32> to vector<16xi32>
          %shift_left3A_613 = arith.constant 16 : i32
          %shift_left3A_614 = vector.broadcast %shift_left3A_613 : i32 to vector<16xi32>
          %shift_left3A_615 = arith.shli %get3A_612, %shift_left3A_614 : vector<16xi32>
          %bitcast_convert_type3A_616 = tpu.bitcast %shift_left3A_615 : vector<16xi32> -> vector<16xf32>
          %add3A_617 = arith.addf %add3A_551, %bitcast_convert_type3A_616 : vector<16xf32>
          %and3A_618 = arith.constant -65536 : i32
          %and3A_619 = vector.broadcast %and3A_618 : i32 to vector<16xi32>
          %and3A_620 = arith.andi %get3A_612, %and3A_619 : vector<16xi32>
          %bitcast_convert_type3A_621 = tpu.bitcast %and3A_620 : vector<16xi32> -> vector<16xf32>
          %add3A_622 = arith.addf %add3A_556, %bitcast_convert_type3A_621 : vector<16xf32>
          %get3A_623 = arith.constant 0 : i32
          %get3A_624 = arith.index_cast %get3A_623 : i32 to index
          %get3A_625 = arith.index_cast %scan3A_606 : i32 to index
          %get3A_626 = arith.constant 16 : index
          %get3A_627 = tpu.vector_load %arg6[%get3A_624, %get3A_625, %get3A_626] {strides = array<i32>} : memref<4x200x64xi32, #tpu.memory_space<vmem>>, vector<1x1x16xi32>,
          %get3A_628 = vector.shape_cast %get3A_627 : vector<1x1x16xi32> to vector<16xi32>
          %shift_left3A_629 = arith.constant 16 : i32
          %shift_left3A_630 = vector.broadcast %shift_left3A_629 : i32 to vector<16xi32>
          %shift_left3A_631 = arith.shli %get3A_628, %shift_left3A_630 : vector<16xi32>
          %bitcast_convert_type3A_632 = tpu.bitcast %shift_left3A_631 : vector<16xi32> -> vector<16xf32>
          %add3A_633 = arith.addf %add3A_567, %bitcast_convert_type3A_632 : vector<16xf32>
          %and3A_634 = arith.constant -65536 : i32
          %and3A_635 = vector.broadcast %and3A_634 : i32 to vector<16xi32>
          %and3A_636 = arith.andi %get3A_628, %and3A_635 : vector<16xi32>
          %bitcast_convert_type3A_637 = tpu.bitcast %and3A_636 : vector<16xi32> -> vector<16xf32>
          %add3A_638 = arith.addf %add3A_572, %bitcast_convert_type3A_637 : vector<16xf32>
          %get3A_639 = arith.constant 0 : i32
          %get3A_640 = arith.index_cast %get3A_639 : i32 to index
          %get3A_641 = arith.index_cast %scan3A_606 : i32 to index
          %get3A_642 = arith.constant 32 : index
          %get3A_643 = tpu.vector_load %arg6[%get3A_640, %get3A_641, %get3A_642] {strides = array<i32>} : memref<4x200x64xi32, #tpu.memory_space<vmem>>, vector<1x1x16xi32>,
          %get3A_644 = vector.shape_cast %get3A_643 : vector<1x1x16xi32> to vector<16xi32>
          %shift_left3A_645 = arith.constant 16 : i32
          %shift_left3A_646 = vector.broadcast %shift_left3A_645 : i32 to vector<16xi32>
          %shift_left3A_647 = arith.shli %get3A_644, %shift_left3A_646 : vector<16xi32>
          %bitcast_convert_type3A_648 = tpu.bitcast %shift_left3A_647 : vector<16xi32> -> vector<16xf32>
          %add3A_649 = arith.addf %add3A_583, %bitcast_convert_type3A_648 : vector<16xf32>
          %and3A_650 = arith.constant -65536 : i32
          %and3A_651 = vector.broadcast %and3A_650 : i32 to vector<16xi32>
          %and3A_652 = arith.andi %get3A_644, %and3A_651 : vector<16xi32>
          %bitcast_convert_type3A_653 = tpu.bitcast %and3A_652 : vector<16xi32> -> vector<16xf32>
          %add3A_654 = arith.addf %add3A_588, %bitcast_convert_type3A_653 : vector<16xf32>
          %get3A_655 = arith.constant 0 : i32
          %get3A_656 = arith.index_cast %get3A_655 : i32 to index
          %get3A_657 = arith.index_cast %scan3A_606 : i32 to index
          %get3A_658 = arith.constant 48 : index
          %get3A_659 = tpu.vector_load %arg6[%get3A_656, %get3A_657, %get3A_658] {strides = array<i32>} : memref<4x200x64xi32, #tpu.memory_space<vmem>>, vector<1x1x16xi32>,
          %get3A_660 = vector.shape_cast %get3A_659 : vector<1x1x16xi32> to vector<16xi32>
          %shift_left3A_661 = arith.constant 16 : i32
          %shift_left3A_662 = vector.broadcast %shift_left3A_661 : i32 to vector<16xi32>
          %shift_left3A_663 = arith.shli %get3A_660, %shift_left3A_662 : vector<16xi32>
          %bitcast_convert_type3A_664 = tpu.bitcast %shift_left3A_663 : vector<16xi32> -> vector<16xf32>
          %add3A_665 = arith.addf %add3A_599, %bitcast_convert_type3A_664 : vector<16xf32>
          %and3A_666 = arith.constant -65536 : i32
          %and3A_667 = vector.broadcast %and3A_666 : i32 to vector<16xi32>
          %and3A_668 = arith.andi %get3A_660, %and3A_667 : vector<16xi32>
          %bitcast_convert_type3A_669 = tpu.bitcast %and3A_668 : vector<16xi32> -> vector<16xf32>
          %add3A_670 = arith.addf %add3A_604, %bitcast_convert_type3A_669 : vector<16xf32>
          %scan3A_671 = arith.constant 3 : i32
          %scan3A_672 = arith.addi %scan3A_470, %scan3A_671 : i32
          %get3A_673 = arith.constant 0 : i32
          %get3A_674 = arith.index_cast %get3A_673 : i32 to index
          %get3A_675 = arith.index_cast %scan3A_672 : i32 to index
          %get3A_676 = arith.constant 0 : index
          %get3A_677 = tpu.vector_load %arg6[%get3A_674, %get3A_675, %get3A_676] {strides = array<i32>} : memref<4x200x64xi32, #tpu.memory_space<vmem>>, vector<1x1x16xi32>,
          %get3A_678 = vector.shape_cast %get3A_677 : vector<1x1x16xi32> to vector<16xi32>
          %shift_left3A_679 = arith.constant 16 : i32
          %shift_left3A_680 = vector.broadcast %shift_left3A_679 : i32 to vector<16xi32>
          %shift_left3A_681 = arith.shli %get3A_678, %shift_left3A_680 : vector<16xi32>
          %bitcast_convert_type3A_682 = tpu.bitcast %shift_left3A_681 : vector<16xi32> -> vector<16xf32>
          %add3A_683 = arith.addf %add3A_617, %bitcast_convert_type3A_682 : vector<16xf32>
          %and3A_684 = arith.constant -65536 : i32
          %and3A_685 = vector.broadcast %and3A_684 : i32 to vector<16xi32>
          %and3A_686 = arith.andi %get3A_678, %and3A_685 : vector<16xi32>
          %bitcast_convert_type3A_687 = tpu.bitcast %and3A_686 : vector<16xi32> -> vector<16xf32>
          %add3A_688 = arith.addf %add3A_622, %bitcast_convert_type3A_687 : vector<16xf32>
          %get3A_689 = arith.constant 0 : i32
          %get3A_690 = arith.index_cast %get3A_689 : i32 to index
          %get3A_691 = arith.index_cast %scan3A_672 : i32 to index
          %get3A_692 = arith.constant 16 : index
          %get3A_693 = tpu.vector_load %arg6[%get3A_690, %get3A_691, %get3A_692] {strides = array<i32>} : memref<4x200x64xi32, #tpu.memory_space<vmem>>, vector<1x1x16xi32>,
          %get3A_694 = vector.shape_cast %get3A_693 : vector<1x1x16xi32> to vector<16xi32>
          %shift_left3A_695 = arith.constant 16 : i32
          %shift_left3A_696 = vector.broadcast %shift_left3A_695 : i32 to vector<16xi32>
          %shift_left3A_697 = arith.shli %get3A_694, %shift_left3A_696 : vector<16xi32>
          %bitcast_convert_type3A_698 = tpu.bitcast %shift_left3A_697 : vector<16xi32> -> vector<16xf32>
          %add3A_699 = arith.addf %add3A_633, %bitcast_convert_type3A_698 : vector<16xf32>
          %and3A_700 = arith.constant -65536 : i32
          %and3A_701 = vector.broadcast %and3A_700 : i32 to vector<16xi32>
          %and3A_702 = arith.andi %get3A_694, %and3A_701 : vector<16xi32>
          %bitcast_convert_type3A_703 = tpu.bitcast %and3A_702 : vector<16xi32> -> vector<16xf32>
          %add3A_704 = arith.addf %add3A_638, %bitcast_convert_type3A_703 : vector<16xf32>
          %get3A_705 = arith.constant 0 : i32
          %get3A_706 = arith.index_cast %get3A_705 : i32 to index
          %get3A_707 = arith.index_cast %scan3A_672 : i32 to index
          %get3A_708 = arith.constant 32 : index
          %get3A_709 = tpu.vector_load %arg6[%get3A_706, %get3A_707, %get3A_708] {strides = array<i32>} : memref<4x200x64xi32, #tpu.memory_space<vmem>>, vector<1x1x16xi32>,
          %get3A_710 = vector.shape_cast %get3A_709 : vector<1x1x16xi32> to vector<16xi32>
          %shift_left3A_711 = arith.constant 16 : i32
          %shift_left3A_712 = vector.broadcast %shift_left3A_711 : i32 to vector<16xi32>
          %shift_left3A_713 = arith.shli %get3A_710, %shift_left3A_712 : vector<16xi32>
          %bitcast_convert_type3A_714 = tpu.bitcast %shift_left3A_713 : vector<16xi32> -> vector<16xf32>
          %add3A_715 = arith.addf %add3A_649, %bitcast_convert_type3A_714 : vector<16xf32>
          %and3A_716 = arith.constant -65536 : i32
          %and3A_717 = vector.broadcast %and3A_716 : i32 to vector<16xi32>
          %and3A_718 = arith.andi %get3A_710, %and3A_717 : vector<16xi32>
          %bitcast_convert_type3A_719 = tpu.bitcast %and3A_718 : vector<16xi32> -> vector<16xf32>
          %add3A_720 = arith.addf %add3A_654, %bitcast_convert_type3A_719 : vector<16xf32>
          %get3A_721 = arith.constant 0 : i32
          %get3A_722 = arith.index_cast %get3A_721 : i32 to index
          %get3A_723 = arith.index_cast %scan3A_672 : i32 to index
          %get3A_724 = arith.constant 48 : index
          %get3A_725 = tpu.vector_load %arg6[%get3A_722, %get3A_723, %get3A_724] {strides = array<i32>} : memref<4x200x64xi32, #tpu.memory_space<vmem>>, vector<1x1x16xi32>,
          %get3A_726 = vector.shape_cast %get3A_725 : vector<1x1x16xi32> to vector<16xi32>
          %shift_left3A_727 = arith.constant 16 : i32
          %shift_left3A_728 = vector.broadcast %shift_left3A_727 : i32 to vector<16xi32>
          %shift_left3A_729 = arith.shli %get3A_726, %shift_left3A_728 : vector<16xi32>
          %bitcast_convert_type3A_730 = tpu.bitcast %shift_left3A_729 : vector<16xi32> -> vector<16xf32>
          %add3A_731 = arith.addf %add3A_665, %bitcast_convert_type3A_730 : vector<16xf32>
          %and3A_732 = arith.constant -65536 : i32
          %and3A_733 = vector.broadcast %and3A_732 : i32 to vector<16xi32>
          %and3A_734 = arith.andi %get3A_726, %and3A_733 : vector<16xi32>
          %bitcast_convert_type3A_735 = tpu.bitcast %and3A_734 : vector<16xi32> -> vector<16xf32>
          %add3A_736 = arith.addf %add3A_670, %bitcast_convert_type3A_735 : vector<16xf32>
          %scan3A_737 = arith.constant 4 : i32
          %scan3A_738 = arith.addi %scan3A_470, %scan3A_737 : i32
          %get3A_739 = arith.constant 0 : i32
          %get3A_740 = arith.index_cast %get3A_739 : i32 to index
          %get3A_741 = arith.index_cast %scan3A_738 : i32 to index
          %get3A_742 = arith.constant 0 : index
          %get3A_743 = tpu.vector_load %arg6[%get3A_740, %get3A_741, %get3A_742] {strides = array<i32>} : memref<4x200x64xi32, #tpu.memory_space<vmem>>, vector<1x1x16xi32>,
          %get3A_744 = vector.shape_cast %get3A_743 : vector<1x1x16xi32> to vector<16xi32>
          %shift_left3A_745 = arith.constant 16 : i32
          %shift_left3A_746 = vector.broadcast %shift_left3A_745 : i32 to vector<16xi32>
          %shift_left3A_747 = arith.shli %get3A_744, %shift_left3A_746 : vector<16xi32>
          %bitcast_convert_type3A_748 = tpu.bitcast %shift_left3A_747 : vector<16xi32> -> vector<16xf32>
          %add3A_749 = arith.addf %add3A_683, %bitcast_convert_type3A_748 : vector<16xf32>
          %and3A_750 = arith.constant -65536 : i32
          %and3A_751 = vector.broadcast %and3A_750 : i32 to vector<16xi32>
          %and3A_752 = arith.andi %get3A_744, %and3A_751 : vector<16xi32>
          %bitcast_convert_type3A_753 = tpu.bitcast %and3A_752 : vector<16xi32> -> vector<16xf32>
          %add3A_754 = arith.addf %add3A_688, %bitcast_convert_type3A_753 : vector<16xf32>
          %get3A_755 = arith.constant 0 : i32
          %get3A_756 = arith.index_cast %get3A_755 : i32 to index
          %get3A_757 = arith.index_cast %scan3A_738 : i32 to index
          %get3A_758 = arith.constant 16 : index
          %get3A_759 = tpu.vector_load %arg6[%get3A_756, %get3A_757, %get3A_758] {strides = array<i32>} : memref<4x200x64xi32, #tpu.memory_space<vmem>>, vector<1x1x16xi32>,
          %get3A_760 = vector.shape_cast %get3A_759 : vector<1x1x16xi32> to vector<16xi32>
          %shift_left3A_761 = arith.constant 16 : i32
          %shift_left3A_762 = vector.broadcast %shift_left3A_761 : i32 to vector<16xi32>
          %shift_left3A_763 = arith.shli %get3A_760, %shift_left3A_762 : vector<16xi32>
          %bitcast_convert_type3A_764 = tpu.bitcast %shift_left3A_763 : vector<16xi32> -> vector<16xf32>
          %add3A_765 = arith.addf %add3A_699, %bitcast_convert_type3A_764 : vector<16xf32>
          %and3A_766 = arith.constant -65536 : i32
          %and3A_767 = vector.broadcast %and3A_766 : i32 to vector<16xi32>
          %and3A_768 = arith.andi %get3A_760, %and3A_767 : vector<16xi32>
          %bitcast_convert_type3A_769 = tpu.bitcast %and3A_768 : vector<16xi32> -> vector<16xf32>
          %add3A_770 = arith.addf %add3A_704, %bitcast_convert_type3A_769 : vector<16xf32>
          %get3A_771 = arith.constant 0 : i32
          %get3A_772 = arith.index_cast %get3A_771 : i32 to index
          %get3A_773 = arith.index_cast %scan3A_738 : i32 to index
          %get3A_774 = arith.constant 32 : index
          %get3A_775 = tpu.vector_load %arg6[%get3A_772, %get3A_773, %get3A_774] {strides = array<i32>} : memref<4x200x64xi32, #tpu.memory_space<vmem>>, vector<1x1x16xi32>,
          %get3A_776 = vector.shape_cast %get3A_775 : vector<1x1x16xi32> to vector<16xi32>
          %shift_left3A_777 = arith.constant 16 : i32
          %shift_left3A_778 = vector.broadcast %shift_left3A_777 : i32 to vector<16xi32>
          %shift_left3A_779 = arith.shli %get3A_776, %shift_left3A_778 : vector<16xi32>
          %bitcast_convert_type3A_780 = tpu.bitcast %shift_left3A_779 : vector<16xi32> -> vector<16xf32>
          %add3A_781 = arith.addf %add3A_715, %bitcast_convert_type3A_780 : vector<16xf32>
          %and3A_782 = arith.constant -65536 : i32
          %and3A_783 = vector.broadcast %and3A_782 : i32 to vector<16xi32>
          %and3A_784 = arith.andi %get3A_776, %and3A_783 : vector<16xi32>
          %bitcast_convert_type3A_785 = tpu.bitcast %and3A_784 : vector<16xi32> -> vector<16xf32>
          %add3A_786 = arith.addf %add3A_720, %bitcast_convert_type3A_785 : vector<16xf32>
          %get3A_787 = arith.constant 0 : i32
          %get3A_788 = arith.index_cast %get3A_787 : i32 to index
          %get3A_789 = arith.index_cast %scan3A_738 : i32 to index
          %get3A_790 = arith.constant 48 : index
          %get3A_791 = tpu.vector_load %arg6[%get3A_788, %get3A_789, %get3A_790] {strides = array<i32>} : memref<4x200x64xi32, #tpu.memory_space<vmem>>, vector<1x1x16xi32>,
          %get3A_792 = vector.shape_cast %get3A_791 : vector<1x1x16xi32> to vector<16xi32>
          %shift_left3A_793 = arith.constant 16 : i32
          %shift_left3A_794 = vector.broadcast %shift_left3A_793 : i32 to vector<16xi32>
          %shift_left3A_795 = arith.shli %get3A_792, %shift_left3A_794 : vector<16xi32>
          %bitcast_convert_type3A_796 = tpu.bitcast %shift_left3A_795 : vector<16xi32> -> vector<16xf32>
          %add3A_797 = arith.addf %add3A_731, %bitcast_convert_type3A_796 : vector<16xf32>
          %and3A_798 = arith.constant -65536 : i32
          %and3A_799 = vector.broadcast %and3A_798 : i32 to vector<16xi32>
          %and3A_800 = arith.andi %get3A_792, %and3A_799 : vector<16xi32>
          %bitcast_convert_type3A_801 = tpu.bitcast %and3A_800 : vector<16xi32> -> vector<16xf32>
          %add3A_802 = arith.addf %add3A_736, %bitcast_convert_type3A_801 : vector<16xf32>
          %scan3A_803 = arith.constant 5 : i32
          %scan3A_804 = arith.addi %scan3A_470, %scan3A_803 : i32
          %get3A_805 = arith.constant 0 : i32
          %get3A_806 = arith.index_cast %get3A_805 : i32 to index
          %get3A_807 = arith.index_cast %scan3A_804 : i32 to index
          %get3A_808 = arith.constant 0 : index
          %get3A_809 = tpu.vector_load %arg6[%get3A_806, %get3A_807, %get3A_808] {strides = array<i32>} : memref<4x200x64xi32, #tpu.memory_space<vmem>>, vector<1x1x16xi32>,
          %get3A_810 = vector.shape_cast %get3A_809 : vector<1x1x16xi32> to vector<16xi32>
          %shift_left3A_811 = arith.constant 16 : i32
          %shift_left3A_812 = vector.broadcast %shift_left3A_811 : i32 to vector<16xi32>
          %shift_left3A_813 = arith.shli %get3A_810, %shift_left3A_812 : vector<16xi32>
          %bitcast_convert_type3A_814 = tpu.bitcast %shift_left3A_813 : vector<16xi32> -> vector<16xf32>
          %add3A_815 = arith.addf %add3A_749, %bitcast_convert_type3A_814 : vector<16xf32>
          %and3A_816 = arith.constant -65536 : i32
          %and3A_817 = vector.broadcast %and3A_816 : i32 to vector<16xi32>
          %and3A_818 = arith.andi %get3A_810, %and3A_817 : vector<16xi32>
          %bitcast_convert_type3A_819 = tpu.bitcast %and3A_818 : vector<16xi32> -> vector<16xf32>
          %add3A_820 = arith.addf %add3A_754, %bitcast_convert_type3A_819 : vector<16xf32>
          %get3A_821 = arith.constant 0 : i32
          %get3A_822 = arith.index_cast %get3A_821 : i32 to index
          %get3A_823 = arith.index_cast %scan3A_804 : i32 to index
          %get3A_824 = arith.constant 16 : index
          %get3A_825 = tpu.vector_load %arg6[%get3A_822, %get3A_823, %get3A_824] {strides = array<i32>} : memref<4x200x64xi32, #tpu.memory_space<vmem>>, vector<1x1x16xi32>,
          %get3A_826 = vector.shape_cast %get3A_825 : vector<1x1x16xi32> to vector<16xi32>
          %shift_left3A_827 = arith.constant 16 : i32
          %shift_left3A_828 = vector.broadcast %shift_left3A_827 : i32 to vector<16xi32>
          %shift_left3A_829 = arith.shli %get3A_826, %shift_left3A_828 : vector<16xi32>
          %bitcast_convert_type3A_830 = tpu.bitcast %shift_left3A_829 : vector<16xi32> -> vector<16xf32>
          %add3A_831 = arith.addf %add3A_765, %bitcast_convert_type3A_830 : vector<16xf32>
          %and3A_832 = arith.constant -65536 : i32
          %and3A_833 = vector.broadcast %and3A_832 : i32 to vector<16xi32>
          %and3A_834 = arith.andi %get3A_826, %and3A_833 : vector<16xi32>
          %bitcast_convert_type3A_835 = tpu.bitcast %and3A_834 : vector<16xi32> -> vector<16xf32>
          %add3A_836 = arith.addf %add3A_770, %bitcast_convert_type3A_835 : vector<16xf32>
          %get3A_837 = arith.constant 0 : i32
          %get3A_838 = arith.index_cast %get3A_837 : i32 to index
          %get3A_839 = arith.index_cast %scan3A_804 : i32 to index
          %get3A_840 = arith.constant 32 : index
          %get3A_841 = tpu.vector_load %arg6[%get3A_838, %get3A_839, %get3A_840] {strides = array<i32>} : memref<4x200x64xi32, #tpu.memory_space<vmem>>, vector<1x1x16xi32>,
          %get3A_842 = vector.shape_cast %get3A_841 : vector<1x1x16xi32> to vector<16xi32>
          %shift_left3A_843 = arith.constant 16 : i32
          %shift_left3A_844 = vector.broadcast %shift_left3A_843 : i32 to vector<16xi32>
          %shift_left3A_845 = arith.shli %get3A_842, %shift_left3A_844 : vector<16xi32>
          %bitcast_convert_type3A_846 = tpu.bitcast %shift_left3A_845 : vector<16xi32> -> vector<16xf32>
          %add3A_847 = arith.addf %add3A_781, %bitcast_convert_type3A_846 : vector<16xf32>
          %and3A_848 = arith.constant -65536 : i32
          %and3A_849 = vector.broadcast %and3A_848 : i32 to vector<16xi32>
          %and3A_850 = arith.andi %get3A_842, %and3A_849 : vector<16xi32>
          %bitcast_convert_type3A_851 = tpu.bitcast %and3A_850 : vector<16xi32> -> vector<16xf32>
          %add3A_852 = arith.addf %add3A_786, %bitcast_convert_type3A_851 : vector<16xf32>
          %get3A_853 = arith.constant 0 : i32
          %get3A_854 = arith.index_cast %get3A_853 : i32 to index
          %get3A_855 = arith.index_cast %scan3A_804 : i32 to index
          %get3A_856 = arith.constant 48 : index
          %get3A_857 = tpu.vector_load %arg6[%get3A_854, %get3A_855, %get3A_856] {strides = array<i32>} : memref<4x200x64xi32, #tpu.memory_space<vmem>>, vector<1x1x16xi32>,
          %get3A_858 = vector.shape_cast %get3A_857 : vector<1x1x16xi32> to vector<16xi32>
          %shift_left3A_859 = arith.constant 16 : i32
          %shift_left3A_860 = vector.broadcast %shift_left3A_859 : i32 to vector<16xi32>
          %shift_left3A_861 = arith.shli %get3A_858, %shift_left3A_860 : vector<16xi32>
          %bitcast_convert_type3A_862 = tpu.bitcast %shift_left3A_861 : vector<16xi32> -> vector<16xf32>
          %add3A_863 = arith.addf %add3A_797, %bitcast_convert_type3A_862 : vector<16xf32>
          %and3A_864 = arith.constant -65536 : i32
          %and3A_865 = vector.broadcast %and3A_864 : i32 to vector<16xi32>
          %and3A_866 = arith.andi %get3A_858, %and3A_865 : vector<16xi32>
          %bitcast_convert_type3A_867 = tpu.bitcast %and3A_866 : vector<16xi32> -> vector<16xf32>
          %add3A_868 = arith.addf %add3A_802, %bitcast_convert_type3A_867 : vector<16xf32>
          %scan3A_869 = arith.constant 6 : i32
          %scan3A_870 = arith.addi %scan3A_470, %scan3A_869 : i32
          %get3A_871 = arith.constant 0 : i32
          %get3A_872 = arith.index_cast %get3A_871 : i32 to index
          %get3A_873 = arith.index_cast %scan3A_870 : i32 to index
          %get3A_874 = arith.constant 0 : index
          %get3A_875 = tpu.vector_load %arg6[%get3A_872, %get3A_873, %get3A_874] {strides = array<i32>} : memref<4x200x64xi32, #tpu.memory_space<vmem>>, vector<1x1x16xi32>,
          %get3A_876 = vector.shape_cast %get3A_875 : vector<1x1x16xi32> to vector<16xi32>
          %shift_left3A_877 = arith.constant 16 : i32
          %shift_left3A_878 = vector.broadcast %shift_left3A_877 : i32 to vector<16xi32>
          %shift_left3A_879 = arith.shli %get3A_876, %shift_left3A_878 : vector<16xi32>
          %bitcast_convert_type3A_880 = tpu.bitcast %shift_left3A_879 : vector<16xi32> -> vector<16xf32>
          %add3A_881 = arith.addf %add3A_815, %bitcast_convert_type3A_880 : vector<16xf32>
          %and3A_882 = arith.constant -65536 : i32
          %and3A_883 = vector.broadcast %and3A_882 : i32 to vector<16xi32>
          %and3A_884 = arith.andi %get3A_876, %and3A_883 : vector<16xi32>
          %bitcast_convert_type3A_885 = tpu.bitcast %and3A_884 : vector<16xi32> -> vector<16xf32>
          %add3A_886 = arith.addf %add3A_820, %bitcast_convert_type3A_885 : vector<16xf32>
          %get3A_887 = arith.constant 0 : i32
          %get3A_888 = arith.index_cast %get3A_887 : i32 to index
          %get3A_889 = arith.index_cast %scan3A_870 : i32 to index
          %get3A_890 = arith.constant 16 : index
          %get3A_891 = tpu.vector_load %arg6[%get3A_888, %get3A_889, %get3A_890] {strides = array<i32>} : memref<4x200x64xi32, #tpu.memory_space<vmem>>, vector<1x1x16xi32>,
          %get3A_892 = vector.shape_cast %get3A_891 : vector<1x1x16xi32> to vector<16xi32>
          %shift_left3A_893 = arith.constant 16 : i32
          %shift_left3A_894 = vector.broadcast %shift_left3A_893 : i32 to vector<16xi32>
          %shift_left3A_895 = arith.shli %get3A_892, %shift_left3A_894 : vector<16xi32>
          %bitcast_convert_type3A_896 = tpu.bitcast %shift_left3A_895 : vector<16xi32> -> vector<16xf32>
          %add3A_897 = arith.addf %add3A_831, %bitcast_convert_type3A_896 : vector<16xf32>
          %and3A_898 = arith.constant -65536 : i32
          %and3A_899 = vector.broadcast %and3A_898 : i32 to vector<16xi32>
          %and3A_900 = arith.andi %get3A_892, %and3A_899 : vector<16xi32>
          %bitcast_convert_type3A_901 = tpu.bitcast %and3A_900 : vector<16xi32> -> vector<16xf32>
          %add3A_902 = arith.addf %add3A_836, %bitcast_convert_type3A_901 : vector<16xf32>
          %get3A_903 = arith.constant 0 : i32
          %get3A_904 = arith.index_cast %get3A_903 : i32 to index
          %get3A_905 = arith.index_cast %scan3A_870 : i32 to index
          %get3A_906 = arith.constant 32 : index
          %get3A_907 = tpu.vector_load %arg6[%get3A_904, %get3A_905, %get3A_906] {strides = array<i32>} : memref<4x200x64xi32, #tpu.memory_space<vmem>>, vector<1x1x16xi32>,
          %get3A_908 = vector.shape_cast %get3A_907 : vector<1x1x16xi32> to vector<16xi32>
          %shift_left3A_909 = arith.constant 16 : i32
          %shift_left3A_910 = vector.broadcast %shift_left3A_909 : i32 to vector<16xi32>
          %shift_left3A_911 = arith.shli %get3A_908, %shift_left3A_910 : vector<16xi32>
          %bitcast_convert_type3A_912 = tpu.bitcast %shift_left3A_911 : vector<16xi32> -> vector<16xf32>
          %add3A_913 = arith.addf %add3A_847, %bitcast_convert_type3A_912 : vector<16xf32>
          %and3A_914 = arith.constant -65536 : i32
          %and3A_915 = vector.broadcast %and3A_914 : i32 to vector<16xi32>
          %and3A_916 = arith.andi %get3A_908, %and3A_915 : vector<16xi32>
          %bitcast_convert_type3A_917 = tpu.bitcast %and3A_916 : vector<16xi32> -> vector<16xf32>
          %add3A_918 = arith.addf %add3A_852, %bitcast_convert_type3A_917 : vector<16xf32>
          %get3A_919 = arith.constant 0 : i32
          %get3A_920 = arith.index_cast %get3A_919 : i32 to index
          %get3A_921 = arith.index_cast %scan3A_870 : i32 to index
          %get3A_922 = arith.constant 48 : index
          %get3A_923 = tpu.vector_load %arg6[%get3A_920, %get3A_921, %get3A_922] {strides = array<i32>} : memref<4x200x64xi32, #tpu.memory_space<vmem>>, vector<1x1x16xi32>,
          %get3A_924 = vector.shape_cast %get3A_923 : vector<1x1x16xi32> to vector<16xi32>
          %shift_left3A_925 = arith.constant 16 : i32
          %shift_left3A_926 = vector.broadcast %shift_left3A_925 : i32 to vector<16xi32>
          %shift_left3A_927 = arith.shli %get3A_924, %shift_left3A_926 : vector<16xi32>
          %bitcast_convert_type3A_928 = tpu.bitcast %shift_left3A_927 : vector<16xi32> -> vector<16xf32>
          %add3A_929 = arith.addf %add3A_863, %bitcast_convert_type3A_928 : vector<16xf32>
          %and3A_930 = arith.constant -65536 : i32
          %and3A_931 = vector.broadcast %and3A_930 : i32 to vector<16xi32>
          %and3A_932 = arith.andi %get3A_924, %and3A_931 : vector<16xi32>
          %bitcast_convert_type3A_933 = tpu.bitcast %and3A_932 : vector<16xi32> -> vector<16xf32>
          %add3A_934 = arith.addf %add3A_868, %bitcast_convert_type3A_933 : vector<16xf32>
          %scan3A_935 = arith.constant 7 : i32
          %scan3A_936 = arith.addi %scan3A_470, %scan3A_935 : i32
          %get3A_937 = arith.constant 0 : i32
          %get3A_938 = arith.index_cast %get3A_937 : i32 to index
          %get3A_939 = arith.index_cast %scan3A_936 : i32 to index
          %get3A_940 = arith.constant 0 : index
          %get3A_941 = tpu.vector_load %arg6[%get3A_938, %get3A_939, %get3A_940] {strides = array<i32>} : memref<4x200x64xi32, #tpu.memory_space<vmem>>, vector<1x1x16xi32>,
          %get3A_942 = vector.shape_cast %get3A_941 : vector<1x1x16xi32> to vector<16xi32>
          %shift_left3A_943 = arith.constant 16 : i32
          %shift_left3A_944 = vector.broadcast %shift_left3A_943 : i32 to vector<16xi32>
          %shift_left3A_945 = arith.shli %get3A_942, %shift_left3A_944 : vector<16xi32>
          %bitcast_convert_type3A_946 = tpu.bitcast %shift_left3A_945 : vector<16xi32> -> vector<16xf32>
          %add3A_947 = arith.addf %add3A_881, %bitcast_convert_type3A_946 : vector<16xf32>
          %and3A_948 = arith.constant -65536 : i32
          %and3A_949 = vector.broadcast %and3A_948 : i32 to vector<16xi32>
          %and3A_950 = arith.andi %get3A_942, %and3A_949 : vector<16xi32>
          %bitcast_convert_type3A_951 = tpu.bitcast %and3A_950 : vector<16xi32> -> vector<16xf32>
          %add3A_952 = arith.addf %add3A_886, %bitcast_convert_type3A_951 : vector<16xf32>
          %get3A_953 = arith.constant 0 : i32
          %get3A_954 = arith.index_cast %get3A_953 : i32 to index
          %get3A_955 = arith.index_cast %scan3A_936 : i32 to index
          %get3A_956 = arith.constant 16 : index
          %get3A_957 = tpu.vector_load %arg6[%get3A_954, %get3A_955, %get3A_956] {strides = array<i32>} : memref<4x200x64xi32, #tpu.memory_space<vmem>>, vector<1x1x16xi32>,
          %get3A_958 = vector.shape_cast %get3A_957 : vector<1x1x16xi32> to vector<16xi32>
          %shift_left3A_959 = arith.constant 16 : i32
          %shift_left3A_960 = vector.broadcast %shift_left3A_959 : i32 to vector<16xi32>
          %shift_left3A_961 = arith.shli %get3A_958, %shift_left3A_960 : vector<16xi32>
          %bitcast_convert_type3A_962 = tpu.bitcast %shift_left3A_961 : vector<16xi32> -> vector<16xf32>
          %add3A_963 = arith.addf %add3A_897, %bitcast_convert_type3A_962 : vector<16xf32>
          %and3A_964 = arith.constant -65536 : i32
          %and3A_965 = vector.broadcast %and3A_964 : i32 to vector<16xi32>
          %and3A_966 = arith.andi %get3A_958, %and3A_965 : vector<16xi32>
          %bitcast_convert_type3A_967 = tpu.bitcast %and3A_966 : vector<16xi32> -> vector<16xf32>
          %add3A_968 = arith.addf %add3A_902, %bitcast_convert_type3A_967 : vector<16xf32>
          %get3A_969 = arith.constant 0 : i32
          %get3A_970 = arith.index_cast %get3A_969 : i32 to index
          %get3A_971 = arith.index_cast %scan3A_936 : i32 to index
          %get3A_972 = arith.constant 32 : index
          %get3A_973 = tpu.vector_load %arg6[%get3A_970, %get3A_971, %get3A_972] {strides = array<i32>} : memref<4x200x64xi32, #tpu.memory_space<vmem>>, vector<1x1x16xi32>,
          %get3A_974 = vector.shape_cast %get3A_973 : vector<1x1x16xi32> to vector<16xi32>
          %shift_left3A_975 = arith.constant 16 : i32
          %shift_left3A_976 = vector.broadcast %shift_left3A_975 : i32 to vector<16xi32>
          %shift_left3A_977 = arith.shli %get3A_974, %shift_left3A_976 : vector<16xi32>
          %bitcast_convert_type3A_978 = tpu.bitcast %shift_left3A_977 : vector<16xi32> -> vector<16xf32>
          %add3A_979 = arith.addf %add3A_913, %bitcast_convert_type3A_978 : vector<16xf32>
          %and3A_980 = arith.constant -65536 : i32
          %and3A_981 = vector.broadcast %and3A_980 : i32 to vector<16xi32>
          %and3A_982 = arith.andi %get3A_974, %and3A_981 : vector<16xi32>
          %bitcast_convert_type3A_983 = tpu.bitcast %and3A_982 : vector<16xi32> -> vector<16xf32>
          %add3A_984 = arith.addf %add3A_918, %bitcast_convert_type3A_983 : vector<16xf32>
          %get3A_985 = arith.constant 0 : i32
          %get3A_986 = arith.index_cast %get3A_985 : i32 to index
          %get3A_987 = arith.index_cast %scan3A_936 : i32 to index
          %get3A_988 = arith.constant 48 : index
          %get3A_989 = tpu.vector_load %arg6[%get3A_986, %get3A_987, %get3A_988] {strides = array<i32>} : memref<4x200x64xi32, #tpu.memory_space<vmem>>, vector<1x1x16xi32>,
          %get3A_990 = vector.shape_cast %get3A_989 : vector<1x1x16xi32> to vector<16xi32>
          %shift_left3A_991 = arith.constant 16 : i32
          %shift_left3A_992 = vector.broadcast %shift_left3A_991 : i32 to vector<16xi32>
          %shift_left3A_993 = arith.shli %get3A_990, %shift_left3A_992 : vector<16xi32>
          %bitcast_convert_type3A_994 = tpu.bitcast %shift_left3A_993 : vector<16xi32> -> vector<16xf32>
          %add3A_995 = arith.addf %add3A_929, %bitcast_convert_type3A_994 : vector<16xf32>
          %and3A_996 = arith.constant -65536 : i32
          %and3A_997 = vector.broadcast %and3A_996 : i32 to vector<16xi32>
          %and3A_998 = arith.andi %get3A_990, %and3A_997 : vector<16xi32>
          %bitcast_convert_type3A_999 = tpu.bitcast %and3A_998 : vector<16xi32> -> vector<16xf32>
          %add3A_1000 = arith.addf %add3A_934, %bitcast_convert_type3A_999 : vector<16xf32>
          scf.yield %add3A_947, %add3A_963, %add3A_979, %add3A_995, %add3A_952, %add3A_968, %add3A_984, %add3A_1000 : vector<16xf32>, vector<16xf32>, vector<16xf32>, vector<16xf32>, vector<16xf32>, vector<16xf32>, vector<16xf32>, vector<16xf32>
        }
        %scan3A_88 = arith.constant 200 : i32
        %mul3A_89 = arith.constant 5.000000e-03 : f32
        %mul3A_90 = vector.broadcast %mul3A_89 : f32 to vector<16xf32>
        %mul3A_91 = arith.mulf %scan3A_87#0, %mul3A_90 : vector<16xf32>
        %swap3A = arith.index_cast %add3A_53 : i32 to index
        %swap3A_92 = arith.constant 0 : index
        %swap3A_93 = tpu.vector_load %arg7[%swap3A, %swap3A_92] {strides = array<i32>} : memref<64x128xf32, #tpu.memory_space<vmem>>, vector<1x16xf32>,
        %swap3A_94 = vector.shape_cast %swap3A_93 : vector<1x16xf32> to vector<16xf32>
        %swap3A_95 = vector.shape_cast %mul3A_91 : vector<16xf32> to vector<1x16xf32>
        tpu.vector_store %arg7[%swap3A, %swap3A_92], %swap3A_95 {strides = array<i32>} : memref<64x128xf32, #tpu.memory_space<vmem>>, vector<1x16xf32>,
        %mul3A_96 = arith.constant 5.000000e-03 : f32
        %mul3A_97 = vector.broadcast %mul3A_96 : f32 to vector<16xf32>
        %mul3A_98 = arith.mulf %scan3A_87#1, %mul3A_97 : vector<16xf32>
        %swap3A_99 = arith.index_cast %add3A_53 : i32 to index
        %swap3A_100 = arith.constant 16 : index
        %swap3A_101 = tpu.vector_load %arg7[%swap3A_99, %swap3A_100] {strides = array<i32>} : memref<64x128xf32, #tpu.memory_space<vmem>>, vector<1x16xf32>,
        %swap3A_102 = vector.shape_cast %swap3A_101 : vector<1x16xf32> to vector<16xf32>
        %swap3A_103 = vector.shape_cast %mul3A_98 : vector<16xf32> to vector<1x16xf32>
        tpu.vector_store %arg7[%swap3A_99, %swap3A_100], %swap3A_103 {strides = array<i32>} : memref<64x128xf32, #tpu.memory_space<vmem>>, vector<1x16xf32>,
        %mul3A_104 = arith.constant 5.000000e-03 : f32
        %mul3A_105 = vector.broadcast %mul3A_104 : f32 to vector<16xf32>
        %mul3A_106 = arith.mulf %scan3A_87#2, %mul3A_105 : vector<16xf32>
        %swap3A_107 = arith.index_cast %add3A_53 : i32 to index
        %swap3A_108 = arith.constant 32 : index
        %swap3A_109 = tpu.vector_load %arg7[%swap3A_107, %swap3A_108] {strides = array<i32>} : memref<64x128xf32, #tpu.memory_space<vmem>>, vector<1x16xf32>,
        %swap3A_110 = vector.shape_cast %swap3A_109 : vector<1x16xf32> to vector<16xf32>
        %swap3A_111 = vector.shape_cast %mul3A_106 : vector<16xf32> to vector<1x16xf32>
        tpu.vector_store %arg7[%swap3A_107, %swap3A_108], %swap3A_111 {strides = array<i32>} : memref<64x128xf32, #tpu.memory_space<vmem>>, vector<1x16xf32>,
        %mul3A_112 = arith.constant 5.000000e-03 : f32
        %mul3A_113 = vector.broadcast %mul3A_112 : f32 to vector<16xf32>
        %mul3A_114 = arith.mulf %scan3A_87#3, %mul3A_113 : vector<16xf32>
        %swap3A_115 = arith.index_cast %add3A_53 : i32 to index
        %swap3A_116 = arith.constant 48 : index
        %swap3A_117 = tpu.vector_load %arg7[%swap3A_115, %swap3A_116] {strides = array<i32>} : memref<64x128xf32, #tpu.memory_space<vmem>>, vector<1x16xf32>,
        %swap3A_118 = vector.shape_cast %swap3A_117 : vector<1x16xf32> to vector<16xf32>
        %swap3A_119 = vector.shape_cast %mul3A_114 : vector<16xf32> to vector<1x16xf32>
        tpu.vector_store %arg7[%swap3A_115, %swap3A_116], %swap3A_119 {strides = array<i32>} : memref<64x128xf32, #tpu.memory_space<vmem>>, vector<1x16xf32>,
        %mul3A_120 = arith.constant 5.000000e-03 : f32
        %mul3A_121 = vector.broadcast %mul3A_120 : f32 to vector<16xf32>
        %mul3A_122 = arith.mulf %scan3A_87#4, %mul3A_121 : vector<16xf32>
        %swap3A_123 = arith.index_cast %add3A_53 : i32 to index
        %swap3A_124 = arith.constant 64 : index
        %swap3A_125 = tpu.vector_load %arg7[%swap3A_123, %swap3A_124] {strides = array<i32>} : memref<64x128xf32, #tpu.memory_space<vmem>>, vector<1x16xf32>,
        %swap3A_126 = vector.shape_cast %swap3A_125 : vector<1x16xf32> to vector<16xf32>
        %swap3A_127 = vector.shape_cast %mul3A_122 : vector<16xf32> to vector<1x16xf32>
        tpu.vector_store %arg7[%swap3A_123, %swap3A_124], %swap3A_127 {strides = array<i32>} : memref<64x128xf32, #tpu.memory_space<vmem>>, vector<1x16xf32>,
        %mul3A_128 = arith.constant 5.000000e-03 : f32
        %mul3A_129 = vector.broadcast %mul3A_128 : f32 to vector<16xf32>
        %mul3A_130 = arith.mulf %scan3A_87#5, %mul3A_129 : vector<16xf32>
        %swap3A_131 = arith.index_cast %add3A_53 : i32 to index
        %swap3A_132 = arith.constant 80 : index
        %swap3A_133 = tpu.vector_load %arg7[%swap3A_131, %swap3A_132] {strides = array<i32>} : memref<64x128xf32, #tpu.memory_space<vmem>>, vector<1x16xf32>,
        %swap3A_134 = vector.shape_cast %swap3A_133 : vector<1x16xf32> to vector<16xf32>
        %swap3A_135 = vector.shape_cast %mul3A_130 : vector<16xf32> to vector<1x16xf32>
        tpu.vector_store %arg7[%swap3A_131, %swap3A_132], %swap3A_135 {strides = array<i32>} : memref<64x128xf32, #tpu.memory_space<vmem>>, vector<1x16xf32>,
        %mul3A_136 = arith.constant 5.000000e-03 : f32
        %mul3A_137 = vector.broadcast %mul3A_136 : f32 to vector<16xf32>
        %mul3A_138 = arith.mulf %scan3A_87#6, %mul3A_137 : vector<16xf32>
        %swap3A_139 = arith.index_cast %add3A_53 : i32 to index
        %swap3A_140 = arith.constant 96 : index
        %swap3A_141 = tpu.vector_load %arg7[%swap3A_139, %swap3A_140] {strides = array<i32>} : memref<64x128xf32, #tpu.memory_space<vmem>>, vector<1x16xf32>,
        %swap3A_142 = vector.shape_cast %swap3A_141 : vector<1x16xf32> to vector<16xf32>
        %swap3A_143 = vector.shape_cast %mul3A_138 : vector<16xf32> to vector<1x16xf32>
        tpu.vector_store %arg7[%swap3A_139, %swap3A_140], %swap3A_143 {strides = array<i32>} : memref<64x128xf32, #tpu.memory_space<vmem>>, vector<1x16xf32>,
        %mul3A_144 = arith.constant 5.000000e-03 : f32
        %mul3A_145 = vector.broadcast %mul3A_144 : f32 to vector<16xf32>
        %mul3A_146 = arith.mulf %scan3A_87#7, %mul3A_145 : vector<16xf32>
        %swap3A_147 = arith.index_cast %add3A_53 : i32 to index
        %swap3A_148 = arith.constant 112 : index
        %swap3A_149 = tpu.vector_load %arg7[%swap3A_147, %swap3A_148] {strides = array<i32>} : memref<64x128xf32, #tpu.memory_space<vmem>>, vector<1x16xf32>,
        %swap3A_150 = vector.shape_cast %swap3A_149 : vector<1x16xf32> to vector<16xf32>
        %swap3A_151 = vector.shape_cast %mul3A_146 : vector<16xf32> to vector<1x16xf32>
        tpu.vector_store %arg7[%swap3A_147, %swap3A_148], %swap3A_151 {strides = array<i32>} : memref<64x128xf32, #tpu.memory_space<vmem>>, vector<1x16xf32>,
        %add3A_152 = arith.constant 1 : i32
        %add3A_153 = arith.addi %mul3A_51, %add3A_152 : i32
        %add3A_154 = arith.constant 3 : i32
        %add3A_155 = arith.addi %add3A_153, %add3A_154 : i32
        %lt3A_156 = arith.constant 64 : i32
        %lt3A_157 = arith.cmpi slt, %add3A_155, %lt3A_156 : i32
        %convert_element_type3A_158 = arith.extui %lt3A_157 : i1 to i32
        %cond3A_159 = arith.constant 0 : i32
        %cond3A_160 = arith.cmpi ne, %convert_element_type3A_158, %cond3A_159 : i32
        scf.if %cond3A_160 {
          %add3A_470 = arith.constant 3 : i32
          %add3A_471 = arith.addi %add3A_153, %add3A_470 : i32
          %mul3A_472 = arith.constant 200 : i32
          %mul3A_473 = arith.muli %add3A_471, %mul3A_472 : i32
          %dma_start3A_474 = arith.constant 0 : i32
          %dma_start3A_475 = arith.constant 0 : i32
          %dma_start3A_476 = arith.constant 0 : i32
          %dma_start3A_477 = tpu.memref_slice %arg6[%dma_start3A_474, %dma_start3A_475, %dma_start3A_476] : memref<4x200x64xi32, #tpu.memory_space<vmem>> -> memref<1x200x64xi32, #tpu.memory_space<vmem>>
          %dma_start3A_478 = tpu.memref_squeeze %dma_start3A_477 : memref<1x200x64xi32, #tpu.memory_space<vmem>> -> memref<200x64xi32, #tpu.memory_space<vmem>>
          %dma_start3A_479 = tpu.memref_slice %arg5[%mul3A_473] : memref<12800xi32, #tpu.memory_space<vmem>> -> memref<200xi32, #tpu.memory_space<vmem>>
          %dma_start3A_480 = arith.constant 0 : i32
          %dma_start3A_481 = arith.constant 0 : i32
          %dma_start3A_482 = tpu.memref_slice %arg3[%dma_start3A_480, %dma_start3A_481] : memref<100000x64xi32, #tpu.memory_space<hbm>> -> memref<100000x64xi32, #tpu.memory_space<hbm>>
          tpu.enqueue_indirect_dma source(%dma_start3A_482 : memref<100000x64xi32, #tpu.memory_space<hbm>>) target(%dma_start3A_478 : memref<200x64xi32, #tpu.memory_space<vmem>>) offsets(%dma_start3A_479 : memref<200xi32, #tpu.memory_space<vmem>>) semaphore(%arg8 : memref<!tpu.dma_semaphore, #tpu.memory_space<semaphore_mem>>)
        } else {
        }
        %mul3A_161 = arith.constant 200 : i32
        %mul3A_162 = arith.muli %add3A_153, %mul3A_161 : i32
        %dma_wait3A_163 = arith.constant 1 : i32
        %dma_wait3A_164 = arith.constant 0 : i32
        %dma_wait3A_165 = arith.constant 0 : i32
        %dma_wait3A_166 = tpu.memref_slice %arg6[%dma_wait3A_163, %dma_wait3A_164, %dma_wait3A_165] : memref<4x200x64xi32, #tpu.memory_space<vmem>> -> memref<1x200x64xi32, #tpu.memory_space<vmem>>
        %dma_wait3A_167 = tpu.memref_squeeze %dma_wait3A_166 : memref<1x200x64xi32, #tpu.memory_space<vmem>> -> memref<200x64xi32, #tpu.memory_space<vmem>>
        %dma_wait3A_168 = tpu.memref_slice %arg5[%mul3A_162] : memref<12800xi32, #tpu.memory_space<vmem>> -> memref<200xi32, #tpu.memory_space<vmem>>
        %dma_wait3A_169 = arith.constant 0 : i32
        %dma_wait3A_170 = arith.constant 0 : i32
        %dma_wait3A_171 = tpu.memref_slice %arg3[%dma_wait3A_169, %dma_wait3A_170] : memref<100000x64xi32, #tpu.memory_space<hbm>> -> memref<100000x64xi32, #tpu.memory_space<hbm>>
        tpu.wait_indirect_dma semaphore(%arg9 : memref<!tpu.dma_semaphore, #tpu.memory_space<semaphore_mem>>) src(%dma_wait3A_171 : memref<100000x64xi32, #tpu.memory_space<hbm>>) dst(%dma_wait3A_167 : memref<200x64xi32, #tpu.memory_space<vmem>>)
        %broadcast_in_dim3A_172 = arith.constant 0.000000e+00 : f32
        %broadcast_in_dim3A_173 = vector.broadcast %broadcast_in_dim3A_172 : f32 to vector<16xf32>
        %broadcast_in_dim3A_174 = arith.constant 0.000000e+00 : f32
        %broadcast_in_dim3A_175 = vector.broadcast %broadcast_in_dim3A_174 : f32 to vector<16xf32>
        %broadcast_in_dim3A_176 = arith.constant 0.000000e+00 : f32
        %broadcast_in_dim3A_177 = vector.broadcast %broadcast_in_dim3A_176 : f32 to vector<16xf32>
        %broadcast_in_dim3A_178 = arith.constant 0.000000e+00 : f32
        %broadcast_in_dim3A_179 = vector.broadcast %broadcast_in_dim3A_178 : f32 to vector<16xf32>
        %broadcast_in_dim3A_180 = arith.constant 0.000000e+00 : f32
        %broadcast_in_dim3A_181 = vector.broadcast %broadcast_in_dim3A_180 : f32 to vector<16xf32>
        %broadcast_in_dim3A_182 = arith.constant 0.000000e+00 : f32
        %broadcast_in_dim3A_183 = vector.broadcast %broadcast_in_dim3A_182 : f32 to vector<16xf32>
        %broadcast_in_dim3A_184 = arith.constant 0.000000e+00 : f32
        %broadcast_in_dim3A_185 = vector.broadcast %broadcast_in_dim3A_184 : f32 to vector<16xf32>
        %broadcast_in_dim3A_186 = arith.constant 0.000000e+00 : f32
        %broadcast_in_dim3A_187 = vector.broadcast %broadcast_in_dim3A_186 : f32 to vector<16xf32>
        %scan3A_188 = arith.constant 0 : i32
        %scan3A_189 = arith.constant 200 : i32
        %scan3A_190 = arith.addi %scan3A_188, %scan3A_189 : i32
        %scan3A_191 = arith.constant 8 : i32
        %scan3A_192:8 = scf.for %scan3A_470 = %scan3A_188 to %scan3A_190 step %scan3A_191 iter_args(%scan3A_471 = %broadcast_in_dim3A_173, %scan3A_472 = %broadcast_in_dim3A_175, %scan3A_473 = %broadcast_in_dim3A_177, %scan3A_474 = %broadcast_in_dim3A_179, %scan3A_475 = %broadcast_in_dim3A_181, %scan3A_476 = %broadcast_in_dim3A_183, %scan3A_477 = %broadcast_in_dim3A_185, %scan3A_478 = %broadcast_in_dim3A_187) -> (vector<16xf32>, vector<16xf32>, vector<16xf32>, vector<16xf32>, vector<16xf32>, vector<16xf32>, vector<16xf32>, vector<16xf32>)  : i32 {
          %get3A = arith.constant 1 : i32
          %get3A_479 = arith.index_cast %get3A : i32 to index
          %get3A_480 = arith.index_cast %scan3A_470 : i32 to index
          %get3A_481 = arith.constant 0 : index
          %get3A_482 = tpu.vector_load %arg6[%get3A_479, %get3A_480, %get3A_481] {strides = array<i32>} : memref<4x200x64xi32, #tpu.memory_space<vmem>>, vector<1x1x16xi32>,
          %get3A_483 = vector.shape_cast %get3A_482 : vector<1x1x16xi32> to vector<16xi32>
          %shift_left3A = arith.constant 16 : i32
          %shift_left3A_484 = vector.broadcast %shift_left3A : i32 to vector<16xi32>
          %shift_left3A_485 = arith.shli %get3A_483, %shift_left3A_484 : vector<16xi32>
          %bitcast_convert_type3A = tpu.bitcast %shift_left3A_485 : vector<16xi32> -> vector<16xf32>
          %add3A_486 = arith.addf %scan3A_471, %bitcast_convert_type3A : vector<16xf32>
          %and3A = arith.constant -65536 : i32
          %and3A_487 = vector.broadcast %and3A : i32 to vector<16xi32>
          %and3A_488 = arith.andi %get3A_483, %and3A_487 : vector<16xi32>
          %bitcast_convert_type3A_489 = tpu.bitcast %and3A_488 : vector<16xi32> -> vector<16xf32>
          %add3A_490 = arith.addf %scan3A_475, %bitcast_convert_type3A_489 : vector<16xf32>
          %get3A_491 = arith.constant 1 : i32
          %get3A_492 = arith.index_cast %get3A_491 : i32 to index
          %get3A_493 = arith.index_cast %scan3A_470 : i32 to index
          %get3A_494 = arith.constant 16 : index
          %get3A_495 = tpu.vector_load %arg6[%get3A_492, %get3A_493, %get3A_494] {strides = array<i32>} : memref<4x200x64xi32, #tpu.memory_space<vmem>>, vector<1x1x16xi32>,
          %get3A_496 = vector.shape_cast %get3A_495 : vector<1x1x16xi32> to vector<16xi32>
          %shift_left3A_497 = arith.constant 16 : i32
          %shift_left3A_498 = vector.broadcast %shift_left3A_497 : i32 to vector<16xi32>
          %shift_left3A_499 = arith.shli %get3A_496, %shift_left3A_498 : vector<16xi32>
          %bitcast_convert_type3A_500 = tpu.bitcast %shift_left3A_499 : vector<16xi32> -> vector<16xf32>
          %add3A_501 = arith.addf %scan3A_472, %bitcast_convert_type3A_500 : vector<16xf32>
          %and3A_502 = arith.constant -65536 : i32
          %and3A_503 = vector.broadcast %and3A_502 : i32 to vector<16xi32>
          %and3A_504 = arith.andi %get3A_496, %and3A_503 : vector<16xi32>
          %bitcast_convert_type3A_505 = tpu.bitcast %and3A_504 : vector<16xi32> -> vector<16xf32>
          %add3A_506 = arith.addf %scan3A_476, %bitcast_convert_type3A_505 : vector<16xf32>
          %get3A_507 = arith.constant 1 : i32
          %get3A_508 = arith.index_cast %get3A_507 : i32 to index
          %get3A_509 = arith.index_cast %scan3A_470 : i32 to index
          %get3A_510 = arith.constant 32 : index
          %get3A_511 = tpu.vector_load %arg6[%get3A_508, %get3A_509, %get3A_510] {strides = array<i32>} : memref<4x200x64xi32, #tpu.memory_space<vmem>>, vector<1x1x16xi32>,
          %get3A_512 = vector.shape_cast %get3A_511 : vector<1x1x16xi32> to vector<16xi32>
          %shift_left3A_513 = arith.constant 16 : i32
          %shift_left3A_514 = vector.broadcast %shift_left3A_513 : i32 to vector<16xi32>
          %shift_left3A_515 = arith.shli %get3A_512, %shift_left3A_514 : vector<16xi32>
          %bitcast_convert_type3A_516 = tpu.bitcast %shift_left3A_515 : vector<16xi32> -> vector<16xf32>
          %add3A_517 = arith.addf %scan3A_473, %bitcast_convert_type3A_516 : vector<16xf32>
          %and3A_518 = arith.constant -65536 : i32
          %and3A_519 = vector.broadcast %and3A_518 : i32 to vector<16xi32>
          %and3A_520 = arith.andi %get3A_512, %and3A_519 : vector<16xi32>
          %bitcast_convert_type3A_521 = tpu.bitcast %and3A_520 : vector<16xi32> -> vector<16xf32>
          %add3A_522 = arith.addf %scan3A_477, %bitcast_convert_type3A_521 : vector<16xf32>
          %get3A_523 = arith.constant 1 : i32
          %get3A_524 = arith.index_cast %get3A_523 : i32 to index
          %get3A_525 = arith.index_cast %scan3A_470 : i32 to index
          %get3A_526 = arith.constant 48 : index
          %get3A_527 = tpu.vector_load %arg6[%get3A_524, %get3A_525, %get3A_526] {strides = array<i32>} : memref<4x200x64xi32, #tpu.memory_space<vmem>>, vector<1x1x16xi32>,
          %get3A_528 = vector.shape_cast %get3A_527 : vector<1x1x16xi32> to vector<16xi32>
          %shift_left3A_529 = arith.constant 16 : i32
          %shift_left3A_530 = vector.broadcast %shift_left3A_529 : i32 to vector<16xi32>
          %shift_left3A_531 = arith.shli %get3A_528, %shift_left3A_530 : vector<16xi32>
          %bitcast_convert_type3A_532 = tpu.bitcast %shift_left3A_531 : vector<16xi32> -> vector<16xf32>
          %add3A_533 = arith.addf %scan3A_474, %bitcast_convert_type3A_532 : vector<16xf32>
          %and3A_534 = arith.constant -65536 : i32
          %and3A_535 = vector.broadcast %and3A_534 : i32 to vector<16xi32>
          %and3A_536 = arith.andi %get3A_528, %and3A_535 : vector<16xi32>
          %bitcast_convert_type3A_537 = tpu.bitcast %and3A_536 : vector<16xi32> -> vector<16xf32>
          %add3A_538 = arith.addf %scan3A_478, %bitcast_convert_type3A_537 : vector<16xf32>
          %scan3A_539 = arith.constant 1 : i32
          %scan3A_540 = arith.addi %scan3A_470, %scan3A_539 : i32
          %get3A_541 = arith.constant 1 : i32
          %get3A_542 = arith.index_cast %get3A_541 : i32 to index
          %get3A_543 = arith.index_cast %scan3A_540 : i32 to index
          %get3A_544 = arith.constant 0 : index
          %get3A_545 = tpu.vector_load %arg6[%get3A_542, %get3A_543, %get3A_544] {strides = array<i32>} : memref<4x200x64xi32, #tpu.memory_space<vmem>>, vector<1x1x16xi32>,
          %get3A_546 = vector.shape_cast %get3A_545 : vector<1x1x16xi32> to vector<16xi32>
          %shift_left3A_547 = arith.constant 16 : i32
          %shift_left3A_548 = vector.broadcast %shift_left3A_547 : i32 to vector<16xi32>
          %shift_left3A_549 = arith.shli %get3A_546, %shift_left3A_548 : vector<16xi32>
          %bitcast_convert_type3A_550 = tpu.bitcast %shift_left3A_549 : vector<16xi32> -> vector<16xf32>
          %add3A_551 = arith.addf %add3A_486, %bitcast_convert_type3A_550 : vector<16xf32>
          %and3A_552 = arith.constant -65536 : i32
          %and3A_553 = vector.broadcast %and3A_552 : i32 to vector<16xi32>
          %and3A_554 = arith.andi %get3A_546, %and3A_553 : vector<16xi32>
          %bitcast_convert_type3A_555 = tpu.bitcast %and3A_554 : vector<16xi32> -> vector<16xf32>
          %add3A_556 = arith.addf %add3A_490, %bitcast_convert_type3A_555 : vector<16xf32>
          %get3A_557 = arith.constant 1 : i32
          %get3A_558 = arith.index_cast %get3A_557 : i32 to index
          %get3A_559 = arith.index_cast %scan3A_540 : i32 to index
          %get3A_560 = arith.constant 16 : index
          %get3A_561 = tpu.vector_load %arg6[%get3A_558, %get3A_559, %get3A_560] {strides = array<i32>} : memref<4x200x64xi32, #tpu.memory_space<vmem>>, vector<1x1x16xi32>,
          %get3A_562 = vector.shape_cast %get3A_561 : vector<1x1x16xi32> to vector<16xi32>
          %shift_left3A_563 = arith.constant 16 : i32
          %shift_left3A_564 = vector.broadcast %shift_left3A_563 : i32 to vector<16xi32>
          %shift_left3A_565 = arith.shli %get3A_562, %shift_left3A_564 : vector<16xi32>
          %bitcast_convert_type3A_566 = tpu.bitcast %shift_left3A_565 : vector<16xi32> -> vector<16xf32>
          %add3A_567 = arith.addf %add3A_501, %bitcast_convert_type3A_566 : vector<16xf32>
          %and3A_568 = arith.constant -65536 : i32
          %and3A_569 = vector.broadcast %and3A_568 : i32 to vector<16xi32>
          %and3A_570 = arith.andi %get3A_562, %and3A_569 : vector<16xi32>
          %bitcast_convert_type3A_571 = tpu.bitcast %and3A_570 : vector<16xi32> -> vector<16xf32>
          %add3A_572 = arith.addf %add3A_506, %bitcast_convert_type3A_571 : vector<16xf32>
          %get3A_573 = arith.constant 1 : i32
          %get3A_574 = arith.index_cast %get3A_573 : i32 to index
          %get3A_575 = arith.index_cast %scan3A_540 : i32 to index
          %get3A_576 = arith.constant 32 : index
          %get3A_577 = tpu.vector_load %arg6[%get3A_574, %get3A_575, %get3A_576] {strides = array<i32>} : memref<4x200x64xi32, #tpu.memory_space<vmem>>, vector<1x1x16xi32>,
          %get3A_578 = vector.shape_cast %get3A_577 : vector<1x1x16xi32> to vector<16xi32>
          %shift_left3A_579 = arith.constant 16 : i32
          %shift_left3A_580 = vector.broadcast %shift_left3A_579 : i32 to vector<16xi32>
          %shift_left3A_581 = arith.shli %get3A_578, %shift_left3A_580 : vector<16xi32>
          %bitcast_convert_type3A_582 = tpu.bitcast %shift_left3A_581 : vector<16xi32> -> vector<16xf32>
          %add3A_583 = arith.addf %add3A_517, %bitcast_convert_type3A_582 : vector<16xf32>
          %and3A_584 = arith.constant -65536 : i32
          %and3A_585 = vector.broadcast %and3A_584 : i32 to vector<16xi32>
          %and3A_586 = arith.andi %get3A_578, %and3A_585 : vector<16xi32>
          %bitcast_convert_type3A_587 = tpu.bitcast %and3A_586 : vector<16xi32> -> vector<16xf32>
          %add3A_588 = arith.addf %add3A_522, %bitcast_convert_type3A_587 : vector<16xf32>
          %get3A_589 = arith.constant 1 : i32
          %get3A_590 = arith.index_cast %get3A_589 : i32 to index
          %get3A_591 = arith.index_cast %scan3A_540 : i32 to index
          %get3A_592 = arith.constant 48 : index
          %get3A_593 = tpu.vector_load %arg6[%get3A_590, %get3A_591, %get3A_592] {strides = array<i32>} : memref<4x200x64xi32, #tpu.memory_space<vmem>>, vector<1x1x16xi32>,
          %get3A_594 = vector.shape_cast %get3A_593 : vector<1x1x16xi32> to vector<16xi32>
          %shift_left3A_595 = arith.constant 16 : i32
          %shift_left3A_596 = vector.broadcast %shift_left3A_595 : i32 to vector<16xi32>
          %shift_left3A_597 = arith.shli %get3A_594, %shift_left3A_596 : vector<16xi32>
          %bitcast_convert_type3A_598 = tpu.bitcast %shift_left3A_597 : vector<16xi32> -> vector<16xf32>
          %add3A_599 = arith.addf %add3A_533, %bitcast_convert_type3A_598 : vector<16xf32>
          %and3A_600 = arith.constant -65536 : i32
          %and3A_601 = vector.broadcast %and3A_600 : i32 to vector<16xi32>
          %and3A_602 = arith.andi %get3A_594, %and3A_601 : vector<16xi32>
          %bitcast_convert_type3A_603 = tpu.bitcast %and3A_602 : vector<16xi32> -> vector<16xf32>
          %add3A_604 = arith.addf %add3A_538, %bitcast_convert_type3A_603 : vector<16xf32>
          %scan3A_605 = arith.constant 2 : i32
          %scan3A_606 = arith.addi %scan3A_470, %scan3A_605 : i32
          %get3A_607 = arith.constant 1 : i32
          %get3A_608 = arith.index_cast %get3A_607 : i32 to index
          %get3A_609 = arith.index_cast %scan3A_606 : i32 to index
          %get3A_610 = arith.constant 0 : index
          %get3A_611 = tpu.vector_load %arg6[%get3A_608, %get3A_609, %get3A_610] {strides = array<i32>} : memref<4x200x64xi32, #tpu.memory_space<vmem>>, vector<1x1x16xi32>,
          %get3A_612 = vector.shape_cast %get3A_611 : vector<1x1x16xi32> to vector<16xi32>
          %shift_left3A_613 = arith.constant 16 : i32
          %shift_left3A_614 = vector.broadcast %shift_left3A_613 : i32 to vector<16xi32>
          %shift_left3A_615 = arith.shli %get3A_612, %shift_left3A_614 : vector<16xi32>
          %bitcast_convert_type3A_616 = tpu.bitcast %shift_left3A_615 : vector<16xi32> -> vector<16xf32>
          %add3A_617 = arith.addf %add3A_551, %bitcast_convert_type3A_616 : vector<16xf32>
          %and3A_618 = arith.constant -65536 : i32
          %and3A_619 = vector.broadcast %and3A_618 : i32 to vector<16xi32>
          %and3A_620 = arith.andi %get3A_612, %and3A_619 : vector<16xi32>
          %bitcast_convert_type3A_621 = tpu.bitcast %and3A_620 : vector<16xi32> -> vector<16xf32>
          %add3A_622 = arith.addf %add3A_556, %bitcast_convert_type3A_621 : vector<16xf32>
          %get3A_623 = arith.constant 1 : i32
          %get3A_624 = arith.index_cast %get3A_623 : i32 to index
          %get3A_625 = arith.index_cast %scan3A_606 : i32 to index
          %get3A_626 = arith.constant 16 : index
          %get3A_627 = tpu.vector_load %arg6[%get3A_624, %get3A_625, %get3A_626] {strides = array<i32>} : memref<4x200x64xi32, #tpu.memory_space<vmem>>, vector<1x1x16xi32>,
          %get3A_628 = vector.shape_cast %get3A_627 : vector<1x1x16xi32> to vector<16xi32>
          %shift_left3A_629 = arith.constant 16 : i32
          %shift_left3A_630 = vector.broadcast %shift_left3A_629 : i32 to vector<16xi32>
          %shift_left3A_631 = arith.shli %get3A_628, %shift_left3A_630 : vector<16xi32>
          %bitcast_convert_type3A_632 = tpu.bitcast %shift_left3A_631 : vector<16xi32> -> vector<16xf32>
          %add3A_633 = arith.addf %add3A_567, %bitcast_convert_type3A_632 : vector<16xf32>
          %and3A_634 = arith.constant -65536 : i32
          %and3A_635 = vector.broadcast %and3A_634 : i32 to vector<16xi32>
          %and3A_636 = arith.andi %get3A_628, %and3A_635 : vector<16xi32>
          %bitcast_convert_type3A_637 = tpu.bitcast %and3A_636 : vector<16xi32> -> vector<16xf32>
          %add3A_638 = arith.addf %add3A_572, %bitcast_convert_type3A_637 : vector<16xf32>
          %get3A_639 = arith.constant 1 : i32
          %get3A_640 = arith.index_cast %get3A_639 : i32 to index
          %get3A_641 = arith.index_cast %scan3A_606 : i32 to index
          %get3A_642 = arith.constant 32 : index
          %get3A_643 = tpu.vector_load %arg6[%get3A_640, %get3A_641, %get3A_642] {strides = array<i32>} : memref<4x200x64xi32, #tpu.memory_space<vmem>>, vector<1x1x16xi32>,
          %get3A_644 = vector.shape_cast %get3A_643 : vector<1x1x16xi32> to vector<16xi32>
          %shift_left3A_645 = arith.constant 16 : i32
          %shift_left3A_646 = vector.broadcast %shift_left3A_645 : i32 to vector<16xi32>
          %shift_left3A_647 = arith.shli %get3A_644, %shift_left3A_646 : vector<16xi32>
          %bitcast_convert_type3A_648 = tpu.bitcast %shift_left3A_647 : vector<16xi32> -> vector<16xf32>
          %add3A_649 = arith.addf %add3A_583, %bitcast_convert_type3A_648 : vector<16xf32>
          %and3A_650 = arith.constant -65536 : i32
          %and3A_651 = vector.broadcast %and3A_650 : i32 to vector<16xi32>
          %and3A_652 = arith.andi %get3A_644, %and3A_651 : vector<16xi32>
          %bitcast_convert_type3A_653 = tpu.bitcast %and3A_652 : vector<16xi32> -> vector<16xf32>
          %add3A_654 = arith.addf %add3A_588, %bitcast_convert_type3A_653 : vector<16xf32>
          %get3A_655 = arith.constant 1 : i32
          %get3A_656 = arith.index_cast %get3A_655 : i32 to index
          %get3A_657 = arith.index_cast %scan3A_606 : i32 to index
          %get3A_658 = arith.constant 48 : index
          %get3A_659 = tpu.vector_load %arg6[%get3A_656, %get3A_657, %get3A_658] {strides = array<i32>} : memref<4x200x64xi32, #tpu.memory_space<vmem>>, vector<1x1x16xi32>,
          %get3A_660 = vector.shape_cast %get3A_659 : vector<1x1x16xi32> to vector<16xi32>
          %shift_left3A_661 = arith.constant 16 : i32
          %shift_left3A_662 = vector.broadcast %shift_left3A_661 : i32 to vector<16xi32>
          %shift_left3A_663 = arith.shli %get3A_660, %shift_left3A_662 : vector<16xi32>
          %bitcast_convert_type3A_664 = tpu.bitcast %shift_left3A_663 : vector<16xi32> -> vector<16xf32>
          %add3A_665 = arith.addf %add3A_599, %bitcast_convert_type3A_664 : vector<16xf32>
          %and3A_666 = arith.constant -65536 : i32
          %and3A_667 = vector.broadcast %and3A_666 : i32 to vector<16xi32>
          %and3A_668 = arith.andi %get3A_660, %and3A_667 : vector<16xi32>
          %bitcast_convert_type3A_669 = tpu.bitcast %and3A_668 : vector<16xi32> -> vector<16xf32>
          %add3A_670 = arith.addf %add3A_604, %bitcast_convert_type3A_669 : vector<16xf32>
          %scan3A_671 = arith.constant 3 : i32
          %scan3A_672 = arith.addi %scan3A_470, %scan3A_671 : i32
          %get3A_673 = arith.constant 1 : i32
          %get3A_674 = arith.index_cast %get3A_673 : i32 to index
          %get3A_675 = arith.index_cast %scan3A_672 : i32 to index
          %get3A_676 = arith.constant 0 : index
          %get3A_677 = tpu.vector_load %arg6[%get3A_674, %get3A_675, %get3A_676] {strides = array<i32>} : memref<4x200x64xi32, #tpu.memory_space<vmem>>, vector<1x1x16xi32>,
          %get3A_678 = vector.shape_cast %get3A_677 : vector<1x1x16xi32> to vector<16xi32>
          %shift_left3A_679 = arith.constant 16 : i32
          %shift_left3A_680 = vector.broadcast %shift_left3A_679 : i32 to vector<16xi32>
          %shift_left3A_681 = arith.shli %get3A_678, %shift_left3A_680 : vector<16xi32>
          %bitcast_convert_type3A_682 = tpu.bitcast %shift_left3A_681 : vector<16xi32> -> vector<16xf32>
          %add3A_683 = arith.addf %add3A_617, %bitcast_convert_type3A_682 : vector<16xf32>
          %and3A_684 = arith.constant -65536 : i32
          %and3A_685 = vector.broadcast %and3A_684 : i32 to vector<16xi32>
          %and3A_686 = arith.andi %get3A_678, %and3A_685 : vector<16xi32>
          %bitcast_convert_type3A_687 = tpu.bitcast %and3A_686 : vector<16xi32> -> vector<16xf32>
          %add3A_688 = arith.addf %add3A_622, %bitcast_convert_type3A_687 : vector<16xf32>
          %get3A_689 = arith.constant 1 : i32
          %get3A_690 = arith.index_cast %get3A_689 : i32 to index
          %get3A_691 = arith.index_cast %scan3A_672 : i32 to index
          %get3A_692 = arith.constant 16 : index
          %get3A_693 = tpu.vector_load %arg6[%get3A_690, %get3A_691, %get3A_692] {strides = array<i32>} : memref<4x200x64xi32, #tpu.memory_space<vmem>>, vector<1x1x16xi32>,
          %get3A_694 = vector.shape_cast %get3A_693 : vector<1x1x16xi32> to vector<16xi32>
          %shift_left3A_695 = arith.constant 16 : i32
          %shift_left3A_696 = vector.broadcast %shift_left3A_695 : i32 to vector<16xi32>
          %shift_left3A_697 = arith.shli %get3A_694, %shift_left3A_696 : vector<16xi32>
          %bitcast_convert_type3A_698 = tpu.bitcast %shift_left3A_697 : vector<16xi32> -> vector<16xf32>
          %add3A_699 = arith.addf %add3A_633, %bitcast_convert_type3A_698 : vector<16xf32>
          %and3A_700 = arith.constant -65536 : i32
          %and3A_701 = vector.broadcast %and3A_700 : i32 to vector<16xi32>
          %and3A_702 = arith.andi %get3A_694, %and3A_701 : vector<16xi32>
          %bitcast_convert_type3A_703 = tpu.bitcast %and3A_702 : vector<16xi32> -> vector<16xf32>
          %add3A_704 = arith.addf %add3A_638, %bitcast_convert_type3A_703 : vector<16xf32>
          %get3A_705 = arith.constant 1 : i32
          %get3A_706 = arith.index_cast %get3A_705 : i32 to index
          %get3A_707 = arith.index_cast %scan3A_672 : i32 to index
          %get3A_708 = arith.constant 32 : index
          %get3A_709 = tpu.vector_load %arg6[%get3A_706, %get3A_707, %get3A_708] {strides = array<i32>} : memref<4x200x64xi32, #tpu.memory_space<vmem>>, vector<1x1x16xi32>,
          %get3A_710 = vector.shape_cast %get3A_709 : vector<1x1x16xi32> to vector<16xi32>
          %shift_left3A_711 = arith.constant 16 : i32
          %shift_left3A_712 = vector.broadcast %shift_left3A_711 : i32 to vector<16xi32>
          %shift_left3A_713 = arith.shli %get3A_710, %shift_left3A_712 : vector<16xi32>
          %bitcast_convert_type3A_714 = tpu.bitcast %shift_left3A_713 : vector<16xi32> -> vector<16xf32>
          %add3A_715 = arith.addf %add3A_649, %bitcast_convert_type3A_714 : vector<16xf32>
          %and3A_716 = arith.constant -65536 : i32
          %and3A_717 = vector.broadcast %and3A_716 : i32 to vector<16xi32>
          %and3A_718 = arith.andi %get3A_710, %and3A_717 : vector<16xi32>
          %bitcast_convert_type3A_719 = tpu.bitcast %and3A_718 : vector<16xi32> -> vector<16xf32>
          %add3A_720 = arith.addf %add3A_654, %bitcast_convert_type3A_719 : vector<16xf32>
          %get3A_721 = arith.constant 1 : i32
          %get3A_722 = arith.index_cast %get3A_721 : i32 to index
          %get3A_723 = arith.index_cast %scan3A_672 : i32 to index
          %get3A_724 = arith.constant 48 : index
          %get3A_725 = tpu.vector_load %arg6[%get3A_722, %get3A_723, %get3A_724] {strides = array<i32>} : memref<4x200x64xi32, #tpu.memory_space<vmem>>, vector<1x1x16xi32>,
          %get3A_726 = vector.shape_cast %get3A_725 : vector<1x1x16xi32> to vector<16xi32>
          %shift_left3A_727 = arith.constant 16 : i32
          %shift_left3A_728 = vector.broadcast %shift_left3A_727 : i32 to vector<16xi32>
          %shift_left3A_729 = arith.shli %get3A_726, %shift_left3A_728 : vector<16xi32>
          %bitcast_convert_type3A_730 = tpu.bitcast %shift_left3A_729 : vector<16xi32> -> vector<16xf32>
          %add3A_731 = arith.addf %add3A_665, %bitcast_convert_type3A_730 : vector<16xf32>
          %and3A_732 = arith.constant -65536 : i32
          %and3A_733 = vector.broadcast %and3A_732 : i32 to vector<16xi32>
          %and3A_734 = arith.andi %get3A_726, %and3A_733 : vector<16xi32>
          %bitcast_convert_type3A_735 = tpu.bitcast %and3A_734 : vector<16xi32> -> vector<16xf32>
          %add3A_736 = arith.addf %add3A_670, %bitcast_convert_type3A_735 : vector<16xf32>
          %scan3A_737 = arith.constant 4 : i32
          %scan3A_738 = arith.addi %scan3A_470, %scan3A_737 : i32
          %get3A_739 = arith.constant 1 : i32
          %get3A_740 = arith.index_cast %get3A_739 : i32 to index
          %get3A_741 = arith.index_cast %scan3A_738 : i32 to index
          %get3A_742 = arith.constant 0 : index
          %get3A_743 = tpu.vector_load %arg6[%get3A_740, %get3A_741, %get3A_742] {strides = array<i32>} : memref<4x200x64xi32, #tpu.memory_space<vmem>>, vector<1x1x16xi32>,
          %get3A_744 = vector.shape_cast %get3A_743 : vector<1x1x16xi32> to vector<16xi32>
          %shift_left3A_745 = arith.constant 16 : i32
          %shift_left3A_746 = vector.broadcast %shift_left3A_745 : i32 to vector<16xi32>
          %shift_left3A_747 = arith.shli %get3A_744, %shift_left3A_746 : vector<16xi32>
          %bitcast_convert_type3A_748 = tpu.bitcast %shift_left3A_747 : vector<16xi32> -> vector<16xf32>
          %add3A_749 = arith.addf %add3A_683, %bitcast_convert_type3A_748 : vector<16xf32>
          %and3A_750 = arith.constant -65536 : i32
          %and3A_751 = vector.broadcast %and3A_750 : i32 to vector<16xi32>
          %and3A_752 = arith.andi %get3A_744, %and3A_751 : vector<16xi32>
          %bitcast_convert_type3A_753 = tpu.bitcast %and3A_752 : vector<16xi32> -> vector<16xf32>
          %add3A_754 = arith.addf %add3A_688, %bitcast_convert_type3A_753 : vector<16xf32>
          %get3A_755 = arith.constant 1 : i32
          %get3A_756 = arith.index_cast %get3A_755 : i32 to index
          %get3A_757 = arith.index_cast %scan3A_738 : i32 to index
          %get3A_758 = arith.constant 16 : index
          %get3A_759 = tpu.vector_load %arg6[%get3A_756, %get3A_757, %get3A_758] {strides = array<i32>} : memref<4x200x64xi32, #tpu.memory_space<vmem>>, vector<1x1x16xi32>,
          %get3A_760 = vector.shape_cast %get3A_759 : vector<1x1x16xi32> to vector<16xi32>
          %shift_left3A_761 = arith.constant 16 : i32
          %shift_left3A_762 = vector.broadcast %shift_left3A_761 : i32 to vector<16xi32>
          %shift_left3A_763 = arith.shli %get3A_760, %shift_left3A_762 : vector<16xi32>
          %bitcast_convert_type3A_764 = tpu.bitcast %shift_left3A_763 : vector<16xi32> -> vector<16xf32>
          %add3A_765 = arith.addf %add3A_699, %bitcast_convert_type3A_764 : vector<16xf32>
          %and3A_766 = arith.constant -65536 : i32
          %and3A_767 = vector.broadcast %and3A_766 : i32 to vector<16xi32>
          %and3A_768 = arith.andi %get3A_760, %and3A_767 : vector<16xi32>
          %bitcast_convert_type3A_769 = tpu.bitcast %and3A_768 : vector<16xi32> -> vector<16xf32>
          %add3A_770 = arith.addf %add3A_704, %bitcast_convert_type3A_769 : vector<16xf32>
          %get3A_771 = arith.constant 1 : i32
          %get3A_772 = arith.index_cast %get3A_771 : i32 to index
          %get3A_773 = arith.index_cast %scan3A_738 : i32 to index
          %get3A_774 = arith.constant 32 : index
          %get3A_775 = tpu.vector_load %arg6[%get3A_772, %get3A_773, %get3A_774] {strides = array<i32>} : memref<4x200x64xi32, #tpu.memory_space<vmem>>, vector<1x1x16xi32>,
          %get3A_776 = vector.shape_cast %get3A_775 : vector<1x1x16xi32> to vector<16xi32>
          %shift_left3A_777 = arith.constant 16 : i32
          %shift_left3A_778 = vector.broadcast %shift_left3A_777 : i32 to vector<16xi32>
          %shift_left3A_779 = arith.shli %get3A_776, %shift_left3A_778 : vector<16xi32>
          %bitcast_convert_type3A_780 = tpu.bitcast %shift_left3A_779 : vector<16xi32> -> vector<16xf32>
          %add3A_781 = arith.addf %add3A_715, %bitcast_convert_type3A_780 : vector<16xf32>
          %and3A_782 = arith.constant -65536 : i32
          %and3A_783 = vector.broadcast %and3A_782 : i32 to vector<16xi32>
          %and3A_784 = arith.andi %get3A_776, %and3A_783 : vector<16xi32>
          %bitcast_convert_type3A_785 = tpu.bitcast %and3A_784 : vector<16xi32> -> vector<16xf32>
          %add3A_786 = arith.addf %add3A_720, %bitcast_convert_type3A_785 : vector<16xf32>
          %get3A_787 = arith.constant 1 : i32
          %get3A_788 = arith.index_cast %get3A_787 : i32 to index
          %get3A_789 = arith.index_cast %scan3A_738 : i32 to index
          %get3A_790 = arith.constant 48 : index
          %get3A_791 = tpu.vector_load %arg6[%get3A_788, %get3A_789, %get3A_790] {strides = array<i32>} : memref<4x200x64xi32, #tpu.memory_space<vmem>>, vector<1x1x16xi32>,
          %get3A_792 = vector.shape_cast %get3A_791 : vector<1x1x16xi32> to vector<16xi32>
          %shift_left3A_793 = arith.constant 16 : i32
          %shift_left3A_794 = vector.broadcast %shift_left3A_793 : i32 to vector<16xi32>
          %shift_left3A_795 = arith.shli %get3A_792, %shift_left3A_794 : vector<16xi32>
          %bitcast_convert_type3A_796 = tpu.bitcast %shift_left3A_795 : vector<16xi32> -> vector<16xf32>
          %add3A_797 = arith.addf %add3A_731, %bitcast_convert_type3A_796 : vector<16xf32>
          %and3A_798 = arith.constant -65536 : i32
          %and3A_799 = vector.broadcast %and3A_798 : i32 to vector<16xi32>
          %and3A_800 = arith.andi %get3A_792, %and3A_799 : vector<16xi32>
          %bitcast_convert_type3A_801 = tpu.bitcast %and3A_800 : vector<16xi32> -> vector<16xf32>
          %add3A_802 = arith.addf %add3A_736, %bitcast_convert_type3A_801 : vector<16xf32>
          %scan3A_803 = arith.constant 5 : i32
          %scan3A_804 = arith.addi %scan3A_470, %scan3A_803 : i32
          %get3A_805 = arith.constant 1 : i32
          %get3A_806 = arith.index_cast %get3A_805 : i32 to index
          %get3A_807 = arith.index_cast %scan3A_804 : i32 to index
          %get3A_808 = arith.constant 0 : index
          %get3A_809 = tpu.vector_load %arg6[%get3A_806, %get3A_807, %get3A_808] {strides = array<i32>} : memref<4x200x64xi32, #tpu.memory_space<vmem>>, vector<1x1x16xi32>,
          %get3A_810 = vector.shape_cast %get3A_809 : vector<1x1x16xi32> to vector<16xi32>
          %shift_left3A_811 = arith.constant 16 : i32
          %shift_left3A_812 = vector.broadcast %shift_left3A_811 : i32 to vector<16xi32>
          %shift_left3A_813 = arith.shli %get3A_810, %shift_left3A_812 : vector<16xi32>
          %bitcast_convert_type3A_814 = tpu.bitcast %shift_left3A_813 : vector<16xi32> -> vector<16xf32>
          %add3A_815 = arith.addf %add3A_749, %bitcast_convert_type3A_814 : vector<16xf32>
          %and3A_816 = arith.constant -65536 : i32
          %and3A_817 = vector.broadcast %and3A_816 : i32 to vector<16xi32>
          %and3A_818 = arith.andi %get3A_810, %and3A_817 : vector<16xi32>
          %bitcast_convert_type3A_819 = tpu.bitcast %and3A_818 : vector<16xi32> -> vector<16xf32>
          %add3A_820 = arith.addf %add3A_754, %bitcast_convert_type3A_819 : vector<16xf32>
          %get3A_821 = arith.constant 1 : i32
          %get3A_822 = arith.index_cast %get3A_821 : i32 to index
          %get3A_823 = arith.index_cast %scan3A_804 : i32 to index
          %get3A_824 = arith.constant 16 : index
          %get3A_825 = tpu.vector_load %arg6[%get3A_822, %get3A_823, %get3A_824] {strides = array<i32>} : memref<4x200x64xi32, #tpu.memory_space<vmem>>, vector<1x1x16xi32>,
          %get3A_826 = vector.shape_cast %get3A_825 : vector<1x1x16xi32> to vector<16xi32>
          %shift_left3A_827 = arith.constant 16 : i32
          %shift_left3A_828 = vector.broadcast %shift_left3A_827 : i32 to vector<16xi32>
          %shift_left3A_829 = arith.shli %get3A_826, %shift_left3A_828 : vector<16xi32>
          %bitcast_convert_type3A_830 = tpu.bitcast %shift_left3A_829 : vector<16xi32> -> vector<16xf32>
          %add3A_831 = arith.addf %add3A_765, %bitcast_convert_type3A_830 : vector<16xf32>
          %and3A_832 = arith.constant -65536 : i32
          %and3A_833 = vector.broadcast %and3A_832 : i32 to vector<16xi32>
          %and3A_834 = arith.andi %get3A_826, %and3A_833 : vector<16xi32>
          %bitcast_convert_type3A_835 = tpu.bitcast %and3A_834 : vector<16xi32> -> vector<16xf32>
          %add3A_836 = arith.addf %add3A_770, %bitcast_convert_type3A_835 : vector<16xf32>
          %get3A_837 = arith.constant 1 : i32
          %get3A_838 = arith.index_cast %get3A_837 : i32 to index
          %get3A_839 = arith.index_cast %scan3A_804 : i32 to index
          %get3A_840 = arith.constant 32 : index
          %get3A_841 = tpu.vector_load %arg6[%get3A_838, %get3A_839, %get3A_840] {strides = array<i32>} : memref<4x200x64xi32, #tpu.memory_space<vmem>>, vector<1x1x16xi32>,
          %get3A_842 = vector.shape_cast %get3A_841 : vector<1x1x16xi32> to vector<16xi32>
          %shift_left3A_843 = arith.constant 16 : i32
          %shift_left3A_844 = vector.broadcast %shift_left3A_843 : i32 to vector<16xi32>
          %shift_left3A_845 = arith.shli %get3A_842, %shift_left3A_844 : vector<16xi32>
          %bitcast_convert_type3A_846 = tpu.bitcast %shift_left3A_845 : vector<16xi32> -> vector<16xf32>
          %add3A_847 = arith.addf %add3A_781, %bitcast_convert_type3A_846 : vector<16xf32>
          %and3A_848 = arith.constant -65536 : i32
          %and3A_849 = vector.broadcast %and3A_848 : i32 to vector<16xi32>
          %and3A_850 = arith.andi %get3A_842, %and3A_849 : vector<16xi32>
          %bitcast_convert_type3A_851 = tpu.bitcast %and3A_850 : vector<16xi32> -> vector<16xf32>
          %add3A_852 = arith.addf %add3A_786, %bitcast_convert_type3A_851 : vector<16xf32>
          %get3A_853 = arith.constant 1 : i32
          %get3A_854 = arith.index_cast %get3A_853 : i32 to index
          %get3A_855 = arith.index_cast %scan3A_804 : i32 to index
          %get3A_856 = arith.constant 48 : index
          %get3A_857 = tpu.vector_load %arg6[%get3A_854, %get3A_855, %get3A_856] {strides = array<i32>} : memref<4x200x64xi32, #tpu.memory_space<vmem>>, vector<1x1x16xi32>,
          %get3A_858 = vector.shape_cast %get3A_857 : vector<1x1x16xi32> to vector<16xi32>
          %shift_left3A_859 = arith.constant 16 : i32
          %shift_left3A_860 = vector.broadcast %shift_left3A_859 : i32 to vector<16xi32>
          %shift_left3A_861 = arith.shli %get3A_858, %shift_left3A_860 : vector<16xi32>
          %bitcast_convert_type3A_862 = tpu.bitcast %shift_left3A_861 : vector<16xi32> -> vector<16xf32>
          %add3A_863 = arith.addf %add3A_797, %bitcast_convert_type3A_862 : vector<16xf32>
          %and3A_864 = arith.constant -65536 : i32
          %and3A_865 = vector.broadcast %and3A_864 : i32 to vector<16xi32>
          %and3A_866 = arith.andi %get3A_858, %and3A_865 : vector<16xi32>
          %bitcast_convert_type3A_867 = tpu.bitcast %and3A_866 : vector<16xi32> -> vector<16xf32>
          %add3A_868 = arith.addf %add3A_802, %bitcast_convert_type3A_867 : vector<16xf32>
          %scan3A_869 = arith.constant 6 : i32
          %scan3A_870 = arith.addi %scan3A_470, %scan3A_869 : i32
          %get3A_871 = arith.constant 1 : i32
          %get3A_872 = arith.index_cast %get3A_871 : i32 to index
          %get3A_873 = arith.index_cast %scan3A_870 : i32 to index
          %get3A_874 = arith.constant 0 : index
          %get3A_875 = tpu.vector_load %arg6[%get3A_872, %get3A_873, %get3A_874] {strides = array<i32>} : memref<4x200x64xi32, #tpu.memory_space<vmem>>, vector<1x1x16xi32>,
          %get3A_876 = vector.shape_cast %get3A_875 : vector<1x1x16xi32> to vector<16xi32>
          %shift_left3A_877 = arith.constant 16 : i32
          %shift_left3A_878 = vector.broadcast %shift_left3A_877 : i32 to vector<16xi32>
          %shift_left3A_879 = arith.shli %get3A_876, %shift_left3A_878 : vector<16xi32>
          %bitcast_convert_type3A_880 = tpu.bitcast %shift_left3A_879 : vector<16xi32> -> vector<16xf32>
          %add3A_881 = arith.addf %add3A_815, %bitcast_convert_type3A_880 : vector<16xf32>
          %and3A_882 = arith.constant -65536 : i32
          %and3A_883 = vector.broadcast %and3A_882 : i32 to vector<16xi32>
          %and3A_884 = arith.andi %get3A_876, %and3A_883 : vector<16xi32>
          %bitcast_convert_type3A_885 = tpu.bitcast %and3A_884 : vector<16xi32> -> vector<16xf32>
          %add3A_886 = arith.addf %add3A_820, %bitcast_convert_type3A_885 : vector<16xf32>
          %get3A_887 = arith.constant 1 : i32
          %get3A_888 = arith.index_cast %get3A_887 : i32 to index
          %get3A_889 = arith.index_cast %scan3A_870 : i32 to index
          %get3A_890 = arith.constant 16 : index
          %get3A_891 = tpu.vector_load %arg6[%get3A_888, %get3A_889, %get3A_890] {strides = array<i32>} : memref<4x200x64xi32, #tpu.memory_space<vmem>>, vector<1x1x16xi32>,
          %get3A_892 = vector.shape_cast %get3A_891 : vector<1x1x16xi32> to vector<16xi32>
          %shift_left3A_893 = arith.constant 16 : i32
          %shift_left3A_894 = vector.broadcast %shift_left3A_893 : i32 to vector<16xi32>
          %shift_left3A_895 = arith.shli %get3A_892, %shift_left3A_894 : vector<16xi32>
          %bitcast_convert_type3A_896 = tpu.bitcast %shift_left3A_895 : vector<16xi32> -> vector<16xf32>
          %add3A_897 = arith.addf %add3A_831, %bitcast_convert_type3A_896 : vector<16xf32>
          %and3A_898 = arith.constant -65536 : i32
          %and3A_899 = vector.broadcast %and3A_898 : i32 to vector<16xi32>
          %and3A_900 = arith.andi %get3A_892, %and3A_899 : vector<16xi32>
          %bitcast_convert_type3A_901 = tpu.bitcast %and3A_900 : vector<16xi32> -> vector<16xf32>
          %add3A_902 = arith.addf %add3A_836, %bitcast_convert_type3A_901 : vector<16xf32>
          %get3A_903 = arith.constant 1 : i32
          %get3A_904 = arith.index_cast %get3A_903 : i32 to index
          %get3A_905 = arith.index_cast %scan3A_870 : i32 to index
          %get3A_906 = arith.constant 32 : index
          %get3A_907 = tpu.vector_load %arg6[%get3A_904, %get3A_905, %get3A_906] {strides = array<i32>} : memref<4x200x64xi32, #tpu.memory_space<vmem>>, vector<1x1x16xi32>,
          %get3A_908 = vector.shape_cast %get3A_907 : vector<1x1x16xi32> to vector<16xi32>
          %shift_left3A_909 = arith.constant 16 : i32
          %shift_left3A_910 = vector.broadcast %shift_left3A_909 : i32 to vector<16xi32>
          %shift_left3A_911 = arith.shli %get3A_908, %shift_left3A_910 : vector<16xi32>
          %bitcast_convert_type3A_912 = tpu.bitcast %shift_left3A_911 : vector<16xi32> -> vector<16xf32>
          %add3A_913 = arith.addf %add3A_847, %bitcast_convert_type3A_912 : vector<16xf32>
          %and3A_914 = arith.constant -65536 : i32
          %and3A_915 = vector.broadcast %and3A_914 : i32 to vector<16xi32>
          %and3A_916 = arith.andi %get3A_908, %and3A_915 : vector<16xi32>
          %bitcast_convert_type3A_917 = tpu.bitcast %and3A_916 : vector<16xi32> -> vector<16xf32>
          %add3A_918 = arith.addf %add3A_852, %bitcast_convert_type3A_917 : vector<16xf32>
          %get3A_919 = arith.constant 1 : i32
          %get3A_920 = arith.index_cast %get3A_919 : i32 to index
          %get3A_921 = arith.index_cast %scan3A_870 : i32 to index
          %get3A_922 = arith.constant 48 : index
          %get3A_923 = tpu.vector_load %arg6[%get3A_920, %get3A_921, %get3A_922] {strides = array<i32>} : memref<4x200x64xi32, #tpu.memory_space<vmem>>, vector<1x1x16xi32>,
          %get3A_924 = vector.shape_cast %get3A_923 : vector<1x1x16xi32> to vector<16xi32>
          %shift_left3A_925 = arith.constant 16 : i32
          %shift_left3A_926 = vector.broadcast %shift_left3A_925 : i32 to vector<16xi32>
          %shift_left3A_927 = arith.shli %get3A_924, %shift_left3A_926 : vector<16xi32>
          %bitcast_convert_type3A_928 = tpu.bitcast %shift_left3A_927 : vector<16xi32> -> vector<16xf32>
          %add3A_929 = arith.addf %add3A_863, %bitcast_convert_type3A_928 : vector<16xf32>
          %and3A_930 = arith.constant -65536 : i32
          %and3A_931 = vector.broadcast %and3A_930 : i32 to vector<16xi32>
          %and3A_932 = arith.andi %get3A_924, %and3A_931 : vector<16xi32>
          %bitcast_convert_type3A_933 = tpu.bitcast %and3A_932 : vector<16xi32> -> vector<16xf32>
          %add3A_934 = arith.addf %add3A_868, %bitcast_convert_type3A_933 : vector<16xf32>
          %scan3A_935 = arith.constant 7 : i32
          %scan3A_936 = arith.addi %scan3A_470, %scan3A_935 : i32
          %get3A_937 = arith.constant 1 : i32
          %get3A_938 = arith.index_cast %get3A_937 : i32 to index
          %get3A_939 = arith.index_cast %scan3A_936 : i32 to index
          %get3A_940 = arith.constant 0 : index
          %get3A_941 = tpu.vector_load %arg6[%get3A_938, %get3A_939, %get3A_940] {strides = array<i32>} : memref<4x200x64xi32, #tpu.memory_space<vmem>>, vector<1x1x16xi32>,
          %get3A_942 = vector.shape_cast %get3A_941 : vector<1x1x16xi32> to vector<16xi32>
          %shift_left3A_943 = arith.constant 16 : i32
          %shift_left3A_944 = vector.broadcast %shift_left3A_943 : i32 to vector<16xi32>
          %shift_left3A_945 = arith.shli %get3A_942, %shift_left3A_944 : vector<16xi32>
          %bitcast_convert_type3A_946 = tpu.bitcast %shift_left3A_945 : vector<16xi32> -> vector<16xf32>
          %add3A_947 = arith.addf %add3A_881, %bitcast_convert_type3A_946 : vector<16xf32>
          %and3A_948 = arith.constant -65536 : i32
          %and3A_949 = vector.broadcast %and3A_948 : i32 to vector<16xi32>
          %and3A_950 = arith.andi %get3A_942, %and3A_949 : vector<16xi32>
          %bitcast_convert_type3A_951 = tpu.bitcast %and3A_950 : vector<16xi32> -> vector<16xf32>
          %add3A_952 = arith.addf %add3A_886, %bitcast_convert_type3A_951 : vector<16xf32>
          %get3A_953 = arith.constant 1 : i32
          %get3A_954 = arith.index_cast %get3A_953 : i32 to index
          %get3A_955 = arith.index_cast %scan3A_936 : i32 to index
          %get3A_956 = arith.constant 16 : index
          %get3A_957 = tpu.vector_load %arg6[%get3A_954, %get3A_955, %get3A_956] {strides = array<i32>} : memref<4x200x64xi32, #tpu.memory_space<vmem>>, vector<1x1x16xi32>,
          %get3A_958 = vector.shape_cast %get3A_957 : vector<1x1x16xi32> to vector<16xi32>
          %shift_left3A_959 = arith.constant 16 : i32
          %shift_left3A_960 = vector.broadcast %shift_left3A_959 : i32 to vector<16xi32>
          %shift_left3A_961 = arith.shli %get3A_958, %shift_left3A_960 : vector<16xi32>
          %bitcast_convert_type3A_962 = tpu.bitcast %shift_left3A_961 : vector<16xi32> -> vector<16xf32>
          %add3A_963 = arith.addf %add3A_897, %bitcast_convert_type3A_962 : vector<16xf32>
          %and3A_964 = arith.constant -65536 : i32
          %and3A_965 = vector.broadcast %and3A_964 : i32 to vector<16xi32>
          %and3A_966 = arith.andi %get3A_958, %and3A_965 : vector<16xi32>
          %bitcast_convert_type3A_967 = tpu.bitcast %and3A_966 : vector<16xi32> -> vector<16xf32>
          %add3A_968 = arith.addf %add3A_902, %bitcast_convert_type3A_967 : vector<16xf32>
          %get3A_969 = arith.constant 1 : i32
          %get3A_970 = arith.index_cast %get3A_969 : i32 to index
          %get3A_971 = arith.index_cast %scan3A_936 : i32 to index
          %get3A_972 = arith.constant 32 : index
          %get3A_973 = tpu.vector_load %arg6[%get3A_970, %get3A_971, %get3A_972] {strides = array<i32>} : memref<4x200x64xi32, #tpu.memory_space<vmem>>, vector<1x1x16xi32>,
          %get3A_974 = vector.shape_cast %get3A_973 : vector<1x1x16xi32> to vector<16xi32>
          %shift_left3A_975 = arith.constant 16 : i32
          %shift_left3A_976 = vector.broadcast %shift_left3A_975 : i32 to vector<16xi32>
          %shift_left3A_977 = arith.shli %get3A_974, %shift_left3A_976 : vector<16xi32>
          %bitcast_convert_type3A_978 = tpu.bitcast %shift_left3A_977 : vector<16xi32> -> vector<16xf32>
          %add3A_979 = arith.addf %add3A_913, %bitcast_convert_type3A_978 : vector<16xf32>
          %and3A_980 = arith.constant -65536 : i32
          %and3A_981 = vector.broadcast %and3A_980 : i32 to vector<16xi32>
          %and3A_982 = arith.andi %get3A_974, %and3A_981 : vector<16xi32>
          %bitcast_convert_type3A_983 = tpu.bitcast %and3A_982 : vector<16xi32> -> vector<16xf32>
          %add3A_984 = arith.addf %add3A_918, %bitcast_convert_type3A_983 : vector<16xf32>
          %get3A_985 = arith.constant 1 : i32
          %get3A_986 = arith.index_cast %get3A_985 : i32 to index
          %get3A_987 = arith.index_cast %scan3A_936 : i32 to index
          %get3A_988 = arith.constant 48 : index
          %get3A_989 = tpu.vector_load %arg6[%get3A_986, %get3A_987, %get3A_988] {strides = array<i32>} : memref<4x200x64xi32, #tpu.memory_space<vmem>>, vector<1x1x16xi32>,
          %get3A_990 = vector.shape_cast %get3A_989 : vector<1x1x16xi32> to vector<16xi32>
          %shift_left3A_991 = arith.constant 16 : i32
          %shift_left3A_992 = vector.broadcast %shift_left3A_991 : i32 to vector<16xi32>
          %shift_left3A_993 = arith.shli %get3A_990, %shift_left3A_992 : vector<16xi32>
          %bitcast_convert_type3A_994 = tpu.bitcast %shift_left3A_993 : vector<16xi32> -> vector<16xf32>
          %add3A_995 = arith.addf %add3A_929, %bitcast_convert_type3A_994 : vector<16xf32>
          %and3A_996 = arith.constant -65536 : i32
          %and3A_997 = vector.broadcast %and3A_996 : i32 to vector<16xi32>
          %and3A_998 = arith.andi %get3A_990, %and3A_997 : vector<16xi32>
          %bitcast_convert_type3A_999 = tpu.bitcast %and3A_998 : vector<16xi32> -> vector<16xf32>
          %add3A_1000 = arith.addf %add3A_934, %bitcast_convert_type3A_999 : vector<16xf32>
          scf.yield %add3A_947, %add3A_963, %add3A_979, %add3A_995, %add3A_952, %add3A_968, %add3A_984, %add3A_1000 : vector<16xf32>, vector<16xf32>, vector<16xf32>, vector<16xf32>, vector<16xf32>, vector<16xf32>, vector<16xf32>, vector<16xf32>
        }
        %scan3A_193 = arith.constant 200 : i32
        %mul3A_194 = arith.constant 5.000000e-03 : f32
        %mul3A_195 = vector.broadcast %mul3A_194 : f32 to vector<16xf32>
        %mul3A_196 = arith.mulf %scan3A_192#0, %mul3A_195 : vector<16xf32>
        %swap3A_197 = arith.index_cast %add3A_153 : i32 to index
        %swap3A_198 = arith.constant 0 : index
        %swap3A_199 = tpu.vector_load %arg7[%swap3A_197, %swap3A_198] {strides = array<i32>} : memref<64x128xf32, #tpu.memory_space<vmem>>, vector<1x16xf32>,
        %swap3A_200 = vector.shape_cast %swap3A_199 : vector<1x16xf32> to vector<16xf32>
        %swap3A_201 = vector.shape_cast %mul3A_196 : vector<16xf32> to vector<1x16xf32>
        tpu.vector_store %arg7[%swap3A_197, %swap3A_198], %swap3A_201 {strides = array<i32>} : memref<64x128xf32, #tpu.memory_space<vmem>>, vector<1x16xf32>,
        %mul3A_202 = arith.constant 5.000000e-03 : f32
        %mul3A_203 = vector.broadcast %mul3A_202 : f32 to vector<16xf32>
        %mul3A_204 = arith.mulf %scan3A_192#1, %mul3A_203 : vector<16xf32>
        %swap3A_205 = arith.index_cast %add3A_153 : i32 to index
        %swap3A_206 = arith.constant 16 : index
        %swap3A_207 = tpu.vector_load %arg7[%swap3A_205, %swap3A_206] {strides = array<i32>} : memref<64x128xf32, #tpu.memory_space<vmem>>, vector<1x16xf32>,
        %swap3A_208 = vector.shape_cast %swap3A_207 : vector<1x16xf32> to vector<16xf32>
        %swap3A_209 = vector.shape_cast %mul3A_204 : vector<16xf32> to vector<1x16xf32>
        tpu.vector_store %arg7[%swap3A_205, %swap3A_206], %swap3A_209 {strides = array<i32>} : memref<64x128xf32, #tpu.memory_space<vmem>>, vector<1x16xf32>,
        %mul3A_210 = arith.constant 5.000000e-03 : f32
        %mul3A_211 = vector.broadcast %mul3A_210 : f32 to vector<16xf32>
        %mul3A_212 = arith.mulf %scan3A_192#2, %mul3A_211 : vector<16xf32>
        %swap3A_213 = arith.index_cast %add3A_153 : i32 to index
        %swap3A_214 = arith.constant 32 : index
        %swap3A_215 = tpu.vector_load %arg7[%swap3A_213, %swap3A_214] {strides = array<i32>} : memref<64x128xf32, #tpu.memory_space<vmem>>, vector<1x16xf32>,
        %swap3A_216 = vector.shape_cast %swap3A_215 : vector<1x16xf32> to vector<16xf32>
        %swap3A_217 = vector.shape_cast %mul3A_212 : vector<16xf32> to vector<1x16xf32>
        tpu.vector_store %arg7[%swap3A_213, %swap3A_214], %swap3A_217 {strides = array<i32>} : memref<64x128xf32, #tpu.memory_space<vmem>>, vector<1x16xf32>,
        %mul3A_218 = arith.constant 5.000000e-03 : f32
        %mul3A_219 = vector.broadcast %mul3A_218 : f32 to vector<16xf32>
        %mul3A_220 = arith.mulf %scan3A_192#3, %mul3A_219 : vector<16xf32>
        %swap3A_221 = arith.index_cast %add3A_153 : i32 to index
        %swap3A_222 = arith.constant 48 : index
        %swap3A_223 = tpu.vector_load %arg7[%swap3A_221, %swap3A_222] {strides = array<i32>} : memref<64x128xf32, #tpu.memory_space<vmem>>, vector<1x16xf32>,
        %swap3A_224 = vector.shape_cast %swap3A_223 : vector<1x16xf32> to vector<16xf32>
        %swap3A_225 = vector.shape_cast %mul3A_220 : vector<16xf32> to vector<1x16xf32>
        tpu.vector_store %arg7[%swap3A_221, %swap3A_222], %swap3A_225 {strides = array<i32>} : memref<64x128xf32, #tpu.memory_space<vmem>>, vector<1x16xf32>,
        %mul3A_226 = arith.constant 5.000000e-03 : f32
        %mul3A_227 = vector.broadcast %mul3A_226 : f32 to vector<16xf32>
        %mul3A_228 = arith.mulf %scan3A_192#4, %mul3A_227 : vector<16xf32>
        %swap3A_229 = arith.index_cast %add3A_153 : i32 to index
        %swap3A_230 = arith.constant 64 : index
        %swap3A_231 = tpu.vector_load %arg7[%swap3A_229, %swap3A_230] {strides = array<i32>} : memref<64x128xf32, #tpu.memory_space<vmem>>, vector<1x16xf32>,
        %swap3A_232 = vector.shape_cast %swap3A_231 : vector<1x16xf32> to vector<16xf32>
        %swap3A_233 = vector.shape_cast %mul3A_228 : vector<16xf32> to vector<1x16xf32>
        tpu.vector_store %arg7[%swap3A_229, %swap3A_230], %swap3A_233 {strides = array<i32>} : memref<64x128xf32, #tpu.memory_space<vmem>>, vector<1x16xf32>,
        %mul3A_234 = arith.constant 5.000000e-03 : f32
        %mul3A_235 = vector.broadcast %mul3A_234 : f32 to vector<16xf32>
        %mul3A_236 = arith.mulf %scan3A_192#5, %mul3A_235 : vector<16xf32>
        %swap3A_237 = arith.index_cast %add3A_153 : i32 to index
        %swap3A_238 = arith.constant 80 : index
        %swap3A_239 = tpu.vector_load %arg7[%swap3A_237, %swap3A_238] {strides = array<i32>} : memref<64x128xf32, #tpu.memory_space<vmem>>, vector<1x16xf32>,
        %swap3A_240 = vector.shape_cast %swap3A_239 : vector<1x16xf32> to vector<16xf32>
        %swap3A_241 = vector.shape_cast %mul3A_236 : vector<16xf32> to vector<1x16xf32>
        tpu.vector_store %arg7[%swap3A_237, %swap3A_238], %swap3A_241 {strides = array<i32>} : memref<64x128xf32, #tpu.memory_space<vmem>>, vector<1x16xf32>,
        %mul3A_242 = arith.constant 5.000000e-03 : f32
        %mul3A_243 = vector.broadcast %mul3A_242 : f32 to vector<16xf32>
        %mul3A_244 = arith.mulf %scan3A_192#6, %mul3A_243 : vector<16xf32>
        %swap3A_245 = arith.index_cast %add3A_153 : i32 to index
        %swap3A_246 = arith.constant 96 : index
        %swap3A_247 = tpu.vector_load %arg7[%swap3A_245, %swap3A_246] {strides = array<i32>} : memref<64x128xf32, #tpu.memory_space<vmem>>, vector<1x16xf32>,
        %swap3A_248 = vector.shape_cast %swap3A_247 : vector<1x16xf32> to vector<16xf32>
        %swap3A_249 = vector.shape_cast %mul3A_244 : vector<16xf32> to vector<1x16xf32>
        tpu.vector_store %arg7[%swap3A_245, %swap3A_246], %swap3A_249 {strides = array<i32>} : memref<64x128xf32, #tpu.memory_space<vmem>>, vector<1x16xf32>,
        %mul3A_250 = arith.constant 5.000000e-03 : f32
        %mul3A_251 = vector.broadcast %mul3A_250 : f32 to vector<16xf32>
        %mul3A_252 = arith.mulf %scan3A_192#7, %mul3A_251 : vector<16xf32>
        %swap3A_253 = arith.index_cast %add3A_153 : i32 to index
        %swap3A_254 = arith.constant 112 : index
        %swap3A_255 = tpu.vector_load %arg7[%swap3A_253, %swap3A_254] {strides = array<i32>} : memref<64x128xf32, #tpu.memory_space<vmem>>, vector<1x16xf32>,
        %swap3A_256 = vector.shape_cast %swap3A_255 : vector<1x16xf32> to vector<16xf32>
        %swap3A_257 = vector.shape_cast %mul3A_252 : vector<16xf32> to vector<1x16xf32>
        tpu.vector_store %arg7[%swap3A_253, %swap3A_254], %swap3A_257 {strides = array<i32>} : memref<64x128xf32, #tpu.memory_space<vmem>>, vector<1x16xf32>,
        %add3A_258 = arith.constant 2 : i32
        %add3A_259 = arith.addi %mul3A_51, %add3A_258 : i32
        %add3A_260 = arith.constant 3 : i32
        %add3A_261 = arith.addi %add3A_259, %add3A_260 : i32
        %lt3A_262 = arith.constant 64 : i32
        %lt3A_263 = arith.cmpi slt, %add3A_261, %lt3A_262 : i32
        %convert_element_type3A_264 = arith.extui %lt3A_263 : i1 to i32
        %cond3A_265 = arith.constant 0 : i32
        %cond3A_266 = arith.cmpi ne, %convert_element_type3A_264, %cond3A_265 : i32
        scf.if %cond3A_266 {
          %add3A_470 = arith.constant 3 : i32
          %add3A_471 = arith.addi %add3A_259, %add3A_470 : i32
          %mul3A_472 = arith.constant 200 : i32
          %mul3A_473 = arith.muli %add3A_471, %mul3A_472 : i32
          %dma_start3A_474 = arith.constant 1 : i32
          %dma_start3A_475 = arith.constant 0 : i32
          %dma_start3A_476 = arith.constant 0 : i32
          %dma_start3A_477 = tpu.memref_slice %arg6[%dma_start3A_474, %dma_start3A_475, %dma_start3A_476] : memref<4x200x64xi32, #tpu.memory_space<vmem>> -> memref<1x200x64xi32, #tpu.memory_space<vmem>>
          %dma_start3A_478 = tpu.memref_squeeze %dma_start3A_477 : memref<1x200x64xi32, #tpu.memory_space<vmem>> -> memref<200x64xi32, #tpu.memory_space<vmem>>
          %dma_start3A_479 = tpu.memref_slice %arg5[%mul3A_473] : memref<12800xi32, #tpu.memory_space<vmem>> -> memref<200xi32, #tpu.memory_space<vmem>>
          %dma_start3A_480 = arith.constant 0 : i32
          %dma_start3A_481 = arith.constant 0 : i32
          %dma_start3A_482 = tpu.memref_slice %arg3[%dma_start3A_480, %dma_start3A_481] : memref<100000x64xi32, #tpu.memory_space<hbm>> -> memref<100000x64xi32, #tpu.memory_space<hbm>>
          tpu.enqueue_indirect_dma source(%dma_start3A_482 : memref<100000x64xi32, #tpu.memory_space<hbm>>) target(%dma_start3A_478 : memref<200x64xi32, #tpu.memory_space<vmem>>) offsets(%dma_start3A_479 : memref<200xi32, #tpu.memory_space<vmem>>) semaphore(%arg9 : memref<!tpu.dma_semaphore, #tpu.memory_space<semaphore_mem>>)
        } else {
        }
        %mul3A_267 = arith.constant 200 : i32
        %mul3A_268 = arith.muli %add3A_259, %mul3A_267 : i32
        %dma_wait3A_269 = arith.constant 2 : i32
        %dma_wait3A_270 = arith.constant 0 : i32
        %dma_wait3A_271 = arith.constant 0 : i32
        %dma_wait3A_272 = tpu.memref_slice %arg6[%dma_wait3A_269, %dma_wait3A_270, %dma_wait3A_271] : memref<4x200x64xi32, #tpu.memory_space<vmem>> -> memref<1x200x64xi32, #tpu.memory_space<vmem>>
        %dma_wait3A_273 = tpu.memref_squeeze %dma_wait3A_272 : memref<1x200x64xi32, #tpu.memory_space<vmem>> -> memref<200x64xi32, #tpu.memory_space<vmem>>
        %dma_wait3A_274 = tpu.memref_slice %arg5[%mul3A_268] : memref<12800xi32, #tpu.memory_space<vmem>> -> memref<200xi32, #tpu.memory_space<vmem>>
        %dma_wait3A_275 = arith.constant 0 : i32
        %dma_wait3A_276 = arith.constant 0 : i32
        %dma_wait3A_277 = tpu.memref_slice %arg3[%dma_wait3A_275, %dma_wait3A_276] : memref<100000x64xi32, #tpu.memory_space<hbm>> -> memref<100000x64xi32, #tpu.memory_space<hbm>>
        tpu.wait_indirect_dma semaphore(%arg10 : memref<!tpu.dma_semaphore, #tpu.memory_space<semaphore_mem>>) src(%dma_wait3A_277 : memref<100000x64xi32, #tpu.memory_space<hbm>>) dst(%dma_wait3A_273 : memref<200x64xi32, #tpu.memory_space<vmem>>)
        %broadcast_in_dim3A_278 = arith.constant 0.000000e+00 : f32
        %broadcast_in_dim3A_279 = vector.broadcast %broadcast_in_dim3A_278 : f32 to vector<16xf32>
        %broadcast_in_dim3A_280 = arith.constant 0.000000e+00 : f32
        %broadcast_in_dim3A_281 = vector.broadcast %broadcast_in_dim3A_280 : f32 to vector<16xf32>
        %broadcast_in_dim3A_282 = arith.constant 0.000000e+00 : f32
        %broadcast_in_dim3A_283 = vector.broadcast %broadcast_in_dim3A_282 : f32 to vector<16xf32>
        %broadcast_in_dim3A_284 = arith.constant 0.000000e+00 : f32
        %broadcast_in_dim3A_285 = vector.broadcast %broadcast_in_dim3A_284 : f32 to vector<16xf32>
        %broadcast_in_dim3A_286 = arith.constant 0.000000e+00 : f32
        %broadcast_in_dim3A_287 = vector.broadcast %broadcast_in_dim3A_286 : f32 to vector<16xf32>
        %broadcast_in_dim3A_288 = arith.constant 0.000000e+00 : f32
        %broadcast_in_dim3A_289 = vector.broadcast %broadcast_in_dim3A_288 : f32 to vector<16xf32>
        %broadcast_in_dim3A_290 = arith.constant 0.000000e+00 : f32
        %broadcast_in_dim3A_291 = vector.broadcast %broadcast_in_dim3A_290 : f32 to vector<16xf32>
        %broadcast_in_dim3A_292 = arith.constant 0.000000e+00 : f32
        %broadcast_in_dim3A_293 = vector.broadcast %broadcast_in_dim3A_292 : f32 to vector<16xf32>
        %scan3A_294 = arith.constant 0 : i32
        %scan3A_295 = arith.constant 200 : i32
        %scan3A_296 = arith.addi %scan3A_294, %scan3A_295 : i32
        %scan3A_297 = arith.constant 8 : i32
        %scan3A_298:8 = scf.for %scan3A_470 = %scan3A_294 to %scan3A_296 step %scan3A_297 iter_args(%scan3A_471 = %broadcast_in_dim3A_279, %scan3A_472 = %broadcast_in_dim3A_281, %scan3A_473 = %broadcast_in_dim3A_283, %scan3A_474 = %broadcast_in_dim3A_285, %scan3A_475 = %broadcast_in_dim3A_287, %scan3A_476 = %broadcast_in_dim3A_289, %scan3A_477 = %broadcast_in_dim3A_291, %scan3A_478 = %broadcast_in_dim3A_293) -> (vector<16xf32>, vector<16xf32>, vector<16xf32>, vector<16xf32>, vector<16xf32>, vector<16xf32>, vector<16xf32>, vector<16xf32>)  : i32 {
          %get3A = arith.constant 2 : i32
          %get3A_479 = arith.index_cast %get3A : i32 to index
          %get3A_480 = arith.index_cast %scan3A_470 : i32 to index
          %get3A_481 = arith.constant 0 : index
          %get3A_482 = tpu.vector_load %arg6[%get3A_479, %get3A_480, %get3A_481] {strides = array<i32>} : memref<4x200x64xi32, #tpu.memory_space<vmem>>, vector<1x1x16xi32>,
          %get3A_483 = vector.shape_cast %get3A_482 : vector<1x1x16xi32> to vector<16xi32>
          %shift_left3A = arith.constant 16 : i32
          %shift_left3A_484 = vector.broadcast %shift_left3A : i32 to vector<16xi32>
          %shift_left3A_485 = arith.shli %get3A_483, %shift_left3A_484 : vector<16xi32>
          %bitcast_convert_type3A = tpu.bitcast %shift_left3A_485 : vector<16xi32> -> vector<16xf32>
          %add3A_486 = arith.addf %scan3A_471, %bitcast_convert_type3A : vector<16xf32>
          %and3A = arith.constant -65536 : i32
          %and3A_487 = vector.broadcast %and3A : i32 to vector<16xi32>
          %and3A_488 = arith.andi %get3A_483, %and3A_487 : vector<16xi32>
          %bitcast_convert_type3A_489 = tpu.bitcast %and3A_488 : vector<16xi32> -> vector<16xf32>
          %add3A_490 = arith.addf %scan3A_475, %bitcast_convert_type3A_489 : vector<16xf32>
          %get3A_491 = arith.constant 2 : i32
          %get3A_492 = arith.index_cast %get3A_491 : i32 to index
          %get3A_493 = arith.index_cast %scan3A_470 : i32 to index
          %get3A_494 = arith.constant 16 : index
          %get3A_495 = tpu.vector_load %arg6[%get3A_492, %get3A_493, %get3A_494] {strides = array<i32>} : memref<4x200x64xi32, #tpu.memory_space<vmem>>, vector<1x1x16xi32>,
          %get3A_496 = vector.shape_cast %get3A_495 : vector<1x1x16xi32> to vector<16xi32>
          %shift_left3A_497 = arith.constant 16 : i32
          %shift_left3A_498 = vector.broadcast %shift_left3A_497 : i32 to vector<16xi32>
          %shift_left3A_499 = arith.shli %get3A_496, %shift_left3A_498 : vector<16xi32>
          %bitcast_convert_type3A_500 = tpu.bitcast %shift_left3A_499 : vector<16xi32> -> vector<16xf32>
          %add3A_501 = arith.addf %scan3A_472, %bitcast_convert_type3A_500 : vector<16xf32>
          %and3A_502 = arith.constant -65536 : i32
          %and3A_503 = vector.broadcast %and3A_502 : i32 to vector<16xi32>
          %and3A_504 = arith.andi %get3A_496, %and3A_503 : vector<16xi32>
          %bitcast_convert_type3A_505 = tpu.bitcast %and3A_504 : vector<16xi32> -> vector<16xf32>
          %add3A_506 = arith.addf %scan3A_476, %bitcast_convert_type3A_505 : vector<16xf32>
          %get3A_507 = arith.constant 2 : i32
          %get3A_508 = arith.index_cast %get3A_507 : i32 to index
          %get3A_509 = arith.index_cast %scan3A_470 : i32 to index
          %get3A_510 = arith.constant 32 : index
          %get3A_511 = tpu.vector_load %arg6[%get3A_508, %get3A_509, %get3A_510] {strides = array<i32>} : memref<4x200x64xi32, #tpu.memory_space<vmem>>, vector<1x1x16xi32>,
          %get3A_512 = vector.shape_cast %get3A_511 : vector<1x1x16xi32> to vector<16xi32>
          %shift_left3A_513 = arith.constant 16 : i32
          %shift_left3A_514 = vector.broadcast %shift_left3A_513 : i32 to vector<16xi32>
          %shift_left3A_515 = arith.shli %get3A_512, %shift_left3A_514 : vector<16xi32>
          %bitcast_convert_type3A_516 = tpu.bitcast %shift_left3A_515 : vector<16xi32> -> vector<16xf32>
          %add3A_517 = arith.addf %scan3A_473, %bitcast_convert_type3A_516 : vector<16xf32>
          %and3A_518 = arith.constant -65536 : i32
          %and3A_519 = vector.broadcast %and3A_518 : i32 to vector<16xi32>
          %and3A_520 = arith.andi %get3A_512, %and3A_519 : vector<16xi32>
          %bitcast_convert_type3A_521 = tpu.bitcast %and3A_520 : vector<16xi32> -> vector<16xf32>
          %add3A_522 = arith.addf %scan3A_477, %bitcast_convert_type3A_521 : vector<16xf32>
          %get3A_523 = arith.constant 2 : i32
          %get3A_524 = arith.index_cast %get3A_523 : i32 to index
          %get3A_525 = arith.index_cast %scan3A_470 : i32 to index
          %get3A_526 = arith.constant 48 : index
          %get3A_527 = tpu.vector_load %arg6[%get3A_524, %get3A_525, %get3A_526] {strides = array<i32>} : memref<4x200x64xi32, #tpu.memory_space<vmem>>, vector<1x1x16xi32>,
          %get3A_528 = vector.shape_cast %get3A_527 : vector<1x1x16xi32> to vector<16xi32>
          %shift_left3A_529 = arith.constant 16 : i32
          %shift_left3A_530 = vector.broadcast %shift_left3A_529 : i32 to vector<16xi32>
          %shift_left3A_531 = arith.shli %get3A_528, %shift_left3A_530 : vector<16xi32>
          %bitcast_convert_type3A_532 = tpu.bitcast %shift_left3A_531 : vector<16xi32> -> vector<16xf32>
          %add3A_533 = arith.addf %scan3A_474, %bitcast_convert_type3A_532 : vector<16xf32>
          %and3A_534 = arith.constant -65536 : i32
          %and3A_535 = vector.broadcast %and3A_534 : i32 to vector<16xi32>
          %and3A_536 = arith.andi %get3A_528, %and3A_535 : vector<16xi32>
          %bitcast_convert_type3A_537 = tpu.bitcast %and3A_536 : vector<16xi32> -> vector<16xf32>
          %add3A_538 = arith.addf %scan3A_478, %bitcast_convert_type3A_537 : vector<16xf32>
          %scan3A_539 = arith.constant 1 : i32
          %scan3A_540 = arith.addi %scan3A_470, %scan3A_539 : i32
          %get3A_541 = arith.constant 2 : i32
          %get3A_542 = arith.index_cast %get3A_541 : i32 to index
          %get3A_543 = arith.index_cast %scan3A_540 : i32 to index
          %get3A_544 = arith.constant 0 : index
          %get3A_545 = tpu.vector_load %arg6[%get3A_542, %get3A_543, %get3A_544] {strides = array<i32>} : memref<4x200x64xi32, #tpu.memory_space<vmem>>, vector<1x1x16xi32>,
          %get3A_546 = vector.shape_cast %get3A_545 : vector<1x1x16xi32> to vector<16xi32>
          %shift_left3A_547 = arith.constant 16 : i32
          %shift_left3A_548 = vector.broadcast %shift_left3A_547 : i32 to vector<16xi32>
          %shift_left3A_549 = arith.shli %get3A_546, %shift_left3A_548 : vector<16xi32>
          %bitcast_convert_type3A_550 = tpu.bitcast %shift_left3A_549 : vector<16xi32> -> vector<16xf32>
          %add3A_551 = arith.addf %add3A_486, %bitcast_convert_type3A_550 : vector<16xf32>
          %and3A_552 = arith.constant -65536 : i32
          %and3A_553 = vector.broadcast %and3A_552 : i32 to vector<16xi32>
          %and3A_554 = arith.andi %get3A_546, %and3A_553 : vector<16xi32>
          %bitcast_convert_type3A_555 = tpu.bitcast %and3A_554 : vector<16xi32> -> vector<16xf32>
          %add3A_556 = arith.addf %add3A_490, %bitcast_convert_type3A_555 : vector<16xf32>
          %get3A_557 = arith.constant 2 : i32
          %get3A_558 = arith.index_cast %get3A_557 : i32 to index
          %get3A_559 = arith.index_cast %scan3A_540 : i32 to index
          %get3A_560 = arith.constant 16 : index
          %get3A_561 = tpu.vector_load %arg6[%get3A_558, %get3A_559, %get3A_560] {strides = array<i32>} : memref<4x200x64xi32, #tpu.memory_space<vmem>>, vector<1x1x16xi32>,
          %get3A_562 = vector.shape_cast %get3A_561 : vector<1x1x16xi32> to vector<16xi32>
          %shift_left3A_563 = arith.constant 16 : i32
          %shift_left3A_564 = vector.broadcast %shift_left3A_563 : i32 to vector<16xi32>
          %shift_left3A_565 = arith.shli %get3A_562, %shift_left3A_564 : vector<16xi32>
          %bitcast_convert_type3A_566 = tpu.bitcast %shift_left3A_565 : vector<16xi32> -> vector<16xf32>
          %add3A_567 = arith.addf %add3A_501, %bitcast_convert_type3A_566 : vector<16xf32>
          %and3A_568 = arith.constant -65536 : i32
          %and3A_569 = vector.broadcast %and3A_568 : i32 to vector<16xi32>
          %and3A_570 = arith.andi %get3A_562, %and3A_569 : vector<16xi32>
          %bitcast_convert_type3A_571 = tpu.bitcast %and3A_570 : vector<16xi32> -> vector<16xf32>
          %add3A_572 = arith.addf %add3A_506, %bitcast_convert_type3A_571 : vector<16xf32>
          %get3A_573 = arith.constant 2 : i32
          %get3A_574 = arith.index_cast %get3A_573 : i32 to index
          %get3A_575 = arith.index_cast %scan3A_540 : i32 to index
          %get3A_576 = arith.constant 32 : index
          %get3A_577 = tpu.vector_load %arg6[%get3A_574, %get3A_575, %get3A_576] {strides = array<i32>} : memref<4x200x64xi32, #tpu.memory_space<vmem>>, vector<1x1x16xi32>,
          %get3A_578 = vector.shape_cast %get3A_577 : vector<1x1x16xi32> to vector<16xi32>
          %shift_left3A_579 = arith.constant 16 : i32
          %shift_left3A_580 = vector.broadcast %shift_left3A_579 : i32 to vector<16xi32>
          %shift_left3A_581 = arith.shli %get3A_578, %shift_left3A_580 : vector<16xi32>
          %bitcast_convert_type3A_582 = tpu.bitcast %shift_left3A_581 : vector<16xi32> -> vector<16xf32>
          %add3A_583 = arith.addf %add3A_517, %bitcast_convert_type3A_582 : vector<16xf32>
          %and3A_584 = arith.constant -65536 : i32
          %and3A_585 = vector.broadcast %and3A_584 : i32 to vector<16xi32>
          %and3A_586 = arith.andi %get3A_578, %and3A_585 : vector<16xi32>
          %bitcast_convert_type3A_587 = tpu.bitcast %and3A_586 : vector<16xi32> -> vector<16xf32>
          %add3A_588 = arith.addf %add3A_522, %bitcast_convert_type3A_587 : vector<16xf32>
          %get3A_589 = arith.constant 2 : i32
          %get3A_590 = arith.index_cast %get3A_589 : i32 to index
          %get3A_591 = arith.index_cast %scan3A_540 : i32 to index
          %get3A_592 = arith.constant 48 : index
          %get3A_593 = tpu.vector_load %arg6[%get3A_590, %get3A_591, %get3A_592] {strides = array<i32>} : memref<4x200x64xi32, #tpu.memory_space<vmem>>, vector<1x1x16xi32>,
          %get3A_594 = vector.shape_cast %get3A_593 : vector<1x1x16xi32> to vector<16xi32>
          %shift_left3A_595 = arith.constant 16 : i32
          %shift_left3A_596 = vector.broadcast %shift_left3A_595 : i32 to vector<16xi32>
          %shift_left3A_597 = arith.shli %get3A_594, %shift_left3A_596 : vector<16xi32>
          %bitcast_convert_type3A_598 = tpu.bitcast %shift_left3A_597 : vector<16xi32> -> vector<16xf32>
          %add3A_599 = arith.addf %add3A_533, %bitcast_convert_type3A_598 : vector<16xf32>
          %and3A_600 = arith.constant -65536 : i32
          %and3A_601 = vector.broadcast %and3A_600 : i32 to vector<16xi32>
          %and3A_602 = arith.andi %get3A_594, %and3A_601 : vector<16xi32>
          %bitcast_convert_type3A_603 = tpu.bitcast %and3A_602 : vector<16xi32> -> vector<16xf32>
          %add3A_604 = arith.addf %add3A_538, %bitcast_convert_type3A_603 : vector<16xf32>
          %scan3A_605 = arith.constant 2 : i32
          %scan3A_606 = arith.addi %scan3A_470, %scan3A_605 : i32
          %get3A_607 = arith.constant 2 : i32
          %get3A_608 = arith.index_cast %get3A_607 : i32 to index
          %get3A_609 = arith.index_cast %scan3A_606 : i32 to index
          %get3A_610 = arith.constant 0 : index
          %get3A_611 = tpu.vector_load %arg6[%get3A_608, %get3A_609, %get3A_610] {strides = array<i32>} : memref<4x200x64xi32, #tpu.memory_space<vmem>>, vector<1x1x16xi32>,
          %get3A_612 = vector.shape_cast %get3A_611 : vector<1x1x16xi32> to vector<16xi32>
          %shift_left3A_613 = arith.constant 16 : i32
          %shift_left3A_614 = vector.broadcast %shift_left3A_613 : i32 to vector<16xi32>
          %shift_left3A_615 = arith.shli %get3A_612, %shift_left3A_614 : vector<16xi32>
          %bitcast_convert_type3A_616 = tpu.bitcast %shift_left3A_615 : vector<16xi32> -> vector<16xf32>
          %add3A_617 = arith.addf %add3A_551, %bitcast_convert_type3A_616 : vector<16xf32>
          %and3A_618 = arith.constant -65536 : i32
          %and3A_619 = vector.broadcast %and3A_618 : i32 to vector<16xi32>
          %and3A_620 = arith.andi %get3A_612, %and3A_619 : vector<16xi32>
          %bitcast_convert_type3A_621 = tpu.bitcast %and3A_620 : vector<16xi32> -> vector<16xf32>
          %add3A_622 = arith.addf %add3A_556, %bitcast_convert_type3A_621 : vector<16xf32>
          %get3A_623 = arith.constant 2 : i32
          %get3A_624 = arith.index_cast %get3A_623 : i32 to index
          %get3A_625 = arith.index_cast %scan3A_606 : i32 to index
          %get3A_626 = arith.constant 16 : index
          %get3A_627 = tpu.vector_load %arg6[%get3A_624, %get3A_625, %get3A_626] {strides = array<i32>} : memref<4x200x64xi32, #tpu.memory_space<vmem>>, vector<1x1x16xi32>,
          %get3A_628 = vector.shape_cast %get3A_627 : vector<1x1x16xi32> to vector<16xi32>
          %shift_left3A_629 = arith.constant 16 : i32
          %shift_left3A_630 = vector.broadcast %shift_left3A_629 : i32 to vector<16xi32>
          %shift_left3A_631 = arith.shli %get3A_628, %shift_left3A_630 : vector<16xi32>
          %bitcast_convert_type3A_632 = tpu.bitcast %shift_left3A_631 : vector<16xi32> -> vector<16xf32>
          %add3A_633 = arith.addf %add3A_567, %bitcast_convert_type3A_632 : vector<16xf32>
          %and3A_634 = arith.constant -65536 : i32
          %and3A_635 = vector.broadcast %and3A_634 : i32 to vector<16xi32>
          %and3A_636 = arith.andi %get3A_628, %and3A_635 : vector<16xi32>
          %bitcast_convert_type3A_637 = tpu.bitcast %and3A_636 : vector<16xi32> -> vector<16xf32>
          %add3A_638 = arith.addf %add3A_572, %bitcast_convert_type3A_637 : vector<16xf32>
          %get3A_639 = arith.constant 2 : i32
          %get3A_640 = arith.index_cast %get3A_639 : i32 to index
          %get3A_641 = arith.index_cast %scan3A_606 : i32 to index
          %get3A_642 = arith.constant 32 : index
          %get3A_643 = tpu.vector_load %arg6[%get3A_640, %get3A_641, %get3A_642] {strides = array<i32>} : memref<4x200x64xi32, #tpu.memory_space<vmem>>, vector<1x1x16xi32>,
          %get3A_644 = vector.shape_cast %get3A_643 : vector<1x1x16xi32> to vector<16xi32>
          %shift_left3A_645 = arith.constant 16 : i32
          %shift_left3A_646 = vector.broadcast %shift_left3A_645 : i32 to vector<16xi32>
          %shift_left3A_647 = arith.shli %get3A_644, %shift_left3A_646 : vector<16xi32>
          %bitcast_convert_type3A_648 = tpu.bitcast %shift_left3A_647 : vector<16xi32> -> vector<16xf32>
          %add3A_649 = arith.addf %add3A_583, %bitcast_convert_type3A_648 : vector<16xf32>
          %and3A_650 = arith.constant -65536 : i32
          %and3A_651 = vector.broadcast %and3A_650 : i32 to vector<16xi32>
          %and3A_652 = arith.andi %get3A_644, %and3A_651 : vector<16xi32>
          %bitcast_convert_type3A_653 = tpu.bitcast %and3A_652 : vector<16xi32> -> vector<16xf32>
          %add3A_654 = arith.addf %add3A_588, %bitcast_convert_type3A_653 : vector<16xf32>
          %get3A_655 = arith.constant 2 : i32
          %get3A_656 = arith.index_cast %get3A_655 : i32 to index
          %get3A_657 = arith.index_cast %scan3A_606 : i32 to index
          %get3A_658 = arith.constant 48 : index
          %get3A_659 = tpu.vector_load %arg6[%get3A_656, %get3A_657, %get3A_658] {strides = array<i32>} : memref<4x200x64xi32, #tpu.memory_space<vmem>>, vector<1x1x16xi32>,
          %get3A_660 = vector.shape_cast %get3A_659 : vector<1x1x16xi32> to vector<16xi32>
          %shift_left3A_661 = arith.constant 16 : i32
          %shift_left3A_662 = vector.broadcast %shift_left3A_661 : i32 to vector<16xi32>
          %shift_left3A_663 = arith.shli %get3A_660, %shift_left3A_662 : vector<16xi32>
          %bitcast_convert_type3A_664 = tpu.bitcast %shift_left3A_663 : vector<16xi32> -> vector<16xf32>
          %add3A_665 = arith.addf %add3A_599, %bitcast_convert_type3A_664 : vector<16xf32>
          %and3A_666 = arith.constant -65536 : i32
          %and3A_667 = vector.broadcast %and3A_666 : i32 to vector<16xi32>
          %and3A_668 = arith.andi %get3A_660, %and3A_667 : vector<16xi32>
          %bitcast_convert_type3A_669 = tpu.bitcast %and3A_668 : vector<16xi32> -> vector<16xf32>
          %add3A_670 = arith.addf %add3A_604, %bitcast_convert_type3A_669 : vector<16xf32>
          %scan3A_671 = arith.constant 3 : i32
          %scan3A_672 = arith.addi %scan3A_470, %scan3A_671 : i32
          %get3A_673 = arith.constant 2 : i32
          %get3A_674 = arith.index_cast %get3A_673 : i32 to index
          %get3A_675 = arith.index_cast %scan3A_672 : i32 to index
          %get3A_676 = arith.constant 0 : index
          %get3A_677 = tpu.vector_load %arg6[%get3A_674, %get3A_675, %get3A_676] {strides = array<i32>} : memref<4x200x64xi32, #tpu.memory_space<vmem>>, vector<1x1x16xi32>,
          %get3A_678 = vector.shape_cast %get3A_677 : vector<1x1x16xi32> to vector<16xi32>
          %shift_left3A_679 = arith.constant 16 : i32
          %shift_left3A_680 = vector.broadcast %shift_left3A_679 : i32 to vector<16xi32>
          %shift_left3A_681 = arith.shli %get3A_678, %shift_left3A_680 : vector<16xi32>
          %bitcast_convert_type3A_682 = tpu.bitcast %shift_left3A_681 : vector<16xi32> -> vector<16xf32>
          %add3A_683 = arith.addf %add3A_617, %bitcast_convert_type3A_682 : vector<16xf32>
          %and3A_684 = arith.constant -65536 : i32
          %and3A_685 = vector.broadcast %and3A_684 : i32 to vector<16xi32>
          %and3A_686 = arith.andi %get3A_678, %and3A_685 : vector<16xi32>
          %bitcast_convert_type3A_687 = tpu.bitcast %and3A_686 : vector<16xi32> -> vector<16xf32>
          %add3A_688 = arith.addf %add3A_622, %bitcast_convert_type3A_687 : vector<16xf32>
          %get3A_689 = arith.constant 2 : i32
          %get3A_690 = arith.index_cast %get3A_689 : i32 to index
          %get3A_691 = arith.index_cast %scan3A_672 : i32 to index
          %get3A_692 = arith.constant 16 : index
          %get3A_693 = tpu.vector_load %arg6[%get3A_690, %get3A_691, %get3A_692] {strides = array<i32>} : memref<4x200x64xi32, #tpu.memory_space<vmem>>, vector<1x1x16xi32>,
          %get3A_694 = vector.shape_cast %get3A_693 : vector<1x1x16xi32> to vector<16xi32>
          %shift_left3A_695 = arith.constant 16 : i32
          %shift_left3A_696 = vector.broadcast %shift_left3A_695 : i32 to vector<16xi32>
          %shift_left3A_697 = arith.shli %get3A_694, %shift_left3A_696 : vector<16xi32>
          %bitcast_convert_type3A_698 = tpu.bitcast %shift_left3A_697 : vector<16xi32> -> vector<16xf32>
          %add3A_699 = arith.addf %add3A_633, %bitcast_convert_type3A_698 : vector<16xf32>
          %and3A_700 = arith.constant -65536 : i32
          %and3A_701 = vector.broadcast %and3A_700 : i32 to vector<16xi32>
          %and3A_702 = arith.andi %get3A_694, %and3A_701 : vector<16xi32>
          %bitcast_convert_type3A_703 = tpu.bitcast %and3A_702 : vector<16xi32> -> vector<16xf32>
          %add3A_704 = arith.addf %add3A_638, %bitcast_convert_type3A_703 : vector<16xf32>
          %get3A_705 = arith.constant 2 : i32
          %get3A_706 = arith.index_cast %get3A_705 : i32 to index
          %get3A_707 = arith.index_cast %scan3A_672 : i32 to index
          %get3A_708 = arith.constant 32 : index
          %get3A_709 = tpu.vector_load %arg6[%get3A_706, %get3A_707, %get3A_708] {strides = array<i32>} : memref<4x200x64xi32, #tpu.memory_space<vmem>>, vector<1x1x16xi32>,
          %get3A_710 = vector.shape_cast %get3A_709 : vector<1x1x16xi32> to vector<16xi32>
          %shift_left3A_711 = arith.constant 16 : i32
          %shift_left3A_712 = vector.broadcast %shift_left3A_711 : i32 to vector<16xi32>
          %shift_left3A_713 = arith.shli %get3A_710, %shift_left3A_712 : vector<16xi32>
          %bitcast_convert_type3A_714 = tpu.bitcast %shift_left3A_713 : vector<16xi32> -> vector<16xf32>
          %add3A_715 = arith.addf %add3A_649, %bitcast_convert_type3A_714 : vector<16xf32>
          %and3A_716 = arith.constant -65536 : i32
          %and3A_717 = vector.broadcast %and3A_716 : i32 to vector<16xi32>
          %and3A_718 = arith.andi %get3A_710, %and3A_717 : vector<16xi32>
          %bitcast_convert_type3A_719 = tpu.bitcast %and3A_718 : vector<16xi32> -> vector<16xf32>
          %add3A_720 = arith.addf %add3A_654, %bitcast_convert_type3A_719 : vector<16xf32>
          %get3A_721 = arith.constant 2 : i32
          %get3A_722 = arith.index_cast %get3A_721 : i32 to index
          %get3A_723 = arith.index_cast %scan3A_672 : i32 to index
          %get3A_724 = arith.constant 48 : index
          %get3A_725 = tpu.vector_load %arg6[%get3A_722, %get3A_723, %get3A_724] {strides = array<i32>} : memref<4x200x64xi32, #tpu.memory_space<vmem>>, vector<1x1x16xi32>,
          %get3A_726 = vector.shape_cast %get3A_725 : vector<1x1x16xi32> to vector<16xi32>
          %shift_left3A_727 = arith.constant 16 : i32
          %shift_left3A_728 = vector.broadcast %shift_left3A_727 : i32 to vector<16xi32>
          %shift_left3A_729 = arith.shli %get3A_726, %shift_left3A_728 : vector<16xi32>
          %bitcast_convert_type3A_730 = tpu.bitcast %shift_left3A_729 : vector<16xi32> -> vector<16xf32>
          %add3A_731 = arith.addf %add3A_665, %bitcast_convert_type3A_730 : vector<16xf32>
          %and3A_732 = arith.constant -65536 : i32
          %and3A_733 = vector.broadcast %and3A_732 : i32 to vector<16xi32>
          %and3A_734 = arith.andi %get3A_726, %and3A_733 : vector<16xi32>
          %bitcast_convert_type3A_735 = tpu.bitcast %and3A_734 : vector<16xi32> -> vector<16xf32>
          %add3A_736 = arith.addf %add3A_670, %bitcast_convert_type3A_735 : vector<16xf32>
          %scan3A_737 = arith.constant 4 : i32
          %scan3A_738 = arith.addi %scan3A_470, %scan3A_737 : i32
          %get3A_739 = arith.constant 2 : i32
          %get3A_740 = arith.index_cast %get3A_739 : i32 to index
          %get3A_741 = arith.index_cast %scan3A_738 : i32 to index
          %get3A_742 = arith.constant 0 : index
          %get3A_743 = tpu.vector_load %arg6[%get3A_740, %get3A_741, %get3A_742] {strides = array<i32>} : memref<4x200x64xi32, #tpu.memory_space<vmem>>, vector<1x1x16xi32>,
          %get3A_744 = vector.shape_cast %get3A_743 : vector<1x1x16xi32> to vector<16xi32>
          %shift_left3A_745 = arith.constant 16 : i32
          %shift_left3A_746 = vector.broadcast %shift_left3A_745 : i32 to vector<16xi32>
          %shift_left3A_747 = arith.shli %get3A_744, %shift_left3A_746 : vector<16xi32>
          %bitcast_convert_type3A_748 = tpu.bitcast %shift_left3A_747 : vector<16xi32> -> vector<16xf32>
          %add3A_749 = arith.addf %add3A_683, %bitcast_convert_type3A_748 : vector<16xf32>
          %and3A_750 = arith.constant -65536 : i32
          %and3A_751 = vector.broadcast %and3A_750 : i32 to vector<16xi32>
          %and3A_752 = arith.andi %get3A_744, %and3A_751 : vector<16xi32>
          %bitcast_convert_type3A_753 = tpu.bitcast %and3A_752 : vector<16xi32> -> vector<16xf32>
          %add3A_754 = arith.addf %add3A_688, %bitcast_convert_type3A_753 : vector<16xf32>
          %get3A_755 = arith.constant 2 : i32
          %get3A_756 = arith.index_cast %get3A_755 : i32 to index
          %get3A_757 = arith.index_cast %scan3A_738 : i32 to index
          %get3A_758 = arith.constant 16 : index
          %get3A_759 = tpu.vector_load %arg6[%get3A_756, %get3A_757, %get3A_758] {strides = array<i32>} : memref<4x200x64xi32, #tpu.memory_space<vmem>>, vector<1x1x16xi32>,
          %get3A_760 = vector.shape_cast %get3A_759 : vector<1x1x16xi32> to vector<16xi32>
          %shift_left3A_761 = arith.constant 16 : i32
          %shift_left3A_762 = vector.broadcast %shift_left3A_761 : i32 to vector<16xi32>
          %shift_left3A_763 = arith.shli %get3A_760, %shift_left3A_762 : vector<16xi32>
          %bitcast_convert_type3A_764 = tpu.bitcast %shift_left3A_763 : vector<16xi32> -> vector<16xf32>
          %add3A_765 = arith.addf %add3A_699, %bitcast_convert_type3A_764 : vector<16xf32>
          %and3A_766 = arith.constant -65536 : i32
          %and3A_767 = vector.broadcast %and3A_766 : i32 to vector<16xi32>
          %and3A_768 = arith.andi %get3A_760, %and3A_767 : vector<16xi32>
          %bitcast_convert_type3A_769 = tpu.bitcast %and3A_768 : vector<16xi32> -> vector<16xf32>
          %add3A_770 = arith.addf %add3A_704, %bitcast_convert_type3A_769 : vector<16xf32>
          %get3A_771 = arith.constant 2 : i32
          %get3A_772 = arith.index_cast %get3A_771 : i32 to index
          %get3A_773 = arith.index_cast %scan3A_738 : i32 to index
          %get3A_774 = arith.constant 32 : index
          %get3A_775 = tpu.vector_load %arg6[%get3A_772, %get3A_773, %get3A_774] {strides = array<i32>} : memref<4x200x64xi32, #tpu.memory_space<vmem>>, vector<1x1x16xi32>,
          %get3A_776 = vector.shape_cast %get3A_775 : vector<1x1x16xi32> to vector<16xi32>
          %shift_left3A_777 = arith.constant 16 : i32
          %shift_left3A_778 = vector.broadcast %shift_left3A_777 : i32 to vector<16xi32>
          %shift_left3A_779 = arith.shli %get3A_776, %shift_left3A_778 : vector<16xi32>
          %bitcast_convert_type3A_780 = tpu.bitcast %shift_left3A_779 : vector<16xi32> -> vector<16xf32>
          %add3A_781 = arith.addf %add3A_715, %bitcast_convert_type3A_780 : vector<16xf32>
          %and3A_782 = arith.constant -65536 : i32
          %and3A_783 = vector.broadcast %and3A_782 : i32 to vector<16xi32>
          %and3A_784 = arith.andi %get3A_776, %and3A_783 : vector<16xi32>
          %bitcast_convert_type3A_785 = tpu.bitcast %and3A_784 : vector<16xi32> -> vector<16xf32>
          %add3A_786 = arith.addf %add3A_720, %bitcast_convert_type3A_785 : vector<16xf32>
          %get3A_787 = arith.constant 2 : i32
          %get3A_788 = arith.index_cast %get3A_787 : i32 to index
          %get3A_789 = arith.index_cast %scan3A_738 : i32 to index
          %get3A_790 = arith.constant 48 : index
          %get3A_791 = tpu.vector_load %arg6[%get3A_788, %get3A_789, %get3A_790] {strides = array<i32>} : memref<4x200x64xi32, #tpu.memory_space<vmem>>, vector<1x1x16xi32>,
          %get3A_792 = vector.shape_cast %get3A_791 : vector<1x1x16xi32> to vector<16xi32>
          %shift_left3A_793 = arith.constant 16 : i32
          %shift_left3A_794 = vector.broadcast %shift_left3A_793 : i32 to vector<16xi32>
          %shift_left3A_795 = arith.shli %get3A_792, %shift_left3A_794 : vector<16xi32>
          %bitcast_convert_type3A_796 = tpu.bitcast %shift_left3A_795 : vector<16xi32> -> vector<16xf32>
          %add3A_797 = arith.addf %add3A_731, %bitcast_convert_type3A_796 : vector<16xf32>
          %and3A_798 = arith.constant -65536 : i32
          %and3A_799 = vector.broadcast %and3A_798 : i32 to vector<16xi32>
          %and3A_800 = arith.andi %get3A_792, %and3A_799 : vector<16xi32>
          %bitcast_convert_type3A_801 = tpu.bitcast %and3A_800 : vector<16xi32> -> vector<16xf32>
          %add3A_802 = arith.addf %add3A_736, %bitcast_convert_type3A_801 : vector<16xf32>
          %scan3A_803 = arith.constant 5 : i32
          %scan3A_804 = arith.addi %scan3A_470, %scan3A_803 : i32
          %get3A_805 = arith.constant 2 : i32
          %get3A_806 = arith.index_cast %get3A_805 : i32 to index
          %get3A_807 = arith.index_cast %scan3A_804 : i32 to index
          %get3A_808 = arith.constant 0 : index
          %get3A_809 = tpu.vector_load %arg6[%get3A_806, %get3A_807, %get3A_808] {strides = array<i32>} : memref<4x200x64xi32, #tpu.memory_space<vmem>>, vector<1x1x16xi32>,
          %get3A_810 = vector.shape_cast %get3A_809 : vector<1x1x16xi32> to vector<16xi32>
          %shift_left3A_811 = arith.constant 16 : i32
          %shift_left3A_812 = vector.broadcast %shift_left3A_811 : i32 to vector<16xi32>
          %shift_left3A_813 = arith.shli %get3A_810, %shift_left3A_812 : vector<16xi32>
          %bitcast_convert_type3A_814 = tpu.bitcast %shift_left3A_813 : vector<16xi32> -> vector<16xf32>
          %add3A_815 = arith.addf %add3A_749, %bitcast_convert_type3A_814 : vector<16xf32>
          %and3A_816 = arith.constant -65536 : i32
          %and3A_817 = vector.broadcast %and3A_816 : i32 to vector<16xi32>
          %and3A_818 = arith.andi %get3A_810, %and3A_817 : vector<16xi32>
          %bitcast_convert_type3A_819 = tpu.bitcast %and3A_818 : vector<16xi32> -> vector<16xf32>
          %add3A_820 = arith.addf %add3A_754, %bitcast_convert_type3A_819 : vector<16xf32>
          %get3A_821 = arith.constant 2 : i32
          %get3A_822 = arith.index_cast %get3A_821 : i32 to index
          %get3A_823 = arith.index_cast %scan3A_804 : i32 to index
          %get3A_824 = arith.constant 16 : index
          %get3A_825 = tpu.vector_load %arg6[%get3A_822, %get3A_823, %get3A_824] {strides = array<i32>} : memref<4x200x64xi32, #tpu.memory_space<vmem>>, vector<1x1x16xi32>,
          %get3A_826 = vector.shape_cast %get3A_825 : vector<1x1x16xi32> to vector<16xi32>
          %shift_left3A_827 = arith.constant 16 : i32
          %shift_left3A_828 = vector.broadcast %shift_left3A_827 : i32 to vector<16xi32>
          %shift_left3A_829 = arith.shli %get3A_826, %shift_left3A_828 : vector<16xi32>
          %bitcast_convert_type3A_830 = tpu.bitcast %shift_left3A_829 : vector<16xi32> -> vector<16xf32>
          %add3A_831 = arith.addf %add3A_765, %bitcast_convert_type3A_830 : vector<16xf32>
          %and3A_832 = arith.constant -65536 : i32
          %and3A_833 = vector.broadcast %and3A_832 : i32 to vector<16xi32>
          %and3A_834 = arith.andi %get3A_826, %and3A_833 : vector<16xi32>
          %bitcast_convert_type3A_835 = tpu.bitcast %and3A_834 : vector<16xi32> -> vector<16xf32>
          %add3A_836 = arith.addf %add3A_770, %bitcast_convert_type3A_835 : vector<16xf32>
          %get3A_837 = arith.constant 2 : i32
          %get3A_838 = arith.index_cast %get3A_837 : i32 to index
          %get3A_839 = arith.index_cast %scan3A_804 : i32 to index
          %get3A_840 = arith.constant 32 : index
          %get3A_841 = tpu.vector_load %arg6[%get3A_838, %get3A_839, %get3A_840] {strides = array<i32>} : memref<4x200x64xi32, #tpu.memory_space<vmem>>, vector<1x1x16xi32>,
          %get3A_842 = vector.shape_cast %get3A_841 : vector<1x1x16xi32> to vector<16xi32>
          %shift_left3A_843 = arith.constant 16 : i32
          %shift_left3A_844 = vector.broadcast %shift_left3A_843 : i32 to vector<16xi32>
          %shift_left3A_845 = arith.shli %get3A_842, %shift_left3A_844 : vector<16xi32>
          %bitcast_convert_type3A_846 = tpu.bitcast %shift_left3A_845 : vector<16xi32> -> vector<16xf32>
          %add3A_847 = arith.addf %add3A_781, %bitcast_convert_type3A_846 : vector<16xf32>
          %and3A_848 = arith.constant -65536 : i32
          %and3A_849 = vector.broadcast %and3A_848 : i32 to vector<16xi32>
          %and3A_850 = arith.andi %get3A_842, %and3A_849 : vector<16xi32>
          %bitcast_convert_type3A_851 = tpu.bitcast %and3A_850 : vector<16xi32> -> vector<16xf32>
          %add3A_852 = arith.addf %add3A_786, %bitcast_convert_type3A_851 : vector<16xf32>
          %get3A_853 = arith.constant 2 : i32
          %get3A_854 = arith.index_cast %get3A_853 : i32 to index
          %get3A_855 = arith.index_cast %scan3A_804 : i32 to index
          %get3A_856 = arith.constant 48 : index
          %get3A_857 = tpu.vector_load %arg6[%get3A_854, %get3A_855, %get3A_856] {strides = array<i32>} : memref<4x200x64xi32, #tpu.memory_space<vmem>>, vector<1x1x16xi32>,
          %get3A_858 = vector.shape_cast %get3A_857 : vector<1x1x16xi32> to vector<16xi32>
          %shift_left3A_859 = arith.constant 16 : i32
          %shift_left3A_860 = vector.broadcast %shift_left3A_859 : i32 to vector<16xi32>
          %shift_left3A_861 = arith.shli %get3A_858, %shift_left3A_860 : vector<16xi32>
          %bitcast_convert_type3A_862 = tpu.bitcast %shift_left3A_861 : vector<16xi32> -> vector<16xf32>
          %add3A_863 = arith.addf %add3A_797, %bitcast_convert_type3A_862 : vector<16xf32>
          %and3A_864 = arith.constant -65536 : i32
          %and3A_865 = vector.broadcast %and3A_864 : i32 to vector<16xi32>
          %and3A_866 = arith.andi %get3A_858, %and3A_865 : vector<16xi32>
          %bitcast_convert_type3A_867 = tpu.bitcast %and3A_866 : vector<16xi32> -> vector<16xf32>
          %add3A_868 = arith.addf %add3A_802, %bitcast_convert_type3A_867 : vector<16xf32>
          %scan3A_869 = arith.constant 6 : i32
          %scan3A_870 = arith.addi %scan3A_470, %scan3A_869 : i32
          %get3A_871 = arith.constant 2 : i32
          %get3A_872 = arith.index_cast %get3A_871 : i32 to index
          %get3A_873 = arith.index_cast %scan3A_870 : i32 to index
          %get3A_874 = arith.constant 0 : index
          %get3A_875 = tpu.vector_load %arg6[%get3A_872, %get3A_873, %get3A_874] {strides = array<i32>} : memref<4x200x64xi32, #tpu.memory_space<vmem>>, vector<1x1x16xi32>,
          %get3A_876 = vector.shape_cast %get3A_875 : vector<1x1x16xi32> to vector<16xi32>
          %shift_left3A_877 = arith.constant 16 : i32
          %shift_left3A_878 = vector.broadcast %shift_left3A_877 : i32 to vector<16xi32>
          %shift_left3A_879 = arith.shli %get3A_876, %shift_left3A_878 : vector<16xi32>
          %bitcast_convert_type3A_880 = tpu.bitcast %shift_left3A_879 : vector<16xi32> -> vector<16xf32>
          %add3A_881 = arith.addf %add3A_815, %bitcast_convert_type3A_880 : vector<16xf32>
          %and3A_882 = arith.constant -65536 : i32
          %and3A_883 = vector.broadcast %and3A_882 : i32 to vector<16xi32>
          %and3A_884 = arith.andi %get3A_876, %and3A_883 : vector<16xi32>
          %bitcast_convert_type3A_885 = tpu.bitcast %and3A_884 : vector<16xi32> -> vector<16xf32>
          %add3A_886 = arith.addf %add3A_820, %bitcast_convert_type3A_885 : vector<16xf32>
          %get3A_887 = arith.constant 2 : i32
          %get3A_888 = arith.index_cast %get3A_887 : i32 to index
          %get3A_889 = arith.index_cast %scan3A_870 : i32 to index
          %get3A_890 = arith.constant 16 : index
          %get3A_891 = tpu.vector_load %arg6[%get3A_888, %get3A_889, %get3A_890] {strides = array<i32>} : memref<4x200x64xi32, #tpu.memory_space<vmem>>, vector<1x1x16xi32>,
          %get3A_892 = vector.shape_cast %get3A_891 : vector<1x1x16xi32> to vector<16xi32>
          %shift_left3A_893 = arith.constant 16 : i32
          %shift_left3A_894 = vector.broadcast %shift_left3A_893 : i32 to vector<16xi32>
          %shift_left3A_895 = arith.shli %get3A_892, %shift_left3A_894 : vector<16xi32>
          %bitcast_convert_type3A_896 = tpu.bitcast %shift_left3A_895 : vector<16xi32> -> vector<16xf32>
          %add3A_897 = arith.addf %add3A_831, %bitcast_convert_type3A_896 : vector<16xf32>
          %and3A_898 = arith.constant -65536 : i32
          %and3A_899 = vector.broadcast %and3A_898 : i32 to vector<16xi32>
          %and3A_900 = arith.andi %get3A_892, %and3A_899 : vector<16xi32>
          %bitcast_convert_type3A_901 = tpu.bitcast %and3A_900 : vector<16xi32> -> vector<16xf32>
          %add3A_902 = arith.addf %add3A_836, %bitcast_convert_type3A_901 : vector<16xf32>
          %get3A_903 = arith.constant 2 : i32
          %get3A_904 = arith.index_cast %get3A_903 : i32 to index
          %get3A_905 = arith.index_cast %scan3A_870 : i32 to index
          %get3A_906 = arith.constant 32 : index
          %get3A_907 = tpu.vector_load %arg6[%get3A_904, %get3A_905, %get3A_906] {strides = array<i32>} : memref<4x200x64xi32, #tpu.memory_space<vmem>>, vector<1x1x16xi32>,
          %get3A_908 = vector.shape_cast %get3A_907 : vector<1x1x16xi32> to vector<16xi32>
          %shift_left3A_909 = arith.constant 16 : i32
          %shift_left3A_910 = vector.broadcast %shift_left3A_909 : i32 to vector<16xi32>
          %shift_left3A_911 = arith.shli %get3A_908, %shift_left3A_910 : vector<16xi32>
          %bitcast_convert_type3A_912 = tpu.bitcast %shift_left3A_911 : vector<16xi32> -> vector<16xf32>
          %add3A_913 = arith.addf %add3A_847, %bitcast_convert_type3A_912 : vector<16xf32>
          %and3A_914 = arith.constant -65536 : i32
          %and3A_915 = vector.broadcast %and3A_914 : i32 to vector<16xi32>
          %and3A_916 = arith.andi %get3A_908, %and3A_915 : vector<16xi32>
          %bitcast_convert_type3A_917 = tpu.bitcast %and3A_916 : vector<16xi32> -> vector<16xf32>
          %add3A_918 = arith.addf %add3A_852, %bitcast_convert_type3A_917 : vector<16xf32>
          %get3A_919 = arith.constant 2 : i32
          %get3A_920 = arith.index_cast %get3A_919 : i32 to index
          %get3A_921 = arith.index_cast %scan3A_870 : i32 to index
          %get3A_922 = arith.constant 48 : index
          %get3A_923 = tpu.vector_load %arg6[%get3A_920, %get3A_921, %get3A_922] {strides = array<i32>} : memref<4x200x64xi32, #tpu.memory_space<vmem>>, vector<1x1x16xi32>,
          %get3A_924 = vector.shape_cast %get3A_923 : vector<1x1x16xi32> to vector<16xi32>
          %shift_left3A_925 = arith.constant 16 : i32
          %shift_left3A_926 = vector.broadcast %shift_left3A_925 : i32 to vector<16xi32>
          %shift_left3A_927 = arith.shli %get3A_924, %shift_left3A_926 : vector<16xi32>
          %bitcast_convert_type3A_928 = tpu.bitcast %shift_left3A_927 : vector<16xi32> -> vector<16xf32>
          %add3A_929 = arith.addf %add3A_863, %bitcast_convert_type3A_928 : vector<16xf32>
          %and3A_930 = arith.constant -65536 : i32
          %and3A_931 = vector.broadcast %and3A_930 : i32 to vector<16xi32>
          %and3A_932 = arith.andi %get3A_924, %and3A_931 : vector<16xi32>
          %bitcast_convert_type3A_933 = tpu.bitcast %and3A_932 : vector<16xi32> -> vector<16xf32>
          %add3A_934 = arith.addf %add3A_868, %bitcast_convert_type3A_933 : vector<16xf32>
          %scan3A_935 = arith.constant 7 : i32
          %scan3A_936 = arith.addi %scan3A_470, %scan3A_935 : i32
          %get3A_937 = arith.constant 2 : i32
          %get3A_938 = arith.index_cast %get3A_937 : i32 to index
          %get3A_939 = arith.index_cast %scan3A_936 : i32 to index
          %get3A_940 = arith.constant 0 : index
          %get3A_941 = tpu.vector_load %arg6[%get3A_938, %get3A_939, %get3A_940] {strides = array<i32>} : memref<4x200x64xi32, #tpu.memory_space<vmem>>, vector<1x1x16xi32>,
          %get3A_942 = vector.shape_cast %get3A_941 : vector<1x1x16xi32> to vector<16xi32>
          %shift_left3A_943 = arith.constant 16 : i32
          %shift_left3A_944 = vector.broadcast %shift_left3A_943 : i32 to vector<16xi32>
          %shift_left3A_945 = arith.shli %get3A_942, %shift_left3A_944 : vector<16xi32>
          %bitcast_convert_type3A_946 = tpu.bitcast %shift_left3A_945 : vector<16xi32> -> vector<16xf32>
          %add3A_947 = arith.addf %add3A_881, %bitcast_convert_type3A_946 : vector<16xf32>
          %and3A_948 = arith.constant -65536 : i32
          %and3A_949 = vector.broadcast %and3A_948 : i32 to vector<16xi32>
          %and3A_950 = arith.andi %get3A_942, %and3A_949 : vector<16xi32>
          %bitcast_convert_type3A_951 = tpu.bitcast %and3A_950 : vector<16xi32> -> vector<16xf32>
          %add3A_952 = arith.addf %add3A_886, %bitcast_convert_type3A_951 : vector<16xf32>
          %get3A_953 = arith.constant 2 : i32
          %get3A_954 = arith.index_cast %get3A_953 : i32 to index
          %get3A_955 = arith.index_cast %scan3A_936 : i32 to index
          %get3A_956 = arith.constant 16 : index
          %get3A_957 = tpu.vector_load %arg6[%get3A_954, %get3A_955, %get3A_956] {strides = array<i32>} : memref<4x200x64xi32, #tpu.memory_space<vmem>>, vector<1x1x16xi32>,
          %get3A_958 = vector.shape_cast %get3A_957 : vector<1x1x16xi32> to vector<16xi32>
          %shift_left3A_959 = arith.constant 16 : i32
          %shift_left3A_960 = vector.broadcast %shift_left3A_959 : i32 to vector<16xi32>
          %shift_left3A_961 = arith.shli %get3A_958, %shift_left3A_960 : vector<16xi32>
          %bitcast_convert_type3A_962 = tpu.bitcast %shift_left3A_961 : vector<16xi32> -> vector<16xf32>
          %add3A_963 = arith.addf %add3A_897, %bitcast_convert_type3A_962 : vector<16xf32>
          %and3A_964 = arith.constant -65536 : i32
          %and3A_965 = vector.broadcast %and3A_964 : i32 to vector<16xi32>
          %and3A_966 = arith.andi %get3A_958, %and3A_965 : vector<16xi32>
          %bitcast_convert_type3A_967 = tpu.bitcast %and3A_966 : vector<16xi32> -> vector<16xf32>
          %add3A_968 = arith.addf %add3A_902, %bitcast_convert_type3A_967 : vector<16xf32>
          %get3A_969 = arith.constant 2 : i32
          %get3A_970 = arith.index_cast %get3A_969 : i32 to index
          %get3A_971 = arith.index_cast %scan3A_936 : i32 to index
          %get3A_972 = arith.constant 32 : index
          %get3A_973 = tpu.vector_load %arg6[%get3A_970, %get3A_971, %get3A_972] {strides = array<i32>} : memref<4x200x64xi32, #tpu.memory_space<vmem>>, vector<1x1x16xi32>,
          %get3A_974 = vector.shape_cast %get3A_973 : vector<1x1x16xi32> to vector<16xi32>
          %shift_left3A_975 = arith.constant 16 : i32
          %shift_left3A_976 = vector.broadcast %shift_left3A_975 : i32 to vector<16xi32>
          %shift_left3A_977 = arith.shli %get3A_974, %shift_left3A_976 : vector<16xi32>
          %bitcast_convert_type3A_978 = tpu.bitcast %shift_left3A_977 : vector<16xi32> -> vector<16xf32>
          %add3A_979 = arith.addf %add3A_913, %bitcast_convert_type3A_978 : vector<16xf32>
          %and3A_980 = arith.constant -65536 : i32
          %and3A_981 = vector.broadcast %and3A_980 : i32 to vector<16xi32>
          %and3A_982 = arith.andi %get3A_974, %and3A_981 : vector<16xi32>
          %bitcast_convert_type3A_983 = tpu.bitcast %and3A_982 : vector<16xi32> -> vector<16xf32>
          %add3A_984 = arith.addf %add3A_918, %bitcast_convert_type3A_983 : vector<16xf32>
          %get3A_985 = arith.constant 2 : i32
          %get3A_986 = arith.index_cast %get3A_985 : i32 to index
          %get3A_987 = arith.index_cast %scan3A_936 : i32 to index
          %get3A_988 = arith.constant 48 : index
          %get3A_989 = tpu.vector_load %arg6[%get3A_986, %get3A_987, %get3A_988] {strides = array<i32>} : memref<4x200x64xi32, #tpu.memory_space<vmem>>, vector<1x1x16xi32>,
          %get3A_990 = vector.shape_cast %get3A_989 : vector<1x1x16xi32> to vector<16xi32>
          %shift_left3A_991 = arith.constant 16 : i32
          %shift_left3A_992 = vector.broadcast %shift_left3A_991 : i32 to vector<16xi32>
          %shift_left3A_993 = arith.shli %get3A_990, %shift_left3A_992 : vector<16xi32>
          %bitcast_convert_type3A_994 = tpu.bitcast %shift_left3A_993 : vector<16xi32> -> vector<16xf32>
          %add3A_995 = arith.addf %add3A_929, %bitcast_convert_type3A_994 : vector<16xf32>
          %and3A_996 = arith.constant -65536 : i32
          %and3A_997 = vector.broadcast %and3A_996 : i32 to vector<16xi32>
          %and3A_998 = arith.andi %get3A_990, %and3A_997 : vector<16xi32>
          %bitcast_convert_type3A_999 = tpu.bitcast %and3A_998 : vector<16xi32> -> vector<16xf32>
          %add3A_1000 = arith.addf %add3A_934, %bitcast_convert_type3A_999 : vector<16xf32>
          scf.yield %add3A_947, %add3A_963, %add3A_979, %add3A_995, %add3A_952, %add3A_968, %add3A_984, %add3A_1000 : vector<16xf32>, vector<16xf32>, vector<16xf32>, vector<16xf32>, vector<16xf32>, vector<16xf32>, vector<16xf32>, vector<16xf32>
        }
        %scan3A_299 = arith.constant 200 : i32
        %mul3A_300 = arith.constant 5.000000e-03 : f32
        %mul3A_301 = vector.broadcast %mul3A_300 : f32 to vector<16xf32>
        %mul3A_302 = arith.mulf %scan3A_298#0, %mul3A_301 : vector<16xf32>
        %swap3A_303 = arith.index_cast %add3A_259 : i32 to index
        %swap3A_304 = arith.constant 0 : index
        %swap3A_305 = tpu.vector_load %arg7[%swap3A_303, %swap3A_304] {strides = array<i32>} : memref<64x128xf32, #tpu.memory_space<vmem>>, vector<1x16xf32>,
        %swap3A_306 = vector.shape_cast %swap3A_305 : vector<1x16xf32> to vector<16xf32>
        %swap3A_307 = vector.shape_cast %mul3A_302 : vector<16xf32> to vector<1x16xf32>
        tpu.vector_store %arg7[%swap3A_303, %swap3A_304], %swap3A_307 {strides = array<i32>} : memref<64x128xf32, #tpu.memory_space<vmem>>, vector<1x16xf32>,
        %mul3A_308 = arith.constant 5.000000e-03 : f32
        %mul3A_309 = vector.broadcast %mul3A_308 : f32 to vector<16xf32>
        %mul3A_310 = arith.mulf %scan3A_298#1, %mul3A_309 : vector<16xf32>
        %swap3A_311 = arith.index_cast %add3A_259 : i32 to index
        %swap3A_312 = arith.constant 16 : index
        %swap3A_313 = tpu.vector_load %arg7[%swap3A_311, %swap3A_312] {strides = array<i32>} : memref<64x128xf32, #tpu.memory_space<vmem>>, vector<1x16xf32>,
        %swap3A_314 = vector.shape_cast %swap3A_313 : vector<1x16xf32> to vector<16xf32>
        %swap3A_315 = vector.shape_cast %mul3A_310 : vector<16xf32> to vector<1x16xf32>
        tpu.vector_store %arg7[%swap3A_311, %swap3A_312], %swap3A_315 {strides = array<i32>} : memref<64x128xf32, #tpu.memory_space<vmem>>, vector<1x16xf32>,
        %mul3A_316 = arith.constant 5.000000e-03 : f32
        %mul3A_317 = vector.broadcast %mul3A_316 : f32 to vector<16xf32>
        %mul3A_318 = arith.mulf %scan3A_298#2, %mul3A_317 : vector<16xf32>
        %swap3A_319 = arith.index_cast %add3A_259 : i32 to index
        %swap3A_320 = arith.constant 32 : index
        %swap3A_321 = tpu.vector_load %arg7[%swap3A_319, %swap3A_320] {strides = array<i32>} : memref<64x128xf32, #tpu.memory_space<vmem>>, vector<1x16xf32>,
        %swap3A_322 = vector.shape_cast %swap3A_321 : vector<1x16xf32> to vector<16xf32>
        %swap3A_323 = vector.shape_cast %mul3A_318 : vector<16xf32> to vector<1x16xf32>
        tpu.vector_store %arg7[%swap3A_319, %swap3A_320], %swap3A_323 {strides = array<i32>} : memref<64x128xf32, #tpu.memory_space<vmem>>, vector<1x16xf32>,
        %mul3A_324 = arith.constant 5.000000e-03 : f32
        %mul3A_325 = vector.broadcast %mul3A_324 : f32 to vector<16xf32>
        %mul3A_326 = arith.mulf %scan3A_298#3, %mul3A_325 : vector<16xf32>
        %swap3A_327 = arith.index_cast %add3A_259 : i32 to index
        %swap3A_328 = arith.constant 48 : index
        %swap3A_329 = tpu.vector_load %arg7[%swap3A_327, %swap3A_328] {strides = array<i32>} : memref<64x128xf32, #tpu.memory_space<vmem>>, vector<1x16xf32>,
        %swap3A_330 = vector.shape_cast %swap3A_329 : vector<1x16xf32> to vector<16xf32>
        %swap3A_331 = vector.shape_cast %mul3A_326 : vector<16xf32> to vector<1x16xf32>
        tpu.vector_store %arg7[%swap3A_327, %swap3A_328], %swap3A_331 {strides = array<i32>} : memref<64x128xf32, #tpu.memory_space<vmem>>, vector<1x16xf32>,
        %mul3A_332 = arith.constant 5.000000e-03 : f32
        %mul3A_333 = vector.broadcast %mul3A_332 : f32 to vector<16xf32>
        %mul3A_334 = arith.mulf %scan3A_298#4, %mul3A_333 : vector<16xf32>
        %swap3A_335 = arith.index_cast %add3A_259 : i32 to index
        %swap3A_336 = arith.constant 64 : index
        %swap3A_337 = tpu.vector_load %arg7[%swap3A_335, %swap3A_336] {strides = array<i32>} : memref<64x128xf32, #tpu.memory_space<vmem>>, vector<1x16xf32>,
        %swap3A_338 = vector.shape_cast %swap3A_337 : vector<1x16xf32> to vector<16xf32>
        %swap3A_339 = vector.shape_cast %mul3A_334 : vector<16xf32> to vector<1x16xf32>
        tpu.vector_store %arg7[%swap3A_335, %swap3A_336], %swap3A_339 {strides = array<i32>} : memref<64x128xf32, #tpu.memory_space<vmem>>, vector<1x16xf32>,
        %mul3A_340 = arith.constant 5.000000e-03 : f32
        %mul3A_341 = vector.broadcast %mul3A_340 : f32 to vector<16xf32>
        %mul3A_342 = arith.mulf %scan3A_298#5, %mul3A_341 : vector<16xf32>
        %swap3A_343 = arith.index_cast %add3A_259 : i32 to index
        %swap3A_344 = arith.constant 80 : index
        %swap3A_345 = tpu.vector_load %arg7[%swap3A_343, %swap3A_344] {strides = array<i32>} : memref<64x128xf32, #tpu.memory_space<vmem>>, vector<1x16xf32>,
        %swap3A_346 = vector.shape_cast %swap3A_345 : vector<1x16xf32> to vector<16xf32>
        %swap3A_347 = vector.shape_cast %mul3A_342 : vector<16xf32> to vector<1x16xf32>
        tpu.vector_store %arg7[%swap3A_343, %swap3A_344], %swap3A_347 {strides = array<i32>} : memref<64x128xf32, #tpu.memory_space<vmem>>, vector<1x16xf32>,
        %mul3A_348 = arith.constant 5.000000e-03 : f32
        %mul3A_349 = vector.broadcast %mul3A_348 : f32 to vector<16xf32>
        %mul3A_350 = arith.mulf %scan3A_298#6, %mul3A_349 : vector<16xf32>
        %swap3A_351 = arith.index_cast %add3A_259 : i32 to index
        %swap3A_352 = arith.constant 96 : index
        %swap3A_353 = tpu.vector_load %arg7[%swap3A_351, %swap3A_352] {strides = array<i32>} : memref<64x128xf32, #tpu.memory_space<vmem>>, vector<1x16xf32>,
        %swap3A_354 = vector.shape_cast %swap3A_353 : vector<1x16xf32> to vector<16xf32>
        %swap3A_355 = vector.shape_cast %mul3A_350 : vector<16xf32> to vector<1x16xf32>
        tpu.vector_store %arg7[%swap3A_351, %swap3A_352], %swap3A_355 {strides = array<i32>} : memref<64x128xf32, #tpu.memory_space<vmem>>, vector<1x16xf32>,
        %mul3A_356 = arith.constant 5.000000e-03 : f32
        %mul3A_357 = vector.broadcast %mul3A_356 : f32 to vector<16xf32>
        %mul3A_358 = arith.mulf %scan3A_298#7, %mul3A_357 : vector<16xf32>
        %swap3A_359 = arith.index_cast %add3A_259 : i32 to index
        %swap3A_360 = arith.constant 112 : index
        %swap3A_361 = tpu.vector_load %arg7[%swap3A_359, %swap3A_360] {strides = array<i32>} : memref<64x128xf32, #tpu.memory_space<vmem>>, vector<1x16xf32>,
        %swap3A_362 = vector.shape_cast %swap3A_361 : vector<1x16xf32> to vector<16xf32>
        %swap3A_363 = vector.shape_cast %mul3A_358 : vector<16xf32> to vector<1x16xf32>
        tpu.vector_store %arg7[%swap3A_359, %swap3A_360], %swap3A_363 {strides = array<i32>} : memref<64x128xf32, #tpu.memory_space<vmem>>, vector<1x16xf32>,
        %add3A_364 = arith.constant 3 : i32
        %add3A_365 = arith.addi %mul3A_51, %add3A_364 : i32
        %add3A_366 = arith.constant 3 : i32
        %add3A_367 = arith.addi %add3A_365, %add3A_366 : i32
        %lt3A_368 = arith.constant 64 : i32
        %lt3A_369 = arith.cmpi slt, %add3A_367, %lt3A_368 : i32
        %convert_element_type3A_370 = arith.extui %lt3A_369 : i1 to i32
        %cond3A_371 = arith.constant 0 : i32
        %cond3A_372 = arith.cmpi ne, %convert_element_type3A_370, %cond3A_371 : i32
        scf.if %cond3A_372 {
          %add3A_470 = arith.constant 3 : i32
          %add3A_471 = arith.addi %add3A_365, %add3A_470 : i32
          %mul3A_472 = arith.constant 200 : i32
          %mul3A_473 = arith.muli %add3A_471, %mul3A_472 : i32
          %dma_start3A_474 = arith.constant 2 : i32
          %dma_start3A_475 = arith.constant 0 : i32
          %dma_start3A_476 = arith.constant 0 : i32
          %dma_start3A_477 = tpu.memref_slice %arg6[%dma_start3A_474, %dma_start3A_475, %dma_start3A_476] : memref<4x200x64xi32, #tpu.memory_space<vmem>> -> memref<1x200x64xi32, #tpu.memory_space<vmem>>
          %dma_start3A_478 = tpu.memref_squeeze %dma_start3A_477 : memref<1x200x64xi32, #tpu.memory_space<vmem>> -> memref<200x64xi32, #tpu.memory_space<vmem>>
          %dma_start3A_479 = tpu.memref_slice %arg5[%mul3A_473] : memref<12800xi32, #tpu.memory_space<vmem>> -> memref<200xi32, #tpu.memory_space<vmem>>
          %dma_start3A_480 = arith.constant 0 : i32
          %dma_start3A_481 = arith.constant 0 : i32
          %dma_start3A_482 = tpu.memref_slice %arg3[%dma_start3A_480, %dma_start3A_481] : memref<100000x64xi32, #tpu.memory_space<hbm>> -> memref<100000x64xi32, #tpu.memory_space<hbm>>
          tpu.enqueue_indirect_dma source(%dma_start3A_482 : memref<100000x64xi32, #tpu.memory_space<hbm>>) target(%dma_start3A_478 : memref<200x64xi32, #tpu.memory_space<vmem>>) offsets(%dma_start3A_479 : memref<200xi32, #tpu.memory_space<vmem>>) semaphore(%arg10 : memref<!tpu.dma_semaphore, #tpu.memory_space<semaphore_mem>>)
        } else {
        }
        %mul3A_373 = arith.constant 200 : i32
        %mul3A_374 = arith.muli %add3A_365, %mul3A_373 : i32
        %dma_wait3A_375 = arith.constant 3 : i32
        %dma_wait3A_376 = arith.constant 0 : i32
        %dma_wait3A_377 = arith.constant 0 : i32
        %dma_wait3A_378 = tpu.memref_slice %arg6[%dma_wait3A_375, %dma_wait3A_376, %dma_wait3A_377] : memref<4x200x64xi32, #tpu.memory_space<vmem>> -> memref<1x200x64xi32, #tpu.memory_space<vmem>>
        %dma_wait3A_379 = tpu.memref_squeeze %dma_wait3A_378 : memref<1x200x64xi32, #tpu.memory_space<vmem>> -> memref<200x64xi32, #tpu.memory_space<vmem>>
        %dma_wait3A_380 = tpu.memref_slice %arg5[%mul3A_374] : memref<12800xi32, #tpu.memory_space<vmem>> -> memref<200xi32, #tpu.memory_space<vmem>>
        %dma_wait3A_381 = arith.constant 0 : i32
        %dma_wait3A_382 = arith.constant 0 : i32
        %dma_wait3A_383 = tpu.memref_slice %arg3[%dma_wait3A_381, %dma_wait3A_382] : memref<100000x64xi32, #tpu.memory_space<hbm>> -> memref<100000x64xi32, #tpu.memory_space<hbm>>
        tpu.wait_indirect_dma semaphore(%arg11 : memref<!tpu.dma_semaphore, #tpu.memory_space<semaphore_mem>>) src(%dma_wait3A_383 : memref<100000x64xi32, #tpu.memory_space<hbm>>) dst(%dma_wait3A_379 : memref<200x64xi32, #tpu.memory_space<vmem>>)
        %broadcast_in_dim3A_384 = arith.constant 0.000000e+00 : f32
        %broadcast_in_dim3A_385 = vector.broadcast %broadcast_in_dim3A_384 : f32 to vector<16xf32>
        %broadcast_in_dim3A_386 = arith.constant 0.000000e+00 : f32
        %broadcast_in_dim3A_387 = vector.broadcast %broadcast_in_dim3A_386 : f32 to vector<16xf32>
        %broadcast_in_dim3A_388 = arith.constant 0.000000e+00 : f32
        %broadcast_in_dim3A_389 = vector.broadcast %broadcast_in_dim3A_388 : f32 to vector<16xf32>
        %broadcast_in_dim3A_390 = arith.constant 0.000000e+00 : f32
        %broadcast_in_dim3A_391 = vector.broadcast %broadcast_in_dim3A_390 : f32 to vector<16xf32>
        %broadcast_in_dim3A_392 = arith.constant 0.000000e+00 : f32
        %broadcast_in_dim3A_393 = vector.broadcast %broadcast_in_dim3A_392 : f32 to vector<16xf32>
        %broadcast_in_dim3A_394 = arith.constant 0.000000e+00 : f32
        %broadcast_in_dim3A_395 = vector.broadcast %broadcast_in_dim3A_394 : f32 to vector<16xf32>
        %broadcast_in_dim3A_396 = arith.constant 0.000000e+00 : f32
        %broadcast_in_dim3A_397 = vector.broadcast %broadcast_in_dim3A_396 : f32 to vector<16xf32>
        %broadcast_in_dim3A_398 = arith.constant 0.000000e+00 : f32
        %broadcast_in_dim3A_399 = vector.broadcast %broadcast_in_dim3A_398 : f32 to vector<16xf32>
        %scan3A_400 = arith.constant 0 : i32
        %scan3A_401 = arith.constant 200 : i32
        %scan3A_402 = arith.addi %scan3A_400, %scan3A_401 : i32
        %scan3A_403 = arith.constant 8 : i32
        %scan3A_404:8 = scf.for %scan3A_470 = %scan3A_400 to %scan3A_402 step %scan3A_403 iter_args(%scan3A_471 = %broadcast_in_dim3A_385, %scan3A_472 = %broadcast_in_dim3A_387, %scan3A_473 = %broadcast_in_dim3A_389, %scan3A_474 = %broadcast_in_dim3A_391, %scan3A_475 = %broadcast_in_dim3A_393, %scan3A_476 = %broadcast_in_dim3A_395, %scan3A_477 = %broadcast_in_dim3A_397, %scan3A_478 = %broadcast_in_dim3A_399) -> (vector<16xf32>, vector<16xf32>, vector<16xf32>, vector<16xf32>, vector<16xf32>, vector<16xf32>, vector<16xf32>, vector<16xf32>)  : i32 {
          %get3A = arith.constant 3 : i32
          %get3A_479 = arith.index_cast %get3A : i32 to index
          %get3A_480 = arith.index_cast %scan3A_470 : i32 to index
          %get3A_481 = arith.constant 0 : index
          %get3A_482 = tpu.vector_load %arg6[%get3A_479, %get3A_480, %get3A_481] {strides = array<i32>} : memref<4x200x64xi32, #tpu.memory_space<vmem>>, vector<1x1x16xi32>,
          %get3A_483 = vector.shape_cast %get3A_482 : vector<1x1x16xi32> to vector<16xi32>
          %shift_left3A = arith.constant 16 : i32
          %shift_left3A_484 = vector.broadcast %shift_left3A : i32 to vector<16xi32>
          %shift_left3A_485 = arith.shli %get3A_483, %shift_left3A_484 : vector<16xi32>
          %bitcast_convert_type3A = tpu.bitcast %shift_left3A_485 : vector<16xi32> -> vector<16xf32>
          %add3A_486 = arith.addf %scan3A_471, %bitcast_convert_type3A : vector<16xf32>
          %and3A = arith.constant -65536 : i32
          %and3A_487 = vector.broadcast %and3A : i32 to vector<16xi32>
          %and3A_488 = arith.andi %get3A_483, %and3A_487 : vector<16xi32>
          %bitcast_convert_type3A_489 = tpu.bitcast %and3A_488 : vector<16xi32> -> vector<16xf32>
          %add3A_490 = arith.addf %scan3A_475, %bitcast_convert_type3A_489 : vector<16xf32>
          %get3A_491 = arith.constant 3 : i32
          %get3A_492 = arith.index_cast %get3A_491 : i32 to index
          %get3A_493 = arith.index_cast %scan3A_470 : i32 to index
          %get3A_494 = arith.constant 16 : index
          %get3A_495 = tpu.vector_load %arg6[%get3A_492, %get3A_493, %get3A_494] {strides = array<i32>} : memref<4x200x64xi32, #tpu.memory_space<vmem>>, vector<1x1x16xi32>,
          %get3A_496 = vector.shape_cast %get3A_495 : vector<1x1x16xi32> to vector<16xi32>
          %shift_left3A_497 = arith.constant 16 : i32
          %shift_left3A_498 = vector.broadcast %shift_left3A_497 : i32 to vector<16xi32>
          %shift_left3A_499 = arith.shli %get3A_496, %shift_left3A_498 : vector<16xi32>
          %bitcast_convert_type3A_500 = tpu.bitcast %shift_left3A_499 : vector<16xi32> -> vector<16xf32>
          %add3A_501 = arith.addf %scan3A_472, %bitcast_convert_type3A_500 : vector<16xf32>
          %and3A_502 = arith.constant -65536 : i32
          %and3A_503 = vector.broadcast %and3A_502 : i32 to vector<16xi32>
          %and3A_504 = arith.andi %get3A_496, %and3A_503 : vector<16xi32>
          %bitcast_convert_type3A_505 = tpu.bitcast %and3A_504 : vector<16xi32> -> vector<16xf32>
          %add3A_506 = arith.addf %scan3A_476, %bitcast_convert_type3A_505 : vector<16xf32>
          %get3A_507 = arith.constant 3 : i32
          %get3A_508 = arith.index_cast %get3A_507 : i32 to index
          %get3A_509 = arith.index_cast %scan3A_470 : i32 to index
          %get3A_510 = arith.constant 32 : index
          %get3A_511 = tpu.vector_load %arg6[%get3A_508, %get3A_509, %get3A_510] {strides = array<i32>} : memref<4x200x64xi32, #tpu.memory_space<vmem>>, vector<1x1x16xi32>,
          %get3A_512 = vector.shape_cast %get3A_511 : vector<1x1x16xi32> to vector<16xi32>
          %shift_left3A_513 = arith.constant 16 : i32
          %shift_left3A_514 = vector.broadcast %shift_left3A_513 : i32 to vector<16xi32>
          %shift_left3A_515 = arith.shli %get3A_512, %shift_left3A_514 : vector<16xi32>
          %bitcast_convert_type3A_516 = tpu.bitcast %shift_left3A_515 : vector<16xi32> -> vector<16xf32>
          %add3A_517 = arith.addf %scan3A_473, %bitcast_convert_type3A_516 : vector<16xf32>
          %and3A_518 = arith.constant -65536 : i32
          %and3A_519 = vector.broadcast %and3A_518 : i32 to vector<16xi32>
          %and3A_520 = arith.andi %get3A_512, %and3A_519 : vector<16xi32>
          %bitcast_convert_type3A_521 = tpu.bitcast %and3A_520 : vector<16xi32> -> vector<16xf32>
          %add3A_522 = arith.addf %scan3A_477, %bitcast_convert_type3A_521 : vector<16xf32>
          %get3A_523 = arith.constant 3 : i32
          %get3A_524 = arith.index_cast %get3A_523 : i32 to index
          %get3A_525 = arith.index_cast %scan3A_470 : i32 to index
          %get3A_526 = arith.constant 48 : index
          %get3A_527 = tpu.vector_load %arg6[%get3A_524, %get3A_525, %get3A_526] {strides = array<i32>} : memref<4x200x64xi32, #tpu.memory_space<vmem>>, vector<1x1x16xi32>,
          %get3A_528 = vector.shape_cast %get3A_527 : vector<1x1x16xi32> to vector<16xi32>
          %shift_left3A_529 = arith.constant 16 : i32
          %shift_left3A_530 = vector.broadcast %shift_left3A_529 : i32 to vector<16xi32>
          %shift_left3A_531 = arith.shli %get3A_528, %shift_left3A_530 : vector<16xi32>
          %bitcast_convert_type3A_532 = tpu.bitcast %shift_left3A_531 : vector<16xi32> -> vector<16xf32>
          %add3A_533 = arith.addf %scan3A_474, %bitcast_convert_type3A_532 : vector<16xf32>
          %and3A_534 = arith.constant -65536 : i32
          %and3A_535 = vector.broadcast %and3A_534 : i32 to vector<16xi32>
          %and3A_536 = arith.andi %get3A_528, %and3A_535 : vector<16xi32>
          %bitcast_convert_type3A_537 = tpu.bitcast %and3A_536 : vector<16xi32> -> vector<16xf32>
          %add3A_538 = arith.addf %scan3A_478, %bitcast_convert_type3A_537 : vector<16xf32>
          %scan3A_539 = arith.constant 1 : i32
          %scan3A_540 = arith.addi %scan3A_470, %scan3A_539 : i32
          %get3A_541 = arith.constant 3 : i32
          %get3A_542 = arith.index_cast %get3A_541 : i32 to index
          %get3A_543 = arith.index_cast %scan3A_540 : i32 to index
          %get3A_544 = arith.constant 0 : index
          %get3A_545 = tpu.vector_load %arg6[%get3A_542, %get3A_543, %get3A_544] {strides = array<i32>} : memref<4x200x64xi32, #tpu.memory_space<vmem>>, vector<1x1x16xi32>,
          %get3A_546 = vector.shape_cast %get3A_545 : vector<1x1x16xi32> to vector<16xi32>
          %shift_left3A_547 = arith.constant 16 : i32
          %shift_left3A_548 = vector.broadcast %shift_left3A_547 : i32 to vector<16xi32>
          %shift_left3A_549 = arith.shli %get3A_546, %shift_left3A_548 : vector<16xi32>
          %bitcast_convert_type3A_550 = tpu.bitcast %shift_left3A_549 : vector<16xi32> -> vector<16xf32>
          %add3A_551 = arith.addf %add3A_486, %bitcast_convert_type3A_550 : vector<16xf32>
          %and3A_552 = arith.constant -65536 : i32
          %and3A_553 = vector.broadcast %and3A_552 : i32 to vector<16xi32>
          %and3A_554 = arith.andi %get3A_546, %and3A_553 : vector<16xi32>
          %bitcast_convert_type3A_555 = tpu.bitcast %and3A_554 : vector<16xi32> -> vector<16xf32>
          %add3A_556 = arith.addf %add3A_490, %bitcast_convert_type3A_555 : vector<16xf32>
          %get3A_557 = arith.constant 3 : i32
          %get3A_558 = arith.index_cast %get3A_557 : i32 to index
          %get3A_559 = arith.index_cast %scan3A_540 : i32 to index
          %get3A_560 = arith.constant 16 : index
          %get3A_561 = tpu.vector_load %arg6[%get3A_558, %get3A_559, %get3A_560] {strides = array<i32>} : memref<4x200x64xi32, #tpu.memory_space<vmem>>, vector<1x1x16xi32>,
          %get3A_562 = vector.shape_cast %get3A_561 : vector<1x1x16xi32> to vector<16xi32>
          %shift_left3A_563 = arith.constant 16 : i32
          %shift_left3A_564 = vector.broadcast %shift_left3A_563 : i32 to vector<16xi32>
          %shift_left3A_565 = arith.shli %get3A_562, %shift_left3A_564 : vector<16xi32>
          %bitcast_convert_type3A_566 = tpu.bitcast %shift_left3A_565 : vector<16xi32> -> vector<16xf32>
          %add3A_567 = arith.addf %add3A_501, %bitcast_convert_type3A_566 : vector<16xf32>
          %and3A_568 = arith.constant -65536 : i32
          %and3A_569 = vector.broadcast %and3A_568 : i32 to vector<16xi32>
          %and3A_570 = arith.andi %get3A_562, %and3A_569 : vector<16xi32>
          %bitcast_convert_type3A_571 = tpu.bitcast %and3A_570 : vector<16xi32> -> vector<16xf32>
          %add3A_572 = arith.addf %add3A_506, %bitcast_convert_type3A_571 : vector<16xf32>
          %get3A_573 = arith.constant 3 : i32
          %get3A_574 = arith.index_cast %get3A_573 : i32 to index
          %get3A_575 = arith.index_cast %scan3A_540 : i32 to index
          %get3A_576 = arith.constant 32 : index
          %get3A_577 = tpu.vector_load %arg6[%get3A_574, %get3A_575, %get3A_576] {strides = array<i32>} : memref<4x200x64xi32, #tpu.memory_space<vmem>>, vector<1x1x16xi32>,
          %get3A_578 = vector.shape_cast %get3A_577 : vector<1x1x16xi32> to vector<16xi32>
          %shift_left3A_579 = arith.constant 16 : i32
          %shift_left3A_580 = vector.broadcast %shift_left3A_579 : i32 to vector<16xi32>
          %shift_left3A_581 = arith.shli %get3A_578, %shift_left3A_580 : vector<16xi32>
          %bitcast_convert_type3A_582 = tpu.bitcast %shift_left3A_581 : vector<16xi32> -> vector<16xf32>
          %add3A_583 = arith.addf %add3A_517, %bitcast_convert_type3A_582 : vector<16xf32>
          %and3A_584 = arith.constant -65536 : i32
          %and3A_585 = vector.broadcast %and3A_584 : i32 to vector<16xi32>
          %and3A_586 = arith.andi %get3A_578, %and3A_585 : vector<16xi32>
          %bitcast_convert_type3A_587 = tpu.bitcast %and3A_586 : vector<16xi32> -> vector<16xf32>
          %add3A_588 = arith.addf %add3A_522, %bitcast_convert_type3A_587 : vector<16xf32>
          %get3A_589 = arith.constant 3 : i32
          %get3A_590 = arith.index_cast %get3A_589 : i32 to index
          %get3A_591 = arith.index_cast %scan3A_540 : i32 to index
          %get3A_592 = arith.constant 48 : index
          %get3A_593 = tpu.vector_load %arg6[%get3A_590, %get3A_591, %get3A_592] {strides = array<i32>} : memref<4x200x64xi32, #tpu.memory_space<vmem>>, vector<1x1x16xi32>,
          %get3A_594 = vector.shape_cast %get3A_593 : vector<1x1x16xi32> to vector<16xi32>
          %shift_left3A_595 = arith.constant 16 : i32
          %shift_left3A_596 = vector.broadcast %shift_left3A_595 : i32 to vector<16xi32>
          %shift_left3A_597 = arith.shli %get3A_594, %shift_left3A_596 : vector<16xi32>
          %bitcast_convert_type3A_598 = tpu.bitcast %shift_left3A_597 : vector<16xi32> -> vector<16xf32>
          %add3A_599 = arith.addf %add3A_533, %bitcast_convert_type3A_598 : vector<16xf32>
          %and3A_600 = arith.constant -65536 : i32
          %and3A_601 = vector.broadcast %and3A_600 : i32 to vector<16xi32>
          %and3A_602 = arith.andi %get3A_594, %and3A_601 : vector<16xi32>
          %bitcast_convert_type3A_603 = tpu.bitcast %and3A_602 : vector<16xi32> -> vector<16xf32>
          %add3A_604 = arith.addf %add3A_538, %bitcast_convert_type3A_603 : vector<16xf32>
          %scan3A_605 = arith.constant 2 : i32
          %scan3A_606 = arith.addi %scan3A_470, %scan3A_605 : i32
          %get3A_607 = arith.constant 3 : i32
          %get3A_608 = arith.index_cast %get3A_607 : i32 to index
          %get3A_609 = arith.index_cast %scan3A_606 : i32 to index
          %get3A_610 = arith.constant 0 : index
          %get3A_611 = tpu.vector_load %arg6[%get3A_608, %get3A_609, %get3A_610] {strides = array<i32>} : memref<4x200x64xi32, #tpu.memory_space<vmem>>, vector<1x1x16xi32>,
          %get3A_612 = vector.shape_cast %get3A_611 : vector<1x1x16xi32> to vector<16xi32>
          %shift_left3A_613 = arith.constant 16 : i32
          %shift_left3A_614 = vector.broadcast %shift_left3A_613 : i32 to vector<16xi32>
          %shift_left3A_615 = arith.shli %get3A_612, %shift_left3A_614 : vector<16xi32>
          %bitcast_convert_type3A_616 = tpu.bitcast %shift_left3A_615 : vector<16xi32> -> vector<16xf32>
          %add3A_617 = arith.addf %add3A_551, %bitcast_convert_type3A_616 : vector<16xf32>
          %and3A_618 = arith.constant -65536 : i32
          %and3A_619 = vector.broadcast %and3A_618 : i32 to vector<16xi32>
          %and3A_620 = arith.andi %get3A_612, %and3A_619 : vector<16xi32>
          %bitcast_convert_type3A_621 = tpu.bitcast %and3A_620 : vector<16xi32> -> vector<16xf32>
          %add3A_622 = arith.addf %add3A_556, %bitcast_convert_type3A_621 : vector<16xf32>
          %get3A_623 = arith.constant 3 : i32
          %get3A_624 = arith.index_cast %get3A_623 : i32 to index
          %get3A_625 = arith.index_cast %scan3A_606 : i32 to index
          %get3A_626 = arith.constant 16 : index
          %get3A_627 = tpu.vector_load %arg6[%get3A_624, %get3A_625, %get3A_626] {strides = array<i32>} : memref<4x200x64xi32, #tpu.memory_space<vmem>>, vector<1x1x16xi32>,
          %get3A_628 = vector.shape_cast %get3A_627 : vector<1x1x16xi32> to vector<16xi32>
          %shift_left3A_629 = arith.constant 16 : i32
          %shift_left3A_630 = vector.broadcast %shift_left3A_629 : i32 to vector<16xi32>
          %shift_left3A_631 = arith.shli %get3A_628, %shift_left3A_630 : vector<16xi32>
          %bitcast_convert_type3A_632 = tpu.bitcast %shift_left3A_631 : vector<16xi32> -> vector<16xf32>
          %add3A_633 = arith.addf %add3A_567, %bitcast_convert_type3A_632 : vector<16xf32>
          %and3A_634 = arith.constant -65536 : i32
          %and3A_635 = vector.broadcast %and3A_634 : i32 to vector<16xi32>
          %and3A_636 = arith.andi %get3A_628, %and3A_635 : vector<16xi32>
          %bitcast_convert_type3A_637 = tpu.bitcast %and3A_636 : vector<16xi32> -> vector<16xf32>
          %add3A_638 = arith.addf %add3A_572, %bitcast_convert_type3A_637 : vector<16xf32>
          %get3A_639 = arith.constant 3 : i32
          %get3A_640 = arith.index_cast %get3A_639 : i32 to index
          %get3A_641 = arith.index_cast %scan3A_606 : i32 to index
          %get3A_642 = arith.constant 32 : index
          %get3A_643 = tpu.vector_load %arg6[%get3A_640, %get3A_641, %get3A_642] {strides = array<i32>} : memref<4x200x64xi32, #tpu.memory_space<vmem>>, vector<1x1x16xi32>,
          %get3A_644 = vector.shape_cast %get3A_643 : vector<1x1x16xi32> to vector<16xi32>
          %shift_left3A_645 = arith.constant 16 : i32
          %shift_left3A_646 = vector.broadcast %shift_left3A_645 : i32 to vector<16xi32>
          %shift_left3A_647 = arith.shli %get3A_644, %shift_left3A_646 : vector<16xi32>
          %bitcast_convert_type3A_648 = tpu.bitcast %shift_left3A_647 : vector<16xi32> -> vector<16xf32>
          %add3A_649 = arith.addf %add3A_583, %bitcast_convert_type3A_648 : vector<16xf32>
          %and3A_650 = arith.constant -65536 : i32
          %and3A_651 = vector.broadcast %and3A_650 : i32 to vector<16xi32>
          %and3A_652 = arith.andi %get3A_644, %and3A_651 : vector<16xi32>
          %bitcast_convert_type3A_653 = tpu.bitcast %and3A_652 : vector<16xi32> -> vector<16xf32>
          %add3A_654 = arith.addf %add3A_588, %bitcast_convert_type3A_653 : vector<16xf32>
          %get3A_655 = arith.constant 3 : i32
          %get3A_656 = arith.index_cast %get3A_655 : i32 to index
          %get3A_657 = arith.index_cast %scan3A_606 : i32 to index
          %get3A_658 = arith.constant 48 : index
          %get3A_659 = tpu.vector_load %arg6[%get3A_656, %get3A_657, %get3A_658] {strides = array<i32>} : memref<4x200x64xi32, #tpu.memory_space<vmem>>, vector<1x1x16xi32>,
          %get3A_660 = vector.shape_cast %get3A_659 : vector<1x1x16xi32> to vector<16xi32>
          %shift_left3A_661 = arith.constant 16 : i32
          %shift_left3A_662 = vector.broadcast %shift_left3A_661 : i32 to vector<16xi32>
          %shift_left3A_663 = arith.shli %get3A_660, %shift_left3A_662 : vector<16xi32>
          %bitcast_convert_type3A_664 = tpu.bitcast %shift_left3A_663 : vector<16xi32> -> vector<16xf32>
          %add3A_665 = arith.addf %add3A_599, %bitcast_convert_type3A_664 : vector<16xf32>
          %and3A_666 = arith.constant -65536 : i32
          %and3A_667 = vector.broadcast %and3A_666 : i32 to vector<16xi32>
          %and3A_668 = arith.andi %get3A_660, %and3A_667 : vector<16xi32>
          %bitcast_convert_type3A_669 = tpu.bitcast %and3A_668 : vector<16xi32> -> vector<16xf32>
          %add3A_670 = arith.addf %add3A_604, %bitcast_convert_type3A_669 : vector<16xf32>
          %scan3A_671 = arith.constant 3 : i32
          %scan3A_672 = arith.addi %scan3A_470, %scan3A_671 : i32
          %get3A_673 = arith.constant 3 : i32
          %get3A_674 = arith.index_cast %get3A_673 : i32 to index
          %get3A_675 = arith.index_cast %scan3A_672 : i32 to index
          %get3A_676 = arith.constant 0 : index
          %get3A_677 = tpu.vector_load %arg6[%get3A_674, %get3A_675, %get3A_676] {strides = array<i32>} : memref<4x200x64xi32, #tpu.memory_space<vmem>>, vector<1x1x16xi32>,
          %get3A_678 = vector.shape_cast %get3A_677 : vector<1x1x16xi32> to vector<16xi32>
          %shift_left3A_679 = arith.constant 16 : i32
          %shift_left3A_680 = vector.broadcast %shift_left3A_679 : i32 to vector<16xi32>
          %shift_left3A_681 = arith.shli %get3A_678, %shift_left3A_680 : vector<16xi32>
          %bitcast_convert_type3A_682 = tpu.bitcast %shift_left3A_681 : vector<16xi32> -> vector<16xf32>
          %add3A_683 = arith.addf %add3A_617, %bitcast_convert_type3A_682 : vector<16xf32>
          %and3A_684 = arith.constant -65536 : i32
          %and3A_685 = vector.broadcast %and3A_684 : i32 to vector<16xi32>
          %and3A_686 = arith.andi %get3A_678, %and3A_685 : vector<16xi32>
          %bitcast_convert_type3A_687 = tpu.bitcast %and3A_686 : vector<16xi32> -> vector<16xf32>
          %add3A_688 = arith.addf %add3A_622, %bitcast_convert_type3A_687 : vector<16xf32>
          %get3A_689 = arith.constant 3 : i32
          %get3A_690 = arith.index_cast %get3A_689 : i32 to index
          %get3A_691 = arith.index_cast %scan3A_672 : i32 to index
          %get3A_692 = arith.constant 16 : index
          %get3A_693 = tpu.vector_load %arg6[%get3A_690, %get3A_691, %get3A_692] {strides = array<i32>} : memref<4x200x64xi32, #tpu.memory_space<vmem>>, vector<1x1x16xi32>,
          %get3A_694 = vector.shape_cast %get3A_693 : vector<1x1x16xi32> to vector<16xi32>
          %shift_left3A_695 = arith.constant 16 : i32
          %shift_left3A_696 = vector.broadcast %shift_left3A_695 : i32 to vector<16xi32>
          %shift_left3A_697 = arith.shli %get3A_694, %shift_left3A_696 : vector<16xi32>
          %bitcast_convert_type3A_698 = tpu.bitcast %shift_left3A_697 : vector<16xi32> -> vector<16xf32>
          %add3A_699 = arith.addf %add3A_633, %bitcast_convert_type3A_698 : vector<16xf32>
          %and3A_700 = arith.constant -65536 : i32
          %and3A_701 = vector.broadcast %and3A_700 : i32 to vector<16xi32>
          %and3A_702 = arith.andi %get3A_694, %and3A_701 : vector<16xi32>
          %bitcast_convert_type3A_703 = tpu.bitcast %and3A_702 : vector<16xi32> -> vector<16xf32>
          %add3A_704 = arith.addf %add3A_638, %bitcast_convert_type3A_703 : vector<16xf32>
          %get3A_705 = arith.constant 3 : i32
          %get3A_706 = arith.index_cast %get3A_705 : i32 to index
          %get3A_707 = arith.index_cast %scan3A_672 : i32 to index
          %get3A_708 = arith.constant 32 : index
          %get3A_709 = tpu.vector_load %arg6[%get3A_706, %get3A_707, %get3A_708] {strides = array<i32>} : memref<4x200x64xi32, #tpu.memory_space<vmem>>, vector<1x1x16xi32>,
          %get3A_710 = vector.shape_cast %get3A_709 : vector<1x1x16xi32> to vector<16xi32>
          %shift_left3A_711 = arith.constant 16 : i32
          %shift_left3A_712 = vector.broadcast %shift_left3A_711 : i32 to vector<16xi32>
          %shift_left3A_713 = arith.shli %get3A_710, %shift_left3A_712 : vector<16xi32>
          %bitcast_convert_type3A_714 = tpu.bitcast %shift_left3A_713 : vector<16xi32> -> vector<16xf32>
          %add3A_715 = arith.addf %add3A_649, %bitcast_convert_type3A_714 : vector<16xf32>
          %and3A_716 = arith.constant -65536 : i32
          %and3A_717 = vector.broadcast %and3A_716 : i32 to vector<16xi32>
          %and3A_718 = arith.andi %get3A_710, %and3A_717 : vector<16xi32>
          %bitcast_convert_type3A_719 = tpu.bitcast %and3A_718 : vector<16xi32> -> vector<16xf32>
          %add3A_720 = arith.addf %add3A_654, %bitcast_convert_type3A_719 : vector<16xf32>
          %get3A_721 = arith.constant 3 : i32
          %get3A_722 = arith.index_cast %get3A_721 : i32 to index
          %get3A_723 = arith.index_cast %scan3A_672 : i32 to index
          %get3A_724 = arith.constant 48 : index
          %get3A_725 = tpu.vector_load %arg6[%get3A_722, %get3A_723, %get3A_724] {strides = array<i32>} : memref<4x200x64xi32, #tpu.memory_space<vmem>>, vector<1x1x16xi32>,
          %get3A_726 = vector.shape_cast %get3A_725 : vector<1x1x16xi32> to vector<16xi32>
          %shift_left3A_727 = arith.constant 16 : i32
          %shift_left3A_728 = vector.broadcast %shift_left3A_727 : i32 to vector<16xi32>
          %shift_left3A_729 = arith.shli %get3A_726, %shift_left3A_728 : vector<16xi32>
          %bitcast_convert_type3A_730 = tpu.bitcast %shift_left3A_729 : vector<16xi32> -> vector<16xf32>
          %add3A_731 = arith.addf %add3A_665, %bitcast_convert_type3A_730 : vector<16xf32>
          %and3A_732 = arith.constant -65536 : i32
          %and3A_733 = vector.broadcast %and3A_732 : i32 to vector<16xi32>
          %and3A_734 = arith.andi %get3A_726, %and3A_733 : vector<16xi32>
          %bitcast_convert_type3A_735 = tpu.bitcast %and3A_734 : vector<16xi32> -> vector<16xf32>
          %add3A_736 = arith.addf %add3A_670, %bitcast_convert_type3A_735 : vector<16xf32>
          %scan3A_737 = arith.constant 4 : i32
          %scan3A_738 = arith.addi %scan3A_470, %scan3A_737 : i32
          %get3A_739 = arith.constant 3 : i32
          %get3A_740 = arith.index_cast %get3A_739 : i32 to index
          %get3A_741 = arith.index_cast %scan3A_738 : i32 to index
          %get3A_742 = arith.constant 0 : index
          %get3A_743 = tpu.vector_load %arg6[%get3A_740, %get3A_741, %get3A_742] {strides = array<i32>} : memref<4x200x64xi32, #tpu.memory_space<vmem>>, vector<1x1x16xi32>,
          %get3A_744 = vector.shape_cast %get3A_743 : vector<1x1x16xi32> to vector<16xi32>
          %shift_left3A_745 = arith.constant 16 : i32
          %shift_left3A_746 = vector.broadcast %shift_left3A_745 : i32 to vector<16xi32>
          %shift_left3A_747 = arith.shli %get3A_744, %shift_left3A_746 : vector<16xi32>
          %bitcast_convert_type3A_748 = tpu.bitcast %shift_left3A_747 : vector<16xi32> -> vector<16xf32>
          %add3A_749 = arith.addf %add3A_683, %bitcast_convert_type3A_748 : vector<16xf32>
          %and3A_750 = arith.constant -65536 : i32
          %and3A_751 = vector.broadcast %and3A_750 : i32 to vector<16xi32>
          %and3A_752 = arith.andi %get3A_744, %and3A_751 : vector<16xi32>
          %bitcast_convert_type3A_753 = tpu.bitcast %and3A_752 : vector<16xi32> -> vector<16xf32>
          %add3A_754 = arith.addf %add3A_688, %bitcast_convert_type3A_753 : vector<16xf32>
          %get3A_755 = arith.constant 3 : i32
          %get3A_756 = arith.index_cast %get3A_755 : i32 to index
          %get3A_757 = arith.index_cast %scan3A_738 : i32 to index
          %get3A_758 = arith.constant 16 : index
          %get3A_759 = tpu.vector_load %arg6[%get3A_756, %get3A_757, %get3A_758] {strides = array<i32>} : memref<4x200x64xi32, #tpu.memory_space<vmem>>, vector<1x1x16xi32>,
          %get3A_760 = vector.shape_cast %get3A_759 : vector<1x1x16xi32> to vector<16xi32>
          %shift_left3A_761 = arith.constant 16 : i32
          %shift_left3A_762 = vector.broadcast %shift_left3A_761 : i32 to vector<16xi32>
          %shift_left3A_763 = arith.shli %get3A_760, %shift_left3A_762 : vector<16xi32>
          %bitcast_convert_type3A_764 = tpu.bitcast %shift_left3A_763 : vector<16xi32> -> vector<16xf32>
          %add3A_765 = arith.addf %add3A_699, %bitcast_convert_type3A_764 : vector<16xf32>
          %and3A_766 = arith.constant -65536 : i32
          %and3A_767 = vector.broadcast %and3A_766 : i32 to vector<16xi32>
          %and3A_768 = arith.andi %get3A_760, %and3A_767 : vector<16xi32>
          %bitcast_convert_type3A_769 = tpu.bitcast %and3A_768 : vector<16xi32> -> vector<16xf32>
          %add3A_770 = arith.addf %add3A_704, %bitcast_convert_type3A_769 : vector<16xf32>
          %get3A_771 = arith.constant 3 : i32
          %get3A_772 = arith.index_cast %get3A_771 : i32 to index
          %get3A_773 = arith.index_cast %scan3A_738 : i32 to index
          %get3A_774 = arith.constant 32 : index
          %get3A_775 = tpu.vector_load %arg6[%get3A_772, %get3A_773, %get3A_774] {strides = array<i32>} : memref<4x200x64xi32, #tpu.memory_space<vmem>>, vector<1x1x16xi32>,
          %get3A_776 = vector.shape_cast %get3A_775 : vector<1x1x16xi32> to vector<16xi32>
          %shift_left3A_777 = arith.constant 16 : i32
          %shift_left3A_778 = vector.broadcast %shift_left3A_777 : i32 to vector<16xi32>
          %shift_left3A_779 = arith.shli %get3A_776, %shift_left3A_778 : vector<16xi32>
          %bitcast_convert_type3A_780 = tpu.bitcast %shift_left3A_779 : vector<16xi32> -> vector<16xf32>
          %add3A_781 = arith.addf %add3A_715, %bitcast_convert_type3A_780 : vector<16xf32>
          %and3A_782 = arith.constant -65536 : i32
          %and3A_783 = vector.broadcast %and3A_782 : i32 to vector<16xi32>
          %and3A_784 = arith.andi %get3A_776, %and3A_783 : vector<16xi32>
          %bitcast_convert_type3A_785 = tpu.bitcast %and3A_784 : vector<16xi32> -> vector<16xf32>
          %add3A_786 = arith.addf %add3A_720, %bitcast_convert_type3A_785 : vector<16xf32>
          %get3A_787 = arith.constant 3 : i32
          %get3A_788 = arith.index_cast %get3A_787 : i32 to index
          %get3A_789 = arith.index_cast %scan3A_738 : i32 to index
          %get3A_790 = arith.constant 48 : index
          %get3A_791 = tpu.vector_load %arg6[%get3A_788, %get3A_789, %get3A_790] {strides = array<i32>} : memref<4x200x64xi32, #tpu.memory_space<vmem>>, vector<1x1x16xi32>,
          %get3A_792 = vector.shape_cast %get3A_791 : vector<1x1x16xi32> to vector<16xi32>
          %shift_left3A_793 = arith.constant 16 : i32
          %shift_left3A_794 = vector.broadcast %shift_left3A_793 : i32 to vector<16xi32>
          %shift_left3A_795 = arith.shli %get3A_792, %shift_left3A_794 : vector<16xi32>
          %bitcast_convert_type3A_796 = tpu.bitcast %shift_left3A_795 : vector<16xi32> -> vector<16xf32>
          %add3A_797 = arith.addf %add3A_731, %bitcast_convert_type3A_796 : vector<16xf32>
          %and3A_798 = arith.constant -65536 : i32
          %and3A_799 = vector.broadcast %and3A_798 : i32 to vector<16xi32>
          %and3A_800 = arith.andi %get3A_792, %and3A_799 : vector<16xi32>
          %bitcast_convert_type3A_801 = tpu.bitcast %and3A_800 : vector<16xi32> -> vector<16xf32>
          %add3A_802 = arith.addf %add3A_736, %bitcast_convert_type3A_801 : vector<16xf32>
          %scan3A_803 = arith.constant 5 : i32
          %scan3A_804 = arith.addi %scan3A_470, %scan3A_803 : i32
          %get3A_805 = arith.constant 3 : i32
          %get3A_806 = arith.index_cast %get3A_805 : i32 to index
          %get3A_807 = arith.index_cast %scan3A_804 : i32 to index
          %get3A_808 = arith.constant 0 : index
          %get3A_809 = tpu.vector_load %arg6[%get3A_806, %get3A_807, %get3A_808] {strides = array<i32>} : memref<4x200x64xi32, #tpu.memory_space<vmem>>, vector<1x1x16xi32>,
          %get3A_810 = vector.shape_cast %get3A_809 : vector<1x1x16xi32> to vector<16xi32>
          %shift_left3A_811 = arith.constant 16 : i32
          %shift_left3A_812 = vector.broadcast %shift_left3A_811 : i32 to vector<16xi32>
          %shift_left3A_813 = arith.shli %get3A_810, %shift_left3A_812 : vector<16xi32>
          %bitcast_convert_type3A_814 = tpu.bitcast %shift_left3A_813 : vector<16xi32> -> vector<16xf32>
          %add3A_815 = arith.addf %add3A_749, %bitcast_convert_type3A_814 : vector<16xf32>
          %and3A_816 = arith.constant -65536 : i32
          %and3A_817 = vector.broadcast %and3A_816 : i32 to vector<16xi32>
          %and3A_818 = arith.andi %get3A_810, %and3A_817 : vector<16xi32>
          %bitcast_convert_type3A_819 = tpu.bitcast %and3A_818 : vector<16xi32> -> vector<16xf32>
          %add3A_820 = arith.addf %add3A_754, %bitcast_convert_type3A_819 : vector<16xf32>
          %get3A_821 = arith.constant 3 : i32
          %get3A_822 = arith.index_cast %get3A_821 : i32 to index
          %get3A_823 = arith.index_cast %scan3A_804 : i32 to index
          %get3A_824 = arith.constant 16 : index
          %get3A_825 = tpu.vector_load %arg6[%get3A_822, %get3A_823, %get3A_824] {strides = array<i32>} : memref<4x200x64xi32, #tpu.memory_space<vmem>>, vector<1x1x16xi32>,
          %get3A_826 = vector.shape_cast %get3A_825 : vector<1x1x16xi32> to vector<16xi32>
          %shift_left3A_827 = arith.constant 16 : i32
          %shift_left3A_828 = vector.broadcast %shift_left3A_827 : i32 to vector<16xi32>
          %shift_left3A_829 = arith.shli %get3A_826, %shift_left3A_828 : vector<16xi32>
          %bitcast_convert_type3A_830 = tpu.bitcast %shift_left3A_829 : vector<16xi32> -> vector<16xf32>
          %add3A_831 = arith.addf %add3A_765, %bitcast_convert_type3A_830 : vector<16xf32>
          %and3A_832 = arith.constant -65536 : i32
          %and3A_833 = vector.broadcast %and3A_832 : i32 to vector<16xi32>
          %and3A_834 = arith.andi %get3A_826, %and3A_833 : vector<16xi32>
          %bitcast_convert_type3A_835 = tpu.bitcast %and3A_834 : vector<16xi32> -> vector<16xf32>
          %add3A_836 = arith.addf %add3A_770, %bitcast_convert_type3A_835 : vector<16xf32>
          %get3A_837 = arith.constant 3 : i32
          %get3A_838 = arith.index_cast %get3A_837 : i32 to index
          %get3A_839 = arith.index_cast %scan3A_804 : i32 to index
          %get3A_840 = arith.constant 32 : index
          %get3A_841 = tpu.vector_load %arg6[%get3A_838, %get3A_839, %get3A_840] {strides = array<i32>} : memref<4x200x64xi32, #tpu.memory_space<vmem>>, vector<1x1x16xi32>,
          %get3A_842 = vector.shape_cast %get3A_841 : vector<1x1x16xi32> to vector<16xi32>
          %shift_left3A_843 = arith.constant 16 : i32
          %shift_left3A_844 = vector.broadcast %shift_left3A_843 : i32 to vector<16xi32>
          %shift_left3A_845 = arith.shli %get3A_842, %shift_left3A_844 : vector<16xi32>
          %bitcast_convert_type3A_846 = tpu.bitcast %shift_left3A_845 : vector<16xi32> -> vector<16xf32>
          %add3A_847 = arith.addf %add3A_781, %bitcast_convert_type3A_846 : vector<16xf32>
          %and3A_848 = arith.constant -65536 : i32
          %and3A_849 = vector.broadcast %and3A_848 : i32 to vector<16xi32>
          %and3A_850 = arith.andi %get3A_842, %and3A_849 : vector<16xi32>
          %bitcast_convert_type3A_851 = tpu.bitcast %and3A_850 : vector<16xi32> -> vector<16xf32>
          %add3A_852 = arith.addf %add3A_786, %bitcast_convert_type3A_851 : vector<16xf32>
          %get3A_853 = arith.constant 3 : i32
          %get3A_854 = arith.index_cast %get3A_853 : i32 to index
          %get3A_855 = arith.index_cast %scan3A_804 : i32 to index
          %get3A_856 = arith.constant 48 : index
          %get3A_857 = tpu.vector_load %arg6[%get3A_854, %get3A_855, %get3A_856] {strides = array<i32>} : memref<4x200x64xi32, #tpu.memory_space<vmem>>, vector<1x1x16xi32>,
          %get3A_858 = vector.shape_cast %get3A_857 : vector<1x1x16xi32> to vector<16xi32>
          %shift_left3A_859 = arith.constant 16 : i32
          %shift_left3A_860 = vector.broadcast %shift_left3A_859 : i32 to vector<16xi32>
          %shift_left3A_861 = arith.shli %get3A_858, %shift_left3A_860 : vector<16xi32>
          %bitcast_convert_type3A_862 = tpu.bitcast %shift_left3A_861 : vector<16xi32> -> vector<16xf32>
          %add3A_863 = arith.addf %add3A_797, %bitcast_convert_type3A_862 : vector<16xf32>
          %and3A_864 = arith.constant -65536 : i32
          %and3A_865 = vector.broadcast %and3A_864 : i32 to vector<16xi32>
          %and3A_866 = arith.andi %get3A_858, %and3A_865 : vector<16xi32>
          %bitcast_convert_type3A_867 = tpu.bitcast %and3A_866 : vector<16xi32> -> vector<16xf32>
          %add3A_868 = arith.addf %add3A_802, %bitcast_convert_type3A_867 : vector<16xf32>
          %scan3A_869 = arith.constant 6 : i32
          %scan3A_870 = arith.addi %scan3A_470, %scan3A_869 : i32
          %get3A_871 = arith.constant 3 : i32
          %get3A_872 = arith.index_cast %get3A_871 : i32 to index
          %get3A_873 = arith.index_cast %scan3A_870 : i32 to index
          %get3A_874 = arith.constant 0 : index
          %get3A_875 = tpu.vector_load %arg6[%get3A_872, %get3A_873, %get3A_874] {strides = array<i32>} : memref<4x200x64xi32, #tpu.memory_space<vmem>>, vector<1x1x16xi32>,
          %get3A_876 = vector.shape_cast %get3A_875 : vector<1x1x16xi32> to vector<16xi32>
          %shift_left3A_877 = arith.constant 16 : i32
          %shift_left3A_878 = vector.broadcast %shift_left3A_877 : i32 to vector<16xi32>
          %shift_left3A_879 = arith.shli %get3A_876, %shift_left3A_878 : vector<16xi32>
          %bitcast_convert_type3A_880 = tpu.bitcast %shift_left3A_879 : vector<16xi32> -> vector<16xf32>
          %add3A_881 = arith.addf %add3A_815, %bitcast_convert_type3A_880 : vector<16xf32>
          %and3A_882 = arith.constant -65536 : i32
          %and3A_883 = vector.broadcast %and3A_882 : i32 to vector<16xi32>
          %and3A_884 = arith.andi %get3A_876, %and3A_883 : vector<16xi32>
          %bitcast_convert_type3A_885 = tpu.bitcast %and3A_884 : vector<16xi32> -> vector<16xf32>
          %add3A_886 = arith.addf %add3A_820, %bitcast_convert_type3A_885 : vector<16xf32>
          %get3A_887 = arith.constant 3 : i32
          %get3A_888 = arith.index_cast %get3A_887 : i32 to index
          %get3A_889 = arith.index_cast %scan3A_870 : i32 to index
          %get3A_890 = arith.constant 16 : index
          %get3A_891 = tpu.vector_load %arg6[%get3A_888, %get3A_889, %get3A_890] {strides = array<i32>} : memref<4x200x64xi32, #tpu.memory_space<vmem>>, vector<1x1x16xi32>,
          %get3A_892 = vector.shape_cast %get3A_891 : vector<1x1x16xi32> to vector<16xi32>
          %shift_left3A_893 = arith.constant 16 : i32
          %shift_left3A_894 = vector.broadcast %shift_left3A_893 : i32 to vector<16xi32>
          %shift_left3A_895 = arith.shli %get3A_892, %shift_left3A_894 : vector<16xi32>
          %bitcast_convert_type3A_896 = tpu.bitcast %shift_left3A_895 : vector<16xi32> -> vector<16xf32>
          %add3A_897 = arith.addf %add3A_831, %bitcast_convert_type3A_896 : vector<16xf32>
          %and3A_898 = arith.constant -65536 : i32
          %and3A_899 = vector.broadcast %and3A_898 : i32 to vector<16xi32>
          %and3A_900 = arith.andi %get3A_892, %and3A_899 : vector<16xi32>
          %bitcast_convert_type3A_901 = tpu.bitcast %and3A_900 : vector<16xi32> -> vector<16xf32>
          %add3A_902 = arith.addf %add3A_836, %bitcast_convert_type3A_901 : vector<16xf32>
          %get3A_903 = arith.constant 3 : i32
          %get3A_904 = arith.index_cast %get3A_903 : i32 to index
          %get3A_905 = arith.index_cast %scan3A_870 : i32 to index
          %get3A_906 = arith.constant 32 : index
          %get3A_907 = tpu.vector_load %arg6[%get3A_904, %get3A_905, %get3A_906] {strides = array<i32>} : memref<4x200x64xi32, #tpu.memory_space<vmem>>, vector<1x1x16xi32>,
          %get3A_908 = vector.shape_cast %get3A_907 : vector<1x1x16xi32> to vector<16xi32>
          %shift_left3A_909 = arith.constant 16 : i32
          %shift_left3A_910 = vector.broadcast %shift_left3A_909 : i32 to vector<16xi32>
          %shift_left3A_911 = arith.shli %get3A_908, %shift_left3A_910 : vector<16xi32>
          %bitcast_convert_type3A_912 = tpu.bitcast %shift_left3A_911 : vector<16xi32> -> vector<16xf32>
          %add3A_913 = arith.addf %add3A_847, %bitcast_convert_type3A_912 : vector<16xf32>
          %and3A_914 = arith.constant -65536 : i32
          %and3A_915 = vector.broadcast %and3A_914 : i32 to vector<16xi32>
          %and3A_916 = arith.andi %get3A_908, %and3A_915 : vector<16xi32>
          %bitcast_convert_type3A_917 = tpu.bitcast %and3A_916 : vector<16xi32> -> vector<16xf32>
          %add3A_918 = arith.addf %add3A_852, %bitcast_convert_type3A_917 : vector<16xf32>
          %get3A_919 = arith.constant 3 : i32
          %get3A_920 = arith.index_cast %get3A_919 : i32 to index
          %get3A_921 = arith.index_cast %scan3A_870 : i32 to index
          %get3A_922 = arith.constant 48 : index
          %get3A_923 = tpu.vector_load %arg6[%get3A_920, %get3A_921, %get3A_922] {strides = array<i32>} : memref<4x200x64xi32, #tpu.memory_space<vmem>>, vector<1x1x16xi32>,
          %get3A_924 = vector.shape_cast %get3A_923 : vector<1x1x16xi32> to vector<16xi32>
          %shift_left3A_925 = arith.constant 16 : i32
          %shift_left3A_926 = vector.broadcast %shift_left3A_925 : i32 to vector<16xi32>
          %shift_left3A_927 = arith.shli %get3A_924, %shift_left3A_926 : vector<16xi32>
          %bitcast_convert_type3A_928 = tpu.bitcast %shift_left3A_927 : vector<16xi32> -> vector<16xf32>
          %add3A_929 = arith.addf %add3A_863, %bitcast_convert_type3A_928 : vector<16xf32>
          %and3A_930 = arith.constant -65536 : i32
          %and3A_931 = vector.broadcast %and3A_930 : i32 to vector<16xi32>
          %and3A_932 = arith.andi %get3A_924, %and3A_931 : vector<16xi32>
          %bitcast_convert_type3A_933 = tpu.bitcast %and3A_932 : vector<16xi32> -> vector<16xf32>
          %add3A_934 = arith.addf %add3A_868, %bitcast_convert_type3A_933 : vector<16xf32>
          %scan3A_935 = arith.constant 7 : i32
          %scan3A_936 = arith.addi %scan3A_470, %scan3A_935 : i32
          %get3A_937 = arith.constant 3 : i32
          %get3A_938 = arith.index_cast %get3A_937 : i32 to index
          %get3A_939 = arith.index_cast %scan3A_936 : i32 to index
          %get3A_940 = arith.constant 0 : index
          %get3A_941 = tpu.vector_load %arg6[%get3A_938, %get3A_939, %get3A_940] {strides = array<i32>} : memref<4x200x64xi32, #tpu.memory_space<vmem>>, vector<1x1x16xi32>,
          %get3A_942 = vector.shape_cast %get3A_941 : vector<1x1x16xi32> to vector<16xi32>
          %shift_left3A_943 = arith.constant 16 : i32
          %shift_left3A_944 = vector.broadcast %shift_left3A_943 : i32 to vector<16xi32>
          %shift_left3A_945 = arith.shli %get3A_942, %shift_left3A_944 : vector<16xi32>
          %bitcast_convert_type3A_946 = tpu.bitcast %shift_left3A_945 : vector<16xi32> -> vector<16xf32>
          %add3A_947 = arith.addf %add3A_881, %bitcast_convert_type3A_946 : vector<16xf32>
          %and3A_948 = arith.constant -65536 : i32
          %and3A_949 = vector.broadcast %and3A_948 : i32 to vector<16xi32>
          %and3A_950 = arith.andi %get3A_942, %and3A_949 : vector<16xi32>
          %bitcast_convert_type3A_951 = tpu.bitcast %and3A_950 : vector<16xi32> -> vector<16xf32>
          %add3A_952 = arith.addf %add3A_886, %bitcast_convert_type3A_951 : vector<16xf32>
          %get3A_953 = arith.constant 3 : i32
          %get3A_954 = arith.index_cast %get3A_953 : i32 to index
          %get3A_955 = arith.index_cast %scan3A_936 : i32 to index
          %get3A_956 = arith.constant 16 : index
          %get3A_957 = tpu.vector_load %arg6[%get3A_954, %get3A_955, %get3A_956] {strides = array<i32>} : memref<4x200x64xi32, #tpu.memory_space<vmem>>, vector<1x1x16xi32>,
          %get3A_958 = vector.shape_cast %get3A_957 : vector<1x1x16xi32> to vector<16xi32>
          %shift_left3A_959 = arith.constant 16 : i32
          %shift_left3A_960 = vector.broadcast %shift_left3A_959 : i32 to vector<16xi32>
          %shift_left3A_961 = arith.shli %get3A_958, %shift_left3A_960 : vector<16xi32>
          %bitcast_convert_type3A_962 = tpu.bitcast %shift_left3A_961 : vector<16xi32> -> vector<16xf32>
          %add3A_963 = arith.addf %add3A_897, %bitcast_convert_type3A_962 : vector<16xf32>
          %and3A_964 = arith.constant -65536 : i32
          %and3A_965 = vector.broadcast %and3A_964 : i32 to vector<16xi32>
          %and3A_966 = arith.andi %get3A_958, %and3A_965 : vector<16xi32>
          %bitcast_convert_type3A_967 = tpu.bitcast %and3A_966 : vector<16xi32> -> vector<16xf32>
          %add3A_968 = arith.addf %add3A_902, %bitcast_convert_type3A_967 : vector<16xf32>
          %get3A_969 = arith.constant 3 : i32
          %get3A_970 = arith.index_cast %get3A_969 : i32 to index
          %get3A_971 = arith.index_cast %scan3A_936 : i32 to index
          %get3A_972 = arith.constant 32 : index
          %get3A_973 = tpu.vector_load %arg6[%get3A_970, %get3A_971, %get3A_972] {strides = array<i32>} : memref<4x200x64xi32, #tpu.memory_space<vmem>>, vector<1x1x16xi32>,
          %get3A_974 = vector.shape_cast %get3A_973 : vector<1x1x16xi32> to vector<16xi32>
          %shift_left3A_975 = arith.constant 16 : i32
          %shift_left3A_976 = vector.broadcast %shift_left3A_975 : i32 to vector<16xi32>
          %shift_left3A_977 = arith.shli %get3A_974, %shift_left3A_976 : vector<16xi32>
          %bitcast_convert_type3A_978 = tpu.bitcast %shift_left3A_977 : vector<16xi32> -> vector<16xf32>
          %add3A_979 = arith.addf %add3A_913, %bitcast_convert_type3A_978 : vector<16xf32>
          %and3A_980 = arith.constant -65536 : i32
          %and3A_981 = vector.broadcast %and3A_980 : i32 to vector<16xi32>
          %and3A_982 = arith.andi %get3A_974, %and3A_981 : vector<16xi32>
          %bitcast_convert_type3A_983 = tpu.bitcast %and3A_982 : vector<16xi32> -> vector<16xf32>
          %add3A_984 = arith.addf %add3A_918, %bitcast_convert_type3A_983 : vector<16xf32>
          %get3A_985 = arith.constant 3 : i32
          %get3A_986 = arith.index_cast %get3A_985 : i32 to index
          %get3A_987 = arith.index_cast %scan3A_936 : i32 to index
          %get3A_988 = arith.constant 48 : index
          %get3A_989 = tpu.vector_load %arg6[%get3A_986, %get3A_987, %get3A_988] {strides = array<i32>} : memref<4x200x64xi32, #tpu.memory_space<vmem>>, vector<1x1x16xi32>,
          %get3A_990 = vector.shape_cast %get3A_989 : vector<1x1x16xi32> to vector<16xi32>
          %shift_left3A_991 = arith.constant 16 : i32
          %shift_left3A_992 = vector.broadcast %shift_left3A_991 : i32 to vector<16xi32>
          %shift_left3A_993 = arith.shli %get3A_990, %shift_left3A_992 : vector<16xi32>
          %bitcast_convert_type3A_994 = tpu.bitcast %shift_left3A_993 : vector<16xi32> -> vector<16xf32>
          %add3A_995 = arith.addf %add3A_929, %bitcast_convert_type3A_994 : vector<16xf32>
          %and3A_996 = arith.constant -65536 : i32
          %and3A_997 = vector.broadcast %and3A_996 : i32 to vector<16xi32>
          %and3A_998 = arith.andi %get3A_990, %and3A_997 : vector<16xi32>
          %bitcast_convert_type3A_999 = tpu.bitcast %and3A_998 : vector<16xi32> -> vector<16xf32>
          %add3A_1000 = arith.addf %add3A_934, %bitcast_convert_type3A_999 : vector<16xf32>
          scf.yield %add3A_947, %add3A_963, %add3A_979, %add3A_995, %add3A_952, %add3A_968, %add3A_984, %add3A_1000 : vector<16xf32>, vector<16xf32>, vector<16xf32>, vector<16xf32>, vector<16xf32>, vector<16xf32>, vector<16xf32>, vector<16xf32>
        }
        %scan3A_405 = arith.constant 200 : i32
        %mul3A_406 = arith.constant 5.000000e-03 : f32
        %mul3A_407 = vector.broadcast %mul3A_406 : f32 to vector<16xf32>
        %mul3A_408 = arith.mulf %scan3A_404#0, %mul3A_407 : vector<16xf32>
        %swap3A_409 = arith.index_cast %add3A_365 : i32 to index
        %swap3A_410 = arith.constant 0 : index
        %swap3A_411 = tpu.vector_load %arg7[%swap3A_409, %swap3A_410] {strides = array<i32>} : memref<64x128xf32, #tpu.memory_space<vmem>>, vector<1x16xf32>,
        %swap3A_412 = vector.shape_cast %swap3A_411 : vector<1x16xf32> to vector<16xf32>
        %swap3A_413 = vector.shape_cast %mul3A_408 : vector<16xf32> to vector<1x16xf32>
        tpu.vector_store %arg7[%swap3A_409, %swap3A_410], %swap3A_413 {strides = array<i32>} : memref<64x128xf32, #tpu.memory_space<vmem>>, vector<1x16xf32>,
        %mul3A_414 = arith.constant 5.000000e-03 : f32
        %mul3A_415 = vector.broadcast %mul3A_414 : f32 to vector<16xf32>
        %mul3A_416 = arith.mulf %scan3A_404#1, %mul3A_415 : vector<16xf32>
        %swap3A_417 = arith.index_cast %add3A_365 : i32 to index
        %swap3A_418 = arith.constant 16 : index
        %swap3A_419 = tpu.vector_load %arg7[%swap3A_417, %swap3A_418] {strides = array<i32>} : memref<64x128xf32, #tpu.memory_space<vmem>>, vector<1x16xf32>,
        %swap3A_420 = vector.shape_cast %swap3A_419 : vector<1x16xf32> to vector<16xf32>
        %swap3A_421 = vector.shape_cast %mul3A_416 : vector<16xf32> to vector<1x16xf32>
        tpu.vector_store %arg7[%swap3A_417, %swap3A_418], %swap3A_421 {strides = array<i32>} : memref<64x128xf32, #tpu.memory_space<vmem>>, vector<1x16xf32>,
        %mul3A_422 = arith.constant 5.000000e-03 : f32
        %mul3A_423 = vector.broadcast %mul3A_422 : f32 to vector<16xf32>
        %mul3A_424 = arith.mulf %scan3A_404#2, %mul3A_423 : vector<16xf32>
        %swap3A_425 = arith.index_cast %add3A_365 : i32 to index
        %swap3A_426 = arith.constant 32 : index
        %swap3A_427 = tpu.vector_load %arg7[%swap3A_425, %swap3A_426] {strides = array<i32>} : memref<64x128xf32, #tpu.memory_space<vmem>>, vector<1x16xf32>,
        %swap3A_428 = vector.shape_cast %swap3A_427 : vector<1x16xf32> to vector<16xf32>
        %swap3A_429 = vector.shape_cast %mul3A_424 : vector<16xf32> to vector<1x16xf32>
        tpu.vector_store %arg7[%swap3A_425, %swap3A_426], %swap3A_429 {strides = array<i32>} : memref<64x128xf32, #tpu.memory_space<vmem>>, vector<1x16xf32>,
        %mul3A_430 = arith.constant 5.000000e-03 : f32
        %mul3A_431 = vector.broadcast %mul3A_430 : f32 to vector<16xf32>
        %mul3A_432 = arith.mulf %scan3A_404#3, %mul3A_431 : vector<16xf32>
        %swap3A_433 = arith.index_cast %add3A_365 : i32 to index
        %swap3A_434 = arith.constant 48 : index
        %swap3A_435 = tpu.vector_load %arg7[%swap3A_433, %swap3A_434] {strides = array<i32>} : memref<64x128xf32, #tpu.memory_space<vmem>>, vector<1x16xf32>,
        %swap3A_436 = vector.shape_cast %swap3A_435 : vector<1x16xf32> to vector<16xf32>
        %swap3A_437 = vector.shape_cast %mul3A_432 : vector<16xf32> to vector<1x16xf32>
        tpu.vector_store %arg7[%swap3A_433, %swap3A_434], %swap3A_437 {strides = array<i32>} : memref<64x128xf32, #tpu.memory_space<vmem>>, vector<1x16xf32>,
        %mul3A_438 = arith.constant 5.000000e-03 : f32
        %mul3A_439 = vector.broadcast %mul3A_438 : f32 to vector<16xf32>
        %mul3A_440 = arith.mulf %scan3A_404#4, %mul3A_439 : vector<16xf32>
        %swap3A_441 = arith.index_cast %add3A_365 : i32 to index
        %swap3A_442 = arith.constant 64 : index
        %swap3A_443 = tpu.vector_load %arg7[%swap3A_441, %swap3A_442] {strides = array<i32>} : memref<64x128xf32, #tpu.memory_space<vmem>>, vector<1x16xf32>,
        %swap3A_444 = vector.shape_cast %swap3A_443 : vector<1x16xf32> to vector<16xf32>
        %swap3A_445 = vector.shape_cast %mul3A_440 : vector<16xf32> to vector<1x16xf32>
        tpu.vector_store %arg7[%swap3A_441, %swap3A_442], %swap3A_445 {strides = array<i32>} : memref<64x128xf32, #tpu.memory_space<vmem>>, vector<1x16xf32>,
        %mul3A_446 = arith.constant 5.000000e-03 : f32
        %mul3A_447 = vector.broadcast %mul3A_446 : f32 to vector<16xf32>
        %mul3A_448 = arith.mulf %scan3A_404#5, %mul3A_447 : vector<16xf32>
        %swap3A_449 = arith.index_cast %add3A_365 : i32 to index
        %swap3A_450 = arith.constant 80 : index
        %swap3A_451 = tpu.vector_load %arg7[%swap3A_449, %swap3A_450] {strides = array<i32>} : memref<64x128xf32, #tpu.memory_space<vmem>>, vector<1x16xf32>,
        %swap3A_452 = vector.shape_cast %swap3A_451 : vector<1x16xf32> to vector<16xf32>
        %swap3A_453 = vector.shape_cast %mul3A_448 : vector<16xf32> to vector<1x16xf32>
        tpu.vector_store %arg7[%swap3A_449, %swap3A_450], %swap3A_453 {strides = array<i32>} : memref<64x128xf32, #tpu.memory_space<vmem>>, vector<1x16xf32>,
        %mul3A_454 = arith.constant 5.000000e-03 : f32
        %mul3A_455 = vector.broadcast %mul3A_454 : f32 to vector<16xf32>
        %mul3A_456 = arith.mulf %scan3A_404#6, %mul3A_455 : vector<16xf32>
        %swap3A_457 = arith.index_cast %add3A_365 : i32 to index
        %swap3A_458 = arith.constant 96 : index
        %swap3A_459 = tpu.vector_load %arg7[%swap3A_457, %swap3A_458] {strides = array<i32>} : memref<64x128xf32, #tpu.memory_space<vmem>>, vector<1x16xf32>,
        %swap3A_460 = vector.shape_cast %swap3A_459 : vector<1x16xf32> to vector<16xf32>
        %swap3A_461 = vector.shape_cast %mul3A_456 : vector<16xf32> to vector<1x16xf32>
        tpu.vector_store %arg7[%swap3A_457, %swap3A_458], %swap3A_461 {strides = array<i32>} : memref<64x128xf32, #tpu.memory_space<vmem>>, vector<1x16xf32>,
        %mul3A_462 = arith.constant 5.000000e-03 : f32
        %mul3A_463 = vector.broadcast %mul3A_462 : f32 to vector<16xf32>
        %mul3A_464 = arith.mulf %scan3A_404#7, %mul3A_463 : vector<16xf32>
        %swap3A_465 = arith.index_cast %add3A_365 : i32 to index
        %swap3A_466 = arith.constant 112 : index
        %swap3A_467 = tpu.vector_load %arg7[%swap3A_465, %swap3A_466] {strides = array<i32>} : memref<64x128xf32, #tpu.memory_space<vmem>>, vector<1x16xf32>,
        %swap3A_468 = vector.shape_cast %swap3A_467 : vector<1x16xf32> to vector<16xf32>
        %swap3A_469 = vector.shape_cast %mul3A_464 : vector<16xf32> to vector<1x16xf32>
        tpu.vector_store %arg7[%swap3A_465, %swap3A_466], %swap3A_469 {strides = array<i32>} : memref<64x128xf32, #tpu.memory_space<vmem>>, vector<1x16xf32>,
      }
      %scan3A_48 = arith.constant 16 : i32
      "tpu.region"() ({
        %run_scoped3A = tpu.sem_alloc : memref<!tpu.dma_semaphore, #tpu.memory_space<semaphore_mem>>
        %dma_start3A_49 = arith.constant 0 : i32
        %dma_start3A_50 = tpu.memref_slice %arg4[%add3A_11, %dma_start3A_49] : memref<16384x128xf32, #tpu.memory_space<hbm>> -> memref<64x128xf32, #tpu.memory_space<hbm>>
        %dma_start3A_51 = arith.constant 0 : i32
        %dma_start3A_52 = tpu.memref_slice %arg4[%add3A_11, %dma_start3A_51] : memref<16384x128xf32, #tpu.memory_space<hbm>> -> memref<64x128xf32, #tpu.memory_space<hbm>>
        tpu.enqueue_dma source(%arg7 : memref<64x128xf32, #tpu.memory_space<vmem>>) target(%dma_start3A_52 : memref<64x128xf32, #tpu.memory_space<hbm>>) target_semaphore(%run_scoped3A : memref<!tpu.dma_semaphore, #tpu.memory_space<semaphore_mem>>)
        %dma_wait3A = arith.constant 0 : i32
        %dma_wait3A_53 = tpu.memref_slice %arg4[%add3A_11, %dma_wait3A] : memref<16384x128xf32, #tpu.memory_space<hbm>> -> memref<64x128xf32, #tpu.memory_space<hbm>>
        %dma_wait3A_54 = arith.constant 0 : i32
        %dma_wait3A_55 = tpu.memref_slice %arg4[%add3A_11, %dma_wait3A_54] : memref<16384x128xf32, #tpu.memory_space<hbm>> -> memref<64x128xf32, #tpu.memory_space<hbm>>
        tpu.wait_dma2 semaphore(%run_scoped3A : memref<!tpu.dma_semaphore, #tpu.memory_space<semaphore_mem>>) src(%arg7 : memref<64x128xf32, #tpu.memory_space<vmem>>) dst(%dma_wait3A_55 : memref<64x128xf32, #tpu.memory_space<hbm>>)
        tpu.yield
      }) : () -> ()
    }
    %scan3A_7 = arith.constant 8 : i32
    return
  }
}

#map = affine_map<(d0, d1) -> (0, 0)>
module attributes {stable_mosaic.version = 14 : i64} {
  func.func @packk(%arg0: i32, %arg1: i32, %arg2: memref<100000x128xf32, #tpu.memory_space<hbm>>, %arg3: memref<100000x64xi32, #tpu.memory_space<hbm>>, %arg4: memref<2x125x128xf32, #tpu.memory_space<vmem>>, %arg5: memref<2x125x64xi32, #tpu.memory_space<vmem>>, %arg6: memref<!tpu.dma_semaphore, #tpu.memory_space<semaphore_mem>>, %arg7: memref<!tpu.dma_semaphore, #tpu.memory_space<semaphore_mem>>) attributes {dimension_semantics = [#tpu.dimension_semantics<core_parallel>, #tpu.dimension_semantics<subcore_parallel>], iteration_bounds = array<i64: 2, 16>, scalar_prefetch = 0 : i64, scratch_operands = 4 : i64, tpu.core_type = #tpu.core_type<sc_vector_subcore>, window_params = [{transform_indices = #map}, {transform_indices = #map}]} {
    %mul3A = arith.constant 2 : i32
    %mul3A_0 = arith.muli %arg1, %mul3A : i32
    %add3A = arith.addi %mul3A_0, %arg0 : i32
    %mul3A_1 = arith.constant 3125 : i32
    %mul3A_2 = arith.muli %add3A, %mul3A_1 : i32
    %add3A_3 = arith.constant 0 : i32
    %add3A_4 = arith.addi %mul3A_2, %add3A_3 : i32
    %dma_start3A = arith.constant 0 : i32
    %dma_start3A_5 = arith.constant 0 : i32
    %dma_start3A_6 = arith.constant 0 : i32
    %dma_start3A_7 = tpu.memref_slice %arg4[%dma_start3A, %dma_start3A_5, %dma_start3A_6] : memref<2x125x128xf32, #tpu.memory_space<vmem>> -> memref<1x125x128xf32, #tpu.memory_space<vmem>>
    %dma_start3A_8 = tpu.memref_squeeze %dma_start3A_7 : memref<1x125x128xf32, #tpu.memory_space<vmem>> -> memref<125x128xf32, #tpu.memory_space<vmem>>
    %dma_start3A_9 = arith.constant 0 : i32
    %dma_start3A_10 = tpu.memref_slice %arg2[%add3A_4, %dma_start3A_9] : memref<100000x128xf32, #tpu.memory_space<hbm>> -> memref<125x128xf32, #tpu.memory_space<hbm>>
    %dma_start3A_11 = arith.constant 0 : i32
    %dma_start3A_12 = arith.constant 0 : i32
    %dma_start3A_13 = tpu.memref_slice %arg4[%dma_start3A, %dma_start3A_11, %dma_start3A_12] : memref<2x125x128xf32, #tpu.memory_space<vmem>> -> memref<1x125x128xf32, #tpu.memory_space<vmem>>
    %dma_start3A_14 = tpu.memref_squeeze %dma_start3A_13 : memref<1x125x128xf32, #tpu.memory_space<vmem>> -> memref<125x128xf32, #tpu.memory_space<vmem>>
    %dma_start3A_15 = arith.constant 0 : i32
    %dma_start3A_16 = tpu.memref_slice %arg2[%add3A_4, %dma_start3A_15] : memref<100000x128xf32, #tpu.memory_space<hbm>> -> memref<125x128xf32, #tpu.memory_space<hbm>>
    tpu.enqueue_dma source(%dma_start3A_16 : memref<125x128xf32, #tpu.memory_space<hbm>>) target(%dma_start3A_14 : memref<125x128xf32, #tpu.memory_space<vmem>>) target_semaphore(%arg6 : memref<!tpu.dma_semaphore, #tpu.memory_space<semaphore_mem>>)
    %scan3A = arith.constant 0 : i32
    %scan3A_17 = arith.constant 0 : i32
    %scan3A_18 = arith.constant 25 : i32
    %scan3A_19 = arith.addi %scan3A_17, %scan3A_18 : i32
    %scan3A_20 = arith.constant 1 : i32
    scf.for %scan3A_51 = %scan3A_17 to %scan3A_19 step %scan3A_20  : i32 {
      %jit3A = arith.constant 2 : i32
      %eq3A = arith.constant 0 : i32
      %eq3A_52 = arith.cmpi eq, %jit3A, %eq3A : i32
      %jit3A_53 = arith.constant 1 : i32
      %select_n3A = arith.select %eq3A_52, %jit3A_53, %jit3A : i32
      %rem3A = arith.remsi %scan3A_51, %select_n3A : i32
      %ne3A = arith.constant 0 : i32
      %ne3A_54 = arith.cmpi ne, %rem3A, %ne3A : i32
      %lt3A = arith.constant 0 : i32
      %lt3A_55 = arith.cmpi slt, %rem3A, %lt3A : i32
      %lt3A_56 = arith.constant 0 : i32
      %lt3A_57 = arith.cmpi slt, %select_n3A, %lt3A_56 : i32
      %ne3A_58 = arith.xori %lt3A_55, %lt3A_57 : i1
      %and3A = arith.andi %ne3A_58, %ne3A_54 : i1
      %add3A_59 = arith.addi %rem3A, %select_n3A : i32
      %select_n3A_60 = arith.select %and3A, %add3A_59, %rem3A : i32
      %add3A_61 = arith.constant 1 : i32
      %add3A_62 = arith.addi %scan3A_51, %add3A_61 : i32
      %lt3A_63 = arith.constant 25 : i32
      %lt3A_64 = arith.cmpi slt, %add3A_62, %lt3A_63 : i32
      %convert_element_type3A = arith.extui %lt3A_64 : i1 to i32
      %cond3A = arith.constant 0 : i32
      %cond3A_65 = arith.cmpi ne, %convert_element_type3A, %cond3A : i32
      scf.if %cond3A_65 {
        %add3A_227 = arith.constant 1 : i32
        %add3A_228 = arith.addi %scan3A_51, %add3A_227 : i32
        %sub3A = arith.constant 1 : i32
        %sub3A_229 = arith.subi %sub3A, %select_n3A_60 : i32
        %mul3A_230 = arith.constant 125 : i32
        %mul3A_231 = arith.muli %add3A_228, %mul3A_230 : i32
        %add3A_232 = arith.addi %mul3A_2, %mul3A_231 : i32
        %dma_start3A_233 = arith.constant 0 : i32
        %dma_start3A_234 = arith.constant 0 : i32
        %dma_start3A_235 = tpu.memref_slice %arg4[%sub3A_229, %dma_start3A_233, %dma_start3A_234] : memref<2x125x128xf32, #tpu.memory_space<vmem>> -> memref<1x125x128xf32, #tpu.memory_space<vmem>>
        %dma_start3A_236 = tpu.memref_squeeze %dma_start3A_235 : memref<1x125x128xf32, #tpu.memory_space<vmem>> -> memref<125x128xf32, #tpu.memory_space<vmem>>
        %dma_start3A_237 = arith.constant 0 : i32
        %dma_start3A_238 = tpu.memref_slice %arg2[%add3A_232, %dma_start3A_237] : memref<100000x128xf32, #tpu.memory_space<hbm>> -> memref<125x128xf32, #tpu.memory_space<hbm>>
        %dma_start3A_239 = arith.constant 0 : i32
        %dma_start3A_240 = arith.constant 0 : i32
        %dma_start3A_241 = tpu.memref_slice %arg4[%sub3A_229, %dma_start3A_239, %dma_start3A_240] : memref<2x125x128xf32, #tpu.memory_space<vmem>> -> memref<1x125x128xf32, #tpu.memory_space<vmem>>
        %dma_start3A_242 = tpu.memref_squeeze %dma_start3A_241 : memref<1x125x128xf32, #tpu.memory_space<vmem>> -> memref<125x128xf32, #tpu.memory_space<vmem>>
        %dma_start3A_243 = arith.constant 0 : i32
        %dma_start3A_244 = tpu.memref_slice %arg2[%add3A_232, %dma_start3A_243] : memref<100000x128xf32, #tpu.memory_space<hbm>> -> memref<125x128xf32, #tpu.memory_space<hbm>>
        tpu.enqueue_dma source(%dma_start3A_244 : memref<125x128xf32, #tpu.memory_space<hbm>>) target(%dma_start3A_242 : memref<125x128xf32, #tpu.memory_space<vmem>>) target_semaphore(%arg6 : memref<!tpu.dma_semaphore, #tpu.memory_space<semaphore_mem>>)
      } else {
      }
      %mul3A_66 = arith.constant 125 : i32
      %mul3A_67 = arith.muli %scan3A_51, %mul3A_66 : i32
      %add3A_68 = arith.addi %mul3A_2, %mul3A_67 : i32
      %dma_wait3A_69 = arith.constant 0 : i32
      %dma_wait3A_70 = arith.constant 0 : i32
      %dma_wait3A_71 = tpu.memref_slice %arg4[%select_n3A_60, %dma_wait3A_69, %dma_wait3A_70] : memref<2x125x128xf32, #tpu.memory_space<vmem>> -> memref<1x125x128xf32, #tpu.memory_space<vmem>>
      %dma_wait3A_72 = tpu.memref_squeeze %dma_wait3A_71 : memref<1x125x128xf32, #tpu.memory_space<vmem>> -> memref<125x128xf32, #tpu.memory_space<vmem>>
      %dma_wait3A_73 = arith.constant 0 : i32
      %dma_wait3A_74 = tpu.memref_slice %arg2[%add3A_68, %dma_wait3A_73] : memref<100000x128xf32, #tpu.memory_space<hbm>> -> memref<125x128xf32, #tpu.memory_space<hbm>>
      %dma_wait3A_75 = arith.constant 0 : i32
      %dma_wait3A_76 = arith.constant 0 : i32
      %dma_wait3A_77 = tpu.memref_slice %arg4[%select_n3A_60, %dma_wait3A_75, %dma_wait3A_76] : memref<2x125x128xf32, #tpu.memory_space<vmem>> -> memref<1x125x128xf32, #tpu.memory_space<vmem>>
      %dma_wait3A_78 = tpu.memref_squeeze %dma_wait3A_77 : memref<1x125x128xf32, #tpu.memory_space<vmem>> -> memref<125x128xf32, #tpu.memory_space<vmem>>
      %dma_wait3A_79 = arith.constant 0 : i32
      %dma_wait3A_80 = tpu.memref_slice %arg2[%add3A_68, %dma_wait3A_79] : memref<100000x128xf32, #tpu.memory_space<hbm>> -> memref<125x128xf32, #tpu.memory_space<hbm>>
      tpu.wait_dma2 semaphore(%arg6 : memref<!tpu.dma_semaphore, #tpu.memory_space<semaphore_mem>>) src(%dma_wait3A_80 : memref<125x128xf32, #tpu.memory_space<hbm>>) dst(%dma_wait3A_78 : memref<125x128xf32, #tpu.memory_space<vmem>>)
      %ge3A = arith.constant 2 : i32
      %ge3A_81 = arith.cmpi sge, %scan3A_51, %ge3A : i32
      %convert_element_type3A_82 = arith.extui %ge3A_81 : i1 to i32
      %cond3A_83 = arith.constant 0 : i32
      %cond3A_84 = arith.cmpi ne, %convert_element_type3A_82, %cond3A_83 : i32
      scf.if %cond3A_84 {
        %sub3A = arith.constant 2 : i32
        %sub3A_227 = arith.subi %scan3A_51, %sub3A : i32
        %mul3A_228 = arith.constant 125 : i32
        %mul3A_229 = arith.muli %sub3A_227, %mul3A_228 : i32
        %add3A_230 = arith.addi %mul3A_2, %mul3A_229 : i32
        %dma_wait3A_231 = arith.constant 0 : i32
        %dma_wait3A_232 = arith.constant 0 : i32
        %dma_wait3A_233 = tpu.memref_slice %arg5[%select_n3A_60, %dma_wait3A_231, %dma_wait3A_232] : memref<2x125x64xi32, #tpu.memory_space<vmem>> -> memref<1x125x64xi32, #tpu.memory_space<vmem>>
        %dma_wait3A_234 = tpu.memref_squeeze %dma_wait3A_233 : memref<1x125x64xi32, #tpu.memory_space<vmem>> -> memref<125x64xi32, #tpu.memory_space<vmem>>
        %dma_wait3A_235 = arith.constant 0 : i32
        %dma_wait3A_236 = tpu.memref_slice %arg3[%add3A_230, %dma_wait3A_235] : memref<100000x64xi32, #tpu.memory_space<hbm>> -> memref<125x64xi32, #tpu.memory_space<hbm>>
        %dma_wait3A_237 = arith.constant 0 : i32
        %dma_wait3A_238 = tpu.memref_slice %arg3[%add3A_230, %dma_wait3A_237] : memref<100000x64xi32, #tpu.memory_space<hbm>> -> memref<125x64xi32, #tpu.memory_space<hbm>>
        %dma_wait3A_239 = arith.constant 0 : i32
        %dma_wait3A_240 = arith.constant 0 : i32
        %dma_wait3A_241 = tpu.memref_slice %arg5[%select_n3A_60, %dma_wait3A_239, %dma_wait3A_240] : memref<2x125x64xi32, #tpu.memory_space<vmem>> -> memref<1x125x64xi32, #tpu.memory_space<vmem>>
        %dma_wait3A_242 = tpu.memref_squeeze %dma_wait3A_241 : memref<1x125x64xi32, #tpu.memory_space<vmem>> -> memref<125x64xi32, #tpu.memory_space<vmem>>
        tpu.wait_dma2 semaphore(%arg7 : memref<!tpu.dma_semaphore, #tpu.memory_space<semaphore_mem>>) src(%dma_wait3A_242 : memref<125x64xi32, #tpu.memory_space<vmem>>) dst(%dma_wait3A_238 : memref<125x64xi32, #tpu.memory_space<hbm>>)
      } else {
      }
      %scan3A_85 = arith.constant 0 : i32
      %scan3A_86 = arith.constant 0 : i32
      %scan3A_87 = arith.constant 124 : i32
      %scan3A_88 = arith.addi %scan3A_86, %scan3A_87 : i32
      %scan3A_89 = arith.constant 4 : i32
      scf.for %scan3A_227 = %scan3A_86 to %scan3A_88 step %scan3A_89  : i32 {
        %get3A_228 = arith.index_cast %select_n3A_60 : i32 to index
        %get3A_229 = arith.index_cast %scan3A_227 : i32 to index
        %get3A_230 = arith.constant 0 : index
        %get3A_231 = tpu.vector_load %arg4[%get3A_228, %get3A_229, %get3A_230] {strides = array<i32>} : memref<2x125x128xf32, #tpu.memory_space<vmem>>, vector<1x1x16xf32>,
        %get3A_232 = vector.shape_cast %get3A_231 : vector<1x1x16xf32> to vector<16xf32>
        %bitcast_convert_type3A_233 = tpu.bitcast %get3A_232 : vector<16xf32> -> vector<16xi32>
        %get3A_234 = arith.index_cast %select_n3A_60 : i32 to index
        %get3A_235 = arith.index_cast %scan3A_227 : i32 to index
        %get3A_236 = arith.constant 64 : index
        %get3A_237 = tpu.vector_load %arg4[%get3A_234, %get3A_235, %get3A_236] {strides = array<i32>} : memref<2x125x128xf32, #tpu.memory_space<vmem>>, vector<1x1x16xf32>,
        %get3A_238 = vector.shape_cast %get3A_237 : vector<1x1x16xf32> to vector<16xf32>
        %bitcast_convert_type3A_239 = tpu.bitcast %get3A_238 : vector<16xf32> -> vector<16xi32>
        %add3A_240 = arith.constant 32768 : i32
        %add3A_241 = vector.broadcast %add3A_240 : i32 to vector<16xi32>
        %add3A_242 = arith.addi %bitcast_convert_type3A_233, %add3A_241 : vector<16xi32>
        %add3A_243 = arith.constant 32768 : i32
        %add3A_244 = vector.broadcast %add3A_243 : i32 to vector<16xi32>
        %add3A_245 = arith.addi %bitcast_convert_type3A_239, %add3A_244 : vector<16xi32>
        %shift_right_logical3A_246 = arith.constant 16 : i32
        %shift_right_logical3A_247 = vector.broadcast %shift_right_logical3A_246 : i32 to vector<16xi32>
        %shift_right_logical3A_248 = arith.shrui %add3A_242, %shift_right_logical3A_247 : vector<16xi32>
        %and3A_249 = arith.constant -65536 : i32
        %and3A_250 = vector.broadcast %and3A_249 : i32 to vector<16xi32>
        %and3A_251 = arith.andi %add3A_245, %and3A_250 : vector<16xi32>
        %or3A_252 = arith.ori %shift_right_logical3A_248, %and3A_251 : vector<16xi32>
        %swap3A_253 = arith.index_cast %select_n3A_60 : i32 to index
        %swap3A_254 = arith.index_cast %scan3A_227 : i32 to index
        %swap3A_255 = arith.constant 0 : index
        %swap3A_256 = tpu.vector_load %arg5[%swap3A_253, %swap3A_254, %swap3A_255] {strides = array<i32>} : memref<2x125x64xi32, #tpu.memory_space<vmem>>, vector<1x1x16xi32>,
        %swap3A_257 = vector.shape_cast %swap3A_256 : vector<1x1x16xi32> to vector<16xi32>
        %swap3A_258 = vector.shape_cast %or3A_252 : vector<16xi32> to vector<1x1x16xi32>
        tpu.vector_store %arg5[%swap3A_253, %swap3A_254, %swap3A_255], %swap3A_258 {strides = array<i32>} : memref<2x125x64xi32, #tpu.memory_space<vmem>>, vector<1x1x16xi32>,
        %get3A_259 = arith.index_cast %select_n3A_60 : i32 to index
        %get3A_260 = arith.index_cast %scan3A_227 : i32 to index
        %get3A_261 = arith.constant 16 : index
        %get3A_262 = tpu.vector_load %arg4[%get3A_259, %get3A_260, %get3A_261] {strides = array<i32>} : memref<2x125x128xf32, #tpu.memory_space<vmem>>, vector<1x1x16xf32>,
        %get3A_263 = vector.shape_cast %get3A_262 : vector<1x1x16xf32> to vector<16xf32>
        %bitcast_convert_type3A_264 = tpu.bitcast %get3A_263 : vector<16xf32> -> vector<16xi32>
        %get3A_265 = arith.index_cast %select_n3A_60 : i32 to index
        %get3A_266 = arith.index_cast %scan3A_227 : i32 to index
        %get3A_267 = arith.constant 80 : index
        %get3A_268 = tpu.vector_load %arg4[%get3A_265, %get3A_266, %get3A_267] {strides = array<i32>} : memref<2x125x128xf32, #tpu.memory_space<vmem>>, vector<1x1x16xf32>,
        %get3A_269 = vector.shape_cast %get3A_268 : vector<1x1x16xf32> to vector<16xf32>
        %bitcast_convert_type3A_270 = tpu.bitcast %get3A_269 : vector<16xf32> -> vector<16xi32>
        %add3A_271 = arith.constant 32768 : i32
        %add3A_272 = vector.broadcast %add3A_271 : i32 to vector<16xi32>
        %add3A_273 = arith.addi %bitcast_convert_type3A_264, %add3A_272 : vector<16xi32>
        %add3A_274 = arith.constant 32768 : i32
        %add3A_275 = vector.broadcast %add3A_274 : i32 to vector<16xi32>
        %add3A_276 = arith.addi %bitcast_convert_type3A_270, %add3A_275 : vector<16xi32>
        %shift_right_logical3A_277 = arith.constant 16 : i32
        %shift_right_logical3A_278 = vector.broadcast %shift_right_logical3A_277 : i32 to vector<16xi32>
        %shift_right_logical3A_279 = arith.shrui %add3A_273, %shift_right_logical3A_278 : vector<16xi32>
        %and3A_280 = arith.constant -65536 : i32
        %and3A_281 = vector.broadcast %and3A_280 : i32 to vector<16xi32>
        %and3A_282 = arith.andi %add3A_276, %and3A_281 : vector<16xi32>
        %or3A_283 = arith.ori %shift_right_logical3A_279, %and3A_282 : vector<16xi32>
        %swap3A_284 = arith.index_cast %select_n3A_60 : i32 to index
        %swap3A_285 = arith.index_cast %scan3A_227 : i32 to index
        %swap3A_286 = arith.constant 16 : index
        %swap3A_287 = tpu.vector_load %arg5[%swap3A_284, %swap3A_285, %swap3A_286] {strides = array<i32>} : memref<2x125x64xi32, #tpu.memory_space<vmem>>, vector<1x1x16xi32>,
        %swap3A_288 = vector.shape_cast %swap3A_287 : vector<1x1x16xi32> to vector<16xi32>
        %swap3A_289 = vector.shape_cast %or3A_283 : vector<16xi32> to vector<1x1x16xi32>
        tpu.vector_store %arg5[%swap3A_284, %swap3A_285, %swap3A_286], %swap3A_289 {strides = array<i32>} : memref<2x125x64xi32, #tpu.memory_space<vmem>>, vector<1x1x16xi32>,
        %get3A_290 = arith.index_cast %select_n3A_60 : i32 to index
        %get3A_291 = arith.index_cast %scan3A_227 : i32 to index
        %get3A_292 = arith.constant 32 : index
        %get3A_293 = tpu.vector_load %arg4[%get3A_290, %get3A_291, %get3A_292] {strides = array<i32>} : memref<2x125x128xf32, #tpu.memory_space<vmem>>, vector<1x1x16xf32>,
        %get3A_294 = vector.shape_cast %get3A_293 : vector<1x1x16xf32> to vector<16xf32>
        %bitcast_convert_type3A_295 = tpu.bitcast %get3A_294 : vector<16xf32> -> vector<16xi32>
        %get3A_296 = arith.index_cast %select_n3A_60 : i32 to index
        %get3A_297 = arith.index_cast %scan3A_227 : i32 to index
        %get3A_298 = arith.constant 96 : index
        %get3A_299 = tpu.vector_load %arg4[%get3A_296, %get3A_297, %get3A_298] {strides = array<i32>} : memref<2x125x128xf32, #tpu.memory_space<vmem>>, vector<1x1x16xf32>,
        %get3A_300 = vector.shape_cast %get3A_299 : vector<1x1x16xf32> to vector<16xf32>
        %bitcast_convert_type3A_301 = tpu.bitcast %get3A_300 : vector<16xf32> -> vector<16xi32>
        %add3A_302 = arith.constant 32768 : i32
        %add3A_303 = vector.broadcast %add3A_302 : i32 to vector<16xi32>
        %add3A_304 = arith.addi %bitcast_convert_type3A_295, %add3A_303 : vector<16xi32>
        %add3A_305 = arith.constant 32768 : i32
        %add3A_306 = vector.broadcast %add3A_305 : i32 to vector<16xi32>
        %add3A_307 = arith.addi %bitcast_convert_type3A_301, %add3A_306 : vector<16xi32>
        %shift_right_logical3A_308 = arith.constant 16 : i32
        %shift_right_logical3A_309 = vector.broadcast %shift_right_logical3A_308 : i32 to vector<16xi32>
        %shift_right_logical3A_310 = arith.shrui %add3A_304, %shift_right_logical3A_309 : vector<16xi32>
        %and3A_311 = arith.constant -65536 : i32
        %and3A_312 = vector.broadcast %and3A_311 : i32 to vector<16xi32>
        %and3A_313 = arith.andi %add3A_307, %and3A_312 : vector<16xi32>
        %or3A_314 = arith.ori %shift_right_logical3A_310, %and3A_313 : vector<16xi32>
        %swap3A_315 = arith.index_cast %select_n3A_60 : i32 to index
        %swap3A_316 = arith.index_cast %scan3A_227 : i32 to index
        %swap3A_317 = arith.constant 32 : index
        %swap3A_318 = tpu.vector_load %arg5[%swap3A_315, %swap3A_316, %swap3A_317] {strides = array<i32>} : memref<2x125x64xi32, #tpu.memory_space<vmem>>, vector<1x1x16xi32>,
        %swap3A_319 = vector.shape_cast %swap3A_318 : vector<1x1x16xi32> to vector<16xi32>
        %swap3A_320 = vector.shape_cast %or3A_314 : vector<16xi32> to vector<1x1x16xi32>
        tpu.vector_store %arg5[%swap3A_315, %swap3A_316, %swap3A_317], %swap3A_320 {strides = array<i32>} : memref<2x125x64xi32, #tpu.memory_space<vmem>>, vector<1x1x16xi32>,
        %get3A_321 = arith.index_cast %select_n3A_60 : i32 to index
        %get3A_322 = arith.index_cast %scan3A_227 : i32 to index
        %get3A_323 = arith.constant 48 : index
        %get3A_324 = tpu.vector_load %arg4[%get3A_321, %get3A_322, %get3A_323] {strides = array<i32>} : memref<2x125x128xf32, #tpu.memory_space<vmem>>, vector<1x1x16xf32>,
        %get3A_325 = vector.shape_cast %get3A_324 : vector<1x1x16xf32> to vector<16xf32>
        %bitcast_convert_type3A_326 = tpu.bitcast %get3A_325 : vector<16xf32> -> vector<16xi32>
        %get3A_327 = arith.index_cast %select_n3A_60 : i32 to index
        %get3A_328 = arith.index_cast %scan3A_227 : i32 to index
        %get3A_329 = arith.constant 112 : index
        %get3A_330 = tpu.vector_load %arg4[%get3A_327, %get3A_328, %get3A_329] {strides = array<i32>} : memref<2x125x128xf32, #tpu.memory_space<vmem>>, vector<1x1x16xf32>,
        %get3A_331 = vector.shape_cast %get3A_330 : vector<1x1x16xf32> to vector<16xf32>
        %bitcast_convert_type3A_332 = tpu.bitcast %get3A_331 : vector<16xf32> -> vector<16xi32>
        %add3A_333 = arith.constant 32768 : i32
        %add3A_334 = vector.broadcast %add3A_333 : i32 to vector<16xi32>
        %add3A_335 = arith.addi %bitcast_convert_type3A_326, %add3A_334 : vector<16xi32>
        %add3A_336 = arith.constant 32768 : i32
        %add3A_337 = vector.broadcast %add3A_336 : i32 to vector<16xi32>
        %add3A_338 = arith.addi %bitcast_convert_type3A_332, %add3A_337 : vector<16xi32>
        %shift_right_logical3A_339 = arith.constant 16 : i32
        %shift_right_logical3A_340 = vector.broadcast %shift_right_logical3A_339 : i32 to vector<16xi32>
        %shift_right_logical3A_341 = arith.shrui %add3A_335, %shift_right_logical3A_340 : vector<16xi32>
        %and3A_342 = arith.constant -65536 : i32
        %and3A_343 = vector.broadcast %and3A_342 : i32 to vector<16xi32>
        %and3A_344 = arith.andi %add3A_338, %and3A_343 : vector<16xi32>
        %or3A_345 = arith.ori %shift_right_logical3A_341, %and3A_344 : vector<16xi32>
        %swap3A_346 = arith.index_cast %select_n3A_60 : i32 to index
        %swap3A_347 = arith.index_cast %scan3A_227 : i32 to index
        %swap3A_348 = arith.constant 48 : index
        %swap3A_349 = tpu.vector_load %arg5[%swap3A_346, %swap3A_347, %swap3A_348] {strides = array<i32>} : memref<2x125x64xi32, #tpu.memory_space<vmem>>, vector<1x1x16xi32>,
        %swap3A_350 = vector.shape_cast %swap3A_349 : vector<1x1x16xi32> to vector<16xi32>
        %swap3A_351 = vector.shape_cast %or3A_345 : vector<16xi32> to vector<1x1x16xi32>
        tpu.vector_store %arg5[%swap3A_346, %swap3A_347, %swap3A_348], %swap3A_351 {strides = array<i32>} : memref<2x125x64xi32, #tpu.memory_space<vmem>>, vector<1x1x16xi32>,
        %scan3A_352 = arith.constant 1 : i32
        %scan3A_353 = arith.addi %scan3A_227, %scan3A_352 : i32
        %get3A_354 = arith.index_cast %select_n3A_60 : i32 to index
        %get3A_355 = arith.index_cast %scan3A_353 : i32 to index
        %get3A_356 = arith.constant 0 : index
        %get3A_357 = tpu.vector_load %arg4[%get3A_354, %get3A_355, %get3A_356] {strides = array<i32>} : memref<2x125x128xf32, #tpu.memory_space<vmem>>, vector<1x1x16xf32>,
        %get3A_358 = vector.shape_cast %get3A_357 : vector<1x1x16xf32> to vector<16xf32>
        %bitcast_convert_type3A_359 = tpu.bitcast %get3A_358 : vector<16xf32> -> vector<16xi32>
        %get3A_360 = arith.index_cast %select_n3A_60 : i32 to index
        %get3A_361 = arith.index_cast %scan3A_353 : i32 to index
        %get3A_362 = arith.constant 64 : index
        %get3A_363 = tpu.vector_load %arg4[%get3A_360, %get3A_361, %get3A_362] {strides = array<i32>} : memref<2x125x128xf32, #tpu.memory_space<vmem>>, vector<1x1x16xf32>,
        %get3A_364 = vector.shape_cast %get3A_363 : vector<1x1x16xf32> to vector<16xf32>
        %bitcast_convert_type3A_365 = tpu.bitcast %get3A_364 : vector<16xf32> -> vector<16xi32>
        %add3A_366 = arith.constant 32768 : i32
        %add3A_367 = vector.broadcast %add3A_366 : i32 to vector<16xi32>
        %add3A_368 = arith.addi %bitcast_convert_type3A_359, %add3A_367 : vector<16xi32>
        %add3A_369 = arith.constant 32768 : i32
        %add3A_370 = vector.broadcast %add3A_369 : i32 to vector<16xi32>
        %add3A_371 = arith.addi %bitcast_convert_type3A_365, %add3A_370 : vector<16xi32>
        %shift_right_logical3A_372 = arith.constant 16 : i32
        %shift_right_logical3A_373 = vector.broadcast %shift_right_logical3A_372 : i32 to vector<16xi32>
        %shift_right_logical3A_374 = arith.shrui %add3A_368, %shift_right_logical3A_373 : vector<16xi32>
        %and3A_375 = arith.constant -65536 : i32
        %and3A_376 = vector.broadcast %and3A_375 : i32 to vector<16xi32>
        %and3A_377 = arith.andi %add3A_371, %and3A_376 : vector<16xi32>
        %or3A_378 = arith.ori %shift_right_logical3A_374, %and3A_377 : vector<16xi32>
        %swap3A_379 = arith.index_cast %select_n3A_60 : i32 to index
        %swap3A_380 = arith.index_cast %scan3A_353 : i32 to index
        %swap3A_381 = arith.constant 0 : index
        %swap3A_382 = tpu.vector_load %arg5[%swap3A_379, %swap3A_380, %swap3A_381] {strides = array<i32>} : memref<2x125x64xi32, #tpu.memory_space<vmem>>, vector<1x1x16xi32>,
        %swap3A_383 = vector.shape_cast %swap3A_382 : vector<1x1x16xi32> to vector<16xi32>
        %swap3A_384 = vector.shape_cast %or3A_378 : vector<16xi32> to vector<1x1x16xi32>
        tpu.vector_store %arg5[%swap3A_379, %swap3A_380, %swap3A_381], %swap3A_384 {strides = array<i32>} : memref<2x125x64xi32, #tpu.memory_space<vmem>>, vector<1x1x16xi32>,
        %get3A_385 = arith.index_cast %select_n3A_60 : i32 to index
        %get3A_386 = arith.index_cast %scan3A_353 : i32 to index
        %get3A_387 = arith.constant 16 : index
        %get3A_388 = tpu.vector_load %arg4[%get3A_385, %get3A_386, %get3A_387] {strides = array<i32>} : memref<2x125x128xf32, #tpu.memory_space<vmem>>, vector<1x1x16xf32>,
        %get3A_389 = vector.shape_cast %get3A_388 : vector<1x1x16xf32> to vector<16xf32>
        %bitcast_convert_type3A_390 = tpu.bitcast %get3A_389 : vector<16xf32> -> vector<16xi32>
        %get3A_391 = arith.index_cast %select_n3A_60 : i32 to index
        %get3A_392 = arith.index_cast %scan3A_353 : i32 to index
        %get3A_393 = arith.constant 80 : index
        %get3A_394 = tpu.vector_load %arg4[%get3A_391, %get3A_392, %get3A_393] {strides = array<i32>} : memref<2x125x128xf32, #tpu.memory_space<vmem>>, vector<1x1x16xf32>,
        %get3A_395 = vector.shape_cast %get3A_394 : vector<1x1x16xf32> to vector<16xf32>
        %bitcast_convert_type3A_396 = tpu.bitcast %get3A_395 : vector<16xf32> -> vector<16xi32>
        %add3A_397 = arith.constant 32768 : i32
        %add3A_398 = vector.broadcast %add3A_397 : i32 to vector<16xi32>
        %add3A_399 = arith.addi %bitcast_convert_type3A_390, %add3A_398 : vector<16xi32>
        %add3A_400 = arith.constant 32768 : i32
        %add3A_401 = vector.broadcast %add3A_400 : i32 to vector<16xi32>
        %add3A_402 = arith.addi %bitcast_convert_type3A_396, %add3A_401 : vector<16xi32>
        %shift_right_logical3A_403 = arith.constant 16 : i32
        %shift_right_logical3A_404 = vector.broadcast %shift_right_logical3A_403 : i32 to vector<16xi32>
        %shift_right_logical3A_405 = arith.shrui %add3A_399, %shift_right_logical3A_404 : vector<16xi32>
        %and3A_406 = arith.constant -65536 : i32
        %and3A_407 = vector.broadcast %and3A_406 : i32 to vector<16xi32>
        %and3A_408 = arith.andi %add3A_402, %and3A_407 : vector<16xi32>
        %or3A_409 = arith.ori %shift_right_logical3A_405, %and3A_408 : vector<16xi32>
        %swap3A_410 = arith.index_cast %select_n3A_60 : i32 to index
        %swap3A_411 = arith.index_cast %scan3A_353 : i32 to index
        %swap3A_412 = arith.constant 16 : index
        %swap3A_413 = tpu.vector_load %arg5[%swap3A_410, %swap3A_411, %swap3A_412] {strides = array<i32>} : memref<2x125x64xi32, #tpu.memory_space<vmem>>, vector<1x1x16xi32>,
        %swap3A_414 = vector.shape_cast %swap3A_413 : vector<1x1x16xi32> to vector<16xi32>
        %swap3A_415 = vector.shape_cast %or3A_409 : vector<16xi32> to vector<1x1x16xi32>
        tpu.vector_store %arg5[%swap3A_410, %swap3A_411, %swap3A_412], %swap3A_415 {strides = array<i32>} : memref<2x125x64xi32, #tpu.memory_space<vmem>>, vector<1x1x16xi32>,
        %get3A_416 = arith.index_cast %select_n3A_60 : i32 to index
        %get3A_417 = arith.index_cast %scan3A_353 : i32 to index
        %get3A_418 = arith.constant 32 : index
        %get3A_419 = tpu.vector_load %arg4[%get3A_416, %get3A_417, %get3A_418] {strides = array<i32>} : memref<2x125x128xf32, #tpu.memory_space<vmem>>, vector<1x1x16xf32>,
        %get3A_420 = vector.shape_cast %get3A_419 : vector<1x1x16xf32> to vector<16xf32>
        %bitcast_convert_type3A_421 = tpu.bitcast %get3A_420 : vector<16xf32> -> vector<16xi32>
        %get3A_422 = arith.index_cast %select_n3A_60 : i32 to index
        %get3A_423 = arith.index_cast %scan3A_353 : i32 to index
        %get3A_424 = arith.constant 96 : index
        %get3A_425 = tpu.vector_load %arg4[%get3A_422, %get3A_423, %get3A_424] {strides = array<i32>} : memref<2x125x128xf32, #tpu.memory_space<vmem>>, vector<1x1x16xf32>,
        %get3A_426 = vector.shape_cast %get3A_425 : vector<1x1x16xf32> to vector<16xf32>
        %bitcast_convert_type3A_427 = tpu.bitcast %get3A_426 : vector<16xf32> -> vector<16xi32>
        %add3A_428 = arith.constant 32768 : i32
        %add3A_429 = vector.broadcast %add3A_428 : i32 to vector<16xi32>
        %add3A_430 = arith.addi %bitcast_convert_type3A_421, %add3A_429 : vector<16xi32>
        %add3A_431 = arith.constant 32768 : i32
        %add3A_432 = vector.broadcast %add3A_431 : i32 to vector<16xi32>
        %add3A_433 = arith.addi %bitcast_convert_type3A_427, %add3A_432 : vector<16xi32>
        %shift_right_logical3A_434 = arith.constant 16 : i32
        %shift_right_logical3A_435 = vector.broadcast %shift_right_logical3A_434 : i32 to vector<16xi32>
        %shift_right_logical3A_436 = arith.shrui %add3A_430, %shift_right_logical3A_435 : vector<16xi32>
        %and3A_437 = arith.constant -65536 : i32
        %and3A_438 = vector.broadcast %and3A_437 : i32 to vector<16xi32>
        %and3A_439 = arith.andi %add3A_433, %and3A_438 : vector<16xi32>
        %or3A_440 = arith.ori %shift_right_logical3A_436, %and3A_439 : vector<16xi32>
        %swap3A_441 = arith.index_cast %select_n3A_60 : i32 to index
        %swap3A_442 = arith.index_cast %scan3A_353 : i32 to index
        %swap3A_443 = arith.constant 32 : index
        %swap3A_444 = tpu.vector_load %arg5[%swap3A_441, %swap3A_442, %swap3A_443] {strides = array<i32>} : memref<2x125x64xi32, #tpu.memory_space<vmem>>, vector<1x1x16xi32>,
        %swap3A_445 = vector.shape_cast %swap3A_444 : vector<1x1x16xi32> to vector<16xi32>
        %swap3A_446 = vector.shape_cast %or3A_440 : vector<16xi32> to vector<1x1x16xi32>
        tpu.vector_store %arg5[%swap3A_441, %swap3A_442, %swap3A_443], %swap3A_446 {strides = array<i32>} : memref<2x125x64xi32, #tpu.memory_space<vmem>>, vector<1x1x16xi32>,
        %get3A_447 = arith.index_cast %select_n3A_60 : i32 to index
        %get3A_448 = arith.index_cast %scan3A_353 : i32 to index
        %get3A_449 = arith.constant 48 : index
        %get3A_450 = tpu.vector_load %arg4[%get3A_447, %get3A_448, %get3A_449] {strides = array<i32>} : memref<2x125x128xf32, #tpu.memory_space<vmem>>, vector<1x1x16xf32>,
        %get3A_451 = vector.shape_cast %get3A_450 : vector<1x1x16xf32> to vector<16xf32>
        %bitcast_convert_type3A_452 = tpu.bitcast %get3A_451 : vector<16xf32> -> vector<16xi32>
        %get3A_453 = arith.index_cast %select_n3A_60 : i32 to index
        %get3A_454 = arith.index_cast %scan3A_353 : i32 to index
        %get3A_455 = arith.constant 112 : index
        %get3A_456 = tpu.vector_load %arg4[%get3A_453, %get3A_454, %get3A_455] {strides = array<i32>} : memref<2x125x128xf32, #tpu.memory_space<vmem>>, vector<1x1x16xf32>,
        %get3A_457 = vector.shape_cast %get3A_456 : vector<1x1x16xf32> to vector<16xf32>
        %bitcast_convert_type3A_458 = tpu.bitcast %get3A_457 : vector<16xf32> -> vector<16xi32>
        %add3A_459 = arith.constant 32768 : i32
        %add3A_460 = vector.broadcast %add3A_459 : i32 to vector<16xi32>
        %add3A_461 = arith.addi %bitcast_convert_type3A_452, %add3A_460 : vector<16xi32>
        %add3A_462 = arith.constant 32768 : i32
        %add3A_463 = vector.broadcast %add3A_462 : i32 to vector<16xi32>
        %add3A_464 = arith.addi %bitcast_convert_type3A_458, %add3A_463 : vector<16xi32>
        %shift_right_logical3A_465 = arith.constant 16 : i32
        %shift_right_logical3A_466 = vector.broadcast %shift_right_logical3A_465 : i32 to vector<16xi32>
        %shift_right_logical3A_467 = arith.shrui %add3A_461, %shift_right_logical3A_466 : vector<16xi32>
        %and3A_468 = arith.constant -65536 : i32
        %and3A_469 = vector.broadcast %and3A_468 : i32 to vector<16xi32>
        %and3A_470 = arith.andi %add3A_464, %and3A_469 : vector<16xi32>
        %or3A_471 = arith.ori %shift_right_logical3A_467, %and3A_470 : vector<16xi32>
        %swap3A_472 = arith.index_cast %select_n3A_60 : i32 to index
        %swap3A_473 = arith.index_cast %scan3A_353 : i32 to index
        %swap3A_474 = arith.constant 48 : index
        %swap3A_475 = tpu.vector_load %arg5[%swap3A_472, %swap3A_473, %swap3A_474] {strides = array<i32>} : memref<2x125x64xi32, #tpu.memory_space<vmem>>, vector<1x1x16xi32>,
        %swap3A_476 = vector.shape_cast %swap3A_475 : vector<1x1x16xi32> to vector<16xi32>
        %swap3A_477 = vector.shape_cast %or3A_471 : vector<16xi32> to vector<1x1x16xi32>
        tpu.vector_store %arg5[%swap3A_472, %swap3A_473, %swap3A_474], %swap3A_477 {strides = array<i32>} : memref<2x125x64xi32, #tpu.memory_space<vmem>>, vector<1x1x16xi32>,
        %scan3A_478 = arith.constant 2 : i32
        %scan3A_479 = arith.addi %scan3A_227, %scan3A_478 : i32
        %get3A_480 = arith.index_cast %select_n3A_60 : i32 to index
        %get3A_481 = arith.index_cast %scan3A_479 : i32 to index
        %get3A_482 = arith.constant 0 : index
        %get3A_483 = tpu.vector_load %arg4[%get3A_480, %get3A_481, %get3A_482] {strides = array<i32>} : memref<2x125x128xf32, #tpu.memory_space<vmem>>, vector<1x1x16xf32>,
        %get3A_484 = vector.shape_cast %get3A_483 : vector<1x1x16xf32> to vector<16xf32>
        %bitcast_convert_type3A_485 = tpu.bitcast %get3A_484 : vector<16xf32> -> vector<16xi32>
        %get3A_486 = arith.index_cast %select_n3A_60 : i32 to index
        %get3A_487 = arith.index_cast %scan3A_479 : i32 to index
        %get3A_488 = arith.constant 64 : index
        %get3A_489 = tpu.vector_load %arg4[%get3A_486, %get3A_487, %get3A_488] {strides = array<i32>} : memref<2x125x128xf32, #tpu.memory_space<vmem>>, vector<1x1x16xf32>,
        %get3A_490 = vector.shape_cast %get3A_489 : vector<1x1x16xf32> to vector<16xf32>
        %bitcast_convert_type3A_491 = tpu.bitcast %get3A_490 : vector<16xf32> -> vector<16xi32>
        %add3A_492 = arith.constant 32768 : i32
        %add3A_493 = vector.broadcast %add3A_492 : i32 to vector<16xi32>
        %add3A_494 = arith.addi %bitcast_convert_type3A_485, %add3A_493 : vector<16xi32>
        %add3A_495 = arith.constant 32768 : i32
        %add3A_496 = vector.broadcast %add3A_495 : i32 to vector<16xi32>
        %add3A_497 = arith.addi %bitcast_convert_type3A_491, %add3A_496 : vector<16xi32>
        %shift_right_logical3A_498 = arith.constant 16 : i32
        %shift_right_logical3A_499 = vector.broadcast %shift_right_logical3A_498 : i32 to vector<16xi32>
        %shift_right_logical3A_500 = arith.shrui %add3A_494, %shift_right_logical3A_499 : vector<16xi32>
        %and3A_501 = arith.constant -65536 : i32
        %and3A_502 = vector.broadcast %and3A_501 : i32 to vector<16xi32>
        %and3A_503 = arith.andi %add3A_497, %and3A_502 : vector<16xi32>
        %or3A_504 = arith.ori %shift_right_logical3A_500, %and3A_503 : vector<16xi32>
        %swap3A_505 = arith.index_cast %select_n3A_60 : i32 to index
        %swap3A_506 = arith.index_cast %scan3A_479 : i32 to index
        %swap3A_507 = arith.constant 0 : index
        %swap3A_508 = tpu.vector_load %arg5[%swap3A_505, %swap3A_506, %swap3A_507] {strides = array<i32>} : memref<2x125x64xi32, #tpu.memory_space<vmem>>, vector<1x1x16xi32>,
        %swap3A_509 = vector.shape_cast %swap3A_508 : vector<1x1x16xi32> to vector<16xi32>
        %swap3A_510 = vector.shape_cast %or3A_504 : vector<16xi32> to vector<1x1x16xi32>
        tpu.vector_store %arg5[%swap3A_505, %swap3A_506, %swap3A_507], %swap3A_510 {strides = array<i32>} : memref<2x125x64xi32, #tpu.memory_space<vmem>>, vector<1x1x16xi32>,
        %get3A_511 = arith.index_cast %select_n3A_60 : i32 to index
        %get3A_512 = arith.index_cast %scan3A_479 : i32 to index
        %get3A_513 = arith.constant 16 : index
        %get3A_514 = tpu.vector_load %arg4[%get3A_511, %get3A_512, %get3A_513] {strides = array<i32>} : memref<2x125x128xf32, #tpu.memory_space<vmem>>, vector<1x1x16xf32>,
        %get3A_515 = vector.shape_cast %get3A_514 : vector<1x1x16xf32> to vector<16xf32>
        %bitcast_convert_type3A_516 = tpu.bitcast %get3A_515 : vector<16xf32> -> vector<16xi32>
        %get3A_517 = arith.index_cast %select_n3A_60 : i32 to index
        %get3A_518 = arith.index_cast %scan3A_479 : i32 to index
        %get3A_519 = arith.constant 80 : index
        %get3A_520 = tpu.vector_load %arg4[%get3A_517, %get3A_518, %get3A_519] {strides = array<i32>} : memref<2x125x128xf32, #tpu.memory_space<vmem>>, vector<1x1x16xf32>,
        %get3A_521 = vector.shape_cast %get3A_520 : vector<1x1x16xf32> to vector<16xf32>
        %bitcast_convert_type3A_522 = tpu.bitcast %get3A_521 : vector<16xf32> -> vector<16xi32>
        %add3A_523 = arith.constant 32768 : i32
        %add3A_524 = vector.broadcast %add3A_523 : i32 to vector<16xi32>
        %add3A_525 = arith.addi %bitcast_convert_type3A_516, %add3A_524 : vector<16xi32>
        %add3A_526 = arith.constant 32768 : i32
        %add3A_527 = vector.broadcast %add3A_526 : i32 to vector<16xi32>
        %add3A_528 = arith.addi %bitcast_convert_type3A_522, %add3A_527 : vector<16xi32>
        %shift_right_logical3A_529 = arith.constant 16 : i32
        %shift_right_logical3A_530 = vector.broadcast %shift_right_logical3A_529 : i32 to vector<16xi32>
        %shift_right_logical3A_531 = arith.shrui %add3A_525, %shift_right_logical3A_530 : vector<16xi32>
        %and3A_532 = arith.constant -65536 : i32
        %and3A_533 = vector.broadcast %and3A_532 : i32 to vector<16xi32>
        %and3A_534 = arith.andi %add3A_528, %and3A_533 : vector<16xi32>
        %or3A_535 = arith.ori %shift_right_logical3A_531, %and3A_534 : vector<16xi32>
        %swap3A_536 = arith.index_cast %select_n3A_60 : i32 to index
        %swap3A_537 = arith.index_cast %scan3A_479 : i32 to index
        %swap3A_538 = arith.constant 16 : index
        %swap3A_539 = tpu.vector_load %arg5[%swap3A_536, %swap3A_537, %swap3A_538] {strides = array<i32>} : memref<2x125x64xi32, #tpu.memory_space<vmem>>, vector<1x1x16xi32>,
        %swap3A_540 = vector.shape_cast %swap3A_539 : vector<1x1x16xi32> to vector<16xi32>
        %swap3A_541 = vector.shape_cast %or3A_535 : vector<16xi32> to vector<1x1x16xi32>
        tpu.vector_store %arg5[%swap3A_536, %swap3A_537, %swap3A_538], %swap3A_541 {strides = array<i32>} : memref<2x125x64xi32, #tpu.memory_space<vmem>>, vector<1x1x16xi32>,
        %get3A_542 = arith.index_cast %select_n3A_60 : i32 to index
        %get3A_543 = arith.index_cast %scan3A_479 : i32 to index
        %get3A_544 = arith.constant 32 : index
        %get3A_545 = tpu.vector_load %arg4[%get3A_542, %get3A_543, %get3A_544] {strides = array<i32>} : memref<2x125x128xf32, #tpu.memory_space<vmem>>, vector<1x1x16xf32>,
        %get3A_546 = vector.shape_cast %get3A_545 : vector<1x1x16xf32> to vector<16xf32>
        %bitcast_convert_type3A_547 = tpu.bitcast %get3A_546 : vector<16xf32> -> vector<16xi32>
        %get3A_548 = arith.index_cast %select_n3A_60 : i32 to index
        %get3A_549 = arith.index_cast %scan3A_479 : i32 to index
        %get3A_550 = arith.constant 96 : index
        %get3A_551 = tpu.vector_load %arg4[%get3A_548, %get3A_549, %get3A_550] {strides = array<i32>} : memref<2x125x128xf32, #tpu.memory_space<vmem>>, vector<1x1x16xf32>,
        %get3A_552 = vector.shape_cast %get3A_551 : vector<1x1x16xf32> to vector<16xf32>
        %bitcast_convert_type3A_553 = tpu.bitcast %get3A_552 : vector<16xf32> -> vector<16xi32>
        %add3A_554 = arith.constant 32768 : i32
        %add3A_555 = vector.broadcast %add3A_554 : i32 to vector<16xi32>
        %add3A_556 = arith.addi %bitcast_convert_type3A_547, %add3A_555 : vector<16xi32>
        %add3A_557 = arith.constant 32768 : i32
        %add3A_558 = vector.broadcast %add3A_557 : i32 to vector<16xi32>
        %add3A_559 = arith.addi %bitcast_convert_type3A_553, %add3A_558 : vector<16xi32>
        %shift_right_logical3A_560 = arith.constant 16 : i32
        %shift_right_logical3A_561 = vector.broadcast %shift_right_logical3A_560 : i32 to vector<16xi32>
        %shift_right_logical3A_562 = arith.shrui %add3A_556, %shift_right_logical3A_561 : vector<16xi32>
        %and3A_563 = arith.constant -65536 : i32
        %and3A_564 = vector.broadcast %and3A_563 : i32 to vector<16xi32>
        %and3A_565 = arith.andi %add3A_559, %and3A_564 : vector<16xi32>
        %or3A_566 = arith.ori %shift_right_logical3A_562, %and3A_565 : vector<16xi32>
        %swap3A_567 = arith.index_cast %select_n3A_60 : i32 to index
        %swap3A_568 = arith.index_cast %scan3A_479 : i32 to index
        %swap3A_569 = arith.constant 32 : index
        %swap3A_570 = tpu.vector_load %arg5[%swap3A_567, %swap3A_568, %swap3A_569] {strides = array<i32>} : memref<2x125x64xi32, #tpu.memory_space<vmem>>, vector<1x1x16xi32>,
        %swap3A_571 = vector.shape_cast %swap3A_570 : vector<1x1x16xi32> to vector<16xi32>
        %swap3A_572 = vector.shape_cast %or3A_566 : vector<16xi32> to vector<1x1x16xi32>
        tpu.vector_store %arg5[%swap3A_567, %swap3A_568, %swap3A_569], %swap3A_572 {strides = array<i32>} : memref<2x125x64xi32, #tpu.memory_space<vmem>>, vector<1x1x16xi32>,
        %get3A_573 = arith.index_cast %select_n3A_60 : i32 to index
        %get3A_574 = arith.index_cast %scan3A_479 : i32 to index
        %get3A_575 = arith.constant 48 : index
        %get3A_576 = tpu.vector_load %arg4[%get3A_573, %get3A_574, %get3A_575] {strides = array<i32>} : memref<2x125x128xf32, #tpu.memory_space<vmem>>, vector<1x1x16xf32>,
        %get3A_577 = vector.shape_cast %get3A_576 : vector<1x1x16xf32> to vector<16xf32>
        %bitcast_convert_type3A_578 = tpu.bitcast %get3A_577 : vector<16xf32> -> vector<16xi32>
        %get3A_579 = arith.index_cast %select_n3A_60 : i32 to index
        %get3A_580 = arith.index_cast %scan3A_479 : i32 to index
        %get3A_581 = arith.constant 112 : index
        %get3A_582 = tpu.vector_load %arg4[%get3A_579, %get3A_580, %get3A_581] {strides = array<i32>} : memref<2x125x128xf32, #tpu.memory_space<vmem>>, vector<1x1x16xf32>,
        %get3A_583 = vector.shape_cast %get3A_582 : vector<1x1x16xf32> to vector<16xf32>
        %bitcast_convert_type3A_584 = tpu.bitcast %get3A_583 : vector<16xf32> -> vector<16xi32>
        %add3A_585 = arith.constant 32768 : i32
        %add3A_586 = vector.broadcast %add3A_585 : i32 to vector<16xi32>
        %add3A_587 = arith.addi %bitcast_convert_type3A_578, %add3A_586 : vector<16xi32>
        %add3A_588 = arith.constant 32768 : i32
        %add3A_589 = vector.broadcast %add3A_588 : i32 to vector<16xi32>
        %add3A_590 = arith.addi %bitcast_convert_type3A_584, %add3A_589 : vector<16xi32>
        %shift_right_logical3A_591 = arith.constant 16 : i32
        %shift_right_logical3A_592 = vector.broadcast %shift_right_logical3A_591 : i32 to vector<16xi32>
        %shift_right_logical3A_593 = arith.shrui %add3A_587, %shift_right_logical3A_592 : vector<16xi32>
        %and3A_594 = arith.constant -65536 : i32
        %and3A_595 = vector.broadcast %and3A_594 : i32 to vector<16xi32>
        %and3A_596 = arith.andi %add3A_590, %and3A_595 : vector<16xi32>
        %or3A_597 = arith.ori %shift_right_logical3A_593, %and3A_596 : vector<16xi32>
        %swap3A_598 = arith.index_cast %select_n3A_60 : i32 to index
        %swap3A_599 = arith.index_cast %scan3A_479 : i32 to index
        %swap3A_600 = arith.constant 48 : index
        %swap3A_601 = tpu.vector_load %arg5[%swap3A_598, %swap3A_599, %swap3A_600] {strides = array<i32>} : memref<2x125x64xi32, #tpu.memory_space<vmem>>, vector<1x1x16xi32>,
        %swap3A_602 = vector.shape_cast %swap3A_601 : vector<1x1x16xi32> to vector<16xi32>
        %swap3A_603 = vector.shape_cast %or3A_597 : vector<16xi32> to vector<1x1x16xi32>
        tpu.vector_store %arg5[%swap3A_598, %swap3A_599, %swap3A_600], %swap3A_603 {strides = array<i32>} : memref<2x125x64xi32, #tpu.memory_space<vmem>>, vector<1x1x16xi32>,
        %scan3A_604 = arith.constant 3 : i32
        %scan3A_605 = arith.addi %scan3A_227, %scan3A_604 : i32
        %get3A_606 = arith.index_cast %select_n3A_60 : i32 to index
        %get3A_607 = arith.index_cast %scan3A_605 : i32 to index
        %get3A_608 = arith.constant 0 : index
        %get3A_609 = tpu.vector_load %arg4[%get3A_606, %get3A_607, %get3A_608] {strides = array<i32>} : memref<2x125x128xf32, #tpu.memory_space<vmem>>, vector<1x1x16xf32>,
        %get3A_610 = vector.shape_cast %get3A_609 : vector<1x1x16xf32> to vector<16xf32>
        %bitcast_convert_type3A_611 = tpu.bitcast %get3A_610 : vector<16xf32> -> vector<16xi32>
        %get3A_612 = arith.index_cast %select_n3A_60 : i32 to index
        %get3A_613 = arith.index_cast %scan3A_605 : i32 to index
        %get3A_614 = arith.constant 64 : index
        %get3A_615 = tpu.vector_load %arg4[%get3A_612, %get3A_613, %get3A_614] {strides = array<i32>} : memref<2x125x128xf32, #tpu.memory_space<vmem>>, vector<1x1x16xf32>,
        %get3A_616 = vector.shape_cast %get3A_615 : vector<1x1x16xf32> to vector<16xf32>
        %bitcast_convert_type3A_617 = tpu.bitcast %get3A_616 : vector<16xf32> -> vector<16xi32>
        %add3A_618 = arith.constant 32768 : i32
        %add3A_619 = vector.broadcast %add3A_618 : i32 to vector<16xi32>
        %add3A_620 = arith.addi %bitcast_convert_type3A_611, %add3A_619 : vector<16xi32>
        %add3A_621 = arith.constant 32768 : i32
        %add3A_622 = vector.broadcast %add3A_621 : i32 to vector<16xi32>
        %add3A_623 = arith.addi %bitcast_convert_type3A_617, %add3A_622 : vector<16xi32>
        %shift_right_logical3A_624 = arith.constant 16 : i32
        %shift_right_logical3A_625 = vector.broadcast %shift_right_logical3A_624 : i32 to vector<16xi32>
        %shift_right_logical3A_626 = arith.shrui %add3A_620, %shift_right_logical3A_625 : vector<16xi32>
        %and3A_627 = arith.constant -65536 : i32
        %and3A_628 = vector.broadcast %and3A_627 : i32 to vector<16xi32>
        %and3A_629 = arith.andi %add3A_623, %and3A_628 : vector<16xi32>
        %or3A_630 = arith.ori %shift_right_logical3A_626, %and3A_629 : vector<16xi32>
        %swap3A_631 = arith.index_cast %select_n3A_60 : i32 to index
        %swap3A_632 = arith.index_cast %scan3A_605 : i32 to index
        %swap3A_633 = arith.constant 0 : index
        %swap3A_634 = tpu.vector_load %arg5[%swap3A_631, %swap3A_632, %swap3A_633] {strides = array<i32>} : memref<2x125x64xi32, #tpu.memory_space<vmem>>, vector<1x1x16xi32>,
        %swap3A_635 = vector.shape_cast %swap3A_634 : vector<1x1x16xi32> to vector<16xi32>
        %swap3A_636 = vector.shape_cast %or3A_630 : vector<16xi32> to vector<1x1x16xi32>
        tpu.vector_store %arg5[%swap3A_631, %swap3A_632, %swap3A_633], %swap3A_636 {strides = array<i32>} : memref<2x125x64xi32, #tpu.memory_space<vmem>>, vector<1x1x16xi32>,
        %get3A_637 = arith.index_cast %select_n3A_60 : i32 to index
        %get3A_638 = arith.index_cast %scan3A_605 : i32 to index
        %get3A_639 = arith.constant 16 : index
        %get3A_640 = tpu.vector_load %arg4[%get3A_637, %get3A_638, %get3A_639] {strides = array<i32>} : memref<2x125x128xf32, #tpu.memory_space<vmem>>, vector<1x1x16xf32>,
        %get3A_641 = vector.shape_cast %get3A_640 : vector<1x1x16xf32> to vector<16xf32>
        %bitcast_convert_type3A_642 = tpu.bitcast %get3A_641 : vector<16xf32> -> vector<16xi32>
        %get3A_643 = arith.index_cast %select_n3A_60 : i32 to index
        %get3A_644 = arith.index_cast %scan3A_605 : i32 to index
        %get3A_645 = arith.constant 80 : index
        %get3A_646 = tpu.vector_load %arg4[%get3A_643, %get3A_644, %get3A_645] {strides = array<i32>} : memref<2x125x128xf32, #tpu.memory_space<vmem>>, vector<1x1x16xf32>,
        %get3A_647 = vector.shape_cast %get3A_646 : vector<1x1x16xf32> to vector<16xf32>
        %bitcast_convert_type3A_648 = tpu.bitcast %get3A_647 : vector<16xf32> -> vector<16xi32>
        %add3A_649 = arith.constant 32768 : i32
        %add3A_650 = vector.broadcast %add3A_649 : i32 to vector<16xi32>
        %add3A_651 = arith.addi %bitcast_convert_type3A_642, %add3A_650 : vector<16xi32>
        %add3A_652 = arith.constant 32768 : i32
        %add3A_653 = vector.broadcast %add3A_652 : i32 to vector<16xi32>
        %add3A_654 = arith.addi %bitcast_convert_type3A_648, %add3A_653 : vector<16xi32>
        %shift_right_logical3A_655 = arith.constant 16 : i32
        %shift_right_logical3A_656 = vector.broadcast %shift_right_logical3A_655 : i32 to vector<16xi32>
        %shift_right_logical3A_657 = arith.shrui %add3A_651, %shift_right_logical3A_656 : vector<16xi32>
        %and3A_658 = arith.constant -65536 : i32
        %and3A_659 = vector.broadcast %and3A_658 : i32 to vector<16xi32>
        %and3A_660 = arith.andi %add3A_654, %and3A_659 : vector<16xi32>
        %or3A_661 = arith.ori %shift_right_logical3A_657, %and3A_660 : vector<16xi32>
        %swap3A_662 = arith.index_cast %select_n3A_60 : i32 to index
        %swap3A_663 = arith.index_cast %scan3A_605 : i32 to index
        %swap3A_664 = arith.constant 16 : index
        %swap3A_665 = tpu.vector_load %arg5[%swap3A_662, %swap3A_663, %swap3A_664] {strides = array<i32>} : memref<2x125x64xi32, #tpu.memory_space<vmem>>, vector<1x1x16xi32>,
        %swap3A_666 = vector.shape_cast %swap3A_665 : vector<1x1x16xi32> to vector<16xi32>
        %swap3A_667 = vector.shape_cast %or3A_661 : vector<16xi32> to vector<1x1x16xi32>
        tpu.vector_store %arg5[%swap3A_662, %swap3A_663, %swap3A_664], %swap3A_667 {strides = array<i32>} : memref<2x125x64xi32, #tpu.memory_space<vmem>>, vector<1x1x16xi32>,
        %get3A_668 = arith.index_cast %select_n3A_60 : i32 to index
        %get3A_669 = arith.index_cast %scan3A_605 : i32 to index
        %get3A_670 = arith.constant 32 : index
        %get3A_671 = tpu.vector_load %arg4[%get3A_668, %get3A_669, %get3A_670] {strides = array<i32>} : memref<2x125x128xf32, #tpu.memory_space<vmem>>, vector<1x1x16xf32>,
        %get3A_672 = vector.shape_cast %get3A_671 : vector<1x1x16xf32> to vector<16xf32>
        %bitcast_convert_type3A_673 = tpu.bitcast %get3A_672 : vector<16xf32> -> vector<16xi32>
        %get3A_674 = arith.index_cast %select_n3A_60 : i32 to index
        %get3A_675 = arith.index_cast %scan3A_605 : i32 to index
        %get3A_676 = arith.constant 96 : index
        %get3A_677 = tpu.vector_load %arg4[%get3A_674, %get3A_675, %get3A_676] {strides = array<i32>} : memref<2x125x128xf32, #tpu.memory_space<vmem>>, vector<1x1x16xf32>,
        %get3A_678 = vector.shape_cast %get3A_677 : vector<1x1x16xf32> to vector<16xf32>
        %bitcast_convert_type3A_679 = tpu.bitcast %get3A_678 : vector<16xf32> -> vector<16xi32>
        %add3A_680 = arith.constant 32768 : i32
        %add3A_681 = vector.broadcast %add3A_680 : i32 to vector<16xi32>
        %add3A_682 = arith.addi %bitcast_convert_type3A_673, %add3A_681 : vector<16xi32>
        %add3A_683 = arith.constant 32768 : i32
        %add3A_684 = vector.broadcast %add3A_683 : i32 to vector<16xi32>
        %add3A_685 = arith.addi %bitcast_convert_type3A_679, %add3A_684 : vector<16xi32>
        %shift_right_logical3A_686 = arith.constant 16 : i32
        %shift_right_logical3A_687 = vector.broadcast %shift_right_logical3A_686 : i32 to vector<16xi32>
        %shift_right_logical3A_688 = arith.shrui %add3A_682, %shift_right_logical3A_687 : vector<16xi32>
        %and3A_689 = arith.constant -65536 : i32
        %and3A_690 = vector.broadcast %and3A_689 : i32 to vector<16xi32>
        %and3A_691 = arith.andi %add3A_685, %and3A_690 : vector<16xi32>
        %or3A_692 = arith.ori %shift_right_logical3A_688, %and3A_691 : vector<16xi32>
        %swap3A_693 = arith.index_cast %select_n3A_60 : i32 to index
        %swap3A_694 = arith.index_cast %scan3A_605 : i32 to index
        %swap3A_695 = arith.constant 32 : index
        %swap3A_696 = tpu.vector_load %arg5[%swap3A_693, %swap3A_694, %swap3A_695] {strides = array<i32>} : memref<2x125x64xi32, #tpu.memory_space<vmem>>, vector<1x1x16xi32>,
        %swap3A_697 = vector.shape_cast %swap3A_696 : vector<1x1x16xi32> to vector<16xi32>
        %swap3A_698 = vector.shape_cast %or3A_692 : vector<16xi32> to vector<1x1x16xi32>
        tpu.vector_store %arg5[%swap3A_693, %swap3A_694, %swap3A_695], %swap3A_698 {strides = array<i32>} : memref<2x125x64xi32, #tpu.memory_space<vmem>>, vector<1x1x16xi32>,
        %get3A_699 = arith.index_cast %select_n3A_60 : i32 to index
        %get3A_700 = arith.index_cast %scan3A_605 : i32 to index
        %get3A_701 = arith.constant 48 : index
        %get3A_702 = tpu.vector_load %arg4[%get3A_699, %get3A_700, %get3A_701] {strides = array<i32>} : memref<2x125x128xf32, #tpu.memory_space<vmem>>, vector<1x1x16xf32>,
        %get3A_703 = vector.shape_cast %get3A_702 : vector<1x1x16xf32> to vector<16xf32>
        %bitcast_convert_type3A_704 = tpu.bitcast %get3A_703 : vector<16xf32> -> vector<16xi32>
        %get3A_705 = arith.index_cast %select_n3A_60 : i32 to index
        %get3A_706 = arith.index_cast %scan3A_605 : i32 to index
        %get3A_707 = arith.constant 112 : index
        %get3A_708 = tpu.vector_load %arg4[%get3A_705, %get3A_706, %get3A_707] {strides = array<i32>} : memref<2x125x128xf32, #tpu.memory_space<vmem>>, vector<1x1x16xf32>,
        %get3A_709 = vector.shape_cast %get3A_708 : vector<1x1x16xf32> to vector<16xf32>
        %bitcast_convert_type3A_710 = tpu.bitcast %get3A_709 : vector<16xf32> -> vector<16xi32>
        %add3A_711 = arith.constant 32768 : i32
        %add3A_712 = vector.broadcast %add3A_711 : i32 to vector<16xi32>
        %add3A_713 = arith.addi %bitcast_convert_type3A_704, %add3A_712 : vector<16xi32>
        %add3A_714 = arith.constant 32768 : i32
        %add3A_715 = vector.broadcast %add3A_714 : i32 to vector<16xi32>
        %add3A_716 = arith.addi %bitcast_convert_type3A_710, %add3A_715 : vector<16xi32>
        %shift_right_logical3A_717 = arith.constant 16 : i32
        %shift_right_logical3A_718 = vector.broadcast %shift_right_logical3A_717 : i32 to vector<16xi32>
        %shift_right_logical3A_719 = arith.shrui %add3A_713, %shift_right_logical3A_718 : vector<16xi32>
        %and3A_720 = arith.constant -65536 : i32
        %and3A_721 = vector.broadcast %and3A_720 : i32 to vector<16xi32>
        %and3A_722 = arith.andi %add3A_716, %and3A_721 : vector<16xi32>
        %or3A_723 = arith.ori %shift_right_logical3A_719, %and3A_722 : vector<16xi32>
        %swap3A_724 = arith.index_cast %select_n3A_60 : i32 to index
        %swap3A_725 = arith.index_cast %scan3A_605 : i32 to index
        %swap3A_726 = arith.constant 48 : index
        %swap3A_727 = tpu.vector_load %arg5[%swap3A_724, %swap3A_725, %swap3A_726] {strides = array<i32>} : memref<2x125x64xi32, #tpu.memory_space<vmem>>, vector<1x1x16xi32>,
        %swap3A_728 = vector.shape_cast %swap3A_727 : vector<1x1x16xi32> to vector<16xi32>
        %swap3A_729 = vector.shape_cast %or3A_723 : vector<16xi32> to vector<1x1x16xi32>
        tpu.vector_store %arg5[%swap3A_724, %swap3A_725, %swap3A_726], %swap3A_729 {strides = array<i32>} : memref<2x125x64xi32, #tpu.memory_space<vmem>>, vector<1x1x16xi32>,
      }
      %scan3A_90 = arith.constant 124 : i32
      %scan3A_91 = arith.addi %scan3A_86, %scan3A_90 : i32
      %get3A = arith.index_cast %select_n3A_60 : i32 to index
      %get3A_92 = arith.index_cast %scan3A_91 : i32 to index
      %get3A_93 = arith.constant 0 : index
      %get3A_94 = tpu.vector_load %arg4[%get3A, %get3A_92, %get3A_93] {strides = array<i32>} : memref<2x125x128xf32, #tpu.memory_space<vmem>>, vector<1x1x16xf32>,
      %get3A_95 = vector.shape_cast %get3A_94 : vector<1x1x16xf32> to vector<16xf32>
      %bitcast_convert_type3A = tpu.bitcast %get3A_95 : vector<16xf32> -> vector<16xi32>
      %get3A_96 = arith.index_cast %select_n3A_60 : i32 to index
      %get3A_97 = arith.index_cast %scan3A_91 : i32 to index
      %get3A_98 = arith.constant 64 : index
      %get3A_99 = tpu.vector_load %arg4[%get3A_96, %get3A_97, %get3A_98] {strides = array<i32>} : memref<2x125x128xf32, #tpu.memory_space<vmem>>, vector<1x1x16xf32>,
      %get3A_100 = vector.shape_cast %get3A_99 : vector<1x1x16xf32> to vector<16xf32>
      %bitcast_convert_type3A_101 = tpu.bitcast %get3A_100 : vector<16xf32> -> vector<16xi32>
      %add3A_102 = arith.constant 32768 : i32
      %add3A_103 = vector.broadcast %add3A_102 : i32 to vector<16xi32>
      %add3A_104 = arith.addi %bitcast_convert_type3A, %add3A_103 : vector<16xi32>
      %add3A_105 = arith.constant 32768 : i32
      %add3A_106 = vector.broadcast %add3A_105 : i32 to vector<16xi32>
      %add3A_107 = arith.addi %bitcast_convert_type3A_101, %add3A_106 : vector<16xi32>
      %shift_right_logical3A = arith.constant 16 : i32
      %shift_right_logical3A_108 = vector.broadcast %shift_right_logical3A : i32 to vector<16xi32>
      %shift_right_logical3A_109 = arith.shrui %add3A_104, %shift_right_logical3A_108 : vector<16xi32>
      %and3A_110 = arith.constant -65536 : i32
      %and3A_111 = vector.broadcast %and3A_110 : i32 to vector<16xi32>
      %and3A_112 = arith.andi %add3A_107, %and3A_111 : vector<16xi32>
      %or3A = arith.ori %shift_right_logical3A_109, %and3A_112 : vector<16xi32>
      %swap3A = arith.index_cast %select_n3A_60 : i32 to index
      %swap3A_113 = arith.index_cast %scan3A_91 : i32 to index
      %swap3A_114 = arith.constant 0 : index
      %swap3A_115 = tpu.vector_load %arg5[%swap3A, %swap3A_113, %swap3A_114] {strides = array<i32>} : memref<2x125x64xi32, #tpu.memory_space<vmem>>, vector<1x1x16xi32>,
      %swap3A_116 = vector.shape_cast %swap3A_115 : vector<1x1x16xi32> to vector<16xi32>
      %swap3A_117 = vector.shape_cast %or3A : vector<16xi32> to vector<1x1x16xi32>
      tpu.vector_store %arg5[%swap3A, %swap3A_113, %swap3A_114], %swap3A_117 {strides = array<i32>} : memref<2x125x64xi32, #tpu.memory_space<vmem>>, vector<1x1x16xi32>,
      %get3A_118 = arith.index_cast %select_n3A_60 : i32 to index
      %get3A_119 = arith.index_cast %scan3A_91 : i32 to index
      %get3A_120 = arith.constant 16 : index
      %get3A_121 = tpu.vector_load %arg4[%get3A_118, %get3A_119, %get3A_120] {strides = array<i32>} : memref<2x125x128xf32, #tpu.memory_space<vmem>>, vector<1x1x16xf32>,
      %get3A_122 = vector.shape_cast %get3A_121 : vector<1x1x16xf32> to vector<16xf32>
      %bitcast_convert_type3A_123 = tpu.bitcast %get3A_122 : vector<16xf32> -> vector<16xi32>
      %get3A_124 = arith.index_cast %select_n3A_60 : i32 to index
      %get3A_125 = arith.index_cast %scan3A_91 : i32 to index
      %get3A_126 = arith.constant 80 : index
      %get3A_127 = tpu.vector_load %arg4[%get3A_124, %get3A_125, %get3A_126] {strides = array<i32>} : memref<2x125x128xf32, #tpu.memory_space<vmem>>, vector<1x1x16xf32>,
      %get3A_128 = vector.shape_cast %get3A_127 : vector<1x1x16xf32> to vector<16xf32>
      %bitcast_convert_type3A_129 = tpu.bitcast %get3A_128 : vector<16xf32> -> vector<16xi32>
      %add3A_130 = arith.constant 32768 : i32
      %add3A_131 = vector.broadcast %add3A_130 : i32 to vector<16xi32>
      %add3A_132 = arith.addi %bitcast_convert_type3A_123, %add3A_131 : vector<16xi32>
      %add3A_133 = arith.constant 32768 : i32
      %add3A_134 = vector.broadcast %add3A_133 : i32 to vector<16xi32>
      %add3A_135 = arith.addi %bitcast_convert_type3A_129, %add3A_134 : vector<16xi32>
      %shift_right_logical3A_136 = arith.constant 16 : i32
      %shift_right_logical3A_137 = vector.broadcast %shift_right_logical3A_136 : i32 to vector<16xi32>
      %shift_right_logical3A_138 = arith.shrui %add3A_132, %shift_right_logical3A_137 : vector<16xi32>
      %and3A_139 = arith.constant -65536 : i32
      %and3A_140 = vector.broadcast %and3A_139 : i32 to vector<16xi32>
      %and3A_141 = arith.andi %add3A_135, %and3A_140 : vector<16xi32>
      %or3A_142 = arith.ori %shift_right_logical3A_138, %and3A_141 : vector<16xi32>
      %swap3A_143 = arith.index_cast %select_n3A_60 : i32 to index
      %swap3A_144 = arith.index_cast %scan3A_91 : i32 to index
      %swap3A_145 = arith.constant 16 : index
      %swap3A_146 = tpu.vector_load %arg5[%swap3A_143, %swap3A_144, %swap3A_145] {strides = array<i32>} : memref<2x125x64xi32, #tpu.memory_space<vmem>>, vector<1x1x16xi32>,
      %swap3A_147 = vector.shape_cast %swap3A_146 : vector<1x1x16xi32> to vector<16xi32>
      %swap3A_148 = vector.shape_cast %or3A_142 : vector<16xi32> to vector<1x1x16xi32>
      tpu.vector_store %arg5[%swap3A_143, %swap3A_144, %swap3A_145], %swap3A_148 {strides = array<i32>} : memref<2x125x64xi32, #tpu.memory_space<vmem>>, vector<1x1x16xi32>,
      %get3A_149 = arith.index_cast %select_n3A_60 : i32 to index
      %get3A_150 = arith.index_cast %scan3A_91 : i32 to index
      %get3A_151 = arith.constant 32 : index
      %get3A_152 = tpu.vector_load %arg4[%get3A_149, %get3A_150, %get3A_151] {strides = array<i32>} : memref<2x125x128xf32, #tpu.memory_space<vmem>>, vector<1x1x16xf32>,
      %get3A_153 = vector.shape_cast %get3A_152 : vector<1x1x16xf32> to vector<16xf32>
      %bitcast_convert_type3A_154 = tpu.bitcast %get3A_153 : vector<16xf32> -> vector<16xi32>
      %get3A_155 = arith.index_cast %select_n3A_60 : i32 to index
      %get3A_156 = arith.index_cast %scan3A_91 : i32 to index
      %get3A_157 = arith.constant 96 : index
      %get3A_158 = tpu.vector_load %arg4[%get3A_155, %get3A_156, %get3A_157] {strides = array<i32>} : memref<2x125x128xf32, #tpu.memory_space<vmem>>, vector<1x1x16xf32>,
      %get3A_159 = vector.shape_cast %get3A_158 : vector<1x1x16xf32> to vector<16xf32>
      %bitcast_convert_type3A_160 = tpu.bitcast %get3A_159 : vector<16xf32> -> vector<16xi32>
      %add3A_161 = arith.constant 32768 : i32
      %add3A_162 = vector.broadcast %add3A_161 : i32 to vector<16xi32>
      %add3A_163 = arith.addi %bitcast_convert_type3A_154, %add3A_162 : vector<16xi32>
      %add3A_164 = arith.constant 32768 : i32
      %add3A_165 = vector.broadcast %add3A_164 : i32 to vector<16xi32>
      %add3A_166 = arith.addi %bitcast_convert_type3A_160, %add3A_165 : vector<16xi32>
      %shift_right_logical3A_167 = arith.constant 16 : i32
      %shift_right_logical3A_168 = vector.broadcast %shift_right_logical3A_167 : i32 to vector<16xi32>
      %shift_right_logical3A_169 = arith.shrui %add3A_163, %shift_right_logical3A_168 : vector<16xi32>
      %and3A_170 = arith.constant -65536 : i32
      %and3A_171 = vector.broadcast %and3A_170 : i32 to vector<16xi32>
      %and3A_172 = arith.andi %add3A_166, %and3A_171 : vector<16xi32>
      %or3A_173 = arith.ori %shift_right_logical3A_169, %and3A_172 : vector<16xi32>
      %swap3A_174 = arith.index_cast %select_n3A_60 : i32 to index
      %swap3A_175 = arith.index_cast %scan3A_91 : i32 to index
      %swap3A_176 = arith.constant 32 : index
      %swap3A_177 = tpu.vector_load %arg5[%swap3A_174, %swap3A_175, %swap3A_176] {strides = array<i32>} : memref<2x125x64xi32, #tpu.memory_space<vmem>>, vector<1x1x16xi32>,
      %swap3A_178 = vector.shape_cast %swap3A_177 : vector<1x1x16xi32> to vector<16xi32>
      %swap3A_179 = vector.shape_cast %or3A_173 : vector<16xi32> to vector<1x1x16xi32>
      tpu.vector_store %arg5[%swap3A_174, %swap3A_175, %swap3A_176], %swap3A_179 {strides = array<i32>} : memref<2x125x64xi32, #tpu.memory_space<vmem>>, vector<1x1x16xi32>,
      %get3A_180 = arith.index_cast %select_n3A_60 : i32 to index
      %get3A_181 = arith.index_cast %scan3A_91 : i32 to index
      %get3A_182 = arith.constant 48 : index
      %get3A_183 = tpu.vector_load %arg4[%get3A_180, %get3A_181, %get3A_182] {strides = array<i32>} : memref<2x125x128xf32, #tpu.memory_space<vmem>>, vector<1x1x16xf32>,
      %get3A_184 = vector.shape_cast %get3A_183 : vector<1x1x16xf32> to vector<16xf32>
      %bitcast_convert_type3A_185 = tpu.bitcast %get3A_184 : vector<16xf32> -> vector<16xi32>
      %get3A_186 = arith.index_cast %select_n3A_60 : i32 to index
      %get3A_187 = arith.index_cast %scan3A_91 : i32 to index
      %get3A_188 = arith.constant 112 : index
      %get3A_189 = tpu.vector_load %arg4[%get3A_186, %get3A_187, %get3A_188] {strides = array<i32>} : memref<2x125x128xf32, #tpu.memory_space<vmem>>, vector<1x1x16xf32>,
      %get3A_190 = vector.shape_cast %get3A_189 : vector<1x1x16xf32> to vector<16xf32>
      %bitcast_convert_type3A_191 = tpu.bitcast %get3A_190 : vector<16xf32> -> vector<16xi32>
      %add3A_192 = arith.constant 32768 : i32
      %add3A_193 = vector.broadcast %add3A_192 : i32 to vector<16xi32>
      %add3A_194 = arith.addi %bitcast_convert_type3A_185, %add3A_193 : vector<16xi32>
      %add3A_195 = arith.constant 32768 : i32
      %add3A_196 = vector.broadcast %add3A_195 : i32 to vector<16xi32>
      %add3A_197 = arith.addi %bitcast_convert_type3A_191, %add3A_196 : vector<16xi32>
      %shift_right_logical3A_198 = arith.constant 16 : i32
      %shift_right_logical3A_199 = vector.broadcast %shift_right_logical3A_198 : i32 to vector<16xi32>
      %shift_right_logical3A_200 = arith.shrui %add3A_194, %shift_right_logical3A_199 : vector<16xi32>
      %and3A_201 = arith.constant -65536 : i32
      %and3A_202 = vector.broadcast %and3A_201 : i32 to vector<16xi32>
      %and3A_203 = arith.andi %add3A_197, %and3A_202 : vector<16xi32>
      %or3A_204 = arith.ori %shift_right_logical3A_200, %and3A_203 : vector<16xi32>
      %swap3A_205 = arith.index_cast %select_n3A_60 : i32 to index
      %swap3A_206 = arith.index_cast %scan3A_91 : i32 to index
      %swap3A_207 = arith.constant 48 : index
      %swap3A_208 = tpu.vector_load %arg5[%swap3A_205, %swap3A_206, %swap3A_207] {strides = array<i32>} : memref<2x125x64xi32, #tpu.memory_space<vmem>>, vector<1x1x16xi32>,
      %swap3A_209 = vector.shape_cast %swap3A_208 : vector<1x1x16xi32> to vector<16xi32>
      %swap3A_210 = vector.shape_cast %or3A_204 : vector<16xi32> to vector<1x1x16xi32>
      tpu.vector_store %arg5[%swap3A_205, %swap3A_206, %swap3A_207], %swap3A_210 {strides = array<i32>} : memref<2x125x64xi32, #tpu.memory_space<vmem>>, vector<1x1x16xi32>,
      %scan3A_211 = arith.constant 125 : i32
      %mul3A_212 = arith.constant 125 : i32
      %mul3A_213 = arith.muli %scan3A_51, %mul3A_212 : i32
      %add3A_214 = arith.addi %mul3A_2, %mul3A_213 : i32
      %dma_start3A_215 = arith.constant 0 : i32
      %dma_start3A_216 = arith.constant 0 : i32
      %dma_start3A_217 = tpu.memref_slice %arg5[%select_n3A_60, %dma_start3A_215, %dma_start3A_216] : memref<2x125x64xi32, #tpu.memory_space<vmem>> -> memref<1x125x64xi32, #tpu.memory_space<vmem>>
      %dma_start3A_218 = tpu.memref_squeeze %dma_start3A_217 : memref<1x125x64xi32, #tpu.memory_space<vmem>> -> memref<125x64xi32, #tpu.memory_space<vmem>>
      %dma_start3A_219 = arith.constant 0 : i32
      %dma_start3A_220 = tpu.memref_slice %arg3[%add3A_214, %dma_start3A_219] : memref<100000x64xi32, #tpu.memory_space<hbm>> -> memref<125x64xi32, #tpu.memory_space<hbm>>
      %dma_start3A_221 = arith.constant 0 : i32
      %dma_start3A_222 = tpu.memref_slice %arg3[%add3A_214, %dma_start3A_221] : memref<100000x64xi32, #tpu.memory_space<hbm>> -> memref<125x64xi32, #tpu.memory_space<hbm>>
      %dma_start3A_223 = arith.constant 0 : i32
      %dma_start3A_224 = arith.constant 0 : i32
      %dma_start3A_225 = tpu.memref_slice %arg5[%select_n3A_60, %dma_start3A_223, %dma_start3A_224] : memref<2x125x64xi32, #tpu.memory_space<vmem>> -> memref<1x125x64xi32, #tpu.memory_space<vmem>>
      %dma_start3A_226 = tpu.memref_squeeze %dma_start3A_225 : memref<1x125x64xi32, #tpu.memory_space<vmem>> -> memref<125x64xi32, #tpu.memory_space<vmem>>
      tpu.enqueue_dma source(%dma_start3A_226 : memref<125x64xi32, #tpu.memory_space<vmem>>) target(%dma_start3A_222 : memref<125x64xi32, #tpu.memory_space<hbm>>) target_semaphore(%arg7 : memref<!tpu.dma_semaphore, #tpu.memory_space<semaphore_mem>>)
    }
    %scan3A_21 = arith.constant 25 : i32
    %add3A_22 = arith.constant 2875 : i32
    %add3A_23 = arith.addi %mul3A_2, %add3A_22 : i32
    %dma_wait3A = arith.constant 1 : i32
    %dma_wait3A_24 = arith.constant 0 : i32
    %dma_wait3A_25 = arith.constant 0 : i32
    %dma_wait3A_26 = tpu.memref_slice %arg5[%dma_wait3A, %dma_wait3A_24, %dma_wait3A_25] : memref<2x125x64xi32, #tpu.memory_space<vmem>> -> memref<1x125x64xi32, #tpu.memory_space<vmem>>
    %dma_wait3A_27 = tpu.memref_squeeze %dma_wait3A_26 : memref<1x125x64xi32, #tpu.memory_space<vmem>> -> memref<125x64xi32, #tpu.memory_space<vmem>>
    %dma_wait3A_28 = arith.constant 0 : i32
    %dma_wait3A_29 = tpu.memref_slice %arg3[%add3A_23, %dma_wait3A_28] : memref<100000x64xi32, #tpu.memory_space<hbm>> -> memref<125x64xi32, #tpu.memory_space<hbm>>
    %dma_wait3A_30 = arith.constant 0 : i32
    %dma_wait3A_31 = tpu.memref_slice %arg3[%add3A_23, %dma_wait3A_30] : memref<100000x64xi32, #tpu.memory_space<hbm>> -> memref<125x64xi32, #tpu.memory_space<hbm>>
    %dma_wait3A_32 = arith.constant 0 : i32
    %dma_wait3A_33 = arith.constant 0 : i32
    %dma_wait3A_34 = tpu.memref_slice %arg5[%dma_wait3A, %dma_wait3A_32, %dma_wait3A_33] : memref<2x125x64xi32, #tpu.memory_space<vmem>> -> memref<1x125x64xi32, #tpu.memory_space<vmem>>
    %dma_wait3A_35 = tpu.memref_squeeze %dma_wait3A_34 : memref<1x125x64xi32, #tpu.memory_space<vmem>> -> memref<125x64xi32, #tpu.memory_space<vmem>>
    tpu.wait_dma2 semaphore(%arg7 : memref<!tpu.dma_semaphore, #tpu.memory_space<semaphore_mem>>) src(%dma_wait3A_35 : memref<125x64xi32, #tpu.memory_space<vmem>>) dst(%dma_wait3A_31 : memref<125x64xi32, #tpu.memory_space<hbm>>)
    %add3A_36 = arith.constant 3000 : i32
    %add3A_37 = arith.addi %mul3A_2, %add3A_36 : i32
    %dma_wait3A_38 = arith.constant 0 : i32
    %dma_wait3A_39 = arith.constant 0 : i32
    %dma_wait3A_40 = arith.constant 0 : i32
    %dma_wait3A_41 = tpu.memref_slice %arg5[%dma_wait3A_38, %dma_wait3A_39, %dma_wait3A_40] : memref<2x125x64xi32, #tpu.memory_space<vmem>> -> memref<1x125x64xi32, #tpu.memory_space<vmem>>
    %dma_wait3A_42 = tpu.memref_squeeze %dma_wait3A_41 : memref<1x125x64xi32, #tpu.memory_space<vmem>> -> memref<125x64xi32, #tpu.memory_space<vmem>>
    %dma_wait3A_43 = arith.constant 0 : i32
    %dma_wait3A_44 = tpu.memref_slice %arg3[%add3A_37, %dma_wait3A_43] : memref<100000x64xi32, #tpu.memory_space<hbm>> -> memref<125x64xi32, #tpu.memory_space<hbm>>
    %dma_wait3A_45 = arith.constant 0 : i32
    %dma_wait3A_46 = tpu.memref_slice %arg3[%add3A_37, %dma_wait3A_45] : memref<100000x64xi32, #tpu.memory_space<hbm>> -> memref<125x64xi32, #tpu.memory_space<hbm>>
    %dma_wait3A_47 = arith.constant 0 : i32
    %dma_wait3A_48 = arith.constant 0 : i32
    %dma_wait3A_49 = tpu.memref_slice %arg5[%dma_wait3A_38, %dma_wait3A_47, %dma_wait3A_48] : memref<2x125x64xi32, #tpu.memory_space<vmem>> -> memref<1x125x64xi32, #tpu.memory_space<vmem>>
    %dma_wait3A_50 = tpu.memref_squeeze %dma_wait3A_49 : memref<1x125x64xi32, #tpu.memory_space<vmem>> -> memref<125x64xi32, #tpu.memory_space<vmem>>
    tpu.wait_dma2 semaphore(%arg7 : memref<!tpu.dma_semaphore, #tpu.memory_space<semaphore_mem>>) src(%dma_wait3A_50 : memref<125x64xi32, #tpu.memory_space<vmem>>) dst(%dma_wait3A_46 : memref<125x64xi32, #tpu.memory_space<hbm>>)
    return
  }
}

module attributes {stable_mosaic.version = 14 : i64} {
  func.func @body(%arg0: i32, %arg1: memref<2048x128xf32, #tpu.memory_space<vmem>>, %arg2: memref<128x64xf32, #tpu.memory_space<vmem>>, %arg3: memref<1x64xf32, #tpu.memory_space<vmem>>, %arg4: memref<64x5xf32, #tpu.memory_space<vmem>>, %arg5: memref<1x5xf32, #tpu.memory_space<vmem>>, %arg6: memref<2048x5xf32, #tpu.memory_space<vmem>>) attributes {dimension_semantics = [#tpu.dimension_semantics<arbitrary>], iteration_bounds = array<i64: 8>, scalar_prefetch = 0 : i64, scratch_operands = 0 : i64, tpu.core_type = #tpu.core_type<tc>, window_params = [{transform_indices = @transform_0, window_bounds = array<i64: 2048, 128>}, {pipeline_mode = #tpu.pipeline_mode<synchronous>, transform_indices = @transform_1, window_bounds = array<i64: 128, 64>}, {pipeline_mode = #tpu.pipeline_mode<synchronous>, transform_indices = @transform_2, window_bounds = array<i64: 1, 64>}, {pipeline_mode = #tpu.pipeline_mode<synchronous>, transform_indices = @transform_3, window_bounds = array<i64: 64, 5>}, {pipeline_mode = #tpu.pipeline_mode<synchronous>, transform_indices = @transform_4, window_bounds = array<i64: 1, 5>}, {transform_indices = @transform_5, window_bounds = array<i64: 2048, 5>}]} {
    %get3A = arith.constant 0 : index
    %get3A_0 = arith.constant 0 : index
    %get3A_1 = vector.load %arg1[%get3A, %get3A_0] : memref<2048x128xf32, #tpu.memory_space<vmem>>, vector<2048x128xf32>
    %get3A_2 = arith.constant 0 : index
    %get3A_3 = arith.constant 0 : index
    %get3A_4 = vector.load %arg2[%get3A_2, %get3A_3] : memref<128x64xf32, #tpu.memory_space<vmem>>, vector<128x64xf32>
    %dot_general3A = arith.constant dense<0.000000e+00> : vector<2048x64xf32>
    %dot_general3A_5 = tpu.matmul %get3A_1, %get3A_4, %dot_general3A {dimension_numbers = #tpu.dot_dimension_numbers<[1], [0], [0], [1], [0, 0, 1, 1], [], []>, transpose_lhs_hint = false} : vector<2048x128xf32>, vector<128x64xf32>, vector<2048x64xf32> -> vector<2048x64xf32>
    %get3A_6 = arith.constant 0 : index
    %get3A_7 = arith.constant 0 : index
    %get3A_8 = vector.load %arg3[%get3A_6, %get3A_7] : memref<1x64xf32, #tpu.memory_space<vmem>>, vector<1x64xf32>
    %add3A = vector.broadcast %get3A_8 : vector<1x64xf32> to vector<2048x64xf32>
    %add3A_9 = arith.addf %dot_general3A_5, %add3A : vector<2048x64xf32>
    %max3A = arith.constant 0.000000e+00 : f32
    %max3A_10 = vector.broadcast %max3A : f32 to vector<2048x64xf32>
    %max3A_11 = arith.maximumf %add3A_9, %max3A_10 : vector<2048x64xf32>
    %get3A_12 = arith.constant 0 : index
    %get3A_13 = arith.constant 0 : index
    %get3A_14 = vector.load %arg4[%get3A_12, %get3A_13] : memref<64x5xf32, #tpu.memory_space<vmem>>, vector<64x5xf32>
    %dot_general3A_15 = arith.constant dense<0.000000e+00> : vector<2048x5xf32>
    %dot_general3A_16 = tpu.matmul %max3A_11, %get3A_14, %dot_general3A_15 {dimension_numbers = #tpu.dot_dimension_numbers<[1], [0], [0], [1], [0, 0, 1, 1], [], []>, transpose_lhs_hint = false} : vector<2048x64xf32>, vector<64x5xf32>, vector<2048x5xf32> -> vector<2048x5xf32>
    %get3A_17 = arith.constant 0 : index
    %get3A_18 = arith.constant 0 : index
    %get3A_19 = vector.load %arg5[%get3A_17, %get3A_18] : memref<1x5xf32, #tpu.memory_space<vmem>>, vector<1x5xf32>
    %add3A_20 = vector.broadcast %get3A_19 : vector<1x5xf32> to vector<2048x5xf32>
    %add3A_21 = arith.addf %dot_general3A_16, %add3A_20 : vector<2048x5xf32>
    %swap3A = arith.constant 0 : index
    %swap3A_22 = arith.constant 0 : index
    %swap3A_23 = vector.load %arg6[%swap3A, %swap3A_22] : memref<2048x5xf32, #tpu.memory_space<vmem>>, vector<2048x5xf32>
    tpu.vector_store %arg6[%swap3A, %swap3A_22], %add3A_21 {strides = array<i32>} : memref<2048x5xf32, #tpu.memory_space<vmem>>, vector<2048x5xf32>,
    return
  }
  func.func @transform_0(%arg0: i32) -> (i32, i32) {
    %c0_i32 = arith.constant 0 : i32
    %c0_i32_0 = arith.constant 0 : i32
    return %arg0, %c0_i32 : i32, i32
  }
  func.func @transform_1(%arg0: i32) -> (i32, i32) {
    %c0_i32 = arith.constant 0 : i32
    %c0_i32_0 = arith.constant 0 : i32
    %c0_i32_1 = arith.constant 0 : i32
    return %c0_i32, %c0_i32_0 : i32, i32
  }
  func.func @transform_2(%arg0: i32) -> (i32, i32) {
    %c0_i32 = arith.constant 0 : i32
    %c0_i32_0 = arith.constant 0 : i32
    %c0_i32_1 = arith.constant 0 : i32
    return %c0_i32, %c0_i32_0 : i32, i32
  }
  func.func @transform_3(%arg0: i32) -> (i32, i32) {
    %c0_i32 = arith.constant 0 : i32
    %c0_i32_0 = arith.constant 0 : i32
    %c0_i32_1 = arith.constant 0 : i32
    return %c0_i32, %c0_i32_0 : i32, i32
  }
  func.func @transform_4(%arg0: i32) -> (i32, i32) {
    %c0_i32 = arith.constant 0 : i32
    %c0_i32_0 = arith.constant 0 : i32
    %c0_i32_1 = arith.constant 0 : i32
    return %c0_i32, %c0_i32_0 : i32, i32
  }
  func.func @transform_5(%arg0: i32) -> (i32, i32) {
    %c0_i32 = arith.constant 0 : i32
    %c0_i32_0 = arith.constant 0 : i32
    return %arg0, %c0_i32 : i32, i32
  }
}

</mosaic_0001>

<sc_bundles>
// kernel: kernel.5.cloned.1.call-start
scs
__scs_entry_jumppad:
0x0: {  	(pc) =	sbr.rel $0x88, $3  }
0x1: {  	(tag) =	ssettag $0x0;
	lr =	simm.s32 $0x1  }
0x2: {  	[smem:$0x3F9B] =	sst lr;
	_ =	strace $0xD0000000  }
0x3: {  	_ = 	snop  }
0x4: {  	_ = 	snop  }
0x5: {  	_ = 	snop  }
0x6: {  	_ = 	snop  }
0x7: {  	_ = 	snop  }
__scs_overlays_trampoline_lowered:
0x8: {  	[smem:$0x3FAA] =	sst s0  }
0x9: {  	[smem:$0x3FAB] =	sst s1  }
0xa: {  	[smem:$0x3FAC] =	sst s2  }
0xb: {  	[smem:$0x3FAD] =	sst s3  }
0xc: {  	[smem:$0x3FAE] =	sst s4  }
0xd: {  	[smem:$0x3FAF] =	sst s5  }
0xe: {  	[smem:$0x3FB0] =	sst s6  }
0xf: {  	[smem:$0x3FB1] =	sst s7  }
0x10: {  	[smem:$0x3FB2] =	sst s8  }
0x11: {  	[smem:$0x3FB3] =	sst s9;
	s0 =	simm.s32 @!p0 $0x0  }
0x12: {  	s1 =	sld [smem:$0x3F99];
	s0 =	simm.s32 @p0 $0x1  }
0x13: {  	[smem:$0x3FB4] =	sst s0;
	s0 =	simm.s32 @!p1 $0x0  }
0x14: {  	s2 =	sld [smem:$0x3F98];
	s0 =	simm.s32 @p1 $0x1  }
0x15: {  	[smem:$0x3FB5] =	sst s0;
	s0 =	simm.s32 @!p2 $0x0  }
0x16: {  	s3 =	sld [smem:$0x3FDB];
	s0 =	simm.s32 @p2 $0x1  }
0x17: {  	s4 =	simm.s32 $0x1BF5;
	[smem:$0x3FB7] =	sst s0  }
0x18: {  	s0 =	sld [smem:$0x3F9A];
	_ =	swait.ge [sflag:s4], $0x0  }
0x19: {  	s7 =	sld [smem:$0x3F9B]  }
0x1a: {  	s8 =	sadd.s32 $0xFFFFE003, lr  }
0x1b: {  	s9 =	sadd.s32 $0xFFFFFEF7, lr;
	s5 =	simm.s32 $0xFFFFFFFF;
	p2 =	slt.u32 s8, $0xFFFFF086  }
0x1c: {  	p1 =	slt.u32 s9, $0xF7A;
	s5 =	simm.s32 @!p2 $0x0  }
0x1d: {  	s5 =	simm.s32 @p1 $0x1;
	p0 =	seq.s32 s7, s2  }
0x1e: {  	s7 =	smul.u32 @!p0 $0xF7A, s2;
	p2 =	seq.s32 @!p0 s5, $0x0  }
0x1f: {  	s9 =	smul.u32 $0xF7A, s1;
	s8 =	simm.s32 @!p0 $0x1BF5;
	p2 =	por !p2, p0  }
0x20: {  	[sflag:s8] =	ssyncset.s32 @!p0 $0xFFFFF086;
	s6 =	sadd.s32 @!p0 s3, s7;
	s7 =	simm.s32 @!p0 $0x108  }
0x21: {  	s3 =	sadd.s32 s3, s9;
	s6 =	sadd.s32 @!p0 $0x88, s6;
	s7 =	simm.s32 @p2 $0x1082  }
0x22: {  	[simem:s7], [sflag:s8] =	dma.local @!p0 [hbm:s6], $0xF7A  }
0x23: {  	s9 =	sor.u32 $0xD0000000, s2;
	s6 =	simm.s32 $0x108;
	_ =	swait.ge @!p0 [sflag:s8], $0x0  }
0x24: {  	s3 =	sadd.s32 $0x88, s3;
	s6 =	simm.s32 @!p1 $0x1082;
	[sflag:s4] =	ssyncset.s32 $0xFFFFF086  }
0x25: {  	[simem:s6], [sflag:s4] =	dma.local [hbm:s3], $0xF7A  }
0x26: {  	[smem:$0x3F9B] =	sst s1;
	(tag) =	ssettag s2;
	_ =	strace s9  }
0x27: {  	s1 =	sld [smem:$0x3FAB]  }
0x28: {  	s2 =	sld [smem:$0x3FAC]  }
0x29: {  	s4 =	sld [smem:$0x3FAE]  }
0x2a: {  	p0 =	seq.s32 s5, $0x0;
	s5 =	sld [smem:$0x3FAF]  }
0x2b: {  	s6 =	sld [smem:$0x3FB0]  }
0x2c: {  	s7 =	sld [smem:$0x3FB1]  }
0x2d: {  	s3 =	simm.s32 $0x108;
	s8 =	sld [smem:$0x3FB2]  }
0x2e: {  	s3 =	simm.s32 @!p0 $0x1082;
	s9 =	sld [smem:$0x3FB3]  }
0x2f: {  	lr =	sadd.s32 s0, s3;
	s0 =	sld [smem:$0x3FAA]  }
0x30: {  	s3 =	sld [smem:$0x3FAD]  }
0x31: {  	[smem:$0x3FB6] =	sst s10  }
0x32: {  	s10 =	sld [smem:$0x3FB4];
	_ =	sdelay $0x3  }
0x33: {  	p0 =	seq.s32 s10, $0x1;
	s10 =	sld [smem:$0x3FB6];
	_ =	sdelay $0x3  }
0x34: {  	[smem:$0x3FB6] =	sst s10  }
0x35: {  	s10 =	sld [smem:$0x3FB5];
	_ =	sdelay $0x3  }
0x36: {  	p1 =	seq.s32 s10, $0x1;
	s10 =	sld [smem:$0x3FB6];
	_ =	sdelay $0x3  }
0x37: {  	[smem:$0x3FB6] =	sst s10  }
0x38: {  	s10 =	sld [smem:$0x3FB7]  }
0x39: {  	_ = 	snop;
	(pc) =	sbr.ind lr, $3  }
0x3a: {  	_ = 	snop  }
0x3b: {  	_ = 	snop  }
0x3c: {  	p2 =	seq.s32 s10, $0x1;
	s10 =	sld [smem:$0x3FB6]  }
0x3d: {  	_ =	shalt  }
0x3e: {  	_ =	shalt  }
0x3f: {  	_ =	shalt  }
0x40: {  	_ =	shalt  }
0x41: {  	_ =	shalt  }
0x42: {  	_ =	shalt  }
0x43: {  	_ =	shalt  }
0x44: {  	_ =	shalt  }
0x45: {  	_ =	shalt  }
0x46: {  	_ =	shalt  }
0x47: {  	_ =	shalt  }
0x48: {  	_ =	shalt  }
0x49: {  	_ =	shalt  }
0x4a: {  	_ =	shalt  }
0x4b: {  	_ =	shalt  }
0x4c: {  	_ =	shalt  }
0x4d: {  	_ =	shalt  }
0x4e: {  	_ =	shalt  }
0x4f: {  	_ =	shalt  }
0x50: {  	_ =	shalt  }
0x51: {  	_ =	shalt  }
0x52: {  	_ =	shalt  }
0x53: {  	_ =	shalt  }
0x54: {  	_ =	shalt  }
0x55: {  	_ =	shalt  }
0x56: {  	_ =	shalt  }
0x57: {  	_ =	shalt  }
0x58: {  	_ =	shalt  }
0x59: {  	_ =	shalt  }
0x5a: {  	_ =	shalt  }
0x5b: {  	_ =	shalt  }
0x5c: {  	_ =	shalt  }
0x5d: {  	_ =	shalt  }
0x5e: {  	_ =	shalt  }
0x5f: {  	_ =	shalt  }
0x60: {  	_ =	shalt  }
0x61: {  	_ =	shalt  }
0x62: {  	_ =	shalt  }
0x63: {  	_ =	shalt  }
0x64: {  	_ =	shalt  }
0x65: {  	_ =	shalt  }
0x66: {  	_ =	shalt  }
0x67: {  	_ =	shalt  }
0x68: {  	_ =	shalt  }
0x69: {  	_ =	shalt  }
0x6a: {  	_ =	shalt  }
0x6b: {  	_ =	shalt  }
0x6c: {  	_ =	shalt  }
0x6d: {  	_ =	shalt  }
0x6e: {  	_ =	shalt  }
0x6f: {  	_ =	shalt  }
0x70: {  	_ =	shalt  }
0x71: {  	_ =	shalt  }
0x72: {  	_ =	shalt  }
0x73: {  	_ =	shalt  }
0x74: {  	_ =	shalt  }
0x75: {  	_ =	shalt  }
0x76: {  	_ =	shalt  }
0x77: {  	_ =	shalt  }
0x78: {  	_ =	shalt  }
0x79: {  	_ =	shalt  }
0x7a: {  	_ =	shalt  }
0x7b: {  	_ =	shalt  }
0x7c: {  	_ =	shalt  }
0x7d: {  	_ =	shalt  }
0x7e: {  	_ =	shalt  }
0x7f: {  	_ =	shalt  }
0x80: {  	_ =	shalt  }
0x81: {  	_ =	shalt  }
0x82: {  	_ =	shalt  }
0x83: {  	_ =	shalt  }
0x84: {  	_ =	shalt  }
0x85: {  	_ =	shalt  }
0x86: {  	_ =	shalt  }
0x87: {  	_ =	shalt  }
.Lfunc_end0:
.L_simem_size_0:
called_computation_lowered:
.L_overlay_start_0:
0x88: {  	s2 =	sld [smem:$0x3FD9]  }
0x89: {  	s3 =	sld [smem:$0x3FFE];
	_ =	sdelay $0x1  }
0x8a: {  	s1 =	srdreg.scid  }
0x8b: {  	s0 =	sand.u32 $0x1, s1  }
0x8c: {  	s17 =	sshll.u32 s0, $0xA;
	s2 =	sadd.s32 s3, s2  }
0x8d: {  	s2 =	sadd.s32 s2, s17  }
0x8e: {  	[smem:$0x3FC2] =	sst s2  }
0x8f: {  	_ = 	snop  }
0x90: {  	s2 =	sld [smem:$0x3FC8];
	(tm) =	ssettm $0x1  }
0x91: {  	s18 =	sld [smem:$0x3FFB];
	_ =	sdelay $0x3  }
0x92: {  	_ =	strace s18  }
0x93: {  	s3 =	sld [smem:$0x3FFC];
	_ =	sdelay $0x3  }
0x94: {  	_ =	strace s3  }
0x95: {  	s3 =	sld [smem:$0x3FFD];
	_ =	sdelay $0x3  }
0x96: {  	_ =	strace s3  }
0x97: {  	_ =	strace $0x8FFFFFFF  }
0x98: {  	s19 =	sld [smem:$0x3FDB];
	_ =	sdelay $0x1  }
0x99: {  	s4 =	simm.s32 $_scs_section_size  }
0x9a: {  	s5 =	simm.s32 $_size__tile_overlayer_lowered;
	s6 =	simm.s32 $_tile_overlayer_lowered  }
0x9b: {  	s22 =	simm.s32 $0x1BFF;
	s21 =	sshll.u32 s6, $0x1;
	s3 =	sadd.s32 s4, s19  }
0x9c: {  	s7 =	simm.s32 $0x0;
	s20 =	sshll.u32 s5, $0x1;
	s5 =	sadd.s32 s21, s3  }
0x9d: {  	[timem:s7], [sflag:s22] =	dma.local [hbm:s5], s20  }
0x9e: {  	_ =	swait.ge [sflag:s22], s20  }
0x9f: {  	s4 =	ssub.s32 $0x0, s20;
	[sflag:s22] =	ssyncset.done $0x0  }
0xa0: {  	[sflag:s22] =	ssyncadd.s32 s4;
	_ =	sdelay $0x1  }
0xa1: {  	s23 =	simm.s32 $0x1B8B  }
0xa2: {  	_ =	swait.ge [sflag:s23], $0x1  }
0xa3: {  	[sflag:s23] =	ssyncset.done $0x0  }
0xa4: {  	s25 =	simm.s32 $0x1B8E;
	s24 =	sld [smem:$0x3FFE];
	[sflag:s23] =	ssyncadd.s32 $0xFFFFFFFF  }
0xa5: {  	s26 =	simm.s32 $execute0_lowered;
	[smem:$0x3FD2] =	sst s25  }
0xa6: {  	s5 =	sshll.u32 s26, $0x1;
	_ =	strace $0x80000046;
	[dreg:$0x1] =	wrdreg $0xFFFFFFFF  }
0xa7: {  	s28 =	simm.s32 $_size_execute0_lowered;
	s3 =	sadd.s32 s3, s5;
	[dreg:$0x0] =	wrdreg $0x0  }
0xa8: {  	s5 =	sshll.u32 s28, $0x1;
	[dreg:$0x2] =	wrdreg s3  }
0xa9: {  	[dreg:$0x3] =	wrdreg s5  }
0xaa: {  	[dreg:$0x4] =	wrdreg $0xC0  }
0xab: {  	_ =	task [dreg:s7], $0x5FFFF  }
0xac: {  	[dreg:$0x1] =	wrdreg $0xFFFFFFFF  }
0xad: {  	[dreg:$0x0] =	wrdreg $0x60  }
0xae: {  	[dreg:$0x2] =	wrdreg s2  }
0xaf: {  	[dreg:$0x3] =	wrdreg s24  }
0xb0: {  	[dreg:$0x4] =	wrdreg $0x9  }
0xb1: {  	_ =	task.clear_ibuf [dreg:s7], $0x5FFFF;
	_ =	strace $0x90000046  }
0xb2: {  	s29 =	simm.s32 $0x9;
	_ =	strace $0x80000048  }
0xb3: {  	_ =	swait.ge [sflag:s29], $0x1  }
0xb4: {  	[sflag:s29] =	ssyncadd.s32 $0xFFFFFFFF  }
0xb5: {  	_ =	strace $0x90000048  }
0xb6: {  	_ =	sfence  }
0xb7: {  	s30 =	sld [smem:$0x0];
	_ =	sdelay $0x2  }
0xb8: {  	s31 =	sshll.u32 s1, $0xD;
	s1 =	sshrl.u32 s1, $0x2  }
0xb9: {  	s3 =	sand.u32 $0x4000, s31;
	s1 =	sadd.s32 s1, s30  }
0xba: {  	s0 =	sor.u32 s3, s0;
	s1 =	sshll.u32 s1, $0x11  }
0xbb: {  	s0 =	sor.u32 s1, s0  }
0xbc: {  	s0 =	sadd.s32 $0x8F2B, s0  }
0xbd: {  	[sflag:s0] =	ssyncadd.remote.s32 $0x1  }
0xbe: {  	_ =	sfence.sel $0xFFFF  }
0xbf: {  	[dreg:$0x0] =	wrdreg $0xFFFFFFFF;
	(pc) =	sbr.abs _section_cstart, $3  }
0xc0: {  	[dreg:$0x1] =	wrdreg $0xFFFFFFFF  }
0xc1: {  	_ =	task.clear_ibuf [dreg:s7], $0x2FFFF;
	_ =	strace $0x9FFFFFFF  }
0xc2: {  	(tm) =	ssettm $0x7FFFFFFF  }
0xc3: {  	_ =	shalt  }
tec
execute0_lowered:
.L_overlay_start_1:
0x0: {  	(tag) =	ssettag $0x1  }
0x1: {  	s2 =	rddreg [dreg:$0x0]  }
0x2: {  	s4 =	rddreg [dreg:$0x1]  }
0x3: {  	s3 =	srdreg.scid;
	s1 =	stileid.u32  }
0x4: {  	s0 =	rddreg [dreg:$0x2];
	s9 =	simm.s32 $0x2;
	s10 =	simm.s32 $0x0  }
0x5: {  	s5 =	sand.u32 $0x1, s3;
	s6 =	sshll.u32 s1, $0x1;
	s3 =	simm.s32 $0x0  }
0x6: {  	s4 =	sadd.s32 $0x1400, s4;
	s7 =	ssub.s32 $0x2, s5;
	s5 =	sor.u32 s5, s6  }
0x7: {  	[smem:$0x7FF] =	sst s3;
	s31 =	sshrl.u32 s7, $0x1;
	s8 =	smul.u32 $0xC350, s5  }
0x8: {  	_ =	strace $0x80000047;
	s5 =	smul.u32 $0xC35, s5;
	s7 =	ssub.s32 s7, s31  }
0x9: {  	s6 =	sadd.s32 s2, s8;
	s7 =	smax.u32 s7, $0x1;
	s8 =	simm.s32 $0x1  }
.LBB2_1:
0xa: {  	[tilespmem:s3], [sflag:$0x1] =	stream.linear.gather [hbm4b:s6+s3], $0x3E80, $0x38;
	[tilespmem:$0xBB80] =	vst v63  }
0xb: {  	p0 =	por $0x0, $0x0;
	s11 =	simm.s32 $0x0  }
.LBB2_2:
0xc: {  	s15 =	smov.u32 s11  }
0xd: {  	s11 =	sadd.s32 $0x1, s11;
	p1 =	seq.s32 s15, $0x18  }
0xe: {  	s12 =	smul.u32 @!p1 $0x7D, s11  }
0xf: {  	s14 =	sand.u32 $0x1, s15  }
0x10: {  	s13 =	sxor.u32 @!p1 $0x1, s14;
	s12 =	sadd.s32 @!p1 s5, s12  }
0x11: {  	s13 =	smul.u32 @!p1 $0xFA00, s13;
	s12 =	sshll.u32 @!p1 s12, $0x4  }
0x12: {  	s12 =	sand.u32 @!p1 $0x1FFFFFF0, s12  }
0x13: {  	s16 =	simm.s32 @!p1 $0x0;
	s13 =	sshrl.u32 @!p1 s13, $0x2;
	s12 =	sadd.s32 @!p1 s2, s12  }
0x14: {  	[tilespmem:s13], [sflag:$0x1] =	stream.linear.gather @!p1 [hbm4b:s12+s16], $0x3E80, $0x38;
	[tilespmem:$0xBB80] =	vst v63  }
0x15: {  	s13 =	simm.s32 $0x1;
	_ =	swait.ge [sflag:s8], $0x3E80  }
0x16: {  	p1 =	slt.u32 s15, $0x2;
	s13 =	simm.s32 @!p0 $0x0;
	[sflag:s8] =	ssyncset.done $0x0  }
0x17: {  	s16 =	simm.s32 @!p1 $0x2;
	s30 =	smul.u32 $0xFA00, s13;
	[sflag:s8] =	ssyncadd.s32 $0xFFFFC180  }
0x18: {  	_ =	swait.ge @!p1 [sflag:s16], $0x1F40  }
0x19: {  	s12 =	sshrl.u32 s30, $0x2;
	[sflag:s16] =	ssyncset.done @!p1 $0x0  }
0x1a: {  	s12 =	sadd.s32 $0x100, s12;
	[sflag:s16] =	ssyncadd.s32 @!p1 $0xFFFFE0C0  }
0x1b: {  	v0 =	vld [tilespmem:s12+$0xFFFFFF00]  }
0x1c: {  	v1 =	vld [tilespmem:s12+$0xFFFFFF40];
	_ =	sdelay $0x3  }
0x1d: {  	s13 =	smul.u32 $0x7D00, s13  }
0x1e: {  	v0 =	vadd.s32 $0x8000, v0;
	v1 =	vadd.s32 $0x8000, v1  }
0x1f: {  	s13 =	sshrl.u32 s13, $0x2;
	v0 =	vshrl.u32 v0, $0x10;
	v1 =	vand.u32 $0xFFFF0000, v1  }
0x20: {  	s13 =	sadd.s32 $0x7D80, s13;
	v0 =	vor.u32 v0, v1  }
0x21: {  	[tilespmem:s13+$0xFFFFFF80] =	vst v0  }
0x22: {  	v0 =	vld [tilespmem:s12+$0xFFFFFF10]  }
0x23: {  	v1 =	vld [tilespmem:s12+$0xFFFFFF50];
	_ =	sdelay $0x4  }
0x24: {  	v0 =	vadd.s32 $0x8000, v0;
	v1 =	vadd.s32 $0x8000, v1  }
0x25: {  	v0 =	vshrl.u32 v0, $0x10;
	v1 =	vand.u32 $0xFFFF0000, v1  }
0x26: {  	v0 =	vor.u32 v0, v1  }
0x27: {  	[tilespmem:s13+$0xFFFFFF90] =	vst v0  }
0x28: {  	v0 =	vld [tilespmem:s12+$0xFFFFFF20]  }
0x29: {  	v1 =	vld [tilespmem:s12+$0xFFFFFF60];
	_ =	sdelay $0x4  }
0x2a: {  	v0 =	vadd.s32 $0x8000, v0;
	v1 =	vadd.s32 $0x8000, v1  }
0x2b: {  	v0 =	vshrl.u32 v0, $0x10;
	v1 =	vand.u32 $0xFFFF0000, v1  }
0x2c: {  	v0 =	vor.u32 v0, v1  }
0x2d: {  	[tilespmem:s13+$0xFFFFFFA0] =	vst v0  }
0x2e: {  	v0 =	vld [tilespmem:s12+$0xFFFFFF30]  }
0x2f: {  	v1 =	vld [tilespmem:s12+$0xFFFFFF70];
	_ =	sdelay $0x4  }
0x30: {  	v0 =	vadd.s32 $0x8000, v0;
	v1 =	vadd.s32 $0x8000, v1  }
0x31: {  	v0 =	vshrl.u32 v0, $0x10;
	v1 =	vand.u32 $0xFFFF0000, v1  }
0x32: {  	v0 =	vor.u32 v0, v1  }
0x33: {  	[tilespmem:s13+$0xFFFFFFB0] =	vst v0  }
0x34: {  	v0 =	vld [tilespmem:s12+$0xFFFFFF80]  }
0x35: {  	v1 =	vld [tilespmem:s12+$0xFFFFFFC0];
	_ =	sdelay $0x4  }
0x36: {  	v0 =	vadd.s32 $0x8000, v0;
	v1 =	vadd.s32 $0x8000, v1  }
0x37: {  	v0 =	vshrl.u32 v0, $0x10;
	v1 =	vand.u32 $0xFFFF0000, v1  }
0x38: {  	v0 =	vor.u32 v0, v1  }
0x39: {  	[tilespmem:s13+$0xFFFFFFC0] =	vst v0  }
0x3a: {  	v0 =	vld [tilespmem:s12+$0xFFFFFF90]  }
0x3b: {  	v1 =	vld [tilespmem:s12+$0xFFFFFFD0];
	_ =	sdelay $0x4  }
0x3c: {  	v0 =	vadd.s32 $0x8000, v0;
	v1 =	vadd.s32 $0x8000, v1  }
0x3d: {  	v0 =	vshrl.u32 v0, $0x10;
	v1 =	vand.u32 $0xFFFF0000, v1  }
0x3e: {  	v0 =	vor.u32 v0, v1  }
0x3f: {  	[tilespmem:s13+$0xFFFFFFD0] =	vst v0  }
0x40: {  	v0 =	vld [tilespmem:s12+$0xFFFFFFA0]  }
0x41: {  	v1 =	vld [tilespmem:s12+$0xFFFFFFE0];
	_ =	sdelay $0x4  }
0x42: {  	v0 =	vadd.s32 $0x8000, v0;
	v1 =	vadd.s32 $0x8000, v1  }
0x43: {  	v0 =	vshrl.u32 v0, $0x10;
	v1 =	vand.u32 $0xFFFF0000, v1  }
0x44: {  	v0 =	vor.u32 v0, v1  }
0x45: {  	[tilespmem:s13+$0xFFFFFFE0] =	vst v0  }
0x46: {  	v0 =	vld [tilespmem:s12+$0xFFFFFFB0]  }
0x47: {  	v1 =	vld [tilespmem:s12+$0xFFFFFFF0];
	_ =	sdelay $0x4  }
0x48: {  	v0 =	vadd.s32 $0x8000, v0;
	v1 =	vadd.s32 $0x8000, v1  }
0x49: {  	v0 =	vshrl.u32 v0, $0x10;
	v1 =	vand.u32 $0xFFFF0000, v1  }
0x4a: {  	v0 =	vor.u32 v0, v1  }
0x4b: {  	[tilespmem:s13+$0xFFFFFFF0] =	vst v0  }
0x4c: {  	v0 =	vld [tilespmem:s12+$0x0]  }
0x4d: {  	v1 =	vld [tilespmem:s12+$0x40];
	_ =	sdelay $0x4  }
0x4e: {  	v0 =	vadd.s32 $0x8000, v0;
	v1 =	vadd.s32 $0x8000, v1  }
0x4f: {  	v0 =	vshrl.u32 v0, $0x10;
	v1 =	vand.u32 $0xFFFF0000, v1  }
0x50: {  	v0 =	vor.u32 v0, v1  }
0x51: {  	[tilespmem:s13+$0x0] =	vst v0  }
0x52: {  	v0 =	vld [tilespmem:s12+$0x10]  }
0x53: {  	v1 =	vld [tilespmem:s12+$0x50];
	_ =	sdelay $0x4  }
0x54: {  	v0 =	vadd.s32 $0x8000, v0;
	v1 =	vadd.s32 $0x8000, v1  }
0x55: {  	v0 =	vshrl.u32 v0, $0x10;
	v1 =	vand.u32 $0xFFFF0000, v1  }
0x56: {  	v0 =	vor.u32 v0, v1  }
0x57: {  	[tilespmem:s13+$0x10] =	vst v0  }
0x58: {  	v0 =	vld [tilespmem:s12+$0x20]  }
0x59: {  	v1 =	vld [tilespmem:s12+$0x60];
	_ =	sdelay $0x4  }
0x5a: {  	v0 =	vadd.s32 $0x8000, v0;
	v1 =	vadd.s32 $0x8000, v1  }
0x5b: {  	v0 =	vshrl.u32 v0, $0x10;
	v1 =	vand.u32 $0xFFFF0000, v1  }
0x5c: {  	v0 =	vor.u32 v0, v1  }
0x5d: {  	[tilespmem:s13+$0x20] =	vst v0  }
0x5e: {  	v0 =	vld [tilespmem:s12+$0x30]  }
0x5f: {  	v1 =	vld [tilespmem:s12+$0x70];
	_ =	sdelay $0x4  }
0x60: {  	v0 =	vadd.s32 $0x8000, v0;
	v1 =	vadd.s32 $0x8000, v1  }
0x61: {  	v0 =	vshrl.u32 v0, $0x10;
	v1 =	vand.u32 $0xFFFF0000, v1  }
0x62: {  	v0 =	vor.u32 v0, v1  }
0x63: {  	[tilespmem:s13+$0x30] =	vst v0  }
0x64: {  	v0 =	vld [tilespmem:s12+$0x80]  }
0x65: {  	v1 =	vld [tilespmem:s12+$0xC0];
	_ =	sdelay $0x4  }
0x66: {  	v0 =	vadd.s32 $0x8000, v0;
	v1 =	vadd.s32 $0x8000, v1  }
0x67: {  	v0 =	vshrl.u32 v0, $0x10;
	v1 =	vand.u32 $0xFFFF0000, v1  }
0x68: {  	v0 =	vor.u32 v0, v1  }
0x69: {  	[tilespmem:s13+$0x40] =	vst v0  }
0x6a: {  	v0 =	vld [tilespmem:s12+$0x90]  }
0x6b: {  	v1 =	vld [tilespmem:s12+$0xD0];
	_ =	sdelay $0x4  }
0x6c: {  	s31 =	smul.u32 $0x7D00, s14;
	v0 =	vadd.s32 $0x8000, v0;
	v1 =	vadd.s32 $0x8000, v1  }
0x6d: {  	s17 =	smul.u32 $0xFA00, s14;
	v0 =	vshrl.u32 v0, $0x10;
	v1 =	vand.u32 $0xFFFF0000, v1  }
0x6e: {  	s15 =	smul.u32 $0x7D, s15;
	v0 =	vor.u32 v0, v1  }
0x6f: {  	s20 =	simm.s32 $0x0;
	[tilespmem:s13+$0x50] =	vst v0  }
0x70: {  	s17 =	sshrl.u32 s17, $0x2;
	s14 =	sadd.s32 s5, s15;
	s15 =	sshrl.u32 s31, $0x2;
	v0 =	vld [tilespmem:s12+$0xA0]  }
0x71: {  	s16 =	sadd.s32 $0x7D00, s15;
	s18 =	smov.u32 s13;
	s19 =	smov.u32 s12;
	v1 =	vld [tilespmem:s12+$0xE0]  }
.LBB2_3:
0x72: {  	_ =	sdelay $0x1  }
0x73: {  	s20 =	sadd.s32 $0x4, s20;
	s13 =	sadd.s32 $0x100, s13;
	s12 =	sadd.s32 $0x200, s12  }
0x74: {  	p1 =	slt.u32 s20, $0x78;
	v0 =	vadd.s32 $0x8000, v0  }
0x75: {  	v1 =	vadd.s32 $0x8000, v1;
	v0 =	vshrl.u32 v0, $0x10  }
0x76: {  	v1 =	vand.u32 $0xFFFF0000, v1  }
0x77: {  	v0 =	vor.u32 v0, v1  }
0x78: {  	[tilespmem:s18+$0x60] =	vst v0  }
0x79: {  	v0 =	vld [tilespmem:s19+$0xB0]  }
0x7a: {  	v1 =	vld [tilespmem:s19+$0xF0];
	s19 =	smov.u32 s12;
	_ =	sdelay $0x3  }
0x7b: {  	v0 =	vadd.s32 $0x8000, v0  }
0x7c: {  	v1 =	vadd.s32 $0x8000, v1;
	v0 =	vshrl.u32 v0, $0x10  }
0x7d: {  	v1 =	vand.u32 $0xFFFF0000, v1  }
0x7e: {  	v0 =	vor.u32 v0, v1  }
0x7f: {  	[tilespmem:s18+$0x70] =	vst v0;
	s18 =	smov.u32 s13  }
0x80: {  	v0 =	vld [tilespmem:s12+$0xFFFFFF00]  }
0x81: {  	v1 =	vld [tilespmem:s12+$0xFFFFFF40];
	_ =	sdelay $0x3  }
0x82: {  	v0 =	vadd.s32 $0x8000, v0  }
0x83: {  	v1 =	vadd.s32 $0x8000, v1  }
0x84: {  	v0 =	vshrl.u32 v0, $0x10;
	v1 =	vand.u32 $0xFFFF0000, v1  }
0x85: {  	v0 =	vor.u32 v0, v1  }
0x86: {  	[tilespmem:s13+$0xFFFFFF80] =	vst v0  }
0x87: {  	v0 =	vld [tilespmem:s12+$0xFFFFFF10]  }
0x88: {  	v1 =	vld [tilespmem:s12+$0xFFFFFF50];
	_ =	sdelay $0x3  }
0x89: {  	v0 =	vadd.s32 $0x8000, v0  }
0x8a: {  	v1 =	vadd.s32 $0x8000, v1;
	v0 =	vshrl.u32 v0, $0x10  }
0x8b: {  	v1 =	vand.u32 $0xFFFF0000, v1  }
0x8c: {  	v0 =	vor.u32 v0, v1  }
0x8d: {  	[tilespmem:s13+$0xFFFFFF90] =	vst v0  }
0x8e: {  	v0 =	vld [tilespmem:s12+$0xFFFFFF20]  }
0x8f: {  	v1 =	vld [tilespmem:s12+$0xFFFFFF60];
	_ =	sdelay $0x3  }
0x90: {  	v0 =	vadd.s32 $0x8000, v0  }
0x91: {  	v1 =	vadd.s32 $0x8000, v1;
	v0 =	vshrl.u32 v0, $0x10  }
0x92: {  	v1 =	vand.u32 $0xFFFF0000, v1  }
0x93: {  	v0 =	vor.u32 v0, v1  }
0x94: {  	[tilespmem:s13+$0xFFFFFFA0] =	vst v0  }
0x95: {  	v0 =	vld [tilespmem:s12+$0xFFFFFF30]  }
0x96: {  	v1 =	vld [tilespmem:s12+$0xFFFFFF70];
	_ =	sdelay $0x3  }
0x97: {  	v0 =	vadd.s32 $0x8000, v0  }
0x98: {  	v1 =	vadd.s32 $0x8000, v1;
	v0 =	vshrl.u32 v0, $0x10  }
0x99: {  	v1 =	vand.u32 $0xFFFF0000, v1  }
0x9a: {  	v0 =	vor.u32 v0, v1  }
0x9b: {  	[tilespmem:s13+$0xFFFFFFB0] =	vst v0  }
0x9c: {  	v0 =	vld [tilespmem:s12+$0xFFFFFF80]  }
0x9d: {  	v1 =	vld [tilespmem:s12+$0xFFFFFFC0];
	_ =	sdelay $0x3  }
0x9e: {  	v0 =	vadd.s32 $0x8000, v0  }
0x9f: {  	v1 =	vadd.s32 $0x8000, v1;
	v0 =	vshrl.u32 v0, $0x10  }
0xa0: {  	v1 =	vand.u32 $0xFFFF0000, v1  }
0xa1: {  	v0 =	vor.u32 v0, v1  }
0xa2: {  	[tilespmem:s13+$0xFFFFFFC0] =	vst v0  }
0xa3: {  	v0 =	vld [tilespmem:s12+$0xFFFFFF90]  }
0xa4: {  	v1 =	vld [tilespmem:s12+$0xFFFFFFD0];
	_ =	sdelay $0x3  }
0xa5: {  	v0 =	vadd.s32 $0x8000, v0  }
0xa6: {  	v1 =	vadd.s32 $0x8000, v1;
	v0 =	vshrl.u32 v0, $0x10  }
0xa7: {  	v1 =	vand.u32 $0xFFFF0000, v1  }
0xa8: {  	v0 =	vor.u32 v0, v1  }
0xa9: {  	[tilespmem:s13+$0xFFFFFFD0] =	vst v0  }
0xaa: {  	v0 =	vld [tilespmem:s12+$0xFFFFFFA0]  }
0xab: {  	v1 =	vld [tilespmem:s12+$0xFFFFFFE0];
	_ =	sdelay $0x3  }
0xac: {  	v0 =	vadd.s32 $0x8000, v0  }
0xad: {  	v1 =	vadd.s32 $0x8000, v1;
	v0 =	vshrl.u32 v0, $0x10  }
0xae: {  	v1 =	vand.u32 $0xFFFF0000, v1  }
0xaf: {  	v0 =	vor.u32 v0, v1  }
0xb0: {  	[tilespmem:s13+$0xFFFFFFE0] =	vst v0  }
0xb1: {  	v0 =	vld [tilespmem:s12+$0xFFFFFFB0]  }
0xb2: {  	v1 =	vld [tilespmem:s12+$0xFFFFFFF0];
	_ =	sdelay $0x3  }
0xb3: {  	v0 =	vadd.s32 $0x8000, v0  }
0xb4: {  	v1 =	vadd.s32 $0x8000, v1;
	v0 =	vshrl.u32 v0, $0x10  }
0xb5: {  	v1 =	vand.u32 $0xFFFF0000, v1  }
0xb6: {  	v0 =	vor.u32 v0, v1  }
0xb7: {  	[tilespmem:s13+$0xFFFFFFF0] =	vst v0  }
0xb8: {  	v0 =	vld [tilespmem:s12+$0x0]  }
0xb9: {  	v1 =	vld [tilespmem:s12+$0x40];
	_ =	sdelay $0x3  }
0xba: {  	v0 =	vadd.s32 $0x8000, v0  }
0xbb: {  	v1 =	vadd.s32 $0x8000, v1;
	v0 =	vshrl.u32 v0, $0x10  }
0xbc: {  	v1 =	vand.u32 $0xFFFF0000, v1  }
0xbd: {  	v0 =	vor.u32 v0, v1  }
0xbe: {  	[tilespmem:s13+$0x0] =	vst v0  }
0xbf: {  	v0 =	vld [tilespmem:s12+$0x10]  }
0xc0: {  	v1 =	vld [tilespmem:s12+$0x50];
	_ =	sdelay $0x3  }
0xc1: {  	v0 =	vadd.s32 $0x8000, v0  }
0xc2: {  	v1 =	vadd.s32 $0x8000, v1;
	v0 =	vshrl.u32 v0, $0x10  }
0xc3: {  	v1 =	vand.u32 $0xFFFF0000, v1  }
0xc4: {  	v0 =	vor.u32 v0, v1  }
0xc5: {  	[tilespmem:s13+$0x10] =	vst v0  }
0xc6: {  	v0 =	vld [tilespmem:s12+$0x20]  }
0xc7: {  	v1 =	vld [tilespmem:s12+$0x60];
	_ =	sdelay $0x3  }
0xc8: {  	v0 =	vadd.s32 $0x8000, v0  }
0xc9: {  	v1 =	vadd.s32 $0x8000, v1;
	v0 =	vshrl.u32 v0, $0x10  }
0xca: {  	v1 =	vand.u32 $0xFFFF0000, v1  }
0xcb: {  	v0 =	vor.u32 v0, v1  }
0xcc: {  	[tilespmem:s13+$0x20] =	vst v0  }
0xcd: {  	v0 =	vld [tilespmem:s12+$0x30]  }
0xce: {  	v1 =	vld [tilespmem:s12+$0x70];
	_ =	sdelay $0x3  }
0xcf: {  	v0 =	vadd.s32 $0x8000, v0  }
0xd0: {  	v1 =	vadd.s32 $0x8000, v1;
	v0 =	vshrl.u32 v0, $0x10  }
0xd1: {  	v1 =	vand.u32 $0xFFFF0000, v1  }
0xd2: {  	v0 =	vor.u32 v0, v1  }
0xd3: {  	[tilespmem:s13+$0x30] =	vst v0  }
0xd4: {  	v0 =	vld [tilespmem:s12+$0x80]  }
0xd5: {  	v1 =	vld [tilespmem:s12+$0xC0];
	_ =	sdelay $0x3  }
0xd6: {  	v0 =	vadd.s32 $0x8000, v0  }
0xd7: {  	v1 =	vadd.s32 $0x8000, v1;
	v0 =	vshrl.u32 v0, $0x10  }
0xd8: {  	v1 =	vand.u32 $0xFFFF0000, v1  }
0xd9: {  	v0 =	vor.u32 v0, v1  }
0xda: {  	[tilespmem:s13+$0x40] =	vst v0  }
0xdb: {  	v0 =	vld [tilespmem:s12+$0x90]  }
0xdc: {  	v1 =	vld [tilespmem:s12+$0xD0];
	_ =	sdelay $0x3  }
0xdd: {  	v0 =	vadd.s32 $0x8000, v0  }
0xde: {  	v1 =	vadd.s32 $0x8000, v1;
	v0 =	vshrl.u32 v0, $0x10  }
.Ltmp0:
0xdf: {  	v1 =	vand.u32 $0xFFFF0000, v1;
	(pc) =	sbr.rel @p1 .LBB2_3-.Ltmp0, $4  }
0xe0: {  	v0 =	vor.u32 v0, v1  }
0xe1: {  	[tilespmem:s13+$0x50] =	vst v0  }
0xe2: {  	v0 =	vld [tilespmem:s12+$0xA0]  }
0xe3: {  	v1 =	vld [tilespmem:s12+$0xE0]  }
0xe4: {  	_ =	sdelay $0x3  }
0xe5: {  	v0 =	vadd.s32 $0x8000, v0;
	v1 =	vadd.s32 $0x8000, v1  }
0xe6: {  	v0 =	vshrl.u32 v0, $0x10;
	v1 =	vand.u32 $0xFFFF0000, v1  }
0xe7: {  	v0 =	vor.u32 v0, v1  }
0xe8: {  	[tilespmem:s18+$0x60] =	vst v0  }
0xe9: {  	v0 =	vld [tilespmem:s19+$0xB0]  }
0xea: {  	v59 =	vld [tilespmem:s19+$0xF0];
	_ =	sdelay $0x4  }
0xeb: {  	v0 =	vadd.s32 $0x8000, v0;
	v1 =	vadd.s32 $0x8000, v59  }
0xec: {  	v0 =	vshrl.u32 v0, $0x10;
	v1 =	vand.u32 $0xFFFF0000, v1  }
0xed: {  	v0 =	vor.u32 v0, v1  }
0xee: {  	[tilespmem:s18+$0x70] =	vst v0  }
0xef: {  	v0 =	vld [tilespmem:s17+$0x3E00]  }
0xf0: {  	v60 =	vld [tilespmem:s17+$0x3E40];
	_ =	sdelay $0x4  }
0xf1: {  	v0 =	vadd.s32 $0x8000, v0;
	v1 =	vadd.s32 $0x8000, v60  }
0xf2: {  	v0 =	vshrl.u32 v0, $0x10;
	v1 =	vand.u32 $0xFFFF0000, v1  }
0xf3: {  	v0 =	vor.u32 v0, v1  }
0xf4: {  	[tilespmem:s15+$0x9C00] =	vst v0  }
0xf5: {  	v0 =	vld [tilespmem:s17+$0x3E10]  }
0xf6: {  	v61 =	vld [tilespmem:s17+$0x3E50];
	_ =	sdelay $0x4  }
0xf7: {  	v0 =	vadd.s32 $0x8000, v0;
	v1 =	vadd.s32 $0x8000, v61  }
0xf8: {  	v0 =	vshrl.u32 v0, $0x10;
	v1 =	vand.u32 $0xFFFF0000, v1  }
0xf9: {  	v0 =	vor.u32 v0, v1  }
0xfa: {  	[tilespmem:s15+$0x9C10] =	vst v0  }
0xfb: {  	v0 =	vld [tilespmem:s17+$0x3E20]  }
0xfc: {  	v62 =	vld [tilespmem:s17+$0x3E60];
	_ =	sdelay $0x4  }
0xfd: {  	v0 =	vadd.s32 $0x8000, v0;
	v1 =	vadd.s32 $0x8000, v62  }
0xfe: {  	v0 =	vshrl.u32 v0, $0x10;
	v1 =	vand.u32 $0xFFFF0000, v1  }
0xff: {  	v0 =	vor.u32 v0, v1  }
0x100: {  	[tilespmem:s15+$0x9C20] =	vst v0  }
0x101: {  	v0 =	vld [tilespmem:s17+$0x3E30]  }
0x102: {  	v63 =	vld [tilespmem:s17+$0x3E70];
	_ =	sdelay $0x3  }
0x103: {  	p1 =	sne.s32 s11, $0x19  }
.Ltmp1:
0x104: {  	v0 =	vadd.s32 $0x8000, v0;
	v1 =	vadd.s32 $0x8000, v63;
	(pc) =	sbr.rel @p1 .LBB2_2-.Ltmp1, $4  }
0x105: {  	v0 =	vshrl.u32 v0, $0x10;
	v1 =	vand.u32 $0xFFFF0000, v1  }
0x106: {  	s12 =	sshll.u32 s14, $0x3;
	v0 =	vor.u32 v0, v1  }
0x107: {  	p0 =	por !p0, !p0;
	s12 =	sadd.s32 s4, s12;
	[tilespmem:s15+$0x9C30] =	vst v0  }
0x108: {  	[hbm4b:s12+s3] =	stream.linear.scatter [tilespmem:s16], [sflag:$0x2], $0x1F40, $0x38;
	[tilespmem:$0xBB80] =	vst v63  }
0x109: {  	s10 =	sadd.s32 $0x1, s10  }
0x10a: {  	_ =	swait.ge [sflag:s9], $0x1F40;
	p0 =	sne.s32 s10, s7  }
.Ltmp2:
0x10b: {  	[sflag:s9] =	ssyncset.done $0x0;
	(pc) =	sbr.rel @p0 .LBB2_1-.Ltmp2, $4  }
0x10c: {  	[sflag:s9] =	ssyncadd.s32 $0xFFFFE0C0  }
0x10d: {  	_ =	swait.ge [sflag:s9], $0x1F40  }
0x10e: {  	[sflag:s9] =	ssyncset.done $0x0  }
0x10f: {  	[sflag:s9] =	ssyncadd.s32 $0xFFFFE0C0  }
0x110: {  	_ =	sfence.sel $0x180000  }
0x111: {  	[bflag:$0x0] =	sbarrier.arrive $0xFFFF  }
0x112: {  	p0 =	sne.s32 s1, $0x0;
	_ =	strace $0x90000047  }
0x113: {  	s0 =	sadd.s32 @!p0 $0x100000, s0;
	[bflag:$0x2] =	sbarrier.arrive $0xFFFF  }
0x114: {  	[sflag:s0] =	ssyncadd.tile.s32 @!p0 $0x1;
	_ =	shalt  }
.Lfunc_end2:
_tile_overlayer_lowered:
.L_overlay_start_2:
0x115: {  	(tag) =	ssettag $0x2  }
0x116: {  	s0 =	rddreg [dreg:$0x0];
	s2 =	stileid.u32  }
0x117: {  	s1 =	rddreg [dreg:$0x1];
	p0 =	sne.s32 s2, $0x0  }
0x118: {  	s3 =	rddreg [dreg:$0x2];
	[bflag:$0x3] =	sbarrier.arrive $0xFFFF;
	s2 =	simm.s32 @!p0 $0x1C03  }
0x119: {  	[timem:s3], [sflag:s2] =	dma.local @!p0 [hbm:s0], s1  }
0x11a: {  	s0 =	simm.s32 @!p0 $0x3  }
0x11b: {  	_ =	swait.ge @!p0 [sflag:s0], s1  }
0x11c: {  	s1 =	ssub.s32 @!p0 $0x0, s1;
	[sflag:s0] =	ssyncset.done @!p0 $0x0  }
0x11d: {  	[sflag:s0] =	ssyncadd.s32 @!p0 s1  }
0x11e: {  	[bflag:$0x3] =	sbarrier.arrive $0xFFFF  }
0x11f: {  	_ =	shalt  }

// kernel: kernel.8.cloned.1.call-start
scs
__scs_entry_jumppad:
0x0: {  	(pc) =	sbr.rel $0x88, $3  }
0x1: {  	(tag) =	ssettag $0x0;
	lr =	simm.s32 $0x1  }
0x2: {  	[smem:$0x3F9B] =	sst lr;
	_ =	strace $0xD0000000  }
0x3: {  	_ = 	snop  }
0x4: {  	_ = 	snop  }
0x5: {  	_ = 	snop  }
0x6: {  	_ = 	snop  }
0x7: {  	_ = 	snop  }
__scs_overlays_trampoline_lowered:
0x8: {  	[smem:$0x3FAA] =	sst s0  }
0x9: {  	[smem:$0x3FAB] =	sst s1  }
0xa: {  	[smem:$0x3FAC] =	sst s2  }
0xb: {  	[smem:$0x3FAD] =	sst s3  }
0xc: {  	[smem:$0x3FAE] =	sst s4  }
0xd: {  	[smem:$0x3FAF] =	sst s5  }
0xe: {  	[smem:$0x3FB0] =	sst s6  }
0xf: {  	[smem:$0x3FB1] =	sst s7  }
0x10: {  	[smem:$0x3FB2] =	sst s8  }
0x11: {  	[smem:$0x3FB3] =	sst s9;
	s0 =	simm.s32 @!p0 $0x0  }
0x12: {  	s1 =	sld [smem:$0x3F99];
	s0 =	simm.s32 @p0 $0x1  }
0x13: {  	[smem:$0x3FB4] =	sst s0;
	s0 =	simm.s32 @!p1 $0x0  }
0x14: {  	s2 =	sld [smem:$0x3F98];
	s0 =	simm.s32 @p1 $0x1  }
0x15: {  	[smem:$0x3FB5] =	sst s0;
	s0 =	simm.s32 @!p2 $0x0  }
0x16: {  	s3 =	sld [smem:$0x3FDB];
	s0 =	simm.s32 @p2 $0x1  }
0x17: {  	s4 =	simm.s32 $0x1BF5;
	[smem:$0x3FB7] =	sst s0  }
0x18: {  	s0 =	sld [smem:$0x3F9A];
	_ =	swait.ge [sflag:s4], $0x0  }
0x19: {  	s7 =	sld [smem:$0x3F9B]  }
0x1a: {  	s8 =	sadd.s32 $0xFFFFE003, lr  }
0x1b: {  	s9 =	sadd.s32 $0xFFFFFEF7, lr;
	s5 =	simm.s32 $0xFFFFFFFF;
	p2 =	slt.u32 s8, $0xFFFFF086  }
0x1c: {  	p1 =	slt.u32 s9, $0xF7A;
	s5 =	simm.s32 @!p2 $0x0  }
0x1d: {  	s5 =	simm.s32 @p1 $0x1;
	p0 =	seq.s32 s7, s2  }
0x1e: {  	s7 =	smul.u32 @!p0 $0xF7A, s2;
	p2 =	seq.s32 @!p0 s5, $0x0  }
0x1f: {  	s9 =	smul.u32 $0xF7A, s1;
	s8 =	simm.s32 @!p0 $0x1BF5;
	p2 =	por !p2, p0  }
0x20: {  	[sflag:s8] =	ssyncset.s32 @!p0 $0xFFFFF086;
	s6 =	sadd.s32 @!p0 s3, s7;
	s7 =	simm.s32 @!p0 $0x108  }
0x21: {  	s3 =	sadd.s32 s3, s9;
	s6 =	sadd.s32 @!p0 $0x88, s6;
	s7 =	simm.s32 @p2 $0x1082  }
0x22: {  	[simem:s7], [sflag:s8] =	dma.local @!p0 [hbm:s6], $0xF7A  }
0x23: {  	s9 =	sor.u32 $0xD0000000, s2;
	s6 =	simm.s32 $0x108;
	_ =	swait.ge @!p0 [sflag:s8], $0x0  }
0x24: {  	s3 =	sadd.s32 $0x88, s3;
	s6 =	simm.s32 @!p1 $0x1082;
	[sflag:s4] =	ssyncset.s32 $0xFFFFF086  }
0x25: {  	[simem:s6], [sflag:s4] =	dma.local [hbm:s3], $0xF7A  }
0x26: {  	[smem:$0x3F9B] =	sst s1;
	(tag) =	ssettag s2;
	_ =	strace s9  }
0x27: {  	s1 =	sld [smem:$0x3FAB]  }
0x28: {  	s2 =	sld [smem:$0x3FAC]  }
0x29: {  	s4 =	sld [smem:$0x3FAE]  }
0x2a: {  	p0 =	seq.s32 s5, $0x0;
	s5 =	sld [smem:$0x3FAF]  }
0x2b: {  	s6 =	sld [smem:$0x3FB0]  }
0x2c: {  	s7 =	sld [smem:$0x3FB1]  }
0x2d: {  	s3 =	simm.s32 $0x108;
	s8 =	sld [smem:$0x3FB2]  }
0x2e: {  	s3 =	simm.s32 @!p0 $0x1082;
	s9 =	sld [smem:$0x3FB3]  }
0x2f: {  	lr =	sadd.s32 s0, s3;
	s0 =	sld [smem:$0x3FAA]  }
0x30: {  	s3 =	sld [smem:$0x3FAD]  }
0x31: {  	[smem:$0x3FB6] =	sst s10  }
0x32: {  	s10 =	sld [smem:$0x3FB4];
	_ =	sdelay $0x3  }
0x33: {  	p0 =	seq.s32 s10, $0x1;
	s10 =	sld [smem:$0x3FB6];
	_ =	sdelay $0x3  }
0x34: {  	[smem:$0x3FB6] =	sst s10  }
0x35: {  	s10 =	sld [smem:$0x3FB5];
	_ =	sdelay $0x3  }
0x36: {  	p1 =	seq.s32 s10, $0x1;
	s10 =	sld [smem:$0x3FB6];
	_ =	sdelay $0x3  }
0x37: {  	[smem:$0x3FB6] =	sst s10  }
0x38: {  	s10 =	sld [smem:$0x3FB7]  }
0x39: {  	_ = 	snop;
	(pc) =	sbr.ind lr, $3  }
0x3a: {  	_ = 	snop  }
0x3b: {  	_ = 	snop  }
0x3c: {  	p2 =	seq.s32 s10, $0x1;
	s10 =	sld [smem:$0x3FB6]  }
0x3d: {  	_ =	shalt  }
0x3e: {  	_ =	shalt  }
0x3f: {  	_ =	shalt  }
0x40: {  	_ =	shalt  }
0x41: {  	_ =	shalt  }
0x42: {  	_ =	shalt  }
0x43: {  	_ =	shalt  }
0x44: {  	_ =	shalt  }
0x45: {  	_ =	shalt  }
0x46: {  	_ =	shalt  }
0x47: {  	_ =	shalt  }
0x48: {  	_ =	shalt  }
0x49: {  	_ =	shalt  }
0x4a: {  	_ =	shalt  }
0x4b: {  	_ =	shalt  }
0x4c: {  	_ =	shalt  }
0x4d: {  	_ =	shalt  }
0x4e: {  	_ =	shalt  }
0x4f: {  	_ =	shalt  }
0x50: {  	_ =	shalt  }
0x51: {  	_ =	shalt  }
0x52: {  	_ =	shalt  }
0x53: {  	_ =	shalt  }
0x54: {  	_ =	shalt  }
0x55: {  	_ =	shalt  }
0x56: {  	_ =	shalt  }
0x57: {  	_ =	shalt  }
0x58: {  	_ =	shalt  }
0x59: {  	_ =	shalt  }
0x5a: {  	_ =	shalt  }
0x5b: {  	_ =	shalt  }
0x5c: {  	_ =	shalt  }
0x5d: {  	_ =	shalt  }
0x5e: {  	_ =	shalt  }
0x5f: {  	_ =	shalt  }
0x60: {  	_ =	shalt  }
0x61: {  	_ =	shalt  }
0x62: {  	_ =	shalt  }
0x63: {  	_ =	shalt  }
0x64: {  	_ =	shalt  }
0x65: {  	_ =	shalt  }
0x66: {  	_ =	shalt  }
0x67: {  	_ =	shalt  }
0x68: {  	_ =	shalt  }
0x69: {  	_ =	shalt  }
0x6a: {  	_ =	shalt  }
0x6b: {  	_ =	shalt  }
0x6c: {  	_ =	shalt  }
0x6d: {  	_ =	shalt  }
0x6e: {  	_ =	shalt  }
0x6f: {  	_ =	shalt  }
0x70: {  	_ =	shalt  }
0x71: {  	_ =	shalt  }
0x72: {  	_ =	shalt  }
0x73: {  	_ =	shalt  }
0x74: {  	_ =	shalt  }
0x75: {  	_ =	shalt  }
0x76: {  	_ =	shalt  }
0x77: {  	_ =	shalt  }
0x78: {  	_ =	shalt  }
0x79: {  	_ =	shalt  }
0x7a: {  	_ =	shalt  }
0x7b: {  	_ =	shalt  }
0x7c: {  	_ =	shalt  }
0x7d: {  	_ =	shalt  }
0x7e: {  	_ =	shalt  }
0x7f: {  	_ =	shalt  }
0x80: {  	_ =	shalt  }
0x81: {  	_ =	shalt  }
0x82: {  	_ =	shalt  }
0x83: {  	_ =	shalt  }
0x84: {  	_ =	shalt  }
0x85: {  	_ =	shalt  }
0x86: {  	_ =	shalt  }
0x87: {  	_ =	shalt  }
.Lfunc_end0:
.L_simem_size_0:
called_computation.1_lowered:
.L_overlay_start_0:
0x88: {  	s2 =	sld [smem:$0x3FD9]  }
0x89: {  	s3 =	sld [smem:$0x3FFE];
	_ =	sdelay $0x1  }
0x8a: {  	s1 =	srdreg.scid  }
0x8b: {  	s0 =	sand.u32 $0x1, s1  }
0x8c: {  	s16 =	sshll.u32 s0, $0xA;
	s2 =	sadd.s32 s3, s2  }
0x8d: {  	s2 =	sadd.s32 s2, s16  }
0x8e: {  	[smem:$0x3FC2] =	sst s2  }
0x8f: {  	_ = 	snop  }
0x90: {  	(tm) =	ssettm $0x1  }
0x91: {  	s17 =	sld [smem:$0x3FFB];
	_ =	sdelay $0x3  }
0x92: {  	_ =	strace s17  }
0x93: {  	s2 =	sld [smem:$0x3FFC];
	_ =	sdelay $0x3  }
0x94: {  	_ =	strace s2  }
0x95: {  	s2 =	sld [smem:$0x3FFD];
	_ =	sdelay $0x3  }
0x96: {  	_ =	strace s2  }
0x97: {  	_ =	strace $0x8FFFFFFF  }
0x98: {  	s18 =	sld [smem:$0x3FDB];
	_ =	sdelay $0x1  }
0x99: {  	s19 =	simm.s32 $_scs_section_size  }
0x9a: {  	s4 =	simm.s32 $_size__tile_overlayer_lowered;
	s5 =	simm.s32 $_tile_overlayer_lowered  }
0x9b: {  	s22 =	simm.s32 $0x1BFF;
	s21 =	sshll.u32 s5, $0x1;
	s2 =	sadd.s32 s19, s18  }
0x9c: {  	s6 =	simm.s32 $0x0;
	s20 =	sshll.u32 s4, $0x1;
	s4 =	sadd.s32 s21, s2  }
0x9d: {  	[timem:s6], [sflag:s22] =	dma.local [hbm:s4], s20  }
0x9e: {  	_ =	swait.ge [sflag:s22], s20  }
0x9f: {  	s3 =	ssub.s32 $0x0, s20;
	[sflag:s22] =	ssyncset.done $0x0  }
0xa0: {  	[sflag:s22] =	ssyncadd.s32 s3;
	_ =	sdelay $0x1  }
0xa1: {  	s23 =	simm.s32 $0x1B8B  }
0xa2: {  	_ =	swait.ge [sflag:s23], $0x1  }
0xa3: {  	[sflag:s23] =	ssyncset.done $0x0  }
0xa4: {  	s25 =	simm.s32 $0x1B8E;
	s24 =	sld [smem:$0x3FFE];
	[sflag:s23] =	ssyncadd.s32 $0xFFFFFFFF  }
0xa5: {  	s26 =	simm.s32 $execute0_lowered;
	[smem:$0x3FD2] =	sst s25  }
0xa6: {  	s4 =	sshll.u32 s26, $0x1;
	_ =	strace $0x80000049;
	[dreg:$0x1] =	wrdreg $0xFFFFFFFF  }
0xa7: {  	s28 =	simm.s32 $_size_execute0_lowered;
	s2 =	sadd.s32 s2, s4;
	[dreg:$0x0] =	wrdreg $0x0  }
0xa8: {  	s4 =	sshll.u32 s28, $0x1;
	[dreg:$0x2] =	wrdreg s2  }
0xa9: {  	[dreg:$0x3] =	wrdreg s4  }
0xaa: {  	[dreg:$0x4] =	wrdreg $0xC0  }
0xab: {  	_ =	task [dreg:s6], $0x5FFFF  }
0xac: {  	[dreg:$0x1] =	wrdreg $0xFFFFFFFF  }
0xad: {  	[dreg:$0x0] =	wrdreg $0x60  }
0xae: {  	[dreg:$0x2] =	wrdreg s24  }
0xaf: {  	[dreg:$0x3] =	wrdreg $0x9  }
0xb0: {  	_ =	task.clear_ibuf [dreg:s6], $0x4FFFF;
	_ =	strace $0x90000049  }
0xb1: {  	s29 =	simm.s32 $0x9;
	_ =	strace $0x8000004B  }
0xb2: {  	_ =	swait.ge [sflag:s29], $0x1  }
0xb3: {  	[sflag:s29] =	ssyncadd.s32 $0xFFFFFFFF  }
0xb4: {  	_ =	strace $0x9000004B  }
0xb5: {  	_ =	sfence  }
0xb6: {  	s30 =	sld [smem:$0x0];
	_ =	sdelay $0x2  }
0xb7: {  	s31 =	sshll.u32 s1, $0xD;
	s1 =	sshrl.u32 s1, $0x2  }
0xb8: {  	s3 =	sand.u32 $0x4000, s31;
	s1 =	sadd.s32 s1, s30  }
0xb9: {  	s0 =	sor.u32 s3, s0;
	s1 =	sshll.u32 s1, $0x11  }
0xba: {  	s0 =	sor.u32 s1, s0  }
0xbb: {  	s0 =	sadd.s32 $0x8F2B, s0  }
0xbc: {  	[sflag:s0] =	ssyncadd.remote.s32 $0x1  }
0xbd: {  	_ =	sfence.sel $0xFFFF  }
0xbe: {  	[dreg:$0x0] =	wrdreg $0xFFFFFFFF;
	(pc) =	sbr.abs _section_cstart, $3  }
0xbf: {  	[dreg:$0x1] =	wrdreg $0xFFFFFFFF  }
0xc0: {  	_ =	task.clear_ibuf [dreg:s6], $0x2FFFF;
	_ =	strace $0x9FFFFFFF  }
0xc1: {  	(tm) =	ssettm $0x7FFFFFFF  }
tec
execute0_lowered:
.L_overlay_start_1:
0x0: {  	(tag) =	ssettag $0x1  }
0x1: {  	s2 =	rddreg [dreg:$0x0]  }
0x2: {  	s0 =	rddreg [dreg:$0x1];
	s1 =	simm.s32 $0x0;
	s3 =	srdreg.scid  }
0x3: {  	s9 =	simm.s32 $0xC8;
	s10 =	simm.s32 $0x3200;
	s11 =	simm.s32 $0x6400  }
0x4: {  	s12 =	simm.s32 $0x190;
	s13 =	simm.s32 $0x9600;
	s14 =	simm.s32 $0xC800  }
0x5: {  	s15 =	simm.s32 $0x1;
	s16 =	simm.s32 $0x2;
	s17 =	simm.s32 $0x3  }
0x6: {  	s18 =	simm.s32 $0x4;
	s19 =	simm.s32 $0xFA00;
	s20 =	simm.s32 $0x0  }
0x7: {  	[smem:$0x7FF] =	sst s1;
	s6 =	sand.u32 $0x1, s3;
	s3 =	sadd.s32 $0xC4A00, s2  }
0x8: {  	s4 =	sadd.s32 $0x1400, s2;
	s5 =	sadd.s32 $0x128A00, s2;
	s7 =	ssub.s32 $0x2, s6  }
0x9: {  	s2 =	stileid.u32;
	_ =	strace $0x8000004A;
	s8 =	sshrl.u32 s7, $0x1  }
0xa: {  	s31 =	sshll.u32 s2, $0xA;
	s6 =	sshll.u32 s6, $0x9;
	s7 =	ssub.s32 s7, s8  }
0xb: {  	s6 =	sor.u32 s6, s31;
	s8 =	simm.s32 $0x5;
	s7 =	smax.u32 s7, $0x1  }
.LBB2_1:
0xc: {  	s21 =	simm.s32 $0x0  }
.LBB2_2:
0xd: {  	s22 =	sshll.u32 s21, $0x6  }
0xe: {  	s22 =	sadd.s32 s6, s22  }
0xf: {  	s23 =	smul.u32 $0x19, s22;
	_ =	sdelay $0x1  }
0x10: {  	s24 =	sadd.s32 s3, s23;
	s23 =	simm.s32 $0x0  }
0x11: {  	[tilespmem:s23], [sflag:$0x5] =	stream.linear.gather [hbm4b:s24+s23], $0x3200, $0x38;
	[tilespmem:$0x11A00] =	vst v63  }
0x12: {  	_ =	swait.ge [sflag:s8], $0x3200  }
0x13: {  	[sflag:s8] =	ssyncset.done $0x0  }
0x14: {  	[sflag:s8] =	ssyncadd.s32 $0xFFFFCE00  }
0x15: {  	[tilespmem:s10], [sflag:$0x1] =	stream.indirect.gather [hbm4b:s4+s9], $0x40, s23, s9, $0xb8;
	[tilespmem:$0x11A00] =	vst v63  }
0x16: {  	_ = 	snop  }
0x17: {  	[tilespmem:s11], [sflag:$0x2] =	stream.indirect.gather [hbm4b:s4+s9], $0x40, s9, s9, $0xb8;
	[tilespmem:$0x11A00] =	vst v63  }
0x18: {  	_ = 	snop  }
0x19: {  	[tilespmem:s13], [sflag:$0x3] =	stream.indirect.gather [hbm4b:s4+s9], $0x40, s12, s9, $0xb8;
	[tilespmem:$0x11A00] =	vst v63  }
.LBB2_3:
0x1a: {  	s24 =	sshllo.u32 s23, $0x2  }
0x1b: {  	s25 =	smul.u32 $0x320, s24;
	_ =	sdelay $0x1  }
0x1c: {  	s25 =	sshra.s32 s25, $0x2  }
0x1d: {  	[tilespmem:s14], [sflag:$0x4] =	stream.indirect.gather [hbm4b:s4+s9], $0x40, s25, s9, $0xb8;
	[tilespmem:$0x11A00] =	vst v63  }
0x1e: {  	_ =	swait.ge [sflag:s15], $0x3200  }
0x1f: {  	[sflag:s15] =	ssyncset.done $0x0  }
0x20: {  	s25 =	simm.s32 $0x3300;
	[sflag:s15] =	ssyncadd.s32 $0xFFFFCE00  }
0x21: {  	v0 =	vld [tilespmem:s25+$0xC0]  }
0x22: {  	v1 =	vld [tilespmem:s25+$0xD0]  }
0x23: {  	v2 =	vld [tilespmem:s25+$0xE0]  }
0x24: {  	v3 =	vld [tilespmem:s25+$0x80]  }
0x25: {  	v4 =	vld [tilespmem:s25+$0x90]  }
0x26: {  	v5 =	vld [tilespmem:s25+$0xA0]  }
0x27: {  	v7 =	vld [tilespmem:s25+$0x40]  }
0x28: {  	v8 =	vld [tilespmem:s25+$0x50]  }
0x29: {  	v9 =	vld [tilespmem:s25+$0x60]  }
0x2a: {  	v10 =	vld [tilespmem:s25+$0x0]  }
0x2b: {  	v6 =	vimm.f32 $0.0e+00;
	v11 =	vld [tilespmem:s25+$0x10];
	v12 =	vshll.u32 v0, $0x10  }
0x2c: {  	v13 =	vld [tilespmem:s25+$0x20];
	v14 =	vand.u32 $0xFFFF0000, v0;
	v15 =	vshll.u32 v1, $0x10;
	v25 =	vand.u32 $0xFFFF0000, v1  }
0x2d: {  	v16 =	vld [tilespmem:s25+$0xFFFFFFC0];
	v1 =	vshll.u32 v2, $0x10;
	v0 =	vand.u32 $0xFFFF0000, v2;
	v21 =	vshll.u32 v3, $0x10  }
0x2e: {  	v17 =	vld [tilespmem:s25+$0xFFFFFF80];
	v22 =	vand.u32 $0xFFFF0000, v3;
	v23 =	vshll.u32 v4, $0x10;
	v24 =	vand.u32 $0xFFFF0000, v4  }
0x2f: {  	v18 =	vld [tilespmem:s25+$0xFFFFFF40];
	v3 =	vshll.u32 v5, $0x10;
	v2 =	vand.u32 $0xFFFF0000, v5;
	v19 =	vshll.u32 v7, $0x10  }
0x30: {  	v20 =	vld [tilespmem:s25+$0xFFFFFF00];
	v26 =	vand.u32 $0xFFFF0000, v7;
	v27 =	vshll.u32 v8, $0x10;
	v28 =	vand.u32 $0xFFFF0000, v8  }
0x31: {  	v29 =	vld [tilespmem:s25+$0xFFFFFF10];
	v5 =	vshll.u32 v9, $0x10;
	v4 =	vand.u32 $0xFFFF0000, v9;
	v9 =	vshll.u32 v10, $0x10  }
0x32: {  	v10 =	vand.u32 $0xFFFF0000, v10;
	v30 =	vshll.u32 v11, $0x10;
	v11 =	vand.u32 $0xFFFF0000, v11  }
0x33: {  	v31 =	vld [tilespmem:s25+$0xFFFFFF50];
	v8 =	vshll.u32 v13, $0x10;
	v7 =	vand.u32 $0xFFFF0000, v13;
	v13 =	vshll.u32 v17, $0x10  }
0x34: {  	v32 =	vshll.u32 v16, $0x10;
	v16 =	vand.u32 $0xFFFF0000, v16;
	v33 =	vshll.u32 v18, $0x10  }
0x35: {  	v34 =	vld [tilespmem:s25+$0xFFFFFF90];
	v18 =	vand.u32 $0xFFFF0000, v18;
	v17 =	vand.u32 $0xFFFF0000, v17;
	v35 =	vshll.u32 v20, $0x10  }
0x36: {  	v20 =	vand.u32 $0xFFFF0000, v20;
	v36 =	vshll.u32 v29, $0x10;
	v35 =	vadd.f32 v35, v6  }
0x37: {  	v37 =	vld [tilespmem:s25+$0xFFFFFFD0];
	v29 =	vand.u32 $0xFFFF0000, v29;
	v20 =	vadd.f32 v20, v6;
	v36 =	vadd.f32 v36, v6  }
0x38: {  	v38 =	vshll.u32 v31, $0x10;
	v29 =	vadd.f32 v29, v6;
	v33 =	vadd.f32 v33, v35  }
0x39: {  	v56 =	vld [tilespmem:s25+$0xFFFFFFE0];
	v18 =	vadd.f32 v18, v20;
	v20 =	vand.u32 $0xFFFF0000, v31;
	v57 =	vadd.f32 v38, v36  }
0x3a: {  	v58 =	vshll.u32 v34, $0x10;
	v20 =	vadd.f32 v20, v29;
	v13 =	vadd.f32 v13, v33  }
0x3b: {  	v59 =	vld [tilespmem:s25+$0xFFFFFFA0];
	v17 =	vadd.f32 v17, v18;
	v18 =	vand.u32 $0xFFFF0000, v34;
	v29 =	vadd.f32 v58, v57  }
0x3c: {  	v18 =	vadd.f32 v18, v20;
	v20 =	vshll.u32 v37, $0x10;
	v13 =	vadd.f32 v32, v13  }
0x3d: {  	v60 =	vld [tilespmem:s25+$0xFFFFFF60];
	v61 =	vadd.f32 v16, v17;
	v16 =	vand.u32 $0xFFFF0000, v37;
	v20 =	vadd.f32 v20, v29  }
0x3e: {  	v17 =	vshll.u32 v56, $0x10;
	v62 =	vadd.f32 v16, v18;
	v9 =	vadd.f32 v9, v13  }
0x3f: {  	v16 =	vand.u32 $0xFFFF0000, v56;
	v13 =	vld [tilespmem:s25+$0xFFFFFF20];
	v10 =	vadd.f32 v10, v61;
	v20 =	vadd.f32 v30, v20  }
0x40: {  	v63 =	vld [tilespmem:s25+$0xFFFFFF30];
	v18 =	vshll.u32 v59, $0x10;
	v11 =	vadd.f32 v11, v62;
	v9 =	vadd.f32 v19, v9  }
0x41: {  	v19 =	vand.u32 $0xFFFF0000, v59;
	v10 =	vadd.f32 v26, v10;
	v26 =	vadd.f32 v27, v20  }
0x42: {  	v20 =	vshll.u32 v60, $0x10;
	v11 =	vadd.f32 v28, v11;
	v9 =	vadd.f32 v21, v9  }
0x43: {  	v21 =	vand.u32 $0xFFFF0000, v60;
	v10 =	vadd.f32 v22, v10;
	v22 =	vadd.f32 v23, v26;
	v23 =	vld [tilespmem:s25+$0xFFFFFF70]  }
0x44: {  	v26 =	vshll.u32 v13, $0x10;
	v27 =	vadd.f32 v24, v11;
	v13 =	vand.u32 $0xFFFF0000, v13  }
0x45: {  	v24 =	vshll.u32 v63, $0x10;
	v12 =	vadd.f32 v12, v9;
	v11 =	vadd.f32 v15, v22;
	v22 =	vld [tilespmem:s25+$0xFFFFFFB0]  }
0x46: {  	v9 =	vadd.f32 v14, v10;
	v15 =	vadd.f32 v13, v6;
	v13 =	vimm.f32 $0.0e+00  }
0x47: {  	s26 =	simm.s32 $0x0;
	s28 =	simm.s32 $0x3500;
	v14 =	vld [tilespmem:s25+$0xFFFFFFF0];
	v10 =	vadd.f32 v25, v27;
	v25 =	vadd.f32 v26, v6;
	v26 =	vand.u32 $0xFFFF0000, v63  }
.LBB2_4:
0x48: {  	v27 =	vld [tilespmem:s28+$0xC0];
	v6 =	vadd.f32 v24, v6;
	v13 =	vadd.f32 v26, v13;
	v24 =	vshll.u32 v23, $0x10  }
0x49: {  	v20 =	vadd.f32 v20, v25;
	v15 =	vadd.f32 v21, v15;
	v21 =	vand.u32 $0xFFFF0000, v23;
	v23 =	vld [tilespmem:s25+$0x30]  }
0x4a: {  	v25 =	vld [tilespmem:s28+$0xD0];
	v6 =	vadd.f32 v24, v6;
	v13 =	vadd.f32 v21, v13;
	v21 =	vshll.u32 v22, $0x10  }
0x4b: {  	v18 =	vadd.f32 v18, v20;
	v15 =	vadd.f32 v19, v15;
	v19 =	vand.u32 $0xFFFF0000, v22;
	v20 =	vld [tilespmem:s25+$0x70]  }
0x4c: {  	v22 =	vld [tilespmem:s28+$0xE0];
	v6 =	vadd.f32 v21, v6;
	v13 =	vadd.f32 v19, v13;
	v19 =	vshll.u32 v14, $0x10  }
0x4d: {  	v14 =	vand.u32 $0xFFFF0000, v14;
	v17 =	vadd.f32 v17, v18;
	v15 =	vadd.f32 v16, v15;
	v16 =	vld [tilespmem:s25+$0xB0]  }
0x4e: {  	v6 =	vadd.f32 v19, v6;
	v13 =	vadd.f32 v14, v13;
	v14 =	vshll.u32 v23, $0x10;
	v18 =	vld [tilespmem:s25+$0xF0];
	s25 =	smov.u32 s28  }
0x4f: {  	v19 =	vld [tilespmem:s28+$0x80];
	v8 =	vadd.f32 v8, v17;
	v7 =	vadd.f32 v7, v15;
	v15 =	vand.u32 $0xFFFF0000, v23  }
0x50: {  	v17 =	vld [tilespmem:s28+$0x90];
	v6 =	vadd.f32 v14, v6;
	v13 =	vadd.f32 v15, v13;
	v14 =	vshll.u32 v20, $0x10  }
0x51: {  	v21 =	vld [tilespmem:s28+$0xA0];
	v5 =	vadd.f32 v5, v8;
	v4 =	vadd.f32 v4, v7;
	v7 =	vand.u32 $0xFFFF0000, v20  }
0x52: {  	v8 =	vld [tilespmem:s28+$0x40];
	v6 =	vadd.f32 v14, v6;
	v7 =	vadd.f32 v7, v13;
	v13 =	vshll.u32 v16, $0x10  }
0x53: {  	v20 =	vld [tilespmem:s28+$0x50];
	v3 =	vadd.f32 v3, v5;
	v2 =	vadd.f32 v2, v4;
	v4 =	vand.u32 $0xFFFF0000, v16  }
0x54: {  	v16 =	vld [tilespmem:s28+$0x60];
	v5 =	vadd.f32 v13, v6;
	v4 =	vadd.f32 v4, v7;
	v6 =	vshll.u32 v18, $0x10  }
0x55: {  	v7 =	vld [tilespmem:s28+$0x0];
	v14 =	vadd.f32 v1, v3;
	v15 =	vadd.f32 v0, v2;
	v0 =	vand.u32 $0xFFFF0000, v18  }
0x56: {  	v18 =	vld [tilespmem:s28+$0x10];
	v6 =	vadd.f32 v6, v5;
	v13 =	vadd.f32 v0, v4  }
0x57: {  	v24 =	vshll.u32 v27, $0x10;
	v26 =	vand.u32 $0xFFFF0000, v27;
	v27 =	vshll.u32 v25, $0x10;
	v23 =	vld [tilespmem:s28+$0x20]  }
0x58: {  	v25 =	vand.u32 $0xFFFF0000, v25;
	v1 =	vshll.u32 v22, $0x10;
	v0 =	vand.u32 $0xFFFF0000, v22;
	v28 =	vld [tilespmem:s28+$0xFFFFFFC0]  }
0x59: {  	v29 =	vshll.u32 v19, $0x10;
	v30 =	vand.u32 $0xFFFF0000, v19;
	v31 =	vshll.u32 v17, $0x10;
	v22 =	vld [tilespmem:s28+$0xFFFFFF80]  }
0x5a: {  	v32 =	vand.u32 $0xFFFF0000, v17;
	v3 =	vshll.u32 v21, $0x10;
	v2 =	vand.u32 $0xFFFF0000, v21;
	v19 =	vld [tilespmem:s28+$0xFFFFFF40]  }
0x5b: {  	v21 =	vshll.u32 v8, $0x10;
	v33 =	vand.u32 $0xFFFF0000, v8;
	v34 =	vshll.u32 v20, $0x10;
	v17 =	vld [tilespmem:s28+$0xFFFFFF00]  }
0x5c: {  	v36 =	vand.u32 $0xFFFF0000, v20;
	v5 =	vshll.u32 v16, $0x10;
	v4 =	vand.u32 $0xFFFF0000, v16;
	v35 =	vld [tilespmem:s28+$0xFFFFFF10]  }
0x5d: {  	v20 =	vshll.u32 v7, $0x10;
	v37 =	vand.u32 $0xFFFF0000, v7;
	v38 =	vshll.u32 v18, $0x10  }
0x5e: {  	v39 =	vand.u32 $0xFFFF0000, v18;
	v8 =	vshll.u32 v23, $0x10;
	v7 =	vand.u32 $0xFFFF0000, v23;
	v16 =	vld [tilespmem:s28+$0xFFFFFF50]  }
0x5f: {  	v23 =	vshll.u32 v28, $0x10;
	v28 =	vand.u32 $0xFFFF0000, v28;
	v18 =	vshll.u32 v22, $0x10  }
0x60: {  	v22 =	vand.u32 $0xFFFF0000, v22;
	v40 =	vshll.u32 v19, $0x10;
	v19 =	vand.u32 $0xFFFF0000, v19;
	v41 =	vld [tilespmem:s28+$0xFFFFFF90]  }
0x61: {  	v42 =	vshll.u32 v17, $0x10;
	v17 =	vand.u32 $0xFFFF0000, v17;
	v43 =	vshll.u32 v35, $0x10  }
0x62: {  	v12 =	vadd.f32 v42, v12;
	v9 =	vadd.f32 v17, v9;
	v17 =	vand.u32 $0xFFFF0000, v35;
	v35 =	vld [tilespmem:s28+$0xFFFFFFD0]  }
0x63: {  	v11 =	vadd.f32 v43, v11;
	v10 =	vadd.f32 v17, v10;
	v17 =	vshll.u32 v16, $0x10  }
0x64: {  	v12 =	vadd.f32 v40, v12;
	v9 =	vadd.f32 v19, v9;
	v16 =	vand.u32 $0xFFFF0000, v16;
	v19 =	vld [tilespmem:s28+$0xFFFFFFE0]  }
0x65: {  	v11 =	vadd.f32 v17, v11;
	v10 =	vadd.f32 v16, v10;
	v16 =	vshll.u32 v41, $0x10  }
0x66: {  	v12 =	vadd.f32 v18, v12;
	v9 =	vadd.f32 v22, v9;
	v17 =	vand.u32 $0xFFFF0000, v41;
	v22 =	vld [tilespmem:s28+$0xFFFFFFA0]  }
0x67: {  	v11 =	vadd.f32 v16, v11;
	v10 =	vadd.f32 v17, v10;
	v16 =	vshll.u32 v35, $0x10  }
0x68: {  	v12 =	vadd.f32 v23, v12;
	v9 =	vadd.f32 v28, v9;
	v17 =	vand.u32 $0xFFFF0000, v35;
	v40 =	vld [tilespmem:s28+$0xFFFFFF60]  }
0x69: {  	v11 =	vadd.f32 v16, v11;
	v10 =	vadd.f32 v17, v10;
	v17 =	vshll.u32 v19, $0x10  }
0x6a: {  	v16 =	vand.u32 $0xFFFF0000, v19;
	v12 =	vadd.f32 v20, v12;
	v9 =	vadd.f32 v37, v9;
	v28 =	vld [tilespmem:s28+$0xFFFFFF20]  }
0x6b: {  	v11 =	vadd.f32 v38, v11;
	v10 =	vadd.f32 v39, v10;
	v18 =	vshll.u32 v22, $0x10  }
0x6c: {  	s26 =	sadd.s32 $0x8, s26;
	v19 =	vand.u32 $0xFFFF0000, v22;
	v12 =	vadd.f32 v21, v12;
	v9 =	vadd.f32 v33, v9;
	v35 =	vld [tilespmem:s28+$0xFFFFFF30]  }
0x6d: {  	p0 =	slt.u32 s26, $0xC0;
	v11 =	vadd.f32 v34, v11;
	v10 =	vadd.f32 v36, v10;
	v20 =	vshll.u32 v40, $0x10  }
.Ltmp0:
0x6e: {  	v21 =	vand.u32 $0xFFFF0000, v40;
	v12 =	vadd.f32 v29, v12;
	v9 =	vadd.f32 v30, v9;
	v23 =	vld [tilespmem:s28+$0xFFFFFF70];
	(pc) =	sbr.rel @p0 .LBB2_4-.Ltmp0, $4  }
0x6f: {  	v11 =	vadd.f32 v31, v11;
	v10 =	vadd.f32 v32, v10;
	v29 =	vshll.u32 v28, $0x10  }
0x70: {  	v28 =	vand.u32 $0xFFFF0000, v28;
	v12 =	vadd.f32 v24, v12;
	v9 =	vadd.f32 v26, v9;
	v22 =	vld [tilespmem:s28+$0xFFFFFFB0]  }
0x71: {  	v11 =	vadd.f32 v27, v11;
	v10 =	vadd.f32 v25, v10;
	v24 =	vshll.u32 v35, $0x10  }
0x72: {  	v25 =	vadd.f32 v29, v14;
	v15 =	vadd.f32 v28, v15;
	s28 =	sadd.s32 $0x200, s28;
	v26 =	vand.u32 $0xFFFF0000, v35;
	v14 =	vld [tilespmem:s25+$0xFFFFFFF0]  }
0x73: {  	v6 =	vadd.f32 v24, v6  }
0x74: {  	v24 =	vshll.u32 v23, $0x10;
	v20 =	vadd.f32 v20, v25;
	v15 =	vadd.f32 v21, v15  }
0x75: {  	v13 =	vadd.f32 v26, v13;
	v25 =	vld [tilespmem:s25+$0x30];
	v6 =	vadd.f32 v24, v6;
	v24 =	vshll.u32 v22, $0x10  }
0x76: {  	v21 =	vld [tilespmem:s25+$0x70];
	v18 =	vadd.f32 v18, v20;
	v20 =	vand.u32 $0xFFFF0000, v23;
	v15 =	vadd.f32 v19, v15  }
0x77: {  	v6 =	vadd.f32 v24, v6;
	v13 =	vadd.f32 v20, v13;
	v20 =	vshll.u32 v14, $0x10  }
0x78: {  	v19 =	vld [tilespmem:s25+$0xB0];
	v17 =	vadd.f32 v17, v18;
	v18 =	vand.u32 $0xFFFF0000, v22;
	v15 =	vadd.f32 v16, v15  }
0x79: {  	v14 =	vand.u32 $0xFFFF0000, v14;
	v16 =	vld [tilespmem:s25+$0xF0];
	v6 =	vadd.f32 v20, v6;
	v13 =	vadd.f32 v18, v13  }
0x7a: {  	v18 =	vshll.u32 v25, $0x10;
	v8 =	vadd.f32 v8, v17;
	v7 =	vadd.f32 v7, v15  }
0x7b: {  	v6 =	vadd.f32 v18, v6;
	v13 =	vadd.f32 v14, v13;
	v14 =	vshll.u32 v21, $0x10  }
0x7c: {  	v5 =	vadd.f32 v5, v8;
	v8 =	vand.u32 $0xFFFF0000, v25;
	v4 =	vadd.f32 v4, v7  }
0x7d: {  	v6 =	vadd.f32 v14, v6;
	v8 =	vadd.f32 v8, v13  }
0x7e: {  	v13 =	vshll.u32 v19, $0x10;
	v7 =	vshll.u32 v16, $0x10;
	v3 =	vadd.f32 v3, v5  }
0x7f: {  	v5 =	vand.u32 $0xFFFF0000, v21;
	v2 =	vadd.f32 v2, v4;
	v6 =	vadd.f32 v13, v6  }
0x80: {  	s31 =	sshll.u32 s23, $0x9;
	v5 =	vadd.f32 v5, v8;
	v1 =	vadd.f32 v1, v3;
	v3 =	vmul.f32 $4.999999890e-03, v12  }
0x81: {  	s25 =	sand.u32 $0x3FFFFE00, s31;
	v0 =	vadd.f32 v0, v2;
	v6 =	vadd.f32 v7, v6;
	v7 =	vmul.f32 $4.999999890e-03, v11  }
0x82: {  	v4 =	vand.u32 $0xFFFF0000, v19;
	[tilespmem:s25+$0xFA00] =	vst v3;
	v1 =	vmul.f32 $4.999999890e-03, v1  }
0x83: {  	v3 =	vadd.f32 v4, v5;
	v0 =	vmul.f32 $4.999999890e-03, v0;
	[tilespmem:s25+$0xFA10] =	vst v7  }
0x84: {  	v2 =	vand.u32 $0xFFFF0000, v16;
	v4 =	vmul.f32 $4.999999890e-03, v6;
	[tilespmem:s25+$0xFA20] =	vst v1  }
0x85: {  	p0 =	seq.s32 s23, $0xF;
	v1 =	vmul.f32 $4.999999890e-03, v9;
	v2 =	vadd.f32 v2, v3;
	[tilespmem:s25+$0xFA60] =	vst v0  }
0x86: {  	s26 =	smul.u32 @!p0 $0xC80, s23;
	v3 =	vmul.f32 $4.999999890e-03, v10;
	[tilespmem:s25+$0xFA30] =	vst v4  }
0x87: {  	[tilespmem:s25+$0xFA40] =	vst v1;
	v1 =	vmul.f32 $4.999999890e-03, v2  }
0x88: {  	s26 =	sshra.s32 @!p0 s26, $0x2;
	[tilespmem:s25+$0xFA50] =	vst v3  }
0x89: {  	s29 =	simm.s32 @!p0 $0xC8;
	s30 =	simm.s32 @!p0 $0x3200;
	s28 =	sadd.s32 @!p0 $0x320, s26;
	[tilespmem:s25+$0xFA70] =	vst v1  }
0x8a: {  	[tilespmem:s30], [sflag:$0x1] =	stream.indirect.gather @!p0 [hbm4b:s4+s29], $0x40, s28, s29, $0xb8;
	[tilespmem:$0x11A00] =	vst v63  }
0x8b: {  	_ =	swait.ge [sflag:s16], $0x3200  }
0x8c: {  	[sflag:s16] =	ssyncset.done $0x0  }
0x8d: {  	s28 =	simm.s32 $0x65F0;
	[sflag:s16] =	ssyncadd.s32 $0xFFFFCE00  }
0x8e: {  	v0 =	vld [tilespmem:s28+$0xFFFFFFD0]  }
0x8f: {  	v1 =	vld [tilespmem:s28+$0xFFFFFFE0]  }
0x90: {  	v2 =	vld [tilespmem:s28+$0xFFFFFFF0]  }
0x91: {  	v3 =	vld [tilespmem:s28+$0xFFFFFF90]  }
0x92: {  	v4 =	vld [tilespmem:s28+$0xFFFFFFA0]  }
0x93: {  	v5 =	vld [tilespmem:s28+$0xFFFFFFB0]  }
0x94: {  	v7 =	vld [tilespmem:s28+$0xFFFFFF50]  }
0x95: {  	v8 =	vld [tilespmem:s28+$0xFFFFFF60]  }
0x96: {  	v9 =	vld [tilespmem:s28+$0xFFFFFF70]  }
0x97: {  	v10 =	vld [tilespmem:s28+$0xFFFFFF10]  }
0x98: {  	v6 =	vimm.f32 $0.0e+00;
	v11 =	vld [tilespmem:s28+$0xFFFFFF20];
	v12 =	vshll.u32 v0, $0x10  }
0x99: {  	v13 =	vld [tilespmem:s28+$0xFFFFFF30];
	v14 =	vand.u32 $0xFFFF0000, v0;
	v15 =	vshll.u32 v1, $0x10;
	v25 =	vand.u32 $0xFFFF0000, v1  }
0x9a: {  	v16 =	vld [tilespmem:s28+$0xFFFFFED0];
	v1 =	vshll.u32 v2, $0x10;
	v0 =	vand.u32 $0xFFFF0000, v2;
	v21 =	vshll.u32 v3, $0x10  }
0x9b: {  	v17 =	vld [tilespmem:s28+$0xFFFFFE90];
	v22 =	vand.u32 $0xFFFF0000, v3;
	v23 =	vshll.u32 v4, $0x10;
	v24 =	vand.u32 $0xFFFF0000, v4  }
0x9c: {  	v18 =	vld [tilespmem:s28+$0xFFFFFE50];
	v3 =	vshll.u32 v5, $0x10;
	v2 =	vand.u32 $0xFFFF0000, v5;
	v19 =	vshll.u32 v7, $0x10  }
0x9d: {  	v20 =	vld [tilespmem:s28+$0xFFFFFE10];
	v26 =	vand.u32 $0xFFFF0000, v7;
	v27 =	vshll.u32 v8, $0x10;
	v28 =	vand.u32 $0xFFFF0000, v8  }
0x9e: {  	v29 =	vld [tilespmem:s28+$0xFFFFFE20];
	v5 =	vshll.u32 v9, $0x10;
	v4 =	vand.u32 $0xFFFF0000, v9;
	v9 =	vshll.u32 v10, $0x10  }
0x9f: {  	v10 =	vand.u32 $0xFFFF0000, v10;
	v30 =	vshll.u32 v11, $0x10;
	v11 =	vand.u32 $0xFFFF0000, v11  }
0xa0: {  	v31 =	vld [tilespmem:s28+$0xFFFFFE60];
	v8 =	vshll.u32 v13, $0x10;
	v7 =	vand.u32 $0xFFFF0000, v13;
	v13 =	vshll.u32 v17, $0x10  }
0xa1: {  	v32 =	vshll.u32 v16, $0x10;
	v16 =	vand.u32 $0xFFFF0000, v16;
	v33 =	vshll.u32 v18, $0x10  }
0xa2: {  	v34 =	vld [tilespmem:s28+$0xFFFFFEA0];
	v18 =	vand.u32 $0xFFFF0000, v18;
	v17 =	vand.u32 $0xFFFF0000, v17;
	v35 =	vshll.u32 v20, $0x10  }
0xa3: {  	v20 =	vand.u32 $0xFFFF0000, v20;
	v36 =	vshll.u32 v29, $0x10;
	v35 =	vadd.f32 v35, v6  }
0xa4: {  	v37 =	vld [tilespmem:s28+$0xFFFFFEE0];
	v29 =	vand.u32 $0xFFFF0000, v29;
	v20 =	vadd.f32 v20, v6;
	v36 =	vadd.f32 v36, v6  }
0xa5: {  	v38 =	vshll.u32 v31, $0x10;
	v29 =	vadd.f32 v29, v6;
	v33 =	vadd.f32 v33, v35  }
0xa6: {  	v56 =	vld [tilespmem:s28+$0xFFFFFEF0];
	v18 =	vadd.f32 v18, v20;
	v20 =	vand.u32 $0xFFFF0000, v31;
	v57 =	vadd.f32 v38, v36  }
0xa7: {  	v58 =	vshll.u32 v34, $0x10;
	v20 =	vadd.f32 v20, v29;
	v13 =	vadd.f32 v13, v33  }
0xa8: {  	v59 =	vld [tilespmem:s28+$0xFFFFFEB0];
	v17 =	vadd.f32 v17, v18;
	v18 =	vand.u32 $0xFFFF0000, v34;
	v29 =	vadd.f32 v58, v57  }
0xa9: {  	v18 =	vadd.f32 v18, v20;
	v20 =	vshll.u32 v37, $0x10;
	v13 =	vadd.f32 v32, v13  }
0xaa: {  	v60 =	vld [tilespmem:s28+$0xFFFFFE70];
	v61 =	vadd.f32 v16, v17;
	v16 =	vand.u32 $0xFFFF0000, v37;
	v20 =	vadd.f32 v20, v29  }
0xab: {  	v17 =	vshll.u32 v56, $0x10;
	v62 =	vadd.f32 v16, v18;
	v9 =	vadd.f32 v9, v13  }
0xac: {  	v16 =	vand.u32 $0xFFFF0000, v56;
	v13 =	vld [tilespmem:s28+$0xFFFFFE30];
	v10 =	vadd.f32 v10, v61;
	v20 =	vadd.f32 v30, v20  }
0xad: {  	v63 =	vld [tilespmem:s28+$0xFFFFFE40];
	v18 =	vshll.u32 v59, $0x10;
	v11 =	vadd.f32 v11, v62;
	v9 =	vadd.f32 v19, v9  }
0xae: {  	v19 =	vand.u32 $0xFFFF0000, v59;
	v10 =	vadd.f32 v26, v10;
	v26 =	vadd.f32 v27, v20  }
0xaf: {  	v20 =	vshll.u32 v60, $0x10;
	v11 =	vadd.f32 v28, v11;
	v9 =	vadd.f32 v21, v9  }
0xb0: {  	v21 =	vand.u32 $0xFFFF0000, v60;
	v10 =	vadd.f32 v22, v10;
	v22 =	vadd.f32 v23, v26;
	v23 =	vld [tilespmem:s28+$0xFFFFFE80]  }
0xb1: {  	v26 =	vshll.u32 v13, $0x10;
	v27 =	vadd.f32 v24, v11;
	v13 =	vand.u32 $0xFFFF0000, v13  }
0xb2: {  	v24 =	vshll.u32 v63, $0x10;
	v11 =	vadd.f32 v12, v9;
	v12 =	vadd.f32 v15, v22;
	v22 =	vld [tilespmem:s28+$0xFFFFFEC0]  }
0xb3: {  	v9 =	vadd.f32 v14, v10;
	v15 =	vadd.f32 v13, v6;
	v13 =	vimm.f32 $0.0e+00  }
0xb4: {  	s29 =	simm.s32 $0x0;
	s30 =	simm.s32 $0x67F0;
	v14 =	vld [tilespmem:s28+$0xFFFFFF00];
	v10 =	vadd.f32 v25, v27;
	v25 =	vadd.f32 v26, v6;
	v26 =	vand.u32 $0xFFFF0000, v63  }
.LBB2_6:
0xb5: {  	v27 =	vld [tilespmem:s30+$0xFFFFFFD0];
	v6 =	vadd.f32 v24, v6;
	v13 =	vadd.f32 v26, v13;
	v24 =	vshll.u32 v23, $0x10  }
0xb6: {  	v20 =	vadd.f32 v20, v25;
	v15 =	vadd.f32 v21, v15;
	v21 =	vand.u32 $0xFFFF0000, v23;
	v23 =	vld [tilespmem:s28+$0xFFFFFF40]  }
0xb7: {  	v25 =	vld [tilespmem:s30+$0xFFFFFFE0];
	v6 =	vadd.f32 v24, v6;
	v13 =	vadd.f32 v21, v13;
	v21 =	vshll.u32 v22, $0x10  }
0xb8: {  	v18 =	vadd.f32 v18, v20;
	v15 =	vadd.f32 v19, v15;
	v19 =	vand.u32 $0xFFFF0000, v22;
	v20 =	vld [tilespmem:s28+$0xFFFFFF80]  }
0xb9: {  	v22 =	vld [tilespmem:s30+$0xFFFFFFF0];
	v6 =	vadd.f32 v21, v6;
	v13 =	vadd.f32 v19, v13;
	v19 =	vshll.u32 v14, $0x10  }
0xba: {  	v14 =	vand.u32 $0xFFFF0000, v14;
	v17 =	vadd.f32 v17, v18;
	v15 =	vadd.f32 v16, v15;
	v16 =	vld [tilespmem:s28+$0xFFFFFFC0]  }
0xbb: {  	v6 =	vadd.f32 v19, v6;
	v13 =	vadd.f32 v14, v13;
	v14 =	vshll.u32 v23, $0x10;
	v18 =	vld [tilespmem:s28+$0x0];
	s28 =	smov.u32 s30  }
0xbc: {  	v19 =	vld [tilespmem:s30+$0xFFFFFF90];
	v8 =	vadd.f32 v8, v17;
	v7 =	vadd.f32 v7, v15;
	v15 =	vand.u32 $0xFFFF0000, v23  }
0xbd: {  	v17 =	vld [tilespmem:s30+$0xFFFFFFA0];
	v6 =	vadd.f32 v14, v6;
	v13 =	vadd.f32 v15, v13;
	v14 =	vshll.u32 v20, $0x10  }
0xbe: {  	v21 =	vld [tilespmem:s30+$0xFFFFFFB0];
	v5 =	vadd.f32 v5, v8;
	v4 =	vadd.f32 v4, v7;
	v7 =	vand.u32 $0xFFFF0000, v20  }
0xbf: {  	v8 =	vld [tilespmem:s30+$0xFFFFFF50];
	v6 =	vadd.f32 v14, v6;
	v7 =	vadd.f32 v7, v13;
	v13 =	vshll.u32 v16, $0x10  }
0xc0: {  	v20 =	vld [tilespmem:s30+$0xFFFFFF60];
	v3 =	vadd.f32 v3, v5;
	v2 =	vadd.f32 v2, v4;
	v4 =	vand.u32 $0xFFFF0000, v16  }
0xc1: {  	v16 =	vld [tilespmem:s30+$0xFFFFFF70];
	v5 =	vadd.f32 v13, v6;
	v4 =	vadd.f32 v4, v7;
	v6 =	vshll.u32 v18, $0x10  }
0xc2: {  	v7 =	vld [tilespmem:s30+$0xFFFFFF10];
	v14 =	vadd.f32 v1, v3;
	v15 =	vadd.f32 v0, v2;
	v0 =	vand.u32 $0xFFFF0000, v18  }
0xc3: {  	v18 =	vld [tilespmem:s30+$0xFFFFFF20];
	v6 =	vadd.f32 v6, v5;
	v13 =	vadd.f32 v0, v4  }
0xc4: {  	v24 =	vshll.u32 v27, $0x10;
	v26 =	vand.u32 $0xFFFF0000, v27;
	v27 =	vshll.u32 v25, $0x10;
	v23 =	vld [tilespmem:s30+$0xFFFFFF30]  }
0xc5: {  	v25 =	vand.u32 $0xFFFF0000, v25;
	v1 =	vshll.u32 v22, $0x10;
	v0 =	vand.u32 $0xFFFF0000, v22;
	v28 =	vld [tilespmem:s30+$0xFFFFFED0]  }
0xc6: {  	v29 =	vshll.u32 v19, $0x10;
	v30 =	vand.u32 $0xFFFF0000, v19;
	v31 =	vshll.u32 v17, $0x10;
	v22 =	vld [tilespmem:s30+$0xFFFFFE90]  }
0xc7: {  	v32 =	vand.u32 $0xFFFF0000, v17;
	v3 =	vshll.u32 v21, $0x10;
	v2 =	vand.u32 $0xFFFF0000, v21;
	v19 =	vld [tilespmem:s30+$0xFFFFFE50]  }
0xc8: {  	v21 =	vshll.u32 v8, $0x10;
	v33 =	vand.u32 $0xFFFF0000, v8;
	v34 =	vshll.u32 v20, $0x10;
	v17 =	vld [tilespmem:s30+$0xFFFFFE10]  }
0xc9: {  	v36 =	vand.u32 $0xFFFF0000, v20;
	v5 =	vshll.u32 v16, $0x10;
	v4 =	vand.u32 $0xFFFF0000, v16;
	v35 =	vld [tilespmem:s30+$0xFFFFFE20]  }
0xca: {  	v20 =	vshll.u32 v7, $0x10;
	v37 =	vand.u32 $0xFFFF0000, v7;
	v38 =	vshll.u32 v18, $0x10  }
0xcb: {  	v39 =	vand.u32 $0xFFFF0000, v18;
	v8 =	vshll.u32 v23, $0x10;
	v7 =	vand.u32 $0xFFFF0000, v23;
	v16 =	vld [tilespmem:s30+$0xFFFFFE60]  }
0xcc: {  	v23 =	vshll.u32 v28, $0x10;
	v28 =	vand.u32 $0xFFFF0000, v28;
	v18 =	vshll.u32 v22, $0x10  }
0xcd: {  	v22 =	vand.u32 $0xFFFF0000, v22;
	v40 =	vshll.u32 v19, $0x10;
	v19 =	vand.u32 $0xFFFF0000, v19;
	v41 =	vld [tilespmem:s30+$0xFFFFFEA0]  }
0xce: {  	v42 =	vshll.u32 v17, $0x10;
	v17 =	vand.u32 $0xFFFF0000, v17;
	v43 =	vshll.u32 v35, $0x10  }
0xcf: {  	v11 =	vadd.f32 v42, v11;
	v9 =	vadd.f32 v17, v9;
	v17 =	vand.u32 $0xFFFF0000, v35;
	v35 =	vld [tilespmem:s30+$0xFFFFFEE0]  }
0xd0: {  	v12 =	vadd.f32 v43, v12;
	v10 =	vadd.f32 v17, v10;
	v17 =	vshll.u32 v16, $0x10  }
0xd1: {  	v11 =	vadd.f32 v40, v11;
	v9 =	vadd.f32 v19, v9;
	v16 =	vand.u32 $0xFFFF0000, v16;
	v19 =	vld [tilespmem:s30+$0xFFFFFEF0]  }
0xd2: {  	v12 =	vadd.f32 v17, v12;
	v10 =	vadd.f32 v16, v10;
	v16 =	vshll.u32 v41, $0x10  }
0xd3: {  	v11 =	vadd.f32 v18, v11;
	v9 =	vadd.f32 v22, v9;
	v17 =	vand.u32 $0xFFFF0000, v41;
	v22 =	vld [tilespmem:s30+$0xFFFFFEB0]  }
0xd4: {  	v12 =	vadd.f32 v16, v12;
	v10 =	vadd.f32 v17, v10;
	v16 =	vshll.u32 v35, $0x10  }
0xd5: {  	v11 =	vadd.f32 v23, v11;
	v9 =	vadd.f32 v28, v9;
	v17 =	vand.u32 $0xFFFF0000, v35;
	v40 =	vld [tilespmem:s30+$0xFFFFFE70]  }
0xd6: {  	v12 =	vadd.f32 v16, v12;
	v10 =	vadd.f32 v17, v10;
	v17 =	vshll.u32 v19, $0x10  }
0xd7: {  	v16 =	vand.u32 $0xFFFF0000, v19;
	v11 =	vadd.f32 v20, v11;
	v9 =	vadd.f32 v37, v9;
	v28 =	vld [tilespmem:s30+$0xFFFFFE30]  }
0xd8: {  	v12 =	vadd.f32 v38, v12;
	v10 =	vadd.f32 v39, v10;
	v18 =	vshll.u32 v22, $0x10  }
0xd9: {  	s29 =	sadd.s32 $0x8, s29;
	v19 =	vand.u32 $0xFFFF0000, v22;
	v11 =	vadd.f32 v21, v11;
	v9 =	vadd.f32 v33, v9;
	v35 =	vld [tilespmem:s30+$0xFFFFFE40]  }
0xda: {  	p1 =	slt.u32 s29, $0xC0;
	v12 =	vadd.f32 v34, v12;
	v10 =	vadd.f32 v36, v10;
	v20 =	vshll.u32 v40, $0x10  }
.Ltmp1:
0xdb: {  	v21 =	vand.u32 $0xFFFF0000, v40;
	v11 =	vadd.f32 v29, v11;
	v9 =	vadd.f32 v30, v9;
	v23 =	vld [tilespmem:s30+$0xFFFFFE80];
	(pc) =	sbr.rel @p1 .LBB2_6-.Ltmp1, $4  }
0xdc: {  	v12 =	vadd.f32 v31, v12;
	v10 =	vadd.f32 v32, v10;
	v29 =	vshll.u32 v28, $0x10  }
0xdd: {  	v28 =	vand.u32 $0xFFFF0000, v28;
	v11 =	vadd.f32 v24, v11;
	v9 =	vadd.f32 v26, v9;
	v22 =	vld [tilespmem:s30+$0xFFFFFEC0]  }
0xde: {  	v12 =	vadd.f32 v27, v12;
	v10 =	vadd.f32 v25, v10;
	v24 =	vshll.u32 v35, $0x10  }
0xdf: {  	v25 =	vadd.f32 v29, v14;
	v15 =	vadd.f32 v28, v15;
	s30 =	sadd.s32 $0x200, s30;
	v26 =	vand.u32 $0xFFFF0000, v35;
	v14 =	vld [tilespmem:s28+$0xFFFFFF00]  }
0xe0: {  	v6 =	vadd.f32 v24, v6  }
0xe1: {  	v24 =	vshll.u32 v23, $0x10;
	v20 =	vadd.f32 v20, v25;
	v15 =	vadd.f32 v21, v15  }
0xe2: {  	v13 =	vadd.f32 v26, v13;
	v25 =	vld [tilespmem:s28+$0xFFFFFF40];
	v6 =	vadd.f32 v24, v6;
	v24 =	vshll.u32 v22, $0x10  }
0xe3: {  	v21 =	vld [tilespmem:s28+$0xFFFFFF80];
	v18 =	vadd.f32 v18, v20;
	v20 =	vand.u32 $0xFFFF0000, v23;
	v15 =	vadd.f32 v19, v15  }
0xe4: {  	v6 =	vadd.f32 v24, v6;
	v13 =	vadd.f32 v20, v13;
	v20 =	vshll.u32 v14, $0x10  }
0xe5: {  	v19 =	vld [tilespmem:s28+$0xFFFFFFC0];
	v17 =	vadd.f32 v17, v18;
	v18 =	vand.u32 $0xFFFF0000, v22;
	v15 =	vadd.f32 v16, v15  }
0xe6: {  	v14 =	vand.u32 $0xFFFF0000, v14;
	v16 =	vld [tilespmem:s28+$0x0];
	v6 =	vadd.f32 v20, v6;
	v13 =	vadd.f32 v18, v13  }
0xe7: {  	v18 =	vshll.u32 v25, $0x10;
	v8 =	vadd.f32 v8, v17;
	v7 =	vadd.f32 v7, v15  }
0xe8: {  	v6 =	vadd.f32 v18, v6;
	v13 =	vadd.f32 v14, v13;
	v14 =	vshll.u32 v21, $0x10  }
0xe9: {  	v5 =	vadd.f32 v5, v8;
	v8 =	vand.u32 $0xFFFF0000, v25;
	v4 =	vadd.f32 v4, v7  }
0xea: {  	v6 =	vadd.f32 v14, v6;
	v8 =	vadd.f32 v8, v13  }
0xeb: {  	v13 =	vshll.u32 v19, $0x10;
	v7 =	vshll.u32 v16, $0x10;
	v3 =	vadd.f32 v3, v5  }
0xec: {  	v5 =	vand.u32 $0xFFFF0000, v21;
	v2 =	vadd.f32 v2, v4;
	v6 =	vadd.f32 v13, v6  }
0xed: {  	v5 =	vadd.f32 v5, v8;
	v1 =	vadd.f32 v1, v3;
	v3 =	vmul.f32 $4.999999890e-03, v11  }
0xee: {  	v0 =	vadd.f32 v0, v2;
	v6 =	vadd.f32 v7, v6;
	v7 =	vmul.f32 $4.999999890e-03, v12  }
0xef: {  	v4 =	vand.u32 $0xFFFF0000, v19;
	[tilespmem:s25+$0xFA80] =	vst v3;
	v1 =	vmul.f32 $4.999999890e-03, v1  }
0xf0: {  	v3 =	vadd.f32 v4, v5;
	v0 =	vmul.f32 $4.999999890e-03, v0;
	[tilespmem:s25+$0xFA90] =	vst v7  }
0xf1: {  	v2 =	vand.u32 $0xFFFF0000, v16;
	v4 =	vmul.f32 $4.999999890e-03, v6;
	[tilespmem:s25+$0xFAA0] =	vst v1  }
0xf2: {  	v1 =	vmul.f32 $4.999999890e-03, v9;
	v2 =	vadd.f32 v2, v3;
	[tilespmem:s25+$0xFAE0] =	vst v0  }
0xf3: {  	v3 =	vmul.f32 $4.999999890e-03, v10;
	[tilespmem:s25+$0xFAB0] =	vst v4  }
0xf4: {  	[tilespmem:s25+$0xFAC0] =	vst v1;
	v1 =	vmul.f32 $4.999999890e-03, v2  }
0xf5: {  	[tilespmem:s25+$0xFAD0] =	vst v3  }
0xf6: {  	s29 =	simm.s32 @!p0 $0xC8;
	s30 =	simm.s32 @!p0 $0x6400;
	s28 =	sadd.s32 @!p0 $0x3E8, s26;
	[tilespmem:s25+$0xFAF0] =	vst v1  }
0xf7: {  	[tilespmem:s30], [sflag:$0x2] =	stream.indirect.gather @!p0 [hbm4b:s4+s29], $0x40, s28, s29, $0xb8;
	[tilespmem:$0x11A00] =	vst v63  }
0xf8: {  	_ =	swait.ge [sflag:s17], $0x3200  }
0xf9: {  	[sflag:s17] =	ssyncset.done $0x0  }
0xfa: {  	s28 =	simm.s32 $0x9600;
	[sflag:s17] =	ssyncadd.s32 $0xFFFFCE00  }
0xfb: {  	v0 =	vld [tilespmem:s28+$0x1C0]  }
0xfc: {  	v1 =	vld [tilespmem:s28+$0x1D0]  }
0xfd: {  	v2 =	vld [tilespmem:s28+$0x1E0]  }
0xfe: {  	v3 =	vld [tilespmem:s28+$0x180]  }
0xff: {  	v4 =	vld [tilespmem:s28+$0x190]  }
0x100: {  	v5 =	vld [tilespmem:s28+$0x1A0]  }
0x101: {  	v7 =	vld [tilespmem:s28+$0x140]  }
0x102: {  	v8 =	vld [tilespmem:s28+$0x150]  }
0x103: {  	v9 =	vld [tilespmem:s28+$0x160]  }
0x104: {  	v10 =	vld [tilespmem:s28+$0x100]  }
0x105: {  	v6 =	vimm.f32 $0.0e+00;
	v11 =	vld [tilespmem:s28+$0x110];
	v12 =	vshll.u32 v0, $0x10  }
0x106: {  	v13 =	vld [tilespmem:s28+$0x120];
	v14 =	vand.u32 $0xFFFF0000, v0;
	v15 =	vshll.u32 v1, $0x10;
	v25 =	vand.u32 $0xFFFF0000, v1  }
0x107: {  	v16 =	vld [tilespmem:s28+$0xC0];
	v1 =	vshll.u32 v2, $0x10;
	v0 =	vand.u32 $0xFFFF0000, v2;
	v21 =	vshll.u32 v3, $0x10  }
0x108: {  	v17 =	vld [tilespmem:s28+$0x80];
	v22 =	vand.u32 $0xFFFF0000, v3;
	v23 =	vshll.u32 v4, $0x10;
	v24 =	vand.u32 $0xFFFF0000, v4  }
0x109: {  	v18 =	vld [tilespmem:s28+$0x40];
	v3 =	vshll.u32 v5, $0x10;
	v2 =	vand.u32 $0xFFFF0000, v5;
	v19 =	vshll.u32 v7, $0x10  }
0x10a: {  	v20 =	vld [tilespmem:s28+$0x0];
	v26 =	vand.u32 $0xFFFF0000, v7;
	v27 =	vshll.u32 v8, $0x10;
	v28 =	vand.u32 $0xFFFF0000, v8  }
0x10b: {  	v29 =	vld [tilespmem:s28+$0x10];
	v5 =	vshll.u32 v9, $0x10;
	v4 =	vand.u32 $0xFFFF0000, v9;
	v9 =	vshll.u32 v10, $0x10  }
0x10c: {  	v10 =	vand.u32 $0xFFFF0000, v10;
	v30 =	vshll.u32 v11, $0x10;
	v11 =	vand.u32 $0xFFFF0000, v11  }
0x10d: {  	v31 =	vld [tilespmem:s28+$0x50];
	v8 =	vshll.u32 v13, $0x10;
	v7 =	vand.u32 $0xFFFF0000, v13;
	v13 =	vshll.u32 v17, $0x10  }
0x10e: {  	v32 =	vshll.u32 v16, $0x10;
	v16 =	vand.u32 $0xFFFF0000, v16;
	v33 =	vshll.u32 v18, $0x10  }
0x10f: {  	v34 =	vld [tilespmem:s28+$0x90];
	v18 =	vand.u32 $0xFFFF0000, v18;
	v17 =	vand.u32 $0xFFFF0000, v17;
	v35 =	vshll.u32 v20, $0x10  }
0x110: {  	v20 =	vand.u32 $0xFFFF0000, v20;
	v36 =	vshll.u32 v29, $0x10;
	v35 =	vadd.f32 v35, v6  }
0x111: {  	v37 =	vld [tilespmem:s28+$0xD0];
	v29 =	vand.u32 $0xFFFF0000, v29;
	v20 =	vadd.f32 v20, v6;
	v36 =	vadd.f32 v36, v6  }
0x112: {  	v38 =	vshll.u32 v31, $0x10;
	v29 =	vadd.f32 v29, v6;
	v33 =	vadd.f32 v33, v35  }
0x113: {  	v56 =	vld [tilespmem:s28+$0xE0];
	v18 =	vadd.f32 v18, v20;
	v20 =	vand.u32 $0xFFFF0000, v31;
	v57 =	vadd.f32 v38, v36  }
0x114: {  	v58 =	vshll.u32 v34, $0x10;
	v20 =	vadd.f32 v20, v29;
	v13 =	vadd.f32 v13, v33  }
0x115: {  	v59 =	vld [tilespmem:s28+$0xA0];
	v17 =	vadd.f32 v17, v18;
	v18 =	vand.u32 $0xFFFF0000, v34;
	v29 =	vadd.f32 v58, v57  }
0x116: {  	v18 =	vadd.f32 v18, v20;
	v20 =	vshll.u32 v37, $0x10;
	v13 =	vadd.f32 v32, v13  }
0x117: {  	v60 =	vld [tilespmem:s28+$0x60];
	v61 =	vadd.f32 v16, v17;
	v16 =	vand.u32 $0xFFFF0000, v37;
	v20 =	vadd.f32 v20, v29  }
0x118: {  	v17 =	vshll.u32 v56, $0x10;
	v62 =	vadd.f32 v16, v18;
	v9 =	vadd.f32 v9, v13  }
0x119: {  	v16 =	vand.u32 $0xFFFF0000, v56;
	v13 =	vld [tilespmem:s28+$0x20];
	v10 =	vadd.f32 v10, v61;
	v20 =	vadd.f32 v30, v20  }
0x11a: {  	v63 =	vld [tilespmem:s28+$0x30];
	v18 =	vshll.u32 v59, $0x10;
	v11 =	vadd.f32 v11, v62;
	v9 =	vadd.f32 v19, v9  }
0x11b: {  	v19 =	vand.u32 $0xFFFF0000, v59;
	v10 =	vadd.f32 v26, v10;
	v26 =	vadd.f32 v27, v20  }
0x11c: {  	v20 =	vshll.u32 v60, $0x10;
	v11 =	vadd.f32 v28, v11;
	v9 =	vadd.f32 v21, v9  }
0x11d: {  	v21 =	vand.u32 $0xFFFF0000, v60;
	v10 =	vadd.f32 v22, v10;
	v22 =	vadd.f32 v23, v26;
	v23 =	vld [tilespmem:s28+$0x70]  }
0x11e: {  	v26 =	vshll.u32 v13, $0x10;
	v27 =	vadd.f32 v24, v11;
	v13 =	vand.u32 $0xFFFF0000, v13  }
0x11f: {  	v24 =	vshll.u32 v63, $0x10;
	v11 =	vadd.f32 v12, v9;
	v12 =	vadd.f32 v15, v22;
	v22 =	vld [tilespmem:s28+$0xB0]  }
0x120: {  	v9 =	vadd.f32 v14, v10;
	v15 =	vadd.f32 v13, v6;
	v13 =	vimm.f32 $0.0e+00  }
0x121: {  	s29 =	simm.s32 $0x0;
	s30 =	simm.s32 $0x9800;
	v14 =	vld [tilespmem:s28+$0xF0];
	v10 =	vadd.f32 v25, v27;
	v25 =	vadd.f32 v26, v6;
	v26 =	vand.u32 $0xFFFF0000, v63  }
.LBB2_8:
0x122: {  	v27 =	vld [tilespmem:s30+$0x1C0];
	v6 =	vadd.f32 v24, v6;
	v13 =	vadd.f32 v26, v13;
	v24 =	vshll.u32 v23, $0x10  }
0x123: {  	v20 =	vadd.f32 v20, v25;
	v15 =	vadd.f32 v21, v15;
	v21 =	vand.u32 $0xFFFF0000, v23;
	v23 =	vld [tilespmem:s28+$0x130]  }
0x124: {  	v25 =	vld [tilespmem:s30+$0x1D0];
	v6 =	vadd.f32 v24, v6;
	v13 =	vadd.f32 v21, v13;
	v21 =	vshll.u32 v22, $0x10  }
0x125: {  	v18 =	vadd.f32 v18, v20;
	v15 =	vadd.f32 v19, v15;
	v19 =	vand.u32 $0xFFFF0000, v22;
	v20 =	vld [tilespmem:s28+$0x170]  }
0x126: {  	v22 =	vld [tilespmem:s30+$0x1E0];
	v6 =	vadd.f32 v21, v6;
	v13 =	vadd.f32 v19, v13;
	v19 =	vshll.u32 v14, $0x10  }
0x127: {  	v14 =	vand.u32 $0xFFFF0000, v14;
	v17 =	vadd.f32 v17, v18;
	v15 =	vadd.f32 v16, v15;
	v16 =	vld [tilespmem:s28+$0x1B0]  }
0x128: {  	v6 =	vadd.f32 v19, v6;
	v13 =	vadd.f32 v14, v13;
	v14 =	vshll.u32 v23, $0x10;
	v18 =	vld [tilespmem:s28+$0x1F0];
	s28 =	smov.u32 s30  }
0x129: {  	v19 =	vld [tilespmem:s30+$0x180];
	v8 =	vadd.f32 v8, v17;
	v7 =	vadd.f32 v7, v15;
	v15 =	vand.u32 $0xFFFF0000, v23  }
0x12a: {  	v17 =	vld [tilespmem:s30+$0x190];
	v6 =	vadd.f32 v14, v6;
	v13 =	vadd.f32 v15, v13;
	v14 =	vshll.u32 v20, $0x10  }
0x12b: {  	v21 =	vld [tilespmem:s30+$0x1A0];
	v5 =	vadd.f32 v5, v8;
	v4 =	vadd.f32 v4, v7;
	v7 =	vand.u32 $0xFFFF0000, v20  }
0x12c: {  	v8 =	vld [tilespmem:s30+$0x140];
	v6 =	vadd.f32 v14, v6;
	v7 =	vadd.f32 v7, v13;
	v13 =	vshll.u32 v16, $0x10  }
0x12d: {  	v20 =	vld [tilespmem:s30+$0x150];
	v3 =	vadd.f32 v3, v5;
	v2 =	vadd.f32 v2, v4;
	v4 =	vand.u32 $0xFFFF0000, v16  }
0x12e: {  	v16 =	vld [tilespmem:s30+$0x160];
	v5 =	vadd.f32 v13, v6;
	v4 =	vadd.f32 v4, v7;
	v6 =	vshll.u32 v18, $0x10  }
0x12f: {  	v7 =	vld [tilespmem:s30+$0x100];
	v14 =	vadd.f32 v1, v3;
	v15 =	vadd.f32 v0, v2;
	v0 =	vand.u32 $0xFFFF0000, v18  }
0x130: {  	v18 =	vld [tilespmem:s30+$0x110];
	v6 =	vadd.f32 v6, v5;
	v13 =	vadd.f32 v0, v4  }
0x131: {  	v24 =	vshll.u32 v27, $0x10;
	v26 =	vand.u32 $0xFFFF0000, v27;
	v27 =	vshll.u32 v25, $0x10;
	v23 =	vld [tilespmem:s30+$0x120]  }
0x132: {  	v25 =	vand.u32 $0xFFFF0000, v25;
	v1 =	vshll.u32 v22, $0x10;
	v0 =	vand.u32 $0xFFFF0000, v22;
	v28 =	vld [tilespmem:s30+$0xC0]  }
0x133: {  	v29 =	vshll.u32 v19, $0x10;
	v30 =	vand.u32 $0xFFFF0000, v19;
	v31 =	vshll.u32 v17, $0x10;
	v22 =	vld [tilespmem:s30+$0x80]  }
0x134: {  	v32 =	vand.u32 $0xFFFF0000, v17;
	v3 =	vshll.u32 v21, $0x10;
	v2 =	vand.u32 $0xFFFF0000, v21;
	v19 =	vld [tilespmem:s30+$0x40]  }
0x135: {  	v21 =	vshll.u32 v8, $0x10;
	v33 =	vand.u32 $0xFFFF0000, v8;
	v34 =	vshll.u32 v20, $0x10;
	v17 =	vld [tilespmem:s30+$0x0]  }
0x136: {  	v36 =	vand.u32 $0xFFFF0000, v20;
	v5 =	vshll.u32 v16, $0x10;
	v4 =	vand.u32 $0xFFFF0000, v16;
	v35 =	vld [tilespmem:s30+$0x10]  }
0x137: {  	v20 =	vshll.u32 v7, $0x10;
	v37 =	vand.u32 $0xFFFF0000, v7;
	v38 =	vshll.u32 v18, $0x10  }
0x138: {  	v39 =	vand.u32 $0xFFFF0000, v18;
	v8 =	vshll.u32 v23, $0x10;
	v7 =	vand.u32 $0xFFFF0000, v23;
	v16 =	vld [tilespmem:s30+$0x50]  }
0x139: {  	v23 =	vshll.u32 v28, $0x10;
	v28 =	vand.u32 $0xFFFF0000, v28;
	v18 =	vshll.u32 v22, $0x10  }
0x13a: {  	v22 =	vand.u32 $0xFFFF0000, v22;
	v40 =	vshll.u32 v19, $0x10;
	v19 =	vand.u32 $0xFFFF0000, v19;
	v41 =	vld [tilespmem:s30+$0x90]  }
0x13b: {  	v42 =	vshll.u32 v17, $0x10;
	v17 =	vand.u32 $0xFFFF0000, v17;
	v43 =	vshll.u32 v35, $0x10  }
0x13c: {  	v11 =	vadd.f32 v42, v11;
	v9 =	vadd.f32 v17, v9;
	v17 =	vand.u32 $0xFFFF0000, v35;
	v35 =	vld [tilespmem:s30+$0xD0]  }
0x13d: {  	v12 =	vadd.f32 v43, v12;
	v10 =	vadd.f32 v17, v10;
	v17 =	vshll.u32 v16, $0x10  }
0x13e: {  	v11 =	vadd.f32 v40, v11;
	v9 =	vadd.f32 v19, v9;
	v16 =	vand.u32 $0xFFFF0000, v16;
	v19 =	vld [tilespmem:s30+$0xE0]  }
0x13f: {  	v12 =	vadd.f32 v17, v12;
	v10 =	vadd.f32 v16, v10;
	v16 =	vshll.u32 v41, $0x10  }
0x140: {  	v11 =	vadd.f32 v18, v11;
	v9 =	vadd.f32 v22, v9;
	v17 =	vand.u32 $0xFFFF0000, v41;
	v22 =	vld [tilespmem:s30+$0xA0]  }
0x141: {  	v12 =	vadd.f32 v16, v12;
	v10 =	vadd.f32 v17, v10;
	v16 =	vshll.u32 v35, $0x10  }
0x142: {  	v11 =	vadd.f32 v23, v11;
	v9 =	vadd.f32 v28, v9;
	v17 =	vand.u32 $0xFFFF0000, v35;
	v40 =	vld [tilespmem:s30+$0x60]  }
0x143: {  	v12 =	vadd.f32 v16, v12;
	v10 =	vadd.f32 v17, v10;
	v17 =	vshll.u32 v19, $0x10  }
0x144: {  	v16 =	vand.u32 $0xFFFF0000, v19;
	v11 =	vadd.f32 v20, v11;
	v9 =	vadd.f32 v37, v9;
	v28 =	vld [tilespmem:s30+$0x20]  }
0x145: {  	v12 =	vadd.f32 v38, v12;
	v10 =	vadd.f32 v39, v10;
	v18 =	vshll.u32 v22, $0x10  }
0x146: {  	s29 =	sadd.s32 $0x8, s29;
	v19 =	vand.u32 $0xFFFF0000, v22;
	v11 =	vadd.f32 v21, v11;
	v9 =	vadd.f32 v33, v9;
	v35 =	vld [tilespmem:s30+$0x30]  }
0x147: {  	p1 =	slt.u32 s29, $0xC0;
	v12 =	vadd.f32 v34, v12;
	v10 =	vadd.f32 v36, v10;
	v20 =	vshll.u32 v40, $0x10  }
.Ltmp2:
0x148: {  	v21 =	vand.u32 $0xFFFF0000, v40;
	v11 =	vadd.f32 v29, v11;
	v9 =	vadd.f32 v30, v9;
	v23 =	vld [tilespmem:s30+$0x70];
	(pc) =	sbr.rel @p1 .LBB2_8-.Ltmp2, $4  }
0x149: {  	v12 =	vadd.f32 v31, v12;
	v10 =	vadd.f32 v32, v10;
	v29 =	vshll.u32 v28, $0x10  }
0x14a: {  	v28 =	vand.u32 $0xFFFF0000, v28;
	v11 =	vadd.f32 v24, v11;
	v9 =	vadd.f32 v26, v9;
	v22 =	vld [tilespmem:s30+$0xB0]  }
0x14b: {  	v12 =	vadd.f32 v27, v12;
	v10 =	vadd.f32 v25, v10;
	v24 =	vshll.u32 v35, $0x10  }
0x14c: {  	v25 =	vadd.f32 v29, v14;
	v15 =	vadd.f32 v28, v15;
	s30 =	sadd.s32 $0x200, s30;
	v26 =	vand.u32 $0xFFFF0000, v35;
	v14 =	vld [tilespmem:s28+$0xF0]  }
0x14d: {  	v6 =	vadd.f32 v24, v6  }
0x14e: {  	v24 =	vshll.u32 v23, $0x10;
	v20 =	vadd.f32 v20, v25;
	v15 =	vadd.f32 v21, v15  }
0x14f: {  	v13 =	vadd.f32 v26, v13;
	v25 =	vld [tilespmem:s28+$0x130];
	v6 =	vadd.f32 v24, v6;
	v24 =	vshll.u32 v22, $0x10  }
0x150: {  	v21 =	vld [tilespmem:s28+$0x170];
	v18 =	vadd.f32 v18, v20;
	v20 =	vand.u32 $0xFFFF0000, v23;
	v15 =	vadd.f32 v19, v15  }
0x151: {  	v6 =	vadd.f32 v24, v6;
	v13 =	vadd.f32 v20, v13;
	v20 =	vshll.u32 v14, $0x10  }
0x152: {  	v19 =	vld [tilespmem:s28+$0x1B0];
	v17 =	vadd.f32 v17, v18;
	v18 =	vand.u32 $0xFFFF0000, v22;
	v15 =	vadd.f32 v16, v15  }
0x153: {  	v14 =	vand.u32 $0xFFFF0000, v14;
	v16 =	vld [tilespmem:s28+$0x1F0];
	v6 =	vadd.f32 v20, v6;
	v13 =	vadd.f32 v18, v13  }
0x154: {  	v18 =	vshll.u32 v25, $0x10;
	v8 =	vadd.f32 v8, v17;
	v7 =	vadd.f32 v7, v15  }
0x155: {  	v6 =	vadd.f32 v18, v6;
	v13 =	vadd.f32 v14, v13;
	v14 =	vshll.u32 v21, $0x10  }
0x156: {  	v5 =	vadd.f32 v5, v8;
	v8 =	vand.u32 $0xFFFF0000, v25;
	v4 =	vadd.f32 v4, v7  }
0x157: {  	v6 =	vadd.f32 v14, v6;
	v8 =	vadd.f32 v8, v13  }
0x158: {  	v13 =	vshll.u32 v19, $0x10;
	v7 =	vshll.u32 v16, $0x10;
	v3 =	vadd.f32 v3, v5  }
0x159: {  	v5 =	vand.u32 $0xFFFF0000, v21;
	v2 =	vadd.f32 v2, v4;
	v6 =	vadd.f32 v13, v6  }
0x15a: {  	v5 =	vadd.f32 v5, v8;
	v1 =	vadd.f32 v1, v3;
	v3 =	vmul.f32 $4.999999890e-03, v11  }
0x15b: {  	v0 =	vadd.f32 v0, v2;
	v6 =	vadd.f32 v7, v6;
	v7 =	vmul.f32 $4.999999890e-03, v12  }
0x15c: {  	v4 =	vand.u32 $0xFFFF0000, v19;
	[tilespmem:s25+$0xFB00] =	vst v3;
	v1 =	vmul.f32 $4.999999890e-03, v1  }
0x15d: {  	v3 =	vadd.f32 v4, v5;
	v0 =	vmul.f32 $4.999999890e-03, v0;
	[tilespmem:s25+$0xFB10] =	vst v7  }
0x15e: {  	v2 =	vand.u32 $0xFFFF0000, v16;
	v4 =	vmul.f32 $4.999999890e-03, v6;
	[tilespmem:s25+$0xFB20] =	vst v1  }
0x15f: {  	v1 =	vmul.f32 $4.999999890e-03, v9;
	v2 =	vadd.f32 v2, v3;
	[tilespmem:s25+$0xFB60] =	vst v0  }
0x160: {  	v3 =	vmul.f32 $4.999999890e-03, v10;
	[tilespmem:s25+$0xFB30] =	vst v4  }
0x161: {  	[tilespmem:s25+$0xFB40] =	vst v1;
	v1 =	vmul.f32 $4.999999890e-03, v2  }
0x162: {  	[tilespmem:s25+$0xFB50] =	vst v3  }
0x163: {  	s28 =	simm.s32 @!p0 $0x9600;
	[tilespmem:s25+$0xFB70] =	vst v1;
	s25 =	sadd.s32 @!p0 $0x4B0, s26;
	s26 =	simm.s32 @!p0 $0xC8  }
0x164: {  	[tilespmem:s28], [sflag:$0x3] =	stream.indirect.gather @!p0 [hbm4b:s4+s26], $0x40, s25, s26, $0xb8;
	[tilespmem:$0x11A00] =	vst v63  }
0x165: {  	_ =	swait.ge [sflag:s18], $0x3200  }
0x166: {  	[sflag:s18] =	ssyncset.done $0x0  }
0x167: {  	s25 =	simm.s32 $0xC800;
	[sflag:s18] =	ssyncadd.s32 $0xFFFFCE00  }
0x168: {  	v0 =	vld [tilespmem:s25+$0x1C0]  }
0x169: {  	v1 =	vld [tilespmem:s25+$0x1D0]  }
0x16a: {  	v2 =	vld [tilespmem:s25+$0x1E0]  }
0x16b: {  	v3 =	vld [tilespmem:s25+$0x180]  }
0x16c: {  	v4 =	vld [tilespmem:s25+$0x190]  }
0x16d: {  	v5 =	vld [tilespmem:s25+$0x1A0]  }
0x16e: {  	v7 =	vld [tilespmem:s25+$0x140]  }
0x16f: {  	v8 =	vld [tilespmem:s25+$0x150]  }
0x170: {  	v9 =	vld [tilespmem:s25+$0x160]  }
0x171: {  	v10 =	vld [tilespmem:s25+$0x100]  }
0x172: {  	v6 =	vimm.f32 $0.0e+00;
	v11 =	vld [tilespmem:s25+$0x110];
	v12 =	vshll.u32 v0, $0x10  }
0x173: {  	v13 =	vld [tilespmem:s25+$0x120];
	v14 =	vand.u32 $0xFFFF0000, v0;
	v15 =	vshll.u32 v1, $0x10;
	v25 =	vand.u32 $0xFFFF0000, v1  }
0x174: {  	v16 =	vld [tilespmem:s25+$0xC0];
	v1 =	vshll.u32 v2, $0x10;
	v0 =	vand.u32 $0xFFFF0000, v2;
	v21 =	vshll.u32 v3, $0x10  }
0x175: {  	v17 =	vld [tilespmem:s25+$0x80];
	v22 =	vand.u32 $0xFFFF0000, v3;
	v23 =	vshll.u32 v4, $0x10;
	v24 =	vand.u32 $0xFFFF0000, v4  }
0x176: {  	v18 =	vld [tilespmem:s25+$0x40];
	v3 =	vshll.u32 v5, $0x10;
	v2 =	vand.u32 $0xFFFF0000, v5;
	v19 =	vshll.u32 v7, $0x10  }
0x177: {  	v20 =	vld [tilespmem:s25+$0x0];
	v26 =	vand.u32 $0xFFFF0000, v7;
	v27 =	vshll.u32 v8, $0x10;
	v28 =	vand.u32 $0xFFFF0000, v8  }
0x178: {  	v29 =	vld [tilespmem:s25+$0x10];
	v5 =	vshll.u32 v9, $0x10;
	v4 =	vand.u32 $0xFFFF0000, v9;
	v9 =	vshll.u32 v10, $0x10  }
0x179: {  	v10 =	vand.u32 $0xFFFF0000, v10;
	v30 =	vshll.u32 v11, $0x10;
	v11 =	vand.u32 $0xFFFF0000, v11  }
0x17a: {  	v31 =	vld [tilespmem:s25+$0x50];
	v8 =	vshll.u32 v13, $0x10;
	v7 =	vand.u32 $0xFFFF0000, v13;
	v13 =	vshll.u32 v17, $0x10  }
0x17b: {  	v32 =	vshll.u32 v16, $0x10;
	v16 =	vand.u32 $0xFFFF0000, v16;
	v33 =	vshll.u32 v18, $0x10  }
0x17c: {  	v34 =	vld [tilespmem:s25+$0x90];
	v18 =	vand.u32 $0xFFFF0000, v18;
	v17 =	vand.u32 $0xFFFF0000, v17;
	v35 =	vshll.u32 v20, $0x10  }
0x17d: {  	v20 =	vand.u32 $0xFFFF0000, v20;
	v36 =	vshll.u32 v29, $0x10;
	v35 =	vadd.f32 v35, v6  }
0x17e: {  	v37 =	vld [tilespmem:s25+$0xD0];
	v29 =	vand.u32 $0xFFFF0000, v29;
	v20 =	vadd.f32 v20, v6;
	v36 =	vadd.f32 v36, v6  }
0x17f: {  	v38 =	vshll.u32 v31, $0x10;
	v29 =	vadd.f32 v29, v6;
	v33 =	vadd.f32 v33, v35  }
0x180: {  	v56 =	vld [tilespmem:s25+$0xE0];
	v18 =	vadd.f32 v18, v20;
	v20 =	vand.u32 $0xFFFF0000, v31;
	v57 =	vadd.f32 v38, v36  }
0x181: {  	v58 =	vshll.u32 v34, $0x10;
	v20 =	vadd.f32 v20, v29;
	v13 =	vadd.f32 v13, v33  }
0x182: {  	v59 =	vld [tilespmem:s25+$0xA0];
	v17 =	vadd.f32 v17, v18;
	v18 =	vand.u32 $0xFFFF0000, v34;
	v29 =	vadd.f32 v58, v57  }
0x183: {  	v18 =	vadd.f32 v18, v20;
	v20 =	vshll.u32 v37, $0x10;
	v13 =	vadd.f32 v32, v13  }
0x184: {  	v60 =	vld [tilespmem:s25+$0x60];
	v61 =	vadd.f32 v16, v17;
	v16 =	vand.u32 $0xFFFF0000, v37;
	v20 =	vadd.f32 v20, v29  }
0x185: {  	v17 =	vshll.u32 v56, $0x10;
	v62 =	vadd.f32 v16, v18;
	v9 =	vadd.f32 v9, v13  }
0x186: {  	v16 =	vand.u32 $0xFFFF0000, v56;
	v13 =	vld [tilespmem:s25+$0x20];
	v10 =	vadd.f32 v10, v61;
	v20 =	vadd.f32 v30, v20  }
0x187: {  	v63 =	vld [tilespmem:s25+$0x30];
	v18 =	vshll.u32 v59, $0x10;
	v11 =	vadd.f32 v11, v62;
	v9 =	vadd.f32 v19, v9  }
0x188: {  	v19 =	vand.u32 $0xFFFF0000, v59;
	v10 =	vadd.f32 v26, v10;
	v26 =	vadd.f32 v27, v20  }
0x189: {  	v20 =	vshll.u32 v60, $0x10;
	v11 =	vadd.f32 v28, v11;
	v9 =	vadd.f32 v21, v9  }
0x18a: {  	v21 =	vand.u32 $0xFFFF0000, v60;
	v10 =	vadd.f32 v22, v10;
	v22 =	vadd.f32 v23, v26;
	v23 =	vld [tilespmem:s25+$0x70]  }
0x18b: {  	v26 =	vshll.u32 v13, $0x10;
	v27 =	vadd.f32 v24, v11;
	v13 =	vand.u32 $0xFFFF0000, v13  }
0x18c: {  	v24 =	vshll.u32 v63, $0x10;
	v12 =	vadd.f32 v12, v9;
	v11 =	vadd.f32 v15, v22;
	v22 =	vld [tilespmem:s25+$0xB0]  }
0x18d: {  	v9 =	vadd.f32 v14, v10;
	v15 =	vadd.f32 v13, v6;
	v13 =	vimm.f32 $0.0e+00  }
0x18e: {  	s26 =	simm.s32 $0x0;
	s28 =	simm.s32 $0xCA00;
	v14 =	vld [tilespmem:s25+$0xF0];
	v10 =	vadd.f32 v25, v27;
	v25 =	vadd.f32 v26, v6;
	v26 =	vand.u32 $0xFFFF0000, v63  }
.LBB2_10:
0x18f: {  	v27 =	vld [tilespmem:s28+$0x1C0];
	v6 =	vadd.f32 v24, v6;
	v13 =	vadd.f32 v26, v13;
	v24 =	vshll.u32 v23, $0x10  }
0x190: {  	v20 =	vadd.f32 v20, v25;
	v15 =	vadd.f32 v21, v15;
	v21 =	vand.u32 $0xFFFF0000, v23;
	v23 =	vld [tilespmem:s25+$0x130]  }
0x191: {  	v25 =	vld [tilespmem:s28+$0x1D0];
	v6 =	vadd.f32 v24, v6;
	v13 =	vadd.f32 v21, v13;
	v21 =	vshll.u32 v22, $0x10  }
0x192: {  	v18 =	vadd.f32 v18, v20;
	v15 =	vadd.f32 v19, v15;
	v19 =	vand.u32 $0xFFFF0000, v22;
	v20 =	vld [tilespmem:s25+$0x170]  }
0x193: {  	v22 =	vld [tilespmem:s28+$0x1E0];
	v6 =	vadd.f32 v21, v6;
	v13 =	vadd.f32 v19, v13;
	v19 =	vshll.u32 v14, $0x10  }
0x194: {  	v14 =	vand.u32 $0xFFFF0000, v14;
	v17 =	vadd.f32 v17, v18;
	v15 =	vadd.f32 v16, v15;
	v16 =	vld [tilespmem:s25+$0x1B0]  }
0x195: {  	v6 =	vadd.f32 v19, v6;
	v13 =	vadd.f32 v14, v13;
	v14 =	vshll.u32 v23, $0x10;
	v18 =	vld [tilespmem:s25+$0x1F0];
	s25 =	smov.u32 s28  }
0x196: {  	v19 =	vld [tilespmem:s28+$0x180];
	v8 =	vadd.f32 v8, v17;
	v7 =	vadd.f32 v7, v15;
	v15 =	vand.u32 $0xFFFF0000, v23  }
0x197: {  	v17 =	vld [tilespmem:s28+$0x190];
	v6 =	vadd.f32 v14, v6;
	v13 =	vadd.f32 v15, v13;
	v14 =	vshll.u32 v20, $0x10  }
0x198: {  	v21 =	vld [tilespmem:s28+$0x1A0];
	v5 =	vadd.f32 v5, v8;
	v4 =	vadd.f32 v4, v7;
	v7 =	vand.u32 $0xFFFF0000, v20  }
0x199: {  	v8 =	vld [tilespmem:s28+$0x140];
	v6 =	vadd.f32 v14, v6;
	v7 =	vadd.f32 v7, v13;
	v13 =	vshll.u32 v16, $0x10  }
0x19a: {  	v20 =	vld [tilespmem:s28+$0x150];
	v3 =	vadd.f32 v3, v5;
	v2 =	vadd.f32 v2, v4;
	v4 =	vand.u32 $0xFFFF0000, v16  }
0x19b: {  	v16 =	vld [tilespmem:s28+$0x160];
	v5 =	vadd.f32 v13, v6;
	v4 =	vadd.f32 v4, v7;
	v6 =	vshll.u32 v18, $0x10  }
0x19c: {  	v7 =	vld [tilespmem:s28+$0x100];
	v14 =	vadd.f32 v1, v3;
	v15 =	vadd.f32 v0, v2;
	v0 =	vand.u32 $0xFFFF0000, v18  }
0x19d: {  	v18 =	vld [tilespmem:s28+$0x110];
	v6 =	vadd.f32 v6, v5;
	v13 =	vadd.f32 v0, v4  }
0x19e: {  	v24 =	vshll.u32 v27, $0x10;
	v26 =	vand.u32 $0xFFFF0000, v27;
	v27 =	vshll.u32 v25, $0x10;
	v23 =	vld [tilespmem:s28+$0x120]  }
0x19f: {  	v25 =	vand.u32 $0xFFFF0000, v25;
	v1 =	vshll.u32 v22, $0x10;
	v0 =	vand.u32 $0xFFFF0000, v22;
	v28 =	vld [tilespmem:s28+$0xC0]  }
0x1a0: {  	v29 =	vshll.u32 v19, $0x10;
	v30 =	vand.u32 $0xFFFF0000, v19;
	v31 =	vshll.u32 v17, $0x10;
	v22 =	vld [tilespmem:s28+$0x80]  }
0x1a1: {  	v32 =	vand.u32 $0xFFFF0000, v17;
	v3 =	vshll.u32 v21, $0x10;
	v2 =	vand.u32 $0xFFFF0000, v21;
	v19 =	vld [tilespmem:s28+$0x40]  }
0x1a2: {  	v21 =	vshll.u32 v8, $0x10;
	v33 =	vand.u32 $0xFFFF0000, v8;
	v34 =	vshll.u32 v20, $0x10;
	v17 =	vld [tilespmem:s28+$0x0]  }
0x1a3: {  	v36 =	vand.u32 $0xFFFF0000, v20;
	v5 =	vshll.u32 v16, $0x10;
	v4 =	vand.u32 $0xFFFF0000, v16;
	v35 =	vld [tilespmem:s28+$0x10]  }
0x1a4: {  	v20 =	vshll.u32 v7, $0x10;
	v37 =	vand.u32 $0xFFFF0000, v7;
	v38 =	vshll.u32 v18, $0x10  }
0x1a5: {  	v39 =	vand.u32 $0xFFFF0000, v18;
	v8 =	vshll.u32 v23, $0x10;
	v7 =	vand.u32 $0xFFFF0000, v23;
	v16 =	vld [tilespmem:s28+$0x50]  }
0x1a6: {  	v23 =	vshll.u32 v28, $0x10;
	v28 =	vand.u32 $0xFFFF0000, v28;
	v18 =	vshll.u32 v22, $0x10  }
0x1a7: {  	v22 =	vand.u32 $0xFFFF0000, v22;
	v40 =	vshll.u32 v19, $0x10;
	v19 =	vand.u32 $0xFFFF0000, v19;
	v41 =	vld [tilespmem:s28+$0x90]  }
0x1a8: {  	v42 =	vshll.u32 v17, $0x10;
	v17 =	vand.u32 $0xFFFF0000, v17;
	v43 =	vshll.u32 v35, $0x10  }
0x1a9: {  	v12 =	vadd.f32 v42, v12;
	v9 =	vadd.f32 v17, v9;
	v17 =	vand.u32 $0xFFFF0000, v35;
	v35 =	vld [tilespmem:s28+$0xD0]  }
0x1aa: {  	v11 =	vadd.f32 v43, v11;
	v10 =	vadd.f32 v17, v10;
	v17 =	vshll.u32 v16, $0x10  }
0x1ab: {  	v12 =	vadd.f32 v40, v12;
	v9 =	vadd.f32 v19, v9;
	v16 =	vand.u32 $0xFFFF0000, v16;
	v19 =	vld [tilespmem:s28+$0xE0]  }
0x1ac: {  	v11 =	vadd.f32 v17, v11;
	v10 =	vadd.f32 v16, v10;
	v16 =	vshll.u32 v41, $0x10  }
0x1ad: {  	v12 =	vadd.f32 v18, v12;
	v9 =	vadd.f32 v22, v9;
	v17 =	vand.u32 $0xFFFF0000, v41;
	v22 =	vld [tilespmem:s28+$0xA0]  }
0x1ae: {  	v11 =	vadd.f32 v16, v11;
	v10 =	vadd.f32 v17, v10;
	v16 =	vshll.u32 v35, $0x10  }
0x1af: {  	v12 =	vadd.f32 v23, v12;
	v9 =	vadd.f32 v28, v9;
	v17 =	vand.u32 $0xFFFF0000, v35;
	v40 =	vld [tilespmem:s28+$0x60]  }
0x1b0: {  	v11 =	vadd.f32 v16, v11;
	v10 =	vadd.f32 v17, v10;
	v17 =	vshll.u32 v19, $0x10  }
0x1b1: {  	v16 =	vand.u32 $0xFFFF0000, v19;
	v12 =	vadd.f32 v20, v12;
	v9 =	vadd.f32 v37, v9;
	v28 =	vld [tilespmem:s28+$0x20]  }
0x1b2: {  	v11 =	vadd.f32 v38, v11;
	v10 =	vadd.f32 v39, v10;
	v18 =	vshll.u32 v22, $0x10  }
0x1b3: {  	s26 =	sadd.s32 $0x8, s26;
	v19 =	vand.u32 $0xFFFF0000, v22;
	v12 =	vadd.f32 v21, v12;
	v9 =	vadd.f32 v33, v9;
	v35 =	vld [tilespmem:s28+$0x30]  }
0x1b4: {  	p0 =	slt.u32 s26, $0xC0;
	v11 =	vadd.f32 v34, v11;
	v10 =	vadd.f32 v36, v10;
	v20 =	vshll.u32 v40, $0x10  }
.Ltmp3:
0x1b5: {  	v21 =	vand.u32 $0xFFFF0000, v40;
	v12 =	vadd.f32 v29, v12;
	v9 =	vadd.f32 v30, v9;
	v23 =	vld [tilespmem:s28+$0x70];
	(pc) =	sbr.rel @p0 .LBB2_10-.Ltmp3, $4  }
0x1b6: {  	v11 =	vadd.f32 v31, v11;
	v10 =	vadd.f32 v32, v10;
	v29 =	vshll.u32 v28, $0x10  }
0x1b7: {  	v28 =	vand.u32 $0xFFFF0000, v28;
	v12 =	vadd.f32 v24, v12;
	v9 =	vadd.f32 v26, v9;
	v22 =	vld [tilespmem:s28+$0xB0]  }
0x1b8: {  	v11 =	vadd.f32 v27, v11;
	v10 =	vadd.f32 v25, v10;
	v24 =	vshll.u32 v35, $0x10  }
0x1b9: {  	v25 =	vadd.f32 v29, v14;
	v15 =	vadd.f32 v28, v15;
	s28 =	sadd.s32 $0x200, s28;
	v26 =	vand.u32 $0xFFFF0000, v35;
	v14 =	vld [tilespmem:s25+$0xF0]  }
0x1ba: {  	v6 =	vadd.f32 v24, v6;
	v39 =	vshll.u32 v23, $0x10;
	v13 =	vadd.f32 v26, v13  }
0x1bb: {  	v42 =	vand.u32 $0xFFFF0000, v23;
	v55 =	vmul.f32 $4.999999890e-03, v12;
	v20 =	vadd.f32 v20, v25  }
0x1bc: {  	v56 =	vmul.f32 $4.999999890e-03, v11;
	v61 =	vmul.f32 $4.999999890e-03, v9;
	v15 =	vadd.f32 v21, v15  }
0x1bd: {  	v40 =	vld [tilespmem:s25+$0x130];
	v62 =	vmul.f32 $4.999999890e-03, v10;
	v6 =	vadd.f32 v39, v6;
	v18 =	vadd.f32 v18, v20  }
0x1be: {  	v41 =	vshll.u32 v22, $0x10;
	v13 =	vadd.f32 v42, v13;
	v15 =	vadd.f32 v19, v15  }
0x1bf: {  	v43 =	vld [tilespmem:s25+$0x170];
	v45 =	vand.u32 $0xFFFF0000, v22;
	v6 =	vadd.f32 v41, v6;
	v17 =	vadd.f32 v17, v18  }
0x1c0: {  	v44 =	vshll.u32 v14, $0x10;
	v13 =	vadd.f32 v45, v13;
	v15 =	vadd.f32 v16, v15  }
0x1c1: {  	v46 =	vld [tilespmem:s25+$0x1B0];
	v48 =	vand.u32 $0xFFFF0000, v14;
	v6 =	vadd.f32 v44, v6;
	v8 =	vadd.f32 v8, v17  }
0x1c2: {  	v47 =	vshll.u32 v40, $0x10;
	v13 =	vadd.f32 v48, v13;
	v7 =	vadd.f32 v7, v15  }
0x1c3: {  	v49 =	vld [tilespmem:s25+$0x1F0];
	v51 =	vand.u32 $0xFFFF0000, v40;
	v6 =	vadd.f32 v47, v6;
	v5 =	vadd.f32 v5, v8  }
0x1c4: {  	v50 =	vshll.u32 v43, $0x10;
	v8 =	vadd.f32 v51, v13;
	v4 =	vadd.f32 v4, v7  }
0x1c5: {  	s24 =	sshll.u32 s24, $0x7;
	v53 =	vand.u32 $0xFFFF0000, v43;
	v6 =	vadd.f32 v50, v6;
	v3 =	vadd.f32 v3, v5  }
0x1c6: {  	s24 =	sand.u32 $0x3FFFFF80, s24;
	v52 =	vshll.u32 v46, $0x10;
	v5 =	vadd.f32 v53, v8;
	v2 =	vadd.f32 v2, v4  }
0x1c7: {  	[tilespmem:s24+$0xFA00] =	vst v55;
	v57 =	vand.u32 $0xFFFF0000, v46;
	v6 =	vadd.f32 v52, v6;
	v1 =	vadd.f32 v1, v3  }
0x1c8: {  	s23 =	sadd.s32 $0x1, s23;
	[tilespmem:s24+$0xFA10] =	vst v56;
	v54 =	vshll.u32 v49, $0x10;
	v58 =	vadd.f32 v57, v5;
	v0 =	vadd.f32 v0, v2  }
0x1c9: {  	p0 =	sne.s32 s23, $0x10;
	[tilespmem:s24+$0xFA40] =	vst v61;
	v60 =	vand.u32 $0xFFFF0000, v49;
	v6 =	vadd.f32 v54, v6;
	v1 =	vmul.f32 $4.999999890e-03, v1  }
.Ltmp4:
0x1ca: {  	[tilespmem:s24+$0xFA50] =	vst v62;
	v2 =	vadd.f32 v60, v58;
	v0 =	vmul.f32 $4.999999890e-03, v0;
	(pc) =	sbr.rel @p0 .LBB2_3-.Ltmp4, $4  }
0x1cb: {  	v59 =	vmul.f32 $4.999999890e-03, v6;
	[tilespmem:s24+$0xFA20] =	vst v1  }
0x1cc: {  	v63 =	vmul.f32 $4.999999890e-03, v2;
	[tilespmem:s24+$0xFA60] =	vst v0  }
0x1cd: {  	[tilespmem:s24+$0xFA30] =	vst v59  }
0x1ce: {  	[tilespmem:s24+$0xFA70] =	vst v63  }
0x1cf: {  	s21 =	sadd.s32 $0x1, s21  }
0x1d0: {  	s22 =	sshll.u32 s22, $0x4;
	p0 =	sne.s32 s21, $0x8  }
.Ltmp5:
0x1d1: {  	s22 =	sadd.s32 s5, s22;
	(pc) =	sbr.rel @p0 .LBB2_2-.Ltmp5, $4  }
0x1d2: {  	[hbm4b:s22+s1] =	stream.linear.scatter [tilespmem:s19], [sflag:$0x5], $0x2000, $0x38;
	[tilespmem:$0x11A00] =	vst v63  }
0x1d3: {  	_ =	swait.ge [sflag:s8], $0x2000  }
0x1d4: {  	[sflag:s8] =	ssyncset.done $0x0  }
0x1d5: {  	[sflag:s8] =	ssyncadd.s32 $0xFFFFE000  }
0x1d6: {  	s20 =	sadd.s32 $0x1, s20  }
0x1d7: {  	p0 =	sne.s32 s20, s7  }
.Ltmp6:
0x1d8: {  	_ = 	snop;
	(pc) =	sbr.rel @p0 .LBB2_1-.Ltmp6, $1  }
0x1d9: {  	_ =	sdelay $0x3  }
0x1da: {  	_ =	sfence.sel $0x180000  }
0x1db: {  	[bflag:$0x0] =	sbarrier.arrive $0xFFFF  }
0x1dc: {  	p0 =	sne.s32 s2, $0x0;
	_ =	strace $0x9000004A  }
0x1dd: {  	s0 =	sadd.s32 @!p0 $0x100000, s0;
	[bflag:$0x2] =	sbarrier.arrive $0xFFFF  }
0x1de: {  	[sflag:s0] =	ssyncadd.tile.s32 @!p0 $0x1;
	_ =	shalt  }
.Lfunc_end2:
_tile_overlayer_lowered:
.L_overlay_start_2:
0x1df: {  	(tag) =	ssettag $0x2  }
0x1e0: {  	s0 =	rddreg [dreg:$0x0];
	s2 =	stileid.u32  }
0x1e1: {  	s1 =	rddreg [dreg:$0x1];
	p0 =	sne.s32 s2, $0x0  }
0x1e2: {  	s3 =	rddreg [dreg:$0x2];
	[bflag:$0x3] =	sbarrier.arrive $0xFFFF;
	s2 =	simm.s32 @!p0 $0x1C05  }
0x1e3: {  	[timem:s3], [sflag:s2] =	dma.local @!p0 [hbm:s0], s1  }
0x1e4: {  	s0 =	simm.s32 @!p0 $0x5  }
0x1e5: {  	_ =	swait.ge @!p0 [sflag:s0], s1  }
0x1e6: {  	s1 =	ssub.s32 @!p0 $0x0, s1;
	[sflag:s0] =	ssyncset.done @!p0 $0x0  }
0x1e7: {  	[sflag:s0] =	ssyncadd.s32 @!p0 s1  }
0x1e8: {  	[bflag:$0x3] =	sbarrier.arrive $0xFFFF  }
0x1e9: {  	_ =	shalt  }

</sc_bundles>
